<compile_context>
chip_gen: v7x
topology: tpu7x:2x2x1
jax: 0.10.2.dev20260603
libtpu: 0.0.44.dev20260713+nightly
codegen_flags: <defaults>
</compile_context>

<pallas_src>
import functools

import jax
import jax.numpy as jnp
from jax import lax
from jax.experimental import pallas as pl
from jax.experimental.pallas import tpu as pltpu
from jax.experimental.pallas import tpu_sc as plsc

_MEMORY_COEF = 0.25
_DHAT_COEF = 0.1

_COLS = 512
_ROWS_SC = 8192
_NW = 32
_CR = 32


def _make_tc_body(rec_scale, mem_scale):
    def body(xhat_ref, x_ref, h_ref, m_ref, dhat_ref, out_ref):
        i = pl.program_id(0)

        diff = xhat_ref[...] - x_ref[...]
        rec_part = jnp.sum(diff * diff)

        h = h_ref[0]
        m = m_ref[...]
        cross = jax.lax.dot_general(
            h, m, (((0,), (0,)), ((), ())), preferred_element_type=jnp.float32
        )
        m_sq = jnp.sum(m * m, axis=0)
        h_sq = jnp.sum(h * h, axis=0)
        dmin = jnp.min(m_sq[None, :] - 2.0 * cross, axis=1)
        mem_part = jnp.sum(jnp.maximum(h_sq + dmin, 0.0))

        part = rec_part * rec_scale + mem_part * mem_scale

        @pl.when(i == 0)
        def _init():
            out_ref[...] = jnp.full((1, 1), -_DHAT_COEF, jnp.float32) * jnp.mean(
                dhat_ref[...], keepdims=True
            )

        out_ref[...] += jnp.reshape(part, (1, 1))

    return body


def _make_sc_kernel(row_off, rows_per_w, nchunks):
    mesh = plsc.VectorSubcoreMesh(core_axis_name="c", subcore_axis_name="s")

    @functools.partial(
        pl.kernel,
        out_type=jax.ShapeDtypeStruct((_NW * 16,), jnp.float32),
        mesh=mesh,
        scratch_types=[
            pltpu.VMEM((2, _CR, _COLS), jnp.float32),
            pltpu.VMEM((2, _CR, _COLS), jnp.float32),
            pltpu.VMEM((16,), jnp.float32),
            pltpu.SemaphoreType.DMA,
            pltpu.SemaphoreType.DMA,
            pltpu.SemaphoreType.DMA,
            pltpu.SemaphoreType.DMA,
        ],
    )
    def sc_kernel(a_hbm, b_hbm, out_hbm, abuf, bbuf, accv, sa0, sa1, sb0, sb1):
        c = lax.axis_index("c")
        s = lax.axis_index("s")
        wid = s * 2 + c
        base = row_off + wid * rows_per_w
        sems_a = (sa0, sa1)
        sems_b = (sb0, sb1)

        copies = {}

        def start(g):
            slot = g % 2
            rbase = base + g * _CR
            copies[(g, 0)] = pltpu.async_copy(
                a_hbm.at[pl.ds(rbase, _CR)], abuf.at[slot], sems_a[slot]
            )
            copies[(g, 1)] = pltpu.async_copy(
                b_hbm.at[pl.ds(rbase, _CR)], bbuf.at[slot], sems_b[slot]
            )

        start(0)
        acc = jnp.zeros((16,), jnp.float32)
        for g in range(nchunks):
            if g + 1 < nchunks:
                start(g + 1)
            copies[(g, 0)].wait()
            copies[(g, 1)].wait()
            slot = g % 2
            ar = abuf.at[slot]
            br = bbuf.at[slot]

            def row_body(r, a_carry, ar=ar, br=br):
                arr = ar.at[r]
                brr = br.at[r]

                def lane_body(j, a2):
                    av = arr[pl.ds(j * 16, 16)]
                    bv = brr[pl.ds(j * 16, 16)]
                    dd = av - bv
                    return a2 + dd * dd

                return lax.fori_loop(0, _COLS // 16, lane_body, a_carry, unroll=8)

            acc = lax.fori_loop(0, _CR, row_body, acc)

        accv[...] = acc
        pltpu.sync_copy(accv, out_hbm.at[pl.ds(wid * 16, 16)])

    return sc_kernel


def kernel(Xhat, X, H, M, Dhat):
    B, d, T = H.shape
    K = M.shape[1]
    n_rec = Xhat.size
    rows = n_rec // _COLS
    rows_tc = rows - _ROWS_SC

    Xhat2 = Xhat.reshape(rows, _COLS)
    X2 = X.reshape(rows, _COLS)
    Dhat2 = Dhat.reshape(1, B)

    rec_scale = 1.0 / float(n_rec)
    mem_scale = _MEMORY_COEF * 2.0 / float(B * d * T)
    br = rows_tc // B

    tc_out = pl.pallas_call(
        _make_tc_body(rec_scale, mem_scale),
        grid=(B,),
        in_specs=[
            pl.BlockSpec((br, _COLS), lambda i: (i, 0)),
            pl.BlockSpec((br, _COLS), lambda i: (i, 0)),
            pl.BlockSpec((1, d, T), lambda i: (i, 0, 0)),
            pl.BlockSpec((d, K), lambda i: (0, 0)),
            pl.BlockSpec((1, B), lambda i: (0, 0)),
        ],
        out_specs=pl.BlockSpec((1, 1), lambda i: (0, 0)),
        out_shape=jax.ShapeDtypeStruct((1, 1), jnp.float32),
    )(Xhat2, X2, H, M, Dhat2)

    if _ROWS_SC == 0:
        return tc_out[0, 0]

    rows_per_w = _ROWS_SC // _NW
    nchunks = rows_per_w // _CR
    sc_kernel = _make_sc_kernel(rows_tc, rows_per_w, nchunks)
    sc_out = sc_kernel(Xhat2, X2)

    return tc_out[0, 0] + jnp.sum(sc_out) * rec_scale

# --- scband reference (transcript-rebuilt; emitter-appended) ---
"""Pipeline reference for scband-edmloss-30099130810386 (READ-ONLY COPY).

The authoritative reference and input builder live on the scoring server;
editing this copy changes nothing except your own understanding.
"""

import jax, jax.numpy as jnp
import numpy as np

MEMORY_COEF = 0.25
DHAT_COEF = 0.1


def setup_inputs(seed: int = 0) -> dict:
    key = jax.random.key(seed)
    k1, k2, k3, k4, k5 = jax.random.split(key, 5)
    Xhat = jax.random.normal(k1, (16, 3, 512, 512), dtype=jnp.float32)
    X = jax.random.normal(k2, (16, 3, 512, 512), dtype=jnp.float32)
    H = jax.random.normal(k3, (16, 64, 1024), dtype=jnp.float32)
    M = jax.random.normal(k4, (64, 1024), dtype=jnp.float32)
    Dhat = jax.random.normal(k5, (16,), dtype=jnp.float32)
    return {"Xhat": Xhat, "X": X, "H": H, "M": M, "Dhat": Dhat}


def _memory_loss(H, M):
    # H: [B, d, T], M: [d, K]
    Ht = jnp.transpose(H, (0, 2, 1))  # [B, T, d]
    MT = M.T                           # [K, d]
    # squared euclidean distances [B, T, K] (argmin over sq-dist == argmin over norm)
    h_sq = jnp.sum(Ht * Ht, axis=2, keepdims=True)          # [B, T, 1]
    m_sq = jnp.sum(MT * MT, axis=1)[None, None, :]           # [1, 1, K]
    cross = jnp.einsum('btd,kd->btk', Ht, MT)                # [B, T, K]
    sq_dists = jnp.maximum(h_sq - 2.0 * cross + m_sq, 0.0)
    idx = jnp.argmin(sq_dists, axis=2)                       # [B, T]
    Z = jnp.transpose(MT[idx], (0, 2, 1))                    # [B, d, T]
    d1 = jnp.linalg.norm(jax.lax.stop_gradient(H) - Z, axis=1) ** 2
    d2 = jnp.linalg.norm(H - jax.lax.stop_gradient(Z), axis=1) ** 2
    return (d1 + d2).sum() / float(np.prod(H.shape))


def reference(Xhat, X, H, M, Dhat):
    rec = jnp.mean((Xhat - X) ** 2)
    return rec + MEMORY_COEF * _memory_loss(H, M) - DHAT_COEF * jnp.mean(Dhat)

if __name__ == "__main__":
    import jax
    _d = setup_inputs()
    print(jax.jit(kernel)(*tuple(_d.values())))

</pallas_src>

<mosaic_0001>
#map = affine_map<(d0, d1) -> (0, 0)>
#map1 = affine_map<(d0, d1) -> (0)>
module attributes {stable_mosaic.version = 14 : i64} {
  func.func @sc_kernel(%arg0: i32, %arg1: i32, %arg2: memref<24576x512xf32, #tpu.memory_space<hbm>>, %arg3: memref<24576x512xf32, #tpu.memory_space<hbm>>, %arg4: memref<512xf32, #tpu.memory_space<hbm>>, %arg5: memref<2x32x512xf32, #tpu.memory_space<vmem>>, %arg6: memref<2x32x512xf32, #tpu.memory_space<vmem>>, %arg7: memref<16xf32, #tpu.memory_space<vmem>>, %arg8: memref<!tpu.dma_semaphore, #tpu.memory_space<semaphore_mem>>, %arg9: memref<!tpu.dma_semaphore, #tpu.memory_space<semaphore_mem>>, %arg10: memref<!tpu.dma_semaphore, #tpu.memory_space<semaphore_mem>>, %arg11: memref<!tpu.dma_semaphore, #tpu.memory_space<semaphore_mem>>) attributes {dimension_semantics = [#tpu.dimension_semantics<core_parallel>, #tpu.dimension_semantics<subcore_parallel>], iteration_bounds = array<i64: 2, 16>, scalar_prefetch = 0 : i64, scratch_operands = 7 : i64, tpu.core_type = #tpu.core_type<sc_vector_subcore>, window_params = [{transform_indices = #map}, {transform_indices = #map}, {transform_indices = #map1}]} {
    %mul3A = arith.constant 2 : i32
    %mul3A_0 = arith.muli %arg1, %mul3A : i32
    %add3A = arith.addi %mul3A_0, %arg0 : i32
    %mul3A_1 = arith.constant 256 : i32
    %mul3A_2 = arith.muli %add3A, %mul3A_1 : i32
    %add3A_3 = arith.constant 16384 : i32
    %add3A_4 = arith.addi %add3A_3, %mul3A_2 : i32
    %add3A_5 = arith.constant 0 : i32
    %add3A_6 = arith.addi %add3A_4, %add3A_5 : i32
    %dma_start3A = arith.constant 0 : i32
    %dma_start3A_7 = arith.constant 0 : i32
    %dma_start3A_8 = arith.constant 0 : i32
    %dma_start3A_9 = tpu.memref_slice %arg5[%dma_start3A, %dma_start3A_7, %dma_start3A_8] : memref<2x32x512xf32, #tpu.memory_space<vmem>> -> memref<1x32x512xf32, #tpu.memory_space<vmem>>
    %dma_start3A_10 = tpu.memref_squeeze %dma_start3A_9 : memref<1x32x512xf32, #tpu.memory_space<vmem>> -> memref<32x512xf32, #tpu.memory_space<vmem>>
    %dma_start3A_11 = arith.constant 0 : i32
    %dma_start3A_12 = tpu.memref_slice %arg2[%add3A_6, %dma_start3A_11] : memref<24576x512xf32, #tpu.memory_space<hbm>> -> memref<32x512xf32, #tpu.memory_space<hbm>>
    %dma_start3A_13 = arith.constant 0 : i32
    %dma_start3A_14 = arith.constant 0 : i32
    %dma_start3A_15 = tpu.memref_slice %arg5[%dma_start3A, %dma_start3A_13, %dma_start3A_14] : memref<2x32x512xf32, #tpu.memory_space<vmem>> -> memref<1x32x512xf32, #tpu.memory_space<vmem>>
    %dma_start3A_16 = tpu.memref_squeeze %dma_start3A_15 : memref<1x32x512xf32, #tpu.memory_space<vmem>> -> memref<32x512xf32, #tpu.memory_space<vmem>>
    %dma_start3A_17 = arith.constant 0 : i32
    %dma_start3A_18 = tpu.memref_slice %arg2[%add3A_6, %dma_start3A_17] : memref<24576x512xf32, #tpu.memory_space<hbm>> -> memref<32x512xf32, #tpu.memory_space<hbm>>
    tpu.enqueue_dma source(%dma_start3A_18 : memref<32x512xf32, #tpu.memory_space<hbm>>) target(%dma_start3A_16 : memref<32x512xf32, #tpu.memory_space<vmem>>) target_semaphore(%arg8 : memref<!tpu.dma_semaphore, #tpu.memory_space<semaphore_mem>>)
    %dma_start3A_19 = arith.constant 0 : i32
    %dma_start3A_20 = arith.constant 0 : i32
    %dma_start3A_21 = arith.constant 0 : i32
    %dma_start3A_22 = tpu.memref_slice %arg6[%dma_start3A_19, %dma_start3A_20, %dma_start3A_21] : memref<2x32x512xf32, #tpu.memory_space<vmem>> -> memref<1x32x512xf32, #tpu.memory_space<vmem>>
    %dma_start3A_23 = tpu.memref_squeeze %dma_start3A_22 : memref<1x32x512xf32, #tpu.memory_space<vmem>> -> memref<32x512xf32, #tpu.memory_space<vmem>>
    %dma_start3A_24 = arith.constant 0 : i32
    %dma_start3A_25 = tpu.memref_slice %arg3[%add3A_6, %dma_start3A_24] : memref<24576x512xf32, #tpu.memory_space<hbm>> -> memref<32x512xf32, #tpu.memory_space<hbm>>
    %dma_start3A_26 = arith.constant 0 : i32
    %dma_start3A_27 = arith.constant 0 : i32
    %dma_start3A_28 = tpu.memref_slice %arg6[%dma_start3A_19, %dma_start3A_26, %dma_start3A_27] : memref<2x32x512xf32, #tpu.memory_space<vmem>> -> memref<1x32x512xf32, #tpu.memory_space<vmem>>
    %dma_start3A_29 = tpu.memref_squeeze %dma_start3A_28 : memref<1x32x512xf32, #tpu.memory_space<vmem>> -> memref<32x512xf32, #tpu.memory_space<vmem>>
    %dma_start3A_30 = arith.constant 0 : i32
    %dma_start3A_31 = tpu.memref_slice %arg3[%add3A_6, %dma_start3A_30] : memref<24576x512xf32, #tpu.memory_space<hbm>> -> memref<32x512xf32, #tpu.memory_space<hbm>>
    tpu.enqueue_dma source(%dma_start3A_31 : memref<32x512xf32, #tpu.memory_space<hbm>>) target(%dma_start3A_29 : memref<32x512xf32, #tpu.memory_space<vmem>>) target_semaphore(%arg10 : memref<!tpu.dma_semaphore, #tpu.memory_space<semaphore_mem>>)
    %broadcast_in_dim3A = arith.constant 0.000000e+00 : f32
    %broadcast_in_dim3A_32 = vector.broadcast %broadcast_in_dim3A : f32 to vector<16xf32>
    %add3A_33 = arith.constant 32 : i32
    %add3A_34 = arith.addi %add3A_4, %add3A_33 : i32
    %dma_start3A_35 = arith.constant 1 : i32
    %dma_start3A_36 = arith.constant 0 : i32
    %dma_start3A_37 = arith.constant 0 : i32
    %dma_start3A_38 = tpu.memref_slice %arg5[%dma_start3A_35, %dma_start3A_36, %dma_start3A_37] : memref<2x32x512xf32, #tpu.memory_space<vmem>> -> memref<1x32x512xf32, #tpu.memory_space<vmem>>
    %dma_start3A_39 = tpu.memref_squeeze %dma_start3A_38 : memref<1x32x512xf32, #tpu.memory_space<vmem>> -> memref<32x512xf32, #tpu.memory_space<vmem>>
    %dma_start3A_40 = arith.constant 0 : i32
    %dma_start3A_41 = tpu.memref_slice %arg2[%add3A_34, %dma_start3A_40] : memref<24576x512xf32, #tpu.memory_space<hbm>> -> memref<32x512xf32, #tpu.memory_space<hbm>>
    %dma_start3A_42 = arith.constant 0 : i32
    %dma_start3A_43 = arith.constant 0 : i32
    %dma_start3A_44 = tpu.memref_slice %arg5[%dma_start3A_35, %dma_start3A_42, %dma_start3A_43] : memref<2x32x512xf32, #tpu.memory_space<vmem>> -> memref<1x32x512xf32, #tpu.memory_space<vmem>>
    %dma_start3A_45 = tpu.memref_squeeze %dma_start3A_44 : memref<1x32x512xf32, #tpu.memory_space<vmem>> -> memref<32x512xf32, #tpu.memory_space<vmem>>
    %dma_start3A_46 = arith.constant 0 : i32
    %dma_start3A_47 = tpu.memref_slice %arg2[%add3A_34, %dma_start3A_46] : memref<24576x512xf32, #tpu.memory_space<hbm>> -> memref<32x512xf32, #tpu.memory_space<hbm>>
    tpu.enqueue_dma source(%dma_start3A_47 : memref<32x512xf32, #tpu.memory_space<hbm>>) target(%dma_start3A_45 : memref<32x512xf32, #tpu.memory_space<vmem>>) target_semaphore(%arg9 : memref<!tpu.dma_semaphore, #tpu.memory_space<semaphore_mem>>)
    %dma_start3A_48 = arith.constant 1 : i32
    %dma_start3A_49 = arith.constant 0 : i32
    %dma_start3A_50 = arith.constant 0 : i32
    %dma_start3A_51 = tpu.memref_slice %arg6[%dma_start3A_48, %dma_start3A_49, %dma_start3A_50] : memref<2x32x512xf32, #tpu.memory_space<vmem>> -> memref<1x32x512xf32, #tpu.memory_space<vmem>>
    %dma_start3A_52 = tpu.memref_squeeze %dma_start3A_51 : memref<1x32x512xf32, #tpu.memory_space<vmem>> -> memref<32x512xf32, #tpu.memory_space<vmem>>
    %dma_start3A_53 = arith.constant 0 : i32
    %dma_start3A_54 = tpu.memref_slice %arg3[%add3A_34, %dma_start3A_53] : memref<24576x512xf32, #tpu.memory_space<hbm>> -> memref<32x512xf32, #tpu.memory_space<hbm>>
    %dma_start3A_55 = arith.constant 0 : i32
    %dma_start3A_56 = arith.constant 0 : i32
    %dma_start3A_57 = tpu.memref_slice %arg6[%dma_start3A_48, %dma_start3A_55, %dma_start3A_56] : memref<2x32x512xf32, #tpu.memory_space<vmem>> -> memref<1x32x512xf32, #tpu.memory_space<vmem>>
    %dma_start3A_58 = tpu.memref_squeeze %dma_start3A_57 : memref<1x32x512xf32, #tpu.memory_space<vmem>> -> memref<32x512xf32, #tpu.memory_space<vmem>>
    %dma_start3A_59 = arith.constant 0 : i32
    %dma_start3A_60 = tpu.memref_slice %arg3[%add3A_34, %dma_start3A_59] : memref<24576x512xf32, #tpu.memory_space<hbm>> -> memref<32x512xf32, #tpu.memory_space<hbm>>
    tpu.enqueue_dma source(%dma_start3A_60 : memref<32x512xf32, #tpu.memory_space<hbm>>) target(%dma_start3A_58 : memref<32x512xf32, #tpu.memory_space<vmem>>) target_semaphore(%arg11 : memref<!tpu.dma_semaphore, #tpu.memory_space<semaphore_mem>>)
    %dma_wait3A = arith.constant 0 : i32
    %dma_wait3A_61 = arith.constant 0 : i32
    %dma_wait3A_62 = arith.constant 0 : i32
    %dma_wait3A_63 = tpu.memref_slice %arg5[%dma_wait3A, %dma_wait3A_61, %dma_wait3A_62] : memref<2x32x512xf32, #tpu.memory_space<vmem>> -> memref<1x32x512xf32, #tpu.memory_space<vmem>>
    %dma_wait3A_64 = tpu.memref_squeeze %dma_wait3A_63 : memref<1x32x512xf32, #tpu.memory_space<vmem>> -> memref<32x512xf32, #tpu.memory_space<vmem>>
    %dma_wait3A_65 = arith.constant 0 : i32
    %dma_wait3A_66 = tpu.memref_slice %arg2[%add3A_6, %dma_wait3A_65] : memref<24576x512xf32, #tpu.memory_space<hbm>> -> memref<32x512xf32, #tpu.memory_space<hbm>>
    %dma_wait3A_67 = arith.constant 0 : i32
    %dma_wait3A_68 = arith.constant 0 : i32
    %dma_wait3A_69 = tpu.memref_slice %arg5[%dma_wait3A, %dma_wait3A_67, %dma_wait3A_68] : memref<2x32x512xf32, #tpu.memory_space<vmem>> -> memref<1x32x512xf32, #tpu.memory_space<vmem>>
    %dma_wait3A_70 = tpu.memref_squeeze %dma_wait3A_69 : memref<1x32x512xf32, #tpu.memory_space<vmem>> -> memref<32x512xf32, #tpu.memory_space<vmem>>
    %dma_wait3A_71 = arith.constant 0 : i32
    %dma_wait3A_72 = tpu.memref_slice %arg2[%add3A_6, %dma_wait3A_71] : memref<24576x512xf32, #tpu.memory_space<hbm>> -> memref<32x512xf32, #tpu.memory_space<hbm>>
    tpu.wait_dma2 semaphore(%arg8 : memref<!tpu.dma_semaphore, #tpu.memory_space<semaphore_mem>>) src(%dma_wait3A_72 : memref<32x512xf32, #tpu.memory_space<hbm>>) dst(%dma_wait3A_70 : memref<32x512xf32, #tpu.memory_space<vmem>>)
    %dma_wait3A_73 = arith.constant 0 : i32
    %dma_wait3A_74 = arith.constant 0 : i32
    %dma_wait3A_75 = arith.constant 0 : i32
    %dma_wait3A_76 = tpu.memref_slice %arg6[%dma_wait3A_73, %dma_wait3A_74, %dma_wait3A_75] : memref<2x32x512xf32, #tpu.memory_space<vmem>> -> memref<1x32x512xf32, #tpu.memory_space<vmem>>
    %dma_wait3A_77 = tpu.memref_squeeze %dma_wait3A_76 : memref<1x32x512xf32, #tpu.memory_space<vmem>> -> memref<32x512xf32, #tpu.memory_space<vmem>>
    %dma_wait3A_78 = arith.constant 0 : i32
    %dma_wait3A_79 = tpu.memref_slice %arg3[%add3A_6, %dma_wait3A_78] : memref<24576x512xf32, #tpu.memory_space<hbm>> -> memref<32x512xf32, #tpu.memory_space<hbm>>
    %dma_wait3A_80 = arith.constant 0 : i32
    %dma_wait3A_81 = arith.constant 0 : i32
    %dma_wait3A_82 = tpu.memref_slice %arg6[%dma_wait3A_73, %dma_wait3A_80, %dma_wait3A_81] : memref<2x32x512xf32, #tpu.memory_space<vmem>> -> memref<1x32x512xf32, #tpu.memory_space<vmem>>
    %dma_wait3A_83 = tpu.memref_squeeze %dma_wait3A_82 : memref<1x32x512xf32, #tpu.memory_space<vmem>> -> memref<32x512xf32, #tpu.memory_space<vmem>>
    %dma_wait3A_84 = arith.constant 0 : i32
    %dma_wait3A_85 = tpu.memref_slice %arg3[%add3A_6, %dma_wait3A_84] : memref<24576x512xf32, #tpu.memory_space<hbm>> -> memref<32x512xf32, #tpu.memory_space<hbm>>
    tpu.wait_dma2 semaphore(%arg10 : memref<!tpu.dma_semaphore, #tpu.memory_space<semaphore_mem>>) src(%dma_wait3A_85 : memref<32x512xf32, #tpu.memory_space<hbm>>) dst(%dma_wait3A_83 : memref<32x512xf32, #tpu.memory_space<vmem>>)
    %scan3A = arith.constant 0 : i32
    %scan3A_86 = arith.constant 0 : i32
    %scan3A_87 = arith.constant 0 : i32
    %scan3A_88 = arith.constant 32 : i32
    %scan3A_89 = arith.addi %scan3A_87, %scan3A_88 : i32
    %scan3A_90 = arith.constant 1 : i32
    %scan3A_91 = scf.for %scan3A_504 = %scan3A_87 to %scan3A_89 step %scan3A_90 iter_args(%scan3A_505 = %broadcast_in_dim3A_32) -> (vector<16xf32>)  : i32 {
      %scan3A_506 = arith.constant 0 : i32
      %scan3A_507 = arith.constant 32 : i32
      %scan3A_508 = arith.addi %scan3A_506, %scan3A_507 : i32
      %scan3A_509 = arith.constant 8 : i32
      %scan3A_510 = scf.for %scan3A_512 = %scan3A_506 to %scan3A_508 step %scan3A_509 iter_args(%scan3A_513 = %scan3A_505) -> (vector<16xf32>)  : i32 {
        %mul3A_514 = arith.constant 16 : i32
        %mul3A_515 = arith.muli %scan3A_512, %mul3A_514 : i32
        %get3A = arith.constant 0 : i32
        %get3A_516 = arith.constant 0 : i32
        %get3A_517 = tpu.memref_slice %arg5[%scan3A, %get3A, %get3A_516] : memref<2x32x512xf32, #tpu.memory_space<vmem>> -> memref<1x32x512xf32, #tpu.memory_space<vmem>>
        %get3A_518 = tpu.memref_squeeze %get3A_517 : memref<1x32x512xf32, #tpu.memory_space<vmem>> -> memref<32x512xf32, #tpu.memory_space<vmem>>
        %get3A_519 = arith.constant 0 : i32
        %get3A_520 = tpu.memref_slice %get3A_518[%scan3A_504, %get3A_519] : memref<32x512xf32, #tpu.memory_space<vmem>> -> memref<1x512xf32, #tpu.memory_space<vmem>>
        %get3A_521 = tpu.memref_squeeze %get3A_520 : memref<1x512xf32, #tpu.memory_space<vmem>> -> memref<512xf32, #tpu.memory_space<vmem>>
        %get3A_522 = arith.index_cast %mul3A_515 : i32 to index
        %get3A_523 = tpu.vector_load %get3A_521[%get3A_522] {strides = array<i32>} : memref<512xf32, #tpu.memory_space<vmem>>, vector<16xf32>,
        %get3A_524 = vector.shape_cast %get3A_523 : vector<16xf32> to vector<16xf32>
        %mul3A_525 = arith.constant 16 : i32
        %mul3A_526 = arith.muli %scan3A_512, %mul3A_525 : i32
        %get3A_527 = arith.constant 0 : i32
        %get3A_528 = arith.constant 0 : i32
        %get3A_529 = tpu.memref_slice %arg6[%scan3A_86, %get3A_527, %get3A_528] : memref<2x32x512xf32, #tpu.memory_space<vmem>> -> memref<1x32x512xf32, #tpu.memory_space<vmem>>
        %get3A_530 = tpu.memref_squeeze %get3A_529 : memref<1x32x512xf32, #tpu.memory_space<vmem>> -> memref<32x512xf32, #tpu.memory_space<vmem>>
        %get3A_531 = arith.constant 0 : i32
        %get3A_532 = tpu.memref_slice %get3A_530[%scan3A_504, %get3A_531] : memref<32x512xf32, #tpu.memory_space<vmem>> -> memref<1x512xf32, #tpu.memory_space<vmem>>
        %get3A_533 = tpu.memref_squeeze %get3A_532 : memref<1x512xf32, #tpu.memory_space<vmem>> -> memref<512xf32, #tpu.memory_space<vmem>>
        %get3A_534 = arith.index_cast %mul3A_526 : i32 to index
        %get3A_535 = tpu.vector_load %get3A_533[%get3A_534] {strides = array<i32>} : memref<512xf32, #tpu.memory_space<vmem>>, vector<16xf32>,
        %get3A_536 = vector.shape_cast %get3A_535 : vector<16xf32> to vector<16xf32>
        %sub3A = arith.subf %get3A_524, %get3A_536 : vector<16xf32>
        %mul3A_537 = arith.mulf %sub3A, %sub3A : vector<16xf32>
        %add3A_538 = arith.addf %scan3A_513, %mul3A_537 : vector<16xf32>
        %scan3A_539 = arith.constant 1 : i32
        %scan3A_540 = arith.addi %scan3A_512, %scan3A_539 : i32
        %mul3A_541 = arith.constant 16 : i32
        %mul3A_542 = arith.muli %scan3A_540, %mul3A_541 : i32
        %get3A_543 = arith.constant 0 : i32
        %get3A_544 = arith.constant 0 : i32
        %get3A_545 = tpu.memref_slice %arg5[%scan3A, %get3A_543, %get3A_544] : memref<2x32x512xf32, #tpu.memory_space<vmem>> -> memref<1x32x512xf32, #tpu.memory_space<vmem>>
        %get3A_546 = tpu.memref_squeeze %get3A_545 : memref<1x32x512xf32, #tpu.memory_space<vmem>> -> memref<32x512xf32, #tpu.memory_space<vmem>>
        %get3A_547 = arith.constant 0 : i32
        %get3A_548 = tpu.memref_slice %get3A_546[%scan3A_504, %get3A_547] : memref<32x512xf32, #tpu.memory_space<vmem>> -> memref<1x512xf32, #tpu.memory_space<vmem>>
        %get3A_549 = tpu.memref_squeeze %get3A_548 : memref<1x512xf32, #tpu.memory_space<vmem>> -> memref<512xf32, #tpu.memory_space<vmem>>
        %get3A_550 = arith.index_cast %mul3A_542 : i32 to index
        %get3A_551 = tpu.vector_load %get3A_549[%get3A_550] {strides = array<i32>} : memref<512xf32, #tpu.memory_space<vmem>>, vector<16xf32>,
        %get3A_552 = vector.shape_cast %get3A_551 : vector<16xf32> to vector<16xf32>
        %mul3A_553 = arith.constant 16 : i32
        %mul3A_554 = arith.muli %scan3A_540, %mul3A_553 : i32
        %get3A_555 = arith.constant 0 : i32
        %get3A_556 = arith.constant 0 : i32
        %get3A_557 = tpu.memref_slice %arg6[%scan3A_86, %get3A_555, %get3A_556] : memref<2x32x512xf32, #tpu.memory_space<vmem>> -> memref<1x32x512xf32, #tpu.memory_space<vmem>>
        %get3A_558 = tpu.memref_squeeze %get3A_557 : memref<1x32x512xf32, #tpu.memory_space<vmem>> -> memref<32x512xf32, #tpu.memory_space<vmem>>
        %get3A_559 = arith.constant 0 : i32
        %get3A_560 = tpu.memref_slice %get3A_558[%scan3A_504, %get3A_559] : memref<32x512xf32, #tpu.memory_space<vmem>> -> memref<1x512xf32, #tpu.memory_space<vmem>>
        %get3A_561 = tpu.memref_squeeze %get3A_560 : memref<1x512xf32, #tpu.memory_space<vmem>> -> memref<512xf32, #tpu.memory_space<vmem>>
        %get3A_562 = arith.index_cast %mul3A_554 : i32 to index
        %get3A_563 = tpu.vector_load %get3A_561[%get3A_562] {strides = array<i32>} : memref<512xf32, #tpu.memory_space<vmem>>, vector<16xf32>,
        %get3A_564 = vector.shape_cast %get3A_563 : vector<16xf32> to vector<16xf32>
        %sub3A_565 = arith.subf %get3A_552, %get3A_564 : vector<16xf32>
        %mul3A_566 = arith.mulf %sub3A_565, %sub3A_565 : vector<16xf32>
        %add3A_567 = arith.addf %add3A_538, %mul3A_566 : vector<16xf32>
        %scan3A_568 = arith.constant 2 : i32
        %scan3A_569 = arith.addi %scan3A_512, %scan3A_568 : i32
        %mul3A_570 = arith.constant 16 : i32
        %mul3A_571 = arith.muli %scan3A_569, %mul3A_570 : i32
        %get3A_572 = arith.constant 0 : i32
        %get3A_573 = arith.constant 0 : i32
        %get3A_574 = tpu.memref_slice %arg5[%scan3A, %get3A_572, %get3A_573] : memref<2x32x512xf32, #tpu.memory_space<vmem>> -> memref<1x32x512xf32, #tpu.memory_space<vmem>>
        %get3A_575 = tpu.memref_squeeze %get3A_574 : memref<1x32x512xf32, #tpu.memory_space<vmem>> -> memref<32x512xf32, #tpu.memory_space<vmem>>
        %get3A_576 = arith.constant 0 : i32
        %get3A_577 = tpu.memref_slice %get3A_575[%scan3A_504, %get3A_576] : memref<32x512xf32, #tpu.memory_space<vmem>> -> memref<1x512xf32, #tpu.memory_space<vmem>>
        %get3A_578 = tpu.memref_squeeze %get3A_577 : memref<1x512xf32, #tpu.memory_space<vmem>> -> memref<512xf32, #tpu.memory_space<vmem>>
        %get3A_579 = arith.index_cast %mul3A_571 : i32 to index
        %get3A_580 = tpu.vector_load %get3A_578[%get3A_579] {strides = array<i32>} : memref<512xf32, #tpu.memory_space<vmem>>, vector<16xf32>,
        %get3A_581 = vector.shape_cast %get3A_580 : vector<16xf32> to vector<16xf32>
        %mul3A_582 = arith.constant 16 : i32
        %mul3A_583 = arith.muli %scan3A_569, %mul3A_582 : i32
        %get3A_584 = arith.constant 0 : i32
        %get3A_585 = arith.constant 0 : i32
        %get3A_586 = tpu.memref_slice %arg6[%scan3A_86, %get3A_584, %get3A_585] : memref<2x32x512xf32, #tpu.memory_space<vmem>> -> memref<1x32x512xf32, #tpu.memory_space<vmem>>
        %get3A_587 = tpu.memref_squeeze %get3A_586 : memref<1x32x512xf32, #tpu.memory_space<vmem>> -> memref<32x512xf32, #tpu.memory_space<vmem>>
        %get3A_588 = arith.constant 0 : i32
        %get3A_589 = tpu.memref_slice %get3A_587[%scan3A_504, %get3A_588] : memref<32x512xf32, #tpu.memory_space<vmem>> -> memref<1x512xf32, #tpu.memory_space<vmem>>
        %get3A_590 = tpu.memref_squeeze %get3A_589 : memref<1x512xf32, #tpu.memory_space<vmem>> -> memref<512xf32, #tpu.memory_space<vmem>>
        %get3A_591 = arith.index_cast %mul3A_583 : i32 to index
        %get3A_592 = tpu.vector_load %get3A_590[%get3A_591] {strides = array<i32>} : memref<512xf32, #tpu.memory_space<vmem>>, vector<16xf32>,
        %get3A_593 = vector.shape_cast %get3A_592 : vector<16xf32> to vector<16xf32>
        %sub3A_594 = arith.subf %get3A_581, %get3A_593 : vector<16xf32>
        %mul3A_595 = arith.mulf %sub3A_594, %sub3A_594 : vector<16xf32>
        %add3A_596 = arith.addf %add3A_567, %mul3A_595 : vector<16xf32>
        %scan3A_597 = arith.constant 3 : i32
        %scan3A_598 = arith.addi %scan3A_512, %scan3A_597 : i32
        %mul3A_599 = arith.constant 16 : i32
        %mul3A_600 = arith.muli %scan3A_598, %mul3A_599 : i32
        %get3A_601 = arith.constant 0 : i32
        %get3A_602 = arith.constant 0 : i32
        %get3A_603 = tpu.memref_slice %arg5[%scan3A, %get3A_601, %get3A_602] : memref<2x32x512xf32, #tpu.memory_space<vmem>> -> memref<1x32x512xf32, #tpu.memory_space<vmem>>
        %get3A_604 = tpu.memref_squeeze %get3A_603 : memref<1x32x512xf32, #tpu.memory_space<vmem>> -> memref<32x512xf32, #tpu.memory_space<vmem>>
        %get3A_605 = arith.constant 0 : i32
        %get3A_606 = tpu.memref_slice %get3A_604[%scan3A_504, %get3A_605] : memref<32x512xf32, #tpu.memory_space<vmem>> -> memref<1x512xf32, #tpu.memory_space<vmem>>
        %get3A_607 = tpu.memref_squeeze %get3A_606 : memref<1x512xf32, #tpu.memory_space<vmem>> -> memref<512xf32, #tpu.memory_space<vmem>>
        %get3A_608 = arith.index_cast %mul3A_600 : i32 to index
        %get3A_609 = tpu.vector_load %get3A_607[%get3A_608] {strides = array<i32>} : memref<512xf32, #tpu.memory_space<vmem>>, vector<16xf32>,
        %get3A_610 = vector.shape_cast %get3A_609 : vector<16xf32> to vector<16xf32>
        %mul3A_611 = arith.constant 16 : i32
        %mul3A_612 = arith.muli %scan3A_598, %mul3A_611 : i32
        %get3A_613 = arith.constant 0 : i32
        %get3A_614 = arith.constant 0 : i32
        %get3A_615 = tpu.memref_slice %arg6[%scan3A_86, %get3A_613, %get3A_614] : memref<2x32x512xf32, #tpu.memory_space<vmem>> -> memref<1x32x512xf32, #tpu.memory_space<vmem>>
        %get3A_616 = tpu.memref_squeeze %get3A_615 : memref<1x32x512xf32, #tpu.memory_space<vmem>> -> memref<32x512xf32, #tpu.memory_space<vmem>>
        %get3A_617 = arith.constant 0 : i32
        %get3A_618 = tpu.memref_slice %get3A_616[%scan3A_504, %get3A_617] : memref<32x512xf32, #tpu.memory_space<vmem>> -> memref<1x512xf32, #tpu.memory_space<vmem>>
        %get3A_619 = tpu.memref_squeeze %get3A_618 : memref<1x512xf32, #tpu.memory_space<vmem>> -> memref<512xf32, #tpu.memory_space<vmem>>
        %get3A_620 = arith.index_cast %mul3A_612 : i32 to index
        %get3A_621 = tpu.vector_load %get3A_619[%get3A_620] {strides = array<i32>} : memref<512xf32, #tpu.memory_space<vmem>>, vector<16xf32>,
        %get3A_622 = vector.shape_cast %get3A_621 : vector<16xf32> to vector<16xf32>
        %sub3A_623 = arith.subf %get3A_610, %get3A_622 : vector<16xf32>
        %mul3A_624 = arith.mulf %sub3A_623, %sub3A_623 : vector<16xf32>
        %add3A_625 = arith.addf %add3A_596, %mul3A_624 : vector<16xf32>
        %scan3A_626 = arith.constant 4 : i32
        %scan3A_627 = arith.addi %scan3A_512, %scan3A_626 : i32
        %mul3A_628 = arith.constant 16 : i32
        %mul3A_629 = arith.muli %scan3A_627, %mul3A_628 : i32
        %get3A_630 = arith.constant 0 : i32
        %get3A_631 = arith.constant 0 : i32
        %get3A_632 = tpu.memref_slice %arg5[%scan3A, %get3A_630, %get3A_631] : memref<2x32x512xf32, #tpu.memory_space<vmem>> -> memref<1x32x512xf32, #tpu.memory_space<vmem>>
        %get3A_633 = tpu.memref_squeeze %get3A_632 : memref<1x32x512xf32, #tpu.memory_space<vmem>> -> memref<32x512xf32, #tpu.memory_space<vmem>>
        %get3A_634 = arith.constant 0 : i32
        %get3A_635 = tpu.memref_slice %get3A_633[%scan3A_504, %get3A_634] : memref<32x512xf32, #tpu.memory_space<vmem>> -> memref<1x512xf32, #tpu.memory_space<vmem>>
        %get3A_636 = tpu.memref_squeeze %get3A_635 : memref<1x512xf32, #tpu.memory_space<vmem>> -> memref<512xf32, #tpu.memory_space<vmem>>
        %get3A_637 = arith.index_cast %mul3A_629 : i32 to index
        %get3A_638 = tpu.vector_load %get3A_636[%get3A_637] {strides = array<i32>} : memref<512xf32, #tpu.memory_space<vmem>>, vector<16xf32>,
        %get3A_639 = vector.shape_cast %get3A_638 : vector<16xf32> to vector<16xf32>
        %mul3A_640 = arith.constant 16 : i32
        %mul3A_641 = arith.muli %scan3A_627, %mul3A_640 : i32
        %get3A_642 = arith.constant 0 : i32
        %get3A_643 = arith.constant 0 : i32
        %get3A_644 = tpu.memref_slice %arg6[%scan3A_86, %get3A_642, %get3A_643] : memref<2x32x512xf32, #tpu.memory_space<vmem>> -> memref<1x32x512xf32, #tpu.memory_space<vmem>>
        %get3A_645 = tpu.memref_squeeze %get3A_644 : memref<1x32x512xf32, #tpu.memory_space<vmem>> -> memref<32x512xf32, #tpu.memory_space<vmem>>
        %get3A_646 = arith.constant 0 : i32
        %get3A_647 = tpu.memref_slice %get3A_645[%scan3A_504, %get3A_646] : memref<32x512xf32, #tpu.memory_space<vmem>> -> memref<1x512xf32, #tpu.memory_space<vmem>>
        %get3A_648 = tpu.memref_squeeze %get3A_647 : memref<1x512xf32, #tpu.memory_space<vmem>> -> memref<512xf32, #tpu.memory_space<vmem>>
        %get3A_649 = arith.index_cast %mul3A_641 : i32 to index
        %get3A_650 = tpu.vector_load %get3A_648[%get3A_649] {strides = array<i32>} : memref<512xf32, #tpu.memory_space<vmem>>, vector<16xf32>,
        %get3A_651 = vector.shape_cast %get3A_650 : vector<16xf32> to vector<16xf32>
        %sub3A_652 = arith.subf %get3A_639, %get3A_651 : vector<16xf32>
        %mul3A_653 = arith.mulf %sub3A_652, %sub3A_652 : vector<16xf32>
        %add3A_654 = arith.addf %add3A_625, %mul3A_653 : vector<16xf32>
        %scan3A_655 = arith.constant 5 : i32
        %scan3A_656 = arith.addi %scan3A_512, %scan3A_655 : i32
        %mul3A_657 = arith.constant 16 : i32
        %mul3A_658 = arith.muli %scan3A_656, %mul3A_657 : i32
        %get3A_659 = arith.constant 0 : i32
        %get3A_660 = arith.constant 0 : i32
        %get3A_661 = tpu.memref_slice %arg5[%scan3A, %get3A_659, %get3A_660] : memref<2x32x512xf32, #tpu.memory_space<vmem>> -> memref<1x32x512xf32, #tpu.memory_space<vmem>>
        %get3A_662 = tpu.memref_squeeze %get3A_661 : memref<1x32x512xf32, #tpu.memory_space<vmem>> -> memref<32x512xf32, #tpu.memory_space<vmem>>
        %get3A_663 = arith.constant 0 : i32
        %get3A_664 = tpu.memref_slice %get3A_662[%scan3A_504, %get3A_663] : memref<32x512xf32, #tpu.memory_space<vmem>> -> memref<1x512xf32, #tpu.memory_space<vmem>>
        %get3A_665 = tpu.memref_squeeze %get3A_664 : memref<1x512xf32, #tpu.memory_space<vmem>> -> memref<512xf32, #tpu.memory_space<vmem>>
        %get3A_666 = arith.index_cast %mul3A_658 : i32 to index
        %get3A_667 = tpu.vector_load %get3A_665[%get3A_666] {strides = array<i32>} : memref<512xf32, #tpu.memory_space<vmem>>, vector<16xf32>,
        %get3A_668 = vector.shape_cast %get3A_667 : vector<16xf32> to vector<16xf32>
        %mul3A_669 = arith.constant 16 : i32
        %mul3A_670 = arith.muli %scan3A_656, %mul3A_669 : i32
        %get3A_671 = arith.constant 0 : i32
        %get3A_672 = arith.constant 0 : i32
        %get3A_673 = tpu.memref_slice %arg6[%scan3A_86, %get3A_671, %get3A_672] : memref<2x32x512xf32, #tpu.memory_space<vmem>> -> memref<1x32x512xf32, #tpu.memory_space<vmem>>
        %get3A_674 = tpu.memref_squeeze %get3A_673 : memref<1x32x512xf32, #tpu.memory_space<vmem>> -> memref<32x512xf32, #tpu.memory_space<vmem>>
        %get3A_675 = arith.constant 0 : i32
        %get3A_676 = tpu.memref_slice %get3A_674[%scan3A_504, %get3A_675] : memref<32x512xf32, #tpu.memory_space<vmem>> -> memref<1x512xf32, #tpu.memory_space<vmem>>
        %get3A_677 = tpu.memref_squeeze %get3A_676 : memref<1x512xf32, #tpu.memory_space<vmem>> -> memref<512xf32, #tpu.memory_space<vmem>>
        %get3A_678 = arith.index_cast %mul3A_670 : i32 to index
        %get3A_679 = tpu.vector_load %get3A_677[%get3A_678] {strides = array<i32>} : memref<512xf32, #tpu.memory_space<vmem>>, vector<16xf32>,
        %get3A_680 = vector.shape_cast %get3A_679 : vector<16xf32> to vector<16xf32>
        %sub3A_681 = arith.subf %get3A_668, %get3A_680 : vector<16xf32>
        %mul3A_682 = arith.mulf %sub3A_681, %sub3A_681 : vector<16xf32>
        %add3A_683 = arith.addf %add3A_654, %mul3A_682 : vector<16xf32>
        %scan3A_684 = arith.constant 6 : i32
        %scan3A_685 = arith.addi %scan3A_512, %scan3A_684 : i32
        %mul3A_686 = arith.constant 16 : i32
        %mul3A_687 = arith.muli %scan3A_685, %mul3A_686 : i32
        %get3A_688 = arith.constant 0 : i32
        %get3A_689 = arith.constant 0 : i32
        %get3A_690 = tpu.memref_slice %arg5[%scan3A, %get3A_688, %get3A_689] : memref<2x32x512xf32, #tpu.memory_space<vmem>> -> memref<1x32x512xf32, #tpu.memory_space<vmem>>
        %get3A_691 = tpu.memref_squeeze %get3A_690 : memref<1x32x512xf32, #tpu.memory_space<vmem>> -> memref<32x512xf32, #tpu.memory_space<vmem>>
        %get3A_692 = arith.constant 0 : i32
        %get3A_693 = tpu.memref_slice %get3A_691[%scan3A_504, %get3A_692] : memref<32x512xf32, #tpu.memory_space<vmem>> -> memref<1x512xf32, #tpu.memory_space<vmem>>
        %get3A_694 = tpu.memref_squeeze %get3A_693 : memref<1x512xf32, #tpu.memory_space<vmem>> -> memref<512xf32, #tpu.memory_space<vmem>>
        %get3A_695 = arith.index_cast %mul3A_687 : i32 to index
        %get3A_696 = tpu.vector_load %get3A_694[%get3A_695] {strides = array<i32>} : memref<512xf32, #tpu.memory_space<vmem>>, vector<16xf32>,
        %get3A_697 = vector.shape_cast %get3A_696 : vector<16xf32> to vector<16xf32>
        %mul3A_698 = arith.constant 16 : i32
        %mul3A_699 = arith.muli %scan3A_685, %mul3A_698 : i32
        %get3A_700 = arith.constant 0 : i32
        %get3A_701 = arith.constant 0 : i32
        %get3A_702 = tpu.memref_slice %arg6[%scan3A_86, %get3A_700, %get3A_701] : memref<2x32x512xf32, #tpu.memory_space<vmem>> -> memref<1x32x512xf32, #tpu.memory_space<vmem>>
        %get3A_703 = tpu.memref_squeeze %get3A_702 : memref<1x32x512xf32, #tpu.memory_space<vmem>> -> memref<32x512xf32, #tpu.memory_space<vmem>>
        %get3A_704 = arith.constant 0 : i32
        %get3A_705 = tpu.memref_slice %get3A_703[%scan3A_504, %get3A_704] : memref<32x512xf32, #tpu.memory_space<vmem>> -> memref<1x512xf32, #tpu.memory_space<vmem>>
        %get3A_706 = tpu.memref_squeeze %get3A_705 : memref<1x512xf32, #tpu.memory_space<vmem>> -> memref<512xf32, #tpu.memory_space<vmem>>
        %get3A_707 = arith.index_cast %mul3A_699 : i32 to index
        %get3A_708 = tpu.vector_load %get3A_706[%get3A_707] {strides = array<i32>} : memref<512xf32, #tpu.memory_space<vmem>>, vector<16xf32>,
        %get3A_709 = vector.shape_cast %get3A_708 : vector<16xf32> to vector<16xf32>
        %sub3A_710 = arith.subf %get3A_697, %get3A_709 : vector<16xf32>
        %mul3A_711 = arith.mulf %sub3A_710, %sub3A_710 : vector<16xf32>
        %add3A_712 = arith.addf %add3A_683, %mul3A_711 : vector<16xf32>
        %scan3A_713 = arith.constant 7 : i32
        %scan3A_714 = arith.addi %scan3A_512, %scan3A_713 : i32
        %mul3A_715 = arith.constant 16 : i32
        %mul3A_716 = arith.muli %scan3A_714, %mul3A_715 : i32
        %get3A_717 = arith.constant 0 : i32
        %get3A_718 = arith.constant 0 : i32
        %get3A_719 = tpu.memref_slice %arg5[%scan3A, %get3A_717, %get3A_718] : memref<2x32x512xf32, #tpu.memory_space<vmem>> -> memref<1x32x512xf32, #tpu.memory_space<vmem>>
        %get3A_720 = tpu.memref_squeeze %get3A_719 : memref<1x32x512xf32, #tpu.memory_space<vmem>> -> memref<32x512xf32, #tpu.memory_space<vmem>>
        %get3A_721 = arith.constant 0 : i32
        %get3A_722 = tpu.memref_slice %get3A_720[%scan3A_504, %get3A_721] : memref<32x512xf32, #tpu.memory_space<vmem>> -> memref<1x512xf32, #tpu.memory_space<vmem>>
        %get3A_723 = tpu.memref_squeeze %get3A_722 : memref<1x512xf32, #tpu.memory_space<vmem>> -> memref<512xf32, #tpu.memory_space<vmem>>
        %get3A_724 = arith.index_cast %mul3A_716 : i32 to index
        %get3A_725 = tpu.vector_load %get3A_723[%get3A_724] {strides = array<i32>} : memref<512xf32, #tpu.memory_space<vmem>>, vector<16xf32>,
        %get3A_726 = vector.shape_cast %get3A_725 : vector<16xf32> to vector<16xf32>
        %mul3A_727 = arith.constant 16 : i32
        %mul3A_728 = arith.muli %scan3A_714, %mul3A_727 : i32
        %get3A_729 = arith.constant 0 : i32
        %get3A_730 = arith.constant 0 : i32
        %get3A_731 = tpu.memref_slice %arg6[%scan3A_86, %get3A_729, %get3A_730] : memref<2x32x512xf32, #tpu.memory_space<vmem>> -> memref<1x32x512xf32, #tpu.memory_space<vmem>>
        %get3A_732 = tpu.memref_squeeze %get3A_731 : memref<1x32x512xf32, #tpu.memory_space<vmem>> -> memref<32x512xf32, #tpu.memory_space<vmem>>
        %get3A_733 = arith.constant 0 : i32
        %get3A_734 = tpu.memref_slice %get3A_732[%scan3A_504, %get3A_733] : memref<32x512xf32, #tpu.memory_space<vmem>> -> memref<1x512xf32, #tpu.memory_space<vmem>>
        %get3A_735 = tpu.memref_squeeze %get3A_734 : memref<1x512xf32, #tpu.memory_space<vmem>> -> memref<512xf32, #tpu.memory_space<vmem>>
        %get3A_736 = arith.index_cast %mul3A_728 : i32 to index
        %get3A_737 = tpu.vector_load %get3A_735[%get3A_736] {strides = array<i32>} : memref<512xf32, #tpu.memory_space<vmem>>, vector<16xf32>,
        %get3A_738 = vector.shape_cast %get3A_737 : vector<16xf32> to vector<16xf32>
        %sub3A_739 = arith.subf %get3A_726, %get3A_738 : vector<16xf32>
        %mul3A_740 = arith.mulf %sub3A_739, %sub3A_739 : vector<16xf32>
        %add3A_741 = arith.addf %add3A_712, %mul3A_740 : vector<16xf32>
        scf.yield %add3A_741 : vector<16xf32>
      }
      %scan3A_511 = arith.constant 32 : i32
      scf.yield %scan3A_510 : vector<16xf32>
    }
    %scan3A_92 = arith.constant 32 : i32
    %add3A_93 = arith.constant 64 : i32
    %add3A_94 = arith.addi %add3A_4, %add3A_93 : i32
    %dma_start3A_95 = arith.constant 0 : i32
    %dma_start3A_96 = arith.constant 0 : i32
    %dma_start3A_97 = arith.constant 0 : i32
    %dma_start3A_98 = tpu.memref_slice %arg5[%dma_start3A_95, %dma_start3A_96, %dma_start3A_97] : memref<2x32x512xf32, #tpu.memory_space<vmem>> -> memref<1x32x512xf32, #tpu.memory_space<vmem>>
    %dma_start3A_99 = tpu.memref_squeeze %dma_start3A_98 : memref<1x32x512xf32, #tpu.memory_space<vmem>> -> memref<32x512xf32, #tpu.memory_space<vmem>>
    %dma_start3A_100 = arith.constant 0 : i32
    %dma_start3A_101 = tpu.memref_slice %arg2[%add3A_94, %dma_start3A_100] : memref<24576x512xf32, #tpu.memory_space<hbm>> -> memref<32x512xf32, #tpu.memory_space<hbm>>
    %dma_start3A_102 = arith.constant 0 : i32
    %dma_start3A_103 = arith.constant 0 : i32
    %dma_start3A_104 = tpu.memref_slice %arg5[%dma_start3A_95, %dma_start3A_102, %dma_start3A_103] : memref<2x32x512xf32, #tpu.memory_space<vmem>> -> memref<1x32x512xf32, #tpu.memory_space<vmem>>
    %dma_start3A_105 = tpu.memref_squeeze %dma_start3A_104 : memref<1x32x512xf32, #tpu.memory_space<vmem>> -> memref<32x512xf32, #tpu.memory_space<vmem>>
    %dma_start3A_106 = arith.constant 0 : i32
    %dma_start3A_107 = tpu.memref_slice %arg2[%add3A_94, %dma_start3A_106] : memref<24576x512xf32, #tpu.memory_space<hbm>> -> memref<32x512xf32, #tpu.memory_space<hbm>>
    tpu.enqueue_dma source(%dma_start3A_107 : memref<32x512xf32, #tpu.memory_space<hbm>>) target(%dma_start3A_105 : memref<32x512xf32, #tpu.memory_space<vmem>>) target_semaphore(%arg8 : memref<!tpu.dma_semaphore, #tpu.memory_space<semaphore_mem>>)
    %dma_start3A_108 = arith.constant 0 : i32
    %dma_start3A_109 = arith.constant 0 : i32
    %dma_start3A_110 = arith.constant 0 : i32
    %dma_start3A_111 = tpu.memref_slice %arg6[%dma_start3A_108, %dma_start3A_109, %dma_start3A_110] : memref<2x32x512xf32, #tpu.memory_space<vmem>> -> memref<1x32x512xf32, #tpu.memory_space<vmem>>
    %dma_start3A_112 = tpu.memref_squeeze %dma_start3A_111 : memref<1x32x512xf32, #tpu.memory_space<vmem>> -> memref<32x512xf32, #tpu.memory_space<vmem>>
    %dma_start3A_113 = arith.constant 0 : i32
    %dma_start3A_114 = tpu.memref_slice %arg3[%add3A_94, %dma_start3A_113] : memref<24576x512xf32, #tpu.memory_space<hbm>> -> memref<32x512xf32, #tpu.memory_space<hbm>>
    %dma_start3A_115 = arith.constant 0 : i32
    %dma_start3A_116 = arith.constant 0 : i32
    %dma_start3A_117 = tpu.memref_slice %arg6[%dma_start3A_108, %dma_start3A_115, %dma_start3A_116] : memref<2x32x512xf32, #tpu.memory_space<vmem>> -> memref<1x32x512xf32, #tpu.memory_space<vmem>>
    %dma_start3A_118 = tpu.memref_squeeze %dma_start3A_117 : memref<1x32x512xf32, #tpu.memory_space<vmem>> -> memref<32x512xf32, #tpu.memory_space<vmem>>
    %dma_start3A_119 = arith.constant 0 : i32
    %dma_start3A_120 = tpu.memref_slice %arg3[%add3A_94, %dma_start3A_119] : memref<24576x512xf32, #tpu.memory_space<hbm>> -> memref<32x512xf32, #tpu.memory_space<hbm>>
    tpu.enqueue_dma source(%dma_start3A_120 : memref<32x512xf32, #tpu.memory_space<hbm>>) target(%dma_start3A_118 : memref<32x512xf32, #tpu.memory_space<vmem>>) target_semaphore(%arg10 : memref<!tpu.dma_semaphore, #tpu.memory_space<semaphore_mem>>)
    %dma_wait3A_121 = arith.constant 1 : i32
    %dma_wait3A_122 = arith.constant 0 : i32
    %dma_wait3A_123 = arith.constant 0 : i32
    %dma_wait3A_124 = tpu.memref_slice %arg5[%dma_wait3A_121, %dma_wait3A_122, %dma_wait3A_123] : memref<2x32x512xf32, #tpu.memory_space<vmem>> -> memref<1x32x512xf32, #tpu.memory_space<vmem>>
    %dma_wait3A_125 = tpu.memref_squeeze %dma_wait3A_124 : memref<1x32x512xf32, #tpu.memory_space<vmem>> -> memref<32x512xf32, #tpu.memory_space<vmem>>
    %dma_wait3A_126 = arith.constant 0 : i32
    %dma_wait3A_127 = tpu.memref_slice %arg2[%add3A_34, %dma_wait3A_126] : memref<24576x512xf32, #tpu.memory_space<hbm>> -> memref<32x512xf32, #tpu.memory_space<hbm>>
    %dma_wait3A_128 = arith.constant 0 : i32
    %dma_wait3A_129 = arith.constant 0 : i32
    %dma_wait3A_130 = tpu.memref_slice %arg5[%dma_wait3A_121, %dma_wait3A_128, %dma_wait3A_129] : memref<2x32x512xf32, #tpu.memory_space<vmem>> -> memref<1x32x512xf32, #tpu.memory_space<vmem>>
    %dma_wait3A_131 = tpu.memref_squeeze %dma_wait3A_130 : memref<1x32x512xf32, #tpu.memory_space<vmem>> -> memref<32x512xf32, #tpu.memory_space<vmem>>
    %dma_wait3A_132 = arith.constant 0 : i32
    %dma_wait3A_133 = tpu.memref_slice %arg2[%add3A_34, %dma_wait3A_132] : memref<24576x512xf32, #tpu.memory_space<hbm>> -> memref<32x512xf32, #tpu.memory_space<hbm>>
    tpu.wait_dma2 semaphore(%arg9 : memref<!tpu.dma_semaphore, #tpu.memory_space<semaphore_mem>>) src(%dma_wait3A_133 : memref<32x512xf32, #tpu.memory_space<hbm>>) dst(%dma_wait3A_131 : memref<32x512xf32, #tpu.memory_space<vmem>>)
    %dma_wait3A_134 = arith.constant 1 : i32
    %dma_wait3A_135 = arith.constant 0 : i32
    %dma_wait3A_136 = arith.constant 0 : i32
    %dma_wait3A_137 = tpu.memref_slice %arg6[%dma_wait3A_134, %dma_wait3A_135, %dma_wait3A_136] : memref<2x32x512xf32, #tpu.memory_space<vmem>> -> memref<1x32x512xf32, #tpu.memory_space<vmem>>
    %dma_wait3A_138 = tpu.memref_squeeze %dma_wait3A_137 : memref<1x32x512xf32, #tpu.memory_space<vmem>> -> memref<32x512xf32, #tpu.memory_space<vmem>>
    %dma_wait3A_139 = arith.constant 0 : i32
    %dma_wait3A_140 = tpu.memref_slice %arg3[%add3A_34, %dma_wait3A_139] : memref<24576x512xf32, #tpu.memory_space<hbm>> -> memref<32x512xf32, #tpu.memory_space<hbm>>
    %dma_wait3A_141 = arith.constant 0 : i32
    %dma_wait3A_142 = arith.constant 0 : i32
    %dma_wait3A_143 = tpu.memref_slice %arg6[%dma_wait3A_134, %dma_wait3A_141, %dma_wait3A_142] : memref<2x32x512xf32, #tpu.memory_space<vmem>> -> memref<1x32x512xf32, #tpu.memory_space<vmem>>
    %dma_wait3A_144 = tpu.memref_squeeze %dma_wait3A_143 : memref<1x32x512xf32, #tpu.memory_space<vmem>> -> memref<32x512xf32, #tpu.memory_space<vmem>>
    %dma_wait3A_145 = arith.constant 0 : i32
    %dma_wait3A_146 = tpu.memref_slice %arg3[%add3A_34, %dma_wait3A_145] : memref<24576x512xf32, #tpu.memory_space<hbm>> -> memref<32x512xf32, #tpu.memory_space<hbm>>
    tpu.wait_dma2 semaphore(%arg11 : memref<!tpu.dma_semaphore, #tpu.memory_space<semaphore_mem>>) src(%dma_wait3A_146 : memref<32x512xf32, #tpu.memory_space<hbm>>) dst(%dma_wait3A_144 : memref<32x512xf32, #tpu.memory_space<vmem>>)
    %scan3A_147 = arith.constant 1 : i32
    %scan3A_148 = arith.constant 1 : i32
    %scan3A_149 = arith.constant 0 : i32
    %scan3A_150 = arith.constant 32 : i32
    %scan3A_151 = arith.addi %scan3A_149, %scan3A_150 : i32
    %scan3A_152 = arith.constant 1 : i32
    %scan3A_153 = scf.for %scan3A_504 = %scan3A_149 to %scan3A_151 step %scan3A_152 iter_args(%scan3A_505 = %scan3A_91) -> (vector<16xf32>)  : i32 {
      %scan3A_506 = arith.constant 0 : i32
      %scan3A_507 = arith.constant 32 : i32
      %scan3A_508 = arith.addi %scan3A_506, %scan3A_507 : i32
      %scan3A_509 = arith.constant 8 : i32
      %scan3A_510 = scf.for %scan3A_512 = %scan3A_506 to %scan3A_508 step %scan3A_509 iter_args(%scan3A_513 = %scan3A_505) -> (vector<16xf32>)  : i32 {
        %mul3A_514 = arith.constant 16 : i32
        %mul3A_515 = arith.muli %scan3A_512, %mul3A_514 : i32
        %get3A = arith.constant 0 : i32
        %get3A_516 = arith.constant 0 : i32
        %get3A_517 = tpu.memref_slice %arg5[%scan3A_147, %get3A, %get3A_516] : memref<2x32x512xf32, #tpu.memory_space<vmem>> -> memref<1x32x512xf32, #tpu.memory_space<vmem>>
        %get3A_518 = tpu.memref_squeeze %get3A_517 : memref<1x32x512xf32, #tpu.memory_space<vmem>> -> memref<32x512xf32, #tpu.memory_space<vmem>>
        %get3A_519 = arith.constant 0 : i32
        %get3A_520 = tpu.memref_slice %get3A_518[%scan3A_504, %get3A_519] : memref<32x512xf32, #tpu.memory_space<vmem>> -> memref<1x512xf32, #tpu.memory_space<vmem>>
        %get3A_521 = tpu.memref_squeeze %get3A_520 : memref<1x512xf32, #tpu.memory_space<vmem>> -> memref<512xf32, #tpu.memory_space<vmem>>
        %get3A_522 = arith.index_cast %mul3A_515 : i32 to index
        %get3A_523 = tpu.vector_load %get3A_521[%get3A_522] {strides = array<i32>} : memref<512xf32, #tpu.memory_space<vmem>>, vector<16xf32>,
        %get3A_524 = vector.shape_cast %get3A_523 : vector<16xf32> to vector<16xf32>
        %mul3A_525 = arith.constant 16 : i32
        %mul3A_526 = arith.muli %scan3A_512, %mul3A_525 : i32
        %get3A_527 = arith.constant 0 : i32
        %get3A_528 = arith.constant 0 : i32
        %get3A_529 = tpu.memref_slice %arg6[%scan3A_148, %get3A_527, %get3A_528] : memref<2x32x512xf32, #tpu.memory_space<vmem>> -> memref<1x32x512xf32, #tpu.memory_space<vmem>>
        %get3A_530 = tpu.memref_squeeze %get3A_529 : memref<1x32x512xf32, #tpu.memory_space<vmem>> -> memref<32x512xf32, #tpu.memory_space<vmem>>
        %get3A_531 = arith.constant 0 : i32
        %get3A_532 = tpu.memref_slice %get3A_530[%scan3A_504, %get3A_531] : memref<32x512xf32, #tpu.memory_space<vmem>> -> memref<1x512xf32, #tpu.memory_space<vmem>>
        %get3A_533 = tpu.memref_squeeze %get3A_532 : memref<1x512xf32, #tpu.memory_space<vmem>> -> memref<512xf32, #tpu.memory_space<vmem>>
        %get3A_534 = arith.index_cast %mul3A_526 : i32 to index
        %get3A_535 = tpu.vector_load %get3A_533[%get3A_534] {strides = array<i32>} : memref<512xf32, #tpu.memory_space<vmem>>, vector<16xf32>,
        %get3A_536 = vector.shape_cast %get3A_535 : vector<16xf32> to vector<16xf32>
        %sub3A = arith.subf %get3A_524, %get3A_536 : vector<16xf32>
        %mul3A_537 = arith.mulf %sub3A, %sub3A : vector<16xf32>
        %add3A_538 = arith.addf %scan3A_513, %mul3A_537 : vector<16xf32>
        %scan3A_539 = arith.constant 1 : i32
        %scan3A_540 = arith.addi %scan3A_512, %scan3A_539 : i32
        %mul3A_541 = arith.constant 16 : i32
        %mul3A_542 = arith.muli %scan3A_540, %mul3A_541 : i32
        %get3A_543 = arith.constant 0 : i32
        %get3A_544 = arith.constant 0 : i32
        %get3A_545 = tpu.memref_slice %arg5[%scan3A_147, %get3A_543, %get3A_544] : memref<2x32x512xf32, #tpu.memory_space<vmem>> -> memref<1x32x512xf32, #tpu.memory_space<vmem>>
        %get3A_546 = tpu.memref_squeeze %get3A_545 : memref<1x32x512xf32, #tpu.memory_space<vmem>> -> memref<32x512xf32, #tpu.memory_space<vmem>>
        %get3A_547 = arith.constant 0 : i32
        %get3A_548 = tpu.memref_slice %get3A_546[%scan3A_504, %get3A_547] : memref<32x512xf32, #tpu.memory_space<vmem>> -> memref<1x512xf32, #tpu.memory_space<vmem>>
        %get3A_549 = tpu.memref_squeeze %get3A_548 : memref<1x512xf32, #tpu.memory_space<vmem>> -> memref<512xf32, #tpu.memory_space<vmem>>
        %get3A_550 = arith.index_cast %mul3A_542 : i32 to index
        %get3A_551 = tpu.vector_load %get3A_549[%get3A_550] {strides = array<i32>} : memref<512xf32, #tpu.memory_space<vmem>>, vector<16xf32>,
        %get3A_552 = vector.shape_cast %get3A_551 : vector<16xf32> to vector<16xf32>
        %mul3A_553 = arith.constant 16 : i32
        %mul3A_554 = arith.muli %scan3A_540, %mul3A_553 : i32
        %get3A_555 = arith.constant 0 : i32
        %get3A_556 = arith.constant 0 : i32
        %get3A_557 = tpu.memref_slice %arg6[%scan3A_148, %get3A_555, %get3A_556] : memref<2x32x512xf32, #tpu.memory_space<vmem>> -> memref<1x32x512xf32, #tpu.memory_space<vmem>>
        %get3A_558 = tpu.memref_squeeze %get3A_557 : memref<1x32x512xf32, #tpu.memory_space<vmem>> -> memref<32x512xf32, #tpu.memory_space<vmem>>
        %get3A_559 = arith.constant 0 : i32
        %get3A_560 = tpu.memref_slice %get3A_558[%scan3A_504, %get3A_559] : memref<32x512xf32, #tpu.memory_space<vmem>> -> memref<1x512xf32, #tpu.memory_space<vmem>>
        %get3A_561 = tpu.memref_squeeze %get3A_560 : memref<1x512xf32, #tpu.memory_space<vmem>> -> memref<512xf32, #tpu.memory_space<vmem>>
        %get3A_562 = arith.index_cast %mul3A_554 : i32 to index
        %get3A_563 = tpu.vector_load %get3A_561[%get3A_562] {strides = array<i32>} : memref<512xf32, #tpu.memory_space<vmem>>, vector<16xf32>,
        %get3A_564 = vector.shape_cast %get3A_563 : vector<16xf32> to vector<16xf32>
        %sub3A_565 = arith.subf %get3A_552, %get3A_564 : vector<16xf32>
        %mul3A_566 = arith.mulf %sub3A_565, %sub3A_565 : vector<16xf32>
        %add3A_567 = arith.addf %add3A_538, %mul3A_566 : vector<16xf32>
        %scan3A_568 = arith.constant 2 : i32
        %scan3A_569 = arith.addi %scan3A_512, %scan3A_568 : i32
        %mul3A_570 = arith.constant 16 : i32
        %mul3A_571 = arith.muli %scan3A_569, %mul3A_570 : i32
        %get3A_572 = arith.constant 0 : i32
        %get3A_573 = arith.constant 0 : i32
        %get3A_574 = tpu.memref_slice %arg5[%scan3A_147, %get3A_572, %get3A_573] : memref<2x32x512xf32, #tpu.memory_space<vmem>> -> memref<1x32x512xf32, #tpu.memory_space<vmem>>
        %get3A_575 = tpu.memref_squeeze %get3A_574 : memref<1x32x512xf32, #tpu.memory_space<vmem>> -> memref<32x512xf32, #tpu.memory_space<vmem>>
        %get3A_576 = arith.constant 0 : i32
        %get3A_577 = tpu.memref_slice %get3A_575[%scan3A_504, %get3A_576] : memref<32x512xf32, #tpu.memory_space<vmem>> -> memref<1x512xf32, #tpu.memory_space<vmem>>
        %get3A_578 = tpu.memref_squeeze %get3A_577 : memref<1x512xf32, #tpu.memory_space<vmem>> -> memref<512xf32, #tpu.memory_space<vmem>>
        %get3A_579 = arith.index_cast %mul3A_571 : i32 to index
        %get3A_580 = tpu.vector_load %get3A_578[%get3A_579] {strides = array<i32>} : memref<512xf32, #tpu.memory_space<vmem>>, vector<16xf32>,
        %get3A_581 = vector.shape_cast %get3A_580 : vector<16xf32> to vector<16xf32>
        %mul3A_582 = arith.constant 16 : i32
        %mul3A_583 = arith.muli %scan3A_569, %mul3A_582 : i32
        %get3A_584 = arith.constant 0 : i32
        %get3A_585 = arith.constant 0 : i32
        %get3A_586 = tpu.memref_slice %arg6[%scan3A_148, %get3A_584, %get3A_585] : memref<2x32x512xf32, #tpu.memory_space<vmem>> -> memref<1x32x512xf32, #tpu.memory_space<vmem>>
        %get3A_587 = tpu.memref_squeeze %get3A_586 : memref<1x32x512xf32, #tpu.memory_space<vmem>> -> memref<32x512xf32, #tpu.memory_space<vmem>>
        %get3A_588 = arith.constant 0 : i32
        %get3A_589 = tpu.memref_slice %get3A_587[%scan3A_504, %get3A_588] : memref<32x512xf32, #tpu.memory_space<vmem>> -> memref<1x512xf32, #tpu.memory_space<vmem>>
        %get3A_590 = tpu.memref_squeeze %get3A_589 : memref<1x512xf32, #tpu.memory_space<vmem>> -> memref<512xf32, #tpu.memory_space<vmem>>
        %get3A_591 = arith.index_cast %mul3A_583 : i32 to index
        %get3A_592 = tpu.vector_load %get3A_590[%get3A_591] {strides = array<i32>} : memref<512xf32, #tpu.memory_space<vmem>>, vector<16xf32>,
        %get3A_593 = vector.shape_cast %get3A_592 : vector<16xf32> to vector<16xf32>
        %sub3A_594 = arith.subf %get3A_581, %get3A_593 : vector<16xf32>
        %mul3A_595 = arith.mulf %sub3A_594, %sub3A_594 : vector<16xf32>
        %add3A_596 = arith.addf %add3A_567, %mul3A_595 : vector<16xf32>
        %scan3A_597 = arith.constant 3 : i32
        %scan3A_598 = arith.addi %scan3A_512, %scan3A_597 : i32
        %mul3A_599 = arith.constant 16 : i32
        %mul3A_600 = arith.muli %scan3A_598, %mul3A_599 : i32
        %get3A_601 = arith.constant 0 : i32
        %get3A_602 = arith.constant 0 : i32
        %get3A_603 = tpu.memref_slice %arg5[%scan3A_147, %get3A_601, %get3A_602] : memref<2x32x512xf32, #tpu.memory_space<vmem>> -> memref<1x32x512xf32, #tpu.memory_space<vmem>>
        %get3A_604 = tpu.memref_squeeze %get3A_603 : memref<1x32x512xf32, #tpu.memory_space<vmem>> -> memref<32x512xf32, #tpu.memory_space<vmem>>
        %get3A_605 = arith.constant 0 : i32
        %get3A_606 = tpu.memref_slice %get3A_604[%scan3A_504, %get3A_605] : memref<32x512xf32, #tpu.memory_space<vmem>> -> memref<1x512xf32, #tpu.memory_space<vmem>>
        %get3A_607 = tpu.memref_squeeze %get3A_606 : memref<1x512xf32, #tpu.memory_space<vmem>> -> memref<512xf32, #tpu.memory_space<vmem>>
        %get3A_608 = arith.index_cast %mul3A_600 : i32 to index
        %get3A_609 = tpu.vector_load %get3A_607[%get3A_608] {strides = array<i32>} : memref<512xf32, #tpu.memory_space<vmem>>, vector<16xf32>,
        %get3A_610 = vector.shape_cast %get3A_609 : vector<16xf32> to vector<16xf32>
        %mul3A_611 = arith.constant 16 : i32
        %mul3A_612 = arith.muli %scan3A_598, %mul3A_611 : i32
        %get3A_613 = arith.constant 0 : i32
        %get3A_614 = arith.constant 0 : i32
        %get3A_615 = tpu.memref_slice %arg6[%scan3A_148, %get3A_613, %get3A_614] : memref<2x32x512xf32, #tpu.memory_space<vmem>> -> memref<1x32x512xf32, #tpu.memory_space<vmem>>
        %get3A_616 = tpu.memref_squeeze %get3A_615 : memref<1x32x512xf32, #tpu.memory_space<vmem>> -> memref<32x512xf32, #tpu.memory_space<vmem>>
        %get3A_617 = arith.constant 0 : i32
        %get3A_618 = tpu.memref_slice %get3A_616[%scan3A_504, %get3A_617] : memref<32x512xf32, #tpu.memory_space<vmem>> -> memref<1x512xf32, #tpu.memory_space<vmem>>
        %get3A_619 = tpu.memref_squeeze %get3A_618 : memref<1x512xf32, #tpu.memory_space<vmem>> -> memref<512xf32, #tpu.memory_space<vmem>>
        %get3A_620 = arith.index_cast %mul3A_612 : i32 to index
        %get3A_621 = tpu.vector_load %get3A_619[%get3A_620] {strides = array<i32>} : memref<512xf32, #tpu.memory_space<vmem>>, vector<16xf32>,
        %get3A_622 = vector.shape_cast %get3A_621 : vector<16xf32> to vector<16xf32>
        %sub3A_623 = arith.subf %get3A_610, %get3A_622 : vector<16xf32>
        %mul3A_624 = arith.mulf %sub3A_623, %sub3A_623 : vector<16xf32>
        %add3A_625 = arith.addf %add3A_596, %mul3A_624 : vector<16xf32>
        %scan3A_626 = arith.constant 4 : i32
        %scan3A_627 = arith.addi %scan3A_512, %scan3A_626 : i32
        %mul3A_628 = arith.constant 16 : i32
        %mul3A_629 = arith.muli %scan3A_627, %mul3A_628 : i32
        %get3A_630 = arith.constant 0 : i32
        %get3A_631 = arith.constant 0 : i32
        %get3A_632 = tpu.memref_slice %arg5[%scan3A_147, %get3A_630, %get3A_631] : memref<2x32x512xf32, #tpu.memory_space<vmem>> -> memref<1x32x512xf32, #tpu.memory_space<vmem>>
        %get3A_633 = tpu.memref_squeeze %get3A_632 : memref<1x32x512xf32, #tpu.memory_space<vmem>> -> memref<32x512xf32, #tpu.memory_space<vmem>>
        %get3A_634 = arith.constant 0 : i32
        %get3A_635 = tpu.memref_slice %get3A_633[%scan3A_504, %get3A_634] : memref<32x512xf32, #tpu.memory_space<vmem>> -> memref<1x512xf32, #tpu.memory_space<vmem>>
        %get3A_636 = tpu.memref_squeeze %get3A_635 : memref<1x512xf32, #tpu.memory_space<vmem>> -> memref<512xf32, #tpu.memory_space<vmem>>
        %get3A_637 = arith.index_cast %mul3A_629 : i32 to index
        %get3A_638 = tpu.vector_load %get3A_636[%get3A_637] {strides = array<i32>} : memref<512xf32, #tpu.memory_space<vmem>>, vector<16xf32>,
        %get3A_639 = vector.shape_cast %get3A_638 : vector<16xf32> to vector<16xf32>
        %mul3A_640 = arith.constant 16 : i32
        %mul3A_641 = arith.muli %scan3A_627, %mul3A_640 : i32
        %get3A_642 = arith.constant 0 : i32
        %get3A_643 = arith.constant 0 : i32
        %get3A_644 = tpu.memref_slice %arg6[%scan3A_148, %get3A_642, %get3A_643] : memref<2x32x512xf32, #tpu.memory_space<vmem>> -> memref<1x32x512xf32, #tpu.memory_space<vmem>>
        %get3A_645 = tpu.memref_squeeze %get3A_644 : memref<1x32x512xf32, #tpu.memory_space<vmem>> -> memref<32x512xf32, #tpu.memory_space<vmem>>
        %get3A_646 = arith.constant 0 : i32
        %get3A_647 = tpu.memref_slice %get3A_645[%scan3A_504, %get3A_646] : memref<32x512xf32, #tpu.memory_space<vmem>> -> memref<1x512xf32, #tpu.memory_space<vmem>>
        %get3A_648 = tpu.memref_squeeze %get3A_647 : memref<1x512xf32, #tpu.memory_space<vmem>> -> memref<512xf32, #tpu.memory_space<vmem>>
        %get3A_649 = arith.index_cast %mul3A_641 : i32 to index
        %get3A_650 = tpu.vector_load %get3A_648[%get3A_649] {strides = array<i32>} : memref<512xf32, #tpu.memory_space<vmem>>, vector<16xf32>,
        %get3A_651 = vector.shape_cast %get3A_650 : vector<16xf32> to vector<16xf32>
        %sub3A_652 = arith.subf %get3A_639, %get3A_651 : vector<16xf32>
        %mul3A_653 = arith.mulf %sub3A_652, %sub3A_652 : vector<16xf32>
        %add3A_654 = arith.addf %add3A_625, %mul3A_653 : vector<16xf32>
        %scan3A_655 = arith.constant 5 : i32
        %scan3A_656 = arith.addi %scan3A_512, %scan3A_655 : i32
        %mul3A_657 = arith.constant 16 : i32
        %mul3A_658 = arith.muli %scan3A_656, %mul3A_657 : i32
        %get3A_659 = arith.constant 0 : i32
        %get3A_660 = arith.constant 0 : i32
        %get3A_661 = tpu.memref_slice %arg5[%scan3A_147, %get3A_659, %get3A_660] : memref<2x32x512xf32, #tpu.memory_space<vmem>> -> memref<1x32x512xf32, #tpu.memory_space<vmem>>
        %get3A_662 = tpu.memref_squeeze %get3A_661 : memref<1x32x512xf32, #tpu.memory_space<vmem>> -> memref<32x512xf32, #tpu.memory_space<vmem>>
        %get3A_663 = arith.constant 0 : i32
        %get3A_664 = tpu.memref_slice %get3A_662[%scan3A_504, %get3A_663] : memref<32x512xf32, #tpu.memory_space<vmem>> -> memref<1x512xf32, #tpu.memory_space<vmem>>
        %get3A_665 = tpu.memref_squeeze %get3A_664 : memref<1x512xf32, #tpu.memory_space<vmem>> -> memref<512xf32, #tpu.memory_space<vmem>>
        %get3A_666 = arith.index_cast %mul3A_658 : i32 to index
        %get3A_667 = tpu.vector_load %get3A_665[%get3A_666] {strides = array<i32>} : memref<512xf32, #tpu.memory_space<vmem>>, vector<16xf32>,
        %get3A_668 = vector.shape_cast %get3A_667 : vector<16xf32> to vector<16xf32>
        %mul3A_669 = arith.constant 16 : i32
        %mul3A_670 = arith.muli %scan3A_656, %mul3A_669 : i32
        %get3A_671 = arith.constant 0 : i32
        %get3A_672 = arith.constant 0 : i32
        %get3A_673 = tpu.memref_slice %arg6[%scan3A_148, %get3A_671, %get3A_672] : memref<2x32x512xf32, #tpu.memory_space<vmem>> -> memref<1x32x512xf32, #tpu.memory_space<vmem>>
        %get3A_674 = tpu.memref_squeeze %get3A_673 : memref<1x32x512xf32, #tpu.memory_space<vmem>> -> memref<32x512xf32, #tpu.memory_space<vmem>>
        %get3A_675 = arith.constant 0 : i32
        %get3A_676 = tpu.memref_slice %get3A_674[%scan3A_504, %get3A_675] : memref<32x512xf32, #tpu.memory_space<vmem>> -> memref<1x512xf32, #tpu.memory_space<vmem>>
        %get3A_677 = tpu.memref_squeeze %get3A_676 : memref<1x512xf32, #tpu.memory_space<vmem>> -> memref<512xf32, #tpu.memory_space<vmem>>
        %get3A_678 = arith.index_cast %mul3A_670 : i32 to index
        %get3A_679 = tpu.vector_load %get3A_677[%get3A_678] {strides = array<i32>} : memref<512xf32, #tpu.memory_space<vmem>>, vector<16xf32>,
        %get3A_680 = vector.shape_cast %get3A_679 : vector<16xf32> to vector<16xf32>
        %sub3A_681 = arith.subf %get3A_668, %get3A_680 : vector<16xf32>
        %mul3A_682 = arith.mulf %sub3A_681, %sub3A_681 : vector<16xf32>
        %add3A_683 = arith.addf %add3A_654, %mul3A_682 : vector<16xf32>
        %scan3A_684 = arith.constant 6 : i32
        %scan3A_685 = arith.addi %scan3A_512, %scan3A_684 : i32
        %mul3A_686 = arith.constant 16 : i32
        %mul3A_687 = arith.muli %scan3A_685, %mul3A_686 : i32
        %get3A_688 = arith.constant 0 : i32
        %get3A_689 = arith.constant 0 : i32
        %get3A_690 = tpu.memref_slice %arg5[%scan3A_147, %get3A_688, %get3A_689] : memref<2x32x512xf32, #tpu.memory_space<vmem>> -> memref<1x32x512xf32, #tpu.memory_space<vmem>>
        %get3A_691 = tpu.memref_squeeze %get3A_690 : memref<1x32x512xf32, #tpu.memory_space<vmem>> -> memref<32x512xf32, #tpu.memory_space<vmem>>
        %get3A_692 = arith.constant 0 : i32
        %get3A_693 = tpu.memref_slice %get3A_691[%scan3A_504, %get3A_692] : memref<32x512xf32, #tpu.memory_space<vmem>> -> memref<1x512xf32, #tpu.memory_space<vmem>>
        %get3A_694 = tpu.memref_squeeze %get3A_693 : memref<1x512xf32, #tpu.memory_space<vmem>> -> memref<512xf32, #tpu.memory_space<vmem>>
        %get3A_695 = arith.index_cast %mul3A_687 : i32 to index
        %get3A_696 = tpu.vector_load %get3A_694[%get3A_695] {strides = array<i32>} : memref<512xf32, #tpu.memory_space<vmem>>, vector<16xf32>,
        %get3A_697 = vector.shape_cast %get3A_696 : vector<16xf32> to vector<16xf32>
        %mul3A_698 = arith.constant 16 : i32
        %mul3A_699 = arith.muli %scan3A_685, %mul3A_698 : i32
        %get3A_700 = arith.constant 0 : i32
        %get3A_701 = arith.constant 0 : i32
        %get3A_702 = tpu.memref_slice %arg6[%scan3A_148, %get3A_700, %get3A_701] : memref<2x32x512xf32, #tpu.memory_space<vmem>> -> memref<1x32x512xf32, #tpu.memory_space<vmem>>
        %get3A_703 = tpu.memref_squeeze %get3A_702 : memref<1x32x512xf32, #tpu.memory_space<vmem>> -> memref<32x512xf32, #tpu.memory_space<vmem>>
        %get3A_704 = arith.constant 0 : i32
        %get3A_705 = tpu.memref_slice %get3A_703[%scan3A_504, %get3A_704] : memref<32x512xf32, #tpu.memory_space<vmem>> -> memref<1x512xf32, #tpu.memory_space<vmem>>
        %get3A_706 = tpu.memref_squeeze %get3A_705 : memref<1x512xf32, #tpu.memory_space<vmem>> -> memref<512xf32, #tpu.memory_space<vmem>>
        %get3A_707 = arith.index_cast %mul3A_699 : i32 to index
        %get3A_708 = tpu.vector_load %get3A_706[%get3A_707] {strides = array<i32>} : memref<512xf32, #tpu.memory_space<vmem>>, vector<16xf32>,
        %get3A_709 = vector.shape_cast %get3A_708 : vector<16xf32> to vector<16xf32>
        %sub3A_710 = arith.subf %get3A_697, %get3A_709 : vector<16xf32>
        %mul3A_711 = arith.mulf %sub3A_710, %sub3A_710 : vector<16xf32>
        %add3A_712 = arith.addf %add3A_683, %mul3A_711 : vector<16xf32>
        %scan3A_713 = arith.constant 7 : i32
        %scan3A_714 = arith.addi %scan3A_512, %scan3A_713 : i32
        %mul3A_715 = arith.constant 16 : i32
        %mul3A_716 = arith.muli %scan3A_714, %mul3A_715 : i32
        %get3A_717 = arith.constant 0 : i32
        %get3A_718 = arith.constant 0 : i32
        %get3A_719 = tpu.memref_slice %arg5[%scan3A_147, %get3A_717, %get3A_718] : memref<2x32x512xf32, #tpu.memory_space<vmem>> -> memref<1x32x512xf32, #tpu.memory_space<vmem>>
        %get3A_720 = tpu.memref_squeeze %get3A_719 : memref<1x32x512xf32, #tpu.memory_space<vmem>> -> memref<32x512xf32, #tpu.memory_space<vmem>>
        %get3A_721 = arith.constant 0 : i32
        %get3A_722 = tpu.memref_slice %get3A_720[%scan3A_504, %get3A_721] : memref<32x512xf32, #tpu.memory_space<vmem>> -> memref<1x512xf32, #tpu.memory_space<vmem>>
        %get3A_723 = tpu.memref_squeeze %get3A_722 : memref<1x512xf32, #tpu.memory_space<vmem>> -> memref<512xf32, #tpu.memory_space<vmem>>
        %get3A_724 = arith.index_cast %mul3A_716 : i32 to index
        %get3A_725 = tpu.vector_load %get3A_723[%get3A_724] {strides = array<i32>} : memref<512xf32, #tpu.memory_space<vmem>>, vector<16xf32>,
        %get3A_726 = vector.shape_cast %get3A_725 : vector<16xf32> to vector<16xf32>
        %mul3A_727 = arith.constant 16 : i32
        %mul3A_728 = arith.muli %scan3A_714, %mul3A_727 : i32
        %get3A_729 = arith.constant 0 : i32
        %get3A_730 = arith.constant 0 : i32
        %get3A_731 = tpu.memref_slice %arg6[%scan3A_148, %get3A_729, %get3A_730] : memref<2x32x512xf32, #tpu.memory_space<vmem>> -> memref<1x32x512xf32, #tpu.memory_space<vmem>>
        %get3A_732 = tpu.memref_squeeze %get3A_731 : memref<1x32x512xf32, #tpu.memory_space<vmem>> -> memref<32x512xf32, #tpu.memory_space<vmem>>
        %get3A_733 = arith.constant 0 : i32
        %get3A_734 = tpu.memref_slice %get3A_732[%scan3A_504, %get3A_733] : memref<32x512xf32, #tpu.memory_space<vmem>> -> memref<1x512xf32, #tpu.memory_space<vmem>>
        %get3A_735 = tpu.memref_squeeze %get3A_734 : memref<1x512xf32, #tpu.memory_space<vmem>> -> memref<512xf32, #tpu.memory_space<vmem>>
        %get3A_736 = arith.index_cast %mul3A_728 : i32 to index
        %get3A_737 = tpu.vector_load %get3A_735[%get3A_736] {strides = array<i32>} : memref<512xf32, #tpu.memory_space<vmem>>, vector<16xf32>,
        %get3A_738 = vector.shape_cast %get3A_737 : vector<16xf32> to vector<16xf32>
        %sub3A_739 = arith.subf %get3A_726, %get3A_738 : vector<16xf32>
        %mul3A_740 = arith.mulf %sub3A_739, %sub3A_739 : vector<16xf32>
        %add3A_741 = arith.addf %add3A_712, %mul3A_740 : vector<16xf32>
        scf.yield %add3A_741 : vector<16xf32>
      }
      %scan3A_511 = arith.constant 32 : i32
      scf.yield %scan3A_510 : vector<16xf32>
    }
    %scan3A_154 = arith.constant 32 : i32
    %add3A_155 = arith.constant 96 : i32
    %add3A_156 = arith.addi %add3A_4, %add3A_155 : i32
    %dma_start3A_157 = arith.constant 1 : i32
    %dma_start3A_158 = arith.constant 0 : i32
    %dma_start3A_159 = arith.constant 0 : i32
    %dma_start3A_160 = tpu.memref_slice %arg5[%dma_start3A_157, %dma_start3A_158, %dma_start3A_159] : memref<2x32x512xf32, #tpu.memory_space<vmem>> -> memref<1x32x512xf32, #tpu.memory_space<vmem>>
    %dma_start3A_161 = tpu.memref_squeeze %dma_start3A_160 : memref<1x32x512xf32, #tpu.memory_space<vmem>> -> memref<32x512xf32, #tpu.memory_space<vmem>>
    %dma_start3A_162 = arith.constant 0 : i32
    %dma_start3A_163 = tpu.memref_slice %arg2[%add3A_156, %dma_start3A_162] : memref<24576x512xf32, #tpu.memory_space<hbm>> -> memref<32x512xf32, #tpu.memory_space<hbm>>
    %dma_start3A_164 = arith.constant 0 : i32
    %dma_start3A_165 = arith.constant 0 : i32
    %dma_start3A_166 = tpu.memref_slice %arg5[%dma_start3A_157, %dma_start3A_164, %dma_start3A_165] : memref<2x32x512xf32, #tpu.memory_space<vmem>> -> memref<1x32x512xf32, #tpu.memory_space<vmem>>
    %dma_start3A_167 = tpu.memref_squeeze %dma_start3A_166 : memref<1x32x512xf32, #tpu.memory_space<vmem>> -> memref<32x512xf32, #tpu.memory_space<vmem>>
    %dma_start3A_168 = arith.constant 0 : i32
    %dma_start3A_169 = tpu.memref_slice %arg2[%add3A_156, %dma_start3A_168] : memref<24576x512xf32, #tpu.memory_space<hbm>> -> memref<32x512xf32, #tpu.memory_space<hbm>>
    tpu.enqueue_dma source(%dma_start3A_169 : memref<32x512xf32, #tpu.memory_space<hbm>>) target(%dma_start3A_167 : memref<32x512xf32, #tpu.memory_space<vmem>>) target_semaphore(%arg9 : memref<!tpu.dma_semaphore, #tpu.memory_space<semaphore_mem>>)
    %dma_start3A_170 = arith.constant 1 : i32
    %dma_start3A_171 = arith.constant 0 : i32
    %dma_start3A_172 = arith.constant 0 : i32
    %dma_start3A_173 = tpu.memref_slice %arg6[%dma_start3A_170, %dma_start3A_171, %dma_start3A_172] : memref<2x32x512xf32, #tpu.memory_space<vmem>> -> memref<1x32x512xf32, #tpu.memory_space<vmem>>
    %dma_start3A_174 = tpu.memref_squeeze %dma_start3A_173 : memref<1x32x512xf32, #tpu.memory_space<vmem>> -> memref<32x512xf32, #tpu.memory_space<vmem>>
    %dma_start3A_175 = arith.constant 0 : i32
    %dma_start3A_176 = tpu.memref_slice %arg3[%add3A_156, %dma_start3A_175] : memref<24576x512xf32, #tpu.memory_space<hbm>> -> memref<32x512xf32, #tpu.memory_space<hbm>>
    %dma_start3A_177 = arith.constant 0 : i32
    %dma_start3A_178 = arith.constant 0 : i32
    %dma_start3A_179 = tpu.memref_slice %arg6[%dma_start3A_170, %dma_start3A_177, %dma_start3A_178] : memref<2x32x512xf32, #tpu.memory_space<vmem>> -> memref<1x32x512xf32, #tpu.memory_space<vmem>>
    %dma_start3A_180 = tpu.memref_squeeze %dma_start3A_179 : memref<1x32x512xf32, #tpu.memory_space<vmem>> -> memref<32x512xf32, #tpu.memory_space<vmem>>
    %dma_start3A_181 = arith.constant 0 : i32
    %dma_start3A_182 = tpu.memref_slice %arg3[%add3A_156, %dma_start3A_181] : memref<24576x512xf32, #tpu.memory_space<hbm>> -> memref<32x512xf32, #tpu.memory_space<hbm>>
    tpu.enqueue_dma source(%dma_start3A_182 : memref<32x512xf32, #tpu.memory_space<hbm>>) target(%dma_start3A_180 : memref<32x512xf32, #tpu.memory_space<vmem>>) target_semaphore(%arg11 : memref<!tpu.dma_semaphore, #tpu.memory_space<semaphore_mem>>)
    %dma_wait3A_183 = arith.constant 0 : i32
    %dma_wait3A_184 = arith.constant 0 : i32
    %dma_wait3A_185 = arith.constant 0 : i32
    %dma_wait3A_186 = tpu.memref_slice %arg5[%dma_wait3A_183, %dma_wait3A_184, %dma_wait3A_185] : memref<2x32x512xf32, #tpu.memory_space<vmem>> -> memref<1x32x512xf32, #tpu.memory_space<vmem>>
    %dma_wait3A_187 = tpu.memref_squeeze %dma_wait3A_186 : memref<1x32x512xf32, #tpu.memory_space<vmem>> -> memref<32x512xf32, #tpu.memory_space<vmem>>
    %dma_wait3A_188 = arith.constant 0 : i32
    %dma_wait3A_189 = tpu.memref_slice %arg2[%add3A_94, %dma_wait3A_188] : memref<24576x512xf32, #tpu.memory_space<hbm>> -> memref<32x512xf32, #tpu.memory_space<hbm>>
    %dma_wait3A_190 = arith.constant 0 : i32
    %dma_wait3A_191 = arith.constant 0 : i32
    %dma_wait3A_192 = tpu.memref_slice %arg5[%dma_wait3A_183, %dma_wait3A_190, %dma_wait3A_191] : memref<2x32x512xf32, #tpu.memory_space<vmem>> -> memref<1x32x512xf32, #tpu.memory_space<vmem>>
    %dma_wait3A_193 = tpu.memref_squeeze %dma_wait3A_192 : memref<1x32x512xf32, #tpu.memory_space<vmem>> -> memref<32x512xf32, #tpu.memory_space<vmem>>
    %dma_wait3A_194 = arith.constant 0 : i32
    %dma_wait3A_195 = tpu.memref_slice %arg2[%add3A_94, %dma_wait3A_194] : memref<24576x512xf32, #tpu.memory_space<hbm>> -> memref<32x512xf32, #tpu.memory_space<hbm>>
    tpu.wait_dma2 semaphore(%arg8 : memref<!tpu.dma_semaphore, #tpu.memory_space<semaphore_mem>>) src(%dma_wait3A_195 : memref<32x512xf32, #tpu.memory_space<hbm>>) dst(%dma_wait3A_193 : memref<32x512xf32, #tpu.memory_space<vmem>>)
    %dma_wait3A_196 = arith.constant 0 : i32
    %dma_wait3A_197 = arith.constant 0 : i32
    %dma_wait3A_198 = arith.constant 0 : i32
    %dma_wait3A_199 = tpu.memref_slice %arg6[%dma_wait3A_196, %dma_wait3A_197, %dma_wait3A_198] : memref<2x32x512xf32, #tpu.memory_space<vmem>> -> memref<1x32x512xf32, #tpu.memory_space<vmem>>
    %dma_wait3A_200 = tpu.memref_squeeze %dma_wait3A_199 : memref<1x32x512xf32, #tpu.memory_space<vmem>> -> memref<32x512xf32, #tpu.memory_space<vmem>>
    %dma_wait3A_201 = arith.constant 0 : i32
    %dma_wait3A_202 = tpu.memref_slice %arg3[%add3A_94, %dma_wait3A_201] : memref<24576x512xf32, #tpu.memory_space<hbm>> -> memref<32x512xf32, #tpu.memory_space<hbm>>
    %dma_wait3A_203 = arith.constant 0 : i32
    %dma_wait3A_204 = arith.constant 0 : i32
    %dma_wait3A_205 = tpu.memref_slice %arg6[%dma_wait3A_196, %dma_wait3A_203, %dma_wait3A_204] : memref<2x32x512xf32, #tpu.memory_space<vmem>> -> memref<1x32x512xf32, #tpu.memory_space<vmem>>
    %dma_wait3A_206 = tpu.memref_squeeze %dma_wait3A_205 : memref<1x32x512xf32, #tpu.memory_space<vmem>> -> memref<32x512xf32, #tpu.memory_space<vmem>>
    %dma_wait3A_207 = arith.constant 0 : i32
    %dma_wait3A_208 = tpu.memref_slice %arg3[%add3A_94, %dma_wait3A_207] : memref<24576x512xf32, #tpu.memory_space<hbm>> -> memref<32x512xf32, #tpu.memory_space<hbm>>
    tpu.wait_dma2 semaphore(%arg10 : memref<!tpu.dma_semaphore, #tpu.memory_space<semaphore_mem>>) src(%dma_wait3A_208 : memref<32x512xf32, #tpu.memory_space<hbm>>) dst(%dma_wait3A_206 : memref<32x512xf32, #tpu.memory_space<vmem>>)
    %scan3A_209 = arith.constant 0 : i32
    %scan3A_210 = arith.constant 0 : i32
    %scan3A_211 = arith.constant 0 : i32
    %scan3A_212 = arith.constant 32 : i32
    %scan3A_213 = arith.addi %scan3A_211, %scan3A_212 : i32
    %scan3A_214 = arith.constant 1 : i32
    %scan3A_215 = scf.for %scan3A_504 = %scan3A_211 to %scan3A_213 step %scan3A_214 iter_args(%scan3A_505 = %scan3A_153) -> (vector<16xf32>)  : i32 {
      %scan3A_506 = arith.constant 0 : i32
      %scan3A_507 = arith.constant 32 : i32
      %scan3A_508 = arith.addi %scan3A_506, %scan3A_507 : i32
      %scan3A_509 = arith.constant 8 : i32
      %scan3A_510 = scf.for %scan3A_512 = %scan3A_506 to %scan3A_508 step %scan3A_509 iter_args(%scan3A_513 = %scan3A_505) -> (vector<16xf32>)  : i32 {
        %mul3A_514 = arith.constant 16 : i32
        %mul3A_515 = arith.muli %scan3A_512, %mul3A_514 : i32
        %get3A = arith.constant 0 : i32
        %get3A_516 = arith.constant 0 : i32
        %get3A_517 = tpu.memref_slice %arg5[%scan3A_209, %get3A, %get3A_516] : memref<2x32x512xf32, #tpu.memory_space<vmem>> -> memref<1x32x512xf32, #tpu.memory_space<vmem>>
        %get3A_518 = tpu.memref_squeeze %get3A_517 : memref<1x32x512xf32, #tpu.memory_space<vmem>> -> memref<32x512xf32, #tpu.memory_space<vmem>>
        %get3A_519 = arith.constant 0 : i32
        %get3A_520 = tpu.memref_slice %get3A_518[%scan3A_504, %get3A_519] : memref<32x512xf32, #tpu.memory_space<vmem>> -> memref<1x512xf32, #tpu.memory_space<vmem>>
        %get3A_521 = tpu.memref_squeeze %get3A_520 : memref<1x512xf32, #tpu.memory_space<vmem>> -> memref<512xf32, #tpu.memory_space<vmem>>
        %get3A_522 = arith.index_cast %mul3A_515 : i32 to index
        %get3A_523 = tpu.vector_load %get3A_521[%get3A_522] {strides = array<i32>} : memref<512xf32, #tpu.memory_space<vmem>>, vector<16xf32>,
        %get3A_524 = vector.shape_cast %get3A_523 : vector<16xf32> to vector<16xf32>
        %mul3A_525 = arith.constant 16 : i32
        %mul3A_526 = arith.muli %scan3A_512, %mul3A_525 : i32
        %get3A_527 = arith.constant 0 : i32
        %get3A_528 = arith.constant 0 : i32
        %get3A_529 = tpu.memref_slice %arg6[%scan3A_210, %get3A_527, %get3A_528] : memref<2x32x512xf32, #tpu.memory_space<vmem>> -> memref<1x32x512xf32, #tpu.memory_space<vmem>>
        %get3A_530 = tpu.memref_squeeze %get3A_529 : memref<1x32x512xf32, #tpu.memory_space<vmem>> -> memref<32x512xf32, #tpu.memory_space<vmem>>
        %get3A_531 = arith.constant 0 : i32
        %get3A_532 = tpu.memref_slice %get3A_530[%scan3A_504, %get3A_531] : memref<32x512xf32, #tpu.memory_space<vmem>> -> memref<1x512xf32, #tpu.memory_space<vmem>>
        %get3A_533 = tpu.memref_squeeze %get3A_532 : memref<1x512xf32, #tpu.memory_space<vmem>> -> memref<512xf32, #tpu.memory_space<vmem>>
        %get3A_534 = arith.index_cast %mul3A_526 : i32 to index
        %get3A_535 = tpu.vector_load %get3A_533[%get3A_534] {strides = array<i32>} : memref<512xf32, #tpu.memory_space<vmem>>, vector<16xf32>,
        %get3A_536 = vector.shape_cast %get3A_535 : vector<16xf32> to vector<16xf32>
        %sub3A = arith.subf %get3A_524, %get3A_536 : vector<16xf32>
        %mul3A_537 = arith.mulf %sub3A, %sub3A : vector<16xf32>
        %add3A_538 = arith.addf %scan3A_513, %mul3A_537 : vector<16xf32>
        %scan3A_539 = arith.constant 1 : i32
        %scan3A_540 = arith.addi %scan3A_512, %scan3A_539 : i32
        %mul3A_541 = arith.constant 16 : i32
        %mul3A_542 = arith.muli %scan3A_540, %mul3A_541 : i32
        %get3A_543 = arith.constant 0 : i32
        %get3A_544 = arith.constant 0 : i32
        %get3A_545 = tpu.memref_slice %arg5[%scan3A_209, %get3A_543, %get3A_544] : memref<2x32x512xf32, #tpu.memory_space<vmem>> -> memref<1x32x512xf32, #tpu.memory_space<vmem>>
        %get3A_546 = tpu.memref_squeeze %get3A_545 : memref<1x32x512xf32, #tpu.memory_space<vmem>> -> memref<32x512xf32, #tpu.memory_space<vmem>>
        %get3A_547 = arith.constant 0 : i32
        %get3A_548 = tpu.memref_slice %get3A_546[%scan3A_504, %get3A_547] : memref<32x512xf32, #tpu.memory_space<vmem>> -> memref<1x512xf32, #tpu.memory_space<vmem>>
        %get3A_549 = tpu.memref_squeeze %get3A_548 : memref<1x512xf32, #tpu.memory_space<vmem>> -> memref<512xf32, #tpu.memory_space<vmem>>
        %get3A_550 = arith.index_cast %mul3A_542 : i32 to index
        %get3A_551 = tpu.vector_load %get3A_549[%get3A_550] {strides = array<i32>} : memref<512xf32, #tpu.memory_space<vmem>>, vector<16xf32>,
        %get3A_552 = vector.shape_cast %get3A_551 : vector<16xf32> to vector<16xf32>
        %mul3A_553 = arith.constant 16 : i32
        %mul3A_554 = arith.muli %scan3A_540, %mul3A_553 : i32
        %get3A_555 = arith.constant 0 : i32
        %get3A_556 = arith.constant 0 : i32
        %get3A_557 = tpu.memref_slice %arg6[%scan3A_210, %get3A_555, %get3A_556] : memref<2x32x512xf32, #tpu.memory_space<vmem>> -> memref<1x32x512xf32, #tpu.memory_space<vmem>>
        %get3A_558 = tpu.memref_squeeze %get3A_557 : memref<1x32x512xf32, #tpu.memory_space<vmem>> -> memref<32x512xf32, #tpu.memory_space<vmem>>
        %get3A_559 = arith.constant 0 : i32
        %get3A_560 = tpu.memref_slice %get3A_558[%scan3A_504, %get3A_559] : memref<32x512xf32, #tpu.memory_space<vmem>> -> memref<1x512xf32, #tpu.memory_space<vmem>>
        %get3A_561 = tpu.memref_squeeze %get3A_560 : memref<1x512xf32, #tpu.memory_space<vmem>> -> memref<512xf32, #tpu.memory_space<vmem>>
        %get3A_562 = arith.index_cast %mul3A_554 : i32 to index
        %get3A_563 = tpu.vector_load %get3A_561[%get3A_562] {strides = array<i32>} : memref<512xf32, #tpu.memory_space<vmem>>, vector<16xf32>,
        %get3A_564 = vector.shape_cast %get3A_563 : vector<16xf32> to vector<16xf32>
        %sub3A_565 = arith.subf %get3A_552, %get3A_564 : vector<16xf32>
        %mul3A_566 = arith.mulf %sub3A_565, %sub3A_565 : vector<16xf32>
        %add3A_567 = arith.addf %add3A_538, %mul3A_566 : vector<16xf32>
        %scan3A_568 = arith.constant 2 : i32
        %scan3A_569 = arith.addi %scan3A_512, %scan3A_568 : i32
        %mul3A_570 = arith.constant 16 : i32
        %mul3A_571 = arith.muli %scan3A_569, %mul3A_570 : i32
        %get3A_572 = arith.constant 0 : i32
        %get3A_573 = arith.constant 0 : i32
        %get3A_574 = tpu.memref_slice %arg5[%scan3A_209, %get3A_572, %get3A_573] : memref<2x32x512xf32, #tpu.memory_space<vmem>> -> memref<1x32x512xf32, #tpu.memory_space<vmem>>
        %get3A_575 = tpu.memref_squeeze %get3A_574 : memref<1x32x512xf32, #tpu.memory_space<vmem>> -> memref<32x512xf32, #tpu.memory_space<vmem>>
        %get3A_576 = arith.constant 0 : i32
        %get3A_577 = tpu.memref_slice %get3A_575[%scan3A_504, %get3A_576] : memref<32x512xf32, #tpu.memory_space<vmem>> -> memref<1x512xf32, #tpu.memory_space<vmem>>
        %get3A_578 = tpu.memref_squeeze %get3A_577 : memref<1x512xf32, #tpu.memory_space<vmem>> -> memref<512xf32, #tpu.memory_space<vmem>>
        %get3A_579 = arith.index_cast %mul3A_571 : i32 to index
        %get3A_580 = tpu.vector_load %get3A_578[%get3A_579] {strides = array<i32>} : memref<512xf32, #tpu.memory_space<vmem>>, vector<16xf32>,
        %get3A_581 = vector.shape_cast %get3A_580 : vector<16xf32> to vector<16xf32>
        %mul3A_582 = arith.constant 16 : i32
        %mul3A_583 = arith.muli %scan3A_569, %mul3A_582 : i32
        %get3A_584 = arith.constant 0 : i32
        %get3A_585 = arith.constant 0 : i32
        %get3A_586 = tpu.memref_slice %arg6[%scan3A_210, %get3A_584, %get3A_585] : memref<2x32x512xf32, #tpu.memory_space<vmem>> -> memref<1x32x512xf32, #tpu.memory_space<vmem>>
        %get3A_587 = tpu.memref_squeeze %get3A_586 : memref<1x32x512xf32, #tpu.memory_space<vmem>> -> memref<32x512xf32, #tpu.memory_space<vmem>>
        %get3A_588 = arith.constant 0 : i32
        %get3A_589 = tpu.memref_slice %get3A_587[%scan3A_504, %get3A_588] : memref<32x512xf32, #tpu.memory_space<vmem>> -> memref<1x512xf32, #tpu.memory_space<vmem>>
        %get3A_590 = tpu.memref_squeeze %get3A_589 : memref<1x512xf32, #tpu.memory_space<vmem>> -> memref<512xf32, #tpu.memory_space<vmem>>
        %get3A_591 = arith.index_cast %mul3A_583 : i32 to index
        %get3A_592 = tpu.vector_load %get3A_590[%get3A_591] {strides = array<i32>} : memref<512xf32, #tpu.memory_space<vmem>>, vector<16xf32>,
        %get3A_593 = vector.shape_cast %get3A_592 : vector<16xf32> to vector<16xf32>
        %sub3A_594 = arith.subf %get3A_581, %get3A_593 : vector<16xf32>
        %mul3A_595 = arith.mulf %sub3A_594, %sub3A_594 : vector<16xf32>
        %add3A_596 = arith.addf %add3A_567, %mul3A_595 : vector<16xf32>
        %scan3A_597 = arith.constant 3 : i32
        %scan3A_598 = arith.addi %scan3A_512, %scan3A_597 : i32
        %mul3A_599 = arith.constant 16 : i32
        %mul3A_600 = arith.muli %scan3A_598, %mul3A_599 : i32
        %get3A_601 = arith.constant 0 : i32
        %get3A_602 = arith.constant 0 : i32
        %get3A_603 = tpu.memref_slice %arg5[%scan3A_209, %get3A_601, %get3A_602] : memref<2x32x512xf32, #tpu.memory_space<vmem>> -> memref<1x32x512xf32, #tpu.memory_space<vmem>>
        %get3A_604 = tpu.memref_squeeze %get3A_603 : memref<1x32x512xf32, #tpu.memory_space<vmem>> -> memref<32x512xf32, #tpu.memory_space<vmem>>
        %get3A_605 = arith.constant 0 : i32
        %get3A_606 = tpu.memref_slice %get3A_604[%scan3A_504, %get3A_605] : memref<32x512xf32, #tpu.memory_space<vmem>> -> memref<1x512xf32, #tpu.memory_space<vmem>>
        %get3A_607 = tpu.memref_squeeze %get3A_606 : memref<1x512xf32, #tpu.memory_space<vmem>> -> memref<512xf32, #tpu.memory_space<vmem>>
        %get3A_608 = arith.index_cast %mul3A_600 : i32 to index
        %get3A_609 = tpu.vector_load %get3A_607[%get3A_608] {strides = array<i32>} : memref<512xf32, #tpu.memory_space<vmem>>, vector<16xf32>,
        %get3A_610 = vector.shape_cast %get3A_609 : vector<16xf32> to vector<16xf32>
        %mul3A_611 = arith.constant 16 : i32
        %mul3A_612 = arith.muli %scan3A_598, %mul3A_611 : i32
        %get3A_613 = arith.constant 0 : i32
        %get3A_614 = arith.constant 0 : i32
        %get3A_615 = tpu.memref_slice %arg6[%scan3A_210, %get3A_613, %get3A_614] : memref<2x32x512xf32, #tpu.memory_space<vmem>> -> memref<1x32x512xf32, #tpu.memory_space<vmem>>
        %get3A_616 = tpu.memref_squeeze %get3A_615 : memref<1x32x512xf32, #tpu.memory_space<vmem>> -> memref<32x512xf32, #tpu.memory_space<vmem>>
        %get3A_617 = arith.constant 0 : i32
        %get3A_618 = tpu.memref_slice %get3A_616[%scan3A_504, %get3A_617] : memref<32x512xf32, #tpu.memory_space<vmem>> -> memref<1x512xf32, #tpu.memory_space<vmem>>
        %get3A_619 = tpu.memref_squeeze %get3A_618 : memref<1x512xf32, #tpu.memory_space<vmem>> -> memref<512xf32, #tpu.memory_space<vmem>>
        %get3A_620 = arith.index_cast %mul3A_612 : i32 to index
        %get3A_621 = tpu.vector_load %get3A_619[%get3A_620] {strides = array<i32>} : memref<512xf32, #tpu.memory_space<vmem>>, vector<16xf32>,
        %get3A_622 = vector.shape_cast %get3A_621 : vector<16xf32> to vector<16xf32>
        %sub3A_623 = arith.subf %get3A_610, %get3A_622 : vector<16xf32>
        %mul3A_624 = arith.mulf %sub3A_623, %sub3A_623 : vector<16xf32>
        %add3A_625 = arith.addf %add3A_596, %mul3A_624 : vector<16xf32>
        %scan3A_626 = arith.constant 4 : i32
        %scan3A_627 = arith.addi %scan3A_512, %scan3A_626 : i32
        %mul3A_628 = arith.constant 16 : i32
        %mul3A_629 = arith.muli %scan3A_627, %mul3A_628 : i32
        %get3A_630 = arith.constant 0 : i32
        %get3A_631 = arith.constant 0 : i32
        %get3A_632 = tpu.memref_slice %arg5[%scan3A_209, %get3A_630, %get3A_631] : memref<2x32x512xf32, #tpu.memory_space<vmem>> -> memref<1x32x512xf32, #tpu.memory_space<vmem>>
        %get3A_633 = tpu.memref_squeeze %get3A_632 : memref<1x32x512xf32, #tpu.memory_space<vmem>> -> memref<32x512xf32, #tpu.memory_space<vmem>>
        %get3A_634 = arith.constant 0 : i32
        %get3A_635 = tpu.memref_slice %get3A_633[%scan3A_504, %get3A_634] : memref<32x512xf32, #tpu.memory_space<vmem>> -> memref<1x512xf32, #tpu.memory_space<vmem>>
        %get3A_636 = tpu.memref_squeeze %get3A_635 : memref<1x512xf32, #tpu.memory_space<vmem>> -> memref<512xf32, #tpu.memory_space<vmem>>
        %get3A_637 = arith.index_cast %mul3A_629 : i32 to index
        %get3A_638 = tpu.vector_load %get3A_636[%get3A_637] {strides = array<i32>} : memref<512xf32, #tpu.memory_space<vmem>>, vector<16xf32>,
        %get3A_639 = vector.shape_cast %get3A_638 : vector<16xf32> to vector<16xf32>
        %mul3A_640 = arith.constant 16 : i32
        %mul3A_641 = arith.muli %scan3A_627, %mul3A_640 : i32
        %get3A_642 = arith.constant 0 : i32
        %get3A_643 = arith.constant 0 : i32
        %get3A_644 = tpu.memref_slice %arg6[%scan3A_210, %get3A_642, %get3A_643] : memref<2x32x512xf32, #tpu.memory_space<vmem>> -> memref<1x32x512xf32, #tpu.memory_space<vmem>>
        %get3A_645 = tpu.memref_squeeze %get3A_644 : memref<1x32x512xf32, #tpu.memory_space<vmem>> -> memref<32x512xf32, #tpu.memory_space<vmem>>
        %get3A_646 = arith.constant 0 : i32
        %get3A_647 = tpu.memref_slice %get3A_645[%scan3A_504, %get3A_646] : memref<32x512xf32, #tpu.memory_space<vmem>> -> memref<1x512xf32, #tpu.memory_space<vmem>>
        %get3A_648 = tpu.memref_squeeze %get3A_647 : memref<1x512xf32, #tpu.memory_space<vmem>> -> memref<512xf32, #tpu.memory_space<vmem>>
        %get3A_649 = arith.index_cast %mul3A_641 : i32 to index
        %get3A_650 = tpu.vector_load %get3A_648[%get3A_649] {strides = array<i32>} : memref<512xf32, #tpu.memory_space<vmem>>, vector<16xf32>,
        %get3A_651 = vector.shape_cast %get3A_650 : vector<16xf32> to vector<16xf32>
        %sub3A_652 = arith.subf %get3A_639, %get3A_651 : vector<16xf32>
        %mul3A_653 = arith.mulf %sub3A_652, %sub3A_652 : vector<16xf32>
        %add3A_654 = arith.addf %add3A_625, %mul3A_653 : vector<16xf32>
        %scan3A_655 = arith.constant 5 : i32
        %scan3A_656 = arith.addi %scan3A_512, %scan3A_655 : i32
        %mul3A_657 = arith.constant 16 : i32
        %mul3A_658 = arith.muli %scan3A_656, %mul3A_657 : i32
        %get3A_659 = arith.constant 0 : i32
        %get3A_660 = arith.constant 0 : i32
        %get3A_661 = tpu.memref_slice %arg5[%scan3A_209, %get3A_659, %get3A_660] : memref<2x32x512xf32, #tpu.memory_space<vmem>> -> memref<1x32x512xf32, #tpu.memory_space<vmem>>
        %get3A_662 = tpu.memref_squeeze %get3A_661 : memref<1x32x512xf32, #tpu.memory_space<vmem>> -> memref<32x512xf32, #tpu.memory_space<vmem>>
        %get3A_663 = arith.constant 0 : i32
        %get3A_664 = tpu.memref_slice %get3A_662[%scan3A_504, %get3A_663] : memref<32x512xf32, #tpu.memory_space<vmem>> -> memref<1x512xf32, #tpu.memory_space<vmem>>
        %get3A_665 = tpu.memref_squeeze %get3A_664 : memref<1x512xf32, #tpu.memory_space<vmem>> -> memref<512xf32, #tpu.memory_space<vmem>>
        %get3A_666 = arith.index_cast %mul3A_658 : i32 to index
        %get3A_667 = tpu.vector_load %get3A_665[%get3A_666] {strides = array<i32>} : memref<512xf32, #tpu.memory_space<vmem>>, vector<16xf32>,
        %get3A_668 = vector.shape_cast %get3A_667 : vector<16xf32> to vector<16xf32>
        %mul3A_669 = arith.constant 16 : i32
        %mul3A_670 = arith.muli %scan3A_656, %mul3A_669 : i32
        %get3A_671 = arith.constant 0 : i32
        %get3A_672 = arith.constant 0 : i32
        %get3A_673 = tpu.memref_slice %arg6[%scan3A_210, %get3A_671, %get3A_672] : memref<2x32x512xf32, #tpu.memory_space<vmem>> -> memref<1x32x512xf32, #tpu.memory_space<vmem>>
        %get3A_674 = tpu.memref_squeeze %get3A_673 : memref<1x32x512xf32, #tpu.memory_space<vmem>> -> memref<32x512xf32, #tpu.memory_space<vmem>>
        %get3A_675 = arith.constant 0 : i32
        %get3A_676 = tpu.memref_slice %get3A_674[%scan3A_504, %get3A_675] : memref<32x512xf32, #tpu.memory_space<vmem>> -> memref<1x512xf32, #tpu.memory_space<vmem>>
        %get3A_677 = tpu.memref_squeeze %get3A_676 : memref<1x512xf32, #tpu.memory_space<vmem>> -> memref<512xf32, #tpu.memory_space<vmem>>
        %get3A_678 = arith.index_cast %mul3A_670 : i32 to index
        %get3A_679 = tpu.vector_load %get3A_677[%get3A_678] {strides = array<i32>} : memref<512xf32, #tpu.memory_space<vmem>>, vector<16xf32>,
        %get3A_680 = vector.shape_cast %get3A_679 : vector<16xf32> to vector<16xf32>
        %sub3A_681 = arith.subf %get3A_668, %get3A_680 : vector<16xf32>
        %mul3A_682 = arith.mulf %sub3A_681, %sub3A_681 : vector<16xf32>
        %add3A_683 = arith.addf %add3A_654, %mul3A_682 : vector<16xf32>
        %scan3A_684 = arith.constant 6 : i32
        %scan3A_685 = arith.addi %scan3A_512, %scan3A_684 : i32
        %mul3A_686 = arith.constant 16 : i32
        %mul3A_687 = arith.muli %scan3A_685, %mul3A_686 : i32
        %get3A_688 = arith.constant 0 : i32
        %get3A_689 = arith.constant 0 : i32
        %get3A_690 = tpu.memref_slice %arg5[%scan3A_209, %get3A_688, %get3A_689] : memref<2x32x512xf32, #tpu.memory_space<vmem>> -> memref<1x32x512xf32, #tpu.memory_space<vmem>>
        %get3A_691 = tpu.memref_squeeze %get3A_690 : memref<1x32x512xf32, #tpu.memory_space<vmem>> -> memref<32x512xf32, #tpu.memory_space<vmem>>
        %get3A_692 = arith.constant 0 : i32
        %get3A_693 = tpu.memref_slice %get3A_691[%scan3A_504, %get3A_692] : memref<32x512xf32, #tpu.memory_space<vmem>> -> memref<1x512xf32, #tpu.memory_space<vmem>>
        %get3A_694 = tpu.memref_squeeze %get3A_693 : memref<1x512xf32, #tpu.memory_space<vmem>> -> memref<512xf32, #tpu.memory_space<vmem>>
        %get3A_695 = arith.index_cast %mul3A_687 : i32 to index
        %get3A_696 = tpu.vector_load %get3A_694[%get3A_695] {strides = array<i32>} : memref<512xf32, #tpu.memory_space<vmem>>, vector<16xf32>,
        %get3A_697 = vector.shape_cast %get3A_696 : vector<16xf32> to vector<16xf32>
        %mul3A_698 = arith.constant 16 : i32
        %mul3A_699 = arith.muli %scan3A_685, %mul3A_698 : i32
        %get3A_700 = arith.constant 0 : i32
        %get3A_701 = arith.constant 0 : i32
        %get3A_702 = tpu.memref_slice %arg6[%scan3A_210, %get3A_700, %get3A_701] : memref<2x32x512xf32, #tpu.memory_space<vmem>> -> memref<1x32x512xf32, #tpu.memory_space<vmem>>
        %get3A_703 = tpu.memref_squeeze %get3A_702 : memref<1x32x512xf32, #tpu.memory_space<vmem>> -> memref<32x512xf32, #tpu.memory_space<vmem>>
        %get3A_704 = arith.constant 0 : i32
        %get3A_705 = tpu.memref_slice %get3A_703[%scan3A_504, %get3A_704] : memref<32x512xf32, #tpu.memory_space<vmem>> -> memref<1x512xf32, #tpu.memory_space<vmem>>
        %get3A_706 = tpu.memref_squeeze %get3A_705 : memref<1x512xf32, #tpu.memory_space<vmem>> -> memref<512xf32, #tpu.memory_space<vmem>>
        %get3A_707 = arith.index_cast %mul3A_699 : i32 to index
        %get3A_708 = tpu.vector_load %get3A_706[%get3A_707] {strides = array<i32>} : memref<512xf32, #tpu.memory_space<vmem>>, vector<16xf32>,
        %get3A_709 = vector.shape_cast %get3A_708 : vector<16xf32> to vector<16xf32>
        %sub3A_710 = arith.subf %get3A_697, %get3A_709 : vector<16xf32>
        %mul3A_711 = arith.mulf %sub3A_710, %sub3A_710 : vector<16xf32>
        %add3A_712 = arith.addf %add3A_683, %mul3A_711 : vector<16xf32>
        %scan3A_713 = arith.constant 7 : i32
        %scan3A_714 = arith.addi %scan3A_512, %scan3A_713 : i32
        %mul3A_715 = arith.constant 16 : i32
        %mul3A_716 = arith.muli %scan3A_714, %mul3A_715 : i32
        %get3A_717 = arith.constant 0 : i32
        %get3A_718 = arith.constant 0 : i32
        %get3A_719 = tpu.memref_slice %arg5[%scan3A_209, %get3A_717, %get3A_718] : memref<2x32x512xf32, #tpu.memory_space<vmem>> -> memref<1x32x512xf32, #tpu.memory_space<vmem>>
        %get3A_720 = tpu.memref_squeeze %get3A_719 : memref<1x32x512xf32, #tpu.memory_space<vmem>> -> memref<32x512xf32, #tpu.memory_space<vmem>>
        %get3A_721 = arith.constant 0 : i32
        %get3A_722 = tpu.memref_slice %get3A_720[%scan3A_504, %get3A_721] : memref<32x512xf32, #tpu.memory_space<vmem>> -> memref<1x512xf32, #tpu.memory_space<vmem>>
        %get3A_723 = tpu.memref_squeeze %get3A_722 : memref<1x512xf32, #tpu.memory_space<vmem>> -> memref<512xf32, #tpu.memory_space<vmem>>
        %get3A_724 = arith.index_cast %mul3A_716 : i32 to index
        %get3A_725 = tpu.vector_load %get3A_723[%get3A_724] {strides = array<i32>} : memref<512xf32, #tpu.memory_space<vmem>>, vector<16xf32>,
        %get3A_726 = vector.shape_cast %get3A_725 : vector<16xf32> to vector<16xf32>
        %mul3A_727 = arith.constant 16 : i32
        %mul3A_728 = arith.muli %scan3A_714, %mul3A_727 : i32
        %get3A_729 = arith.constant 0 : i32
        %get3A_730 = arith.constant 0 : i32
        %get3A_731 = tpu.memref_slice %arg6[%scan3A_210, %get3A_729, %get3A_730] : memref<2x32x512xf32, #tpu.memory_space<vmem>> -> memref<1x32x512xf32, #tpu.memory_space<vmem>>
        %get3A_732 = tpu.memref_squeeze %get3A_731 : memref<1x32x512xf32, #tpu.memory_space<vmem>> -> memref<32x512xf32, #tpu.memory_space<vmem>>
        %get3A_733 = arith.constant 0 : i32
        %get3A_734 = tpu.memref_slice %get3A_732[%scan3A_504, %get3A_733] : memref<32x512xf32, #tpu.memory_space<vmem>> -> memref<1x512xf32, #tpu.memory_space<vmem>>
        %get3A_735 = tpu.memref_squeeze %get3A_734 : memref<1x512xf32, #tpu.memory_space<vmem>> -> memref<512xf32, #tpu.memory_space<vmem>>
        %get3A_736 = arith.index_cast %mul3A_728 : i32 to index
        %get3A_737 = tpu.vector_load %get3A_735[%get3A_736] {strides = array<i32>} : memref<512xf32, #tpu.memory_space<vmem>>, vector<16xf32>,
        %get3A_738 = vector.shape_cast %get3A_737 : vector<16xf32> to vector<16xf32>
        %sub3A_739 = arith.subf %get3A_726, %get3A_738 : vector<16xf32>
        %mul3A_740 = arith.mulf %sub3A_739, %sub3A_739 : vector<16xf32>
        %add3A_741 = arith.addf %add3A_712, %mul3A_740 : vector<16xf32>
        scf.yield %add3A_741 : vector<16xf32>
      }
      %scan3A_511 = arith.constant 32 : i32
      scf.yield %scan3A_510 : vector<16xf32>
    }
    %scan3A_216 = arith.constant 32 : i32
    %add3A_217 = arith.constant 128 : i32
    %add3A_218 = arith.addi %add3A_4, %add3A_217 : i32
    %dma_start3A_219 = arith.constant 0 : i32
    %dma_start3A_220 = arith.constant 0 : i32
    %dma_start3A_221 = arith.constant 0 : i32
    %dma_start3A_222 = tpu.memref_slice %arg5[%dma_start3A_219, %dma_start3A_220, %dma_start3A_221] : memref<2x32x512xf32, #tpu.memory_space<vmem>> -> memref<1x32x512xf32, #tpu.memory_space<vmem>>
    %dma_start3A_223 = tpu.memref_squeeze %dma_start3A_222 : memref<1x32x512xf32, #tpu.memory_space<vmem>> -> memref<32x512xf32, #tpu.memory_space<vmem>>
    %dma_start3A_224 = arith.constant 0 : i32
    %dma_start3A_225 = tpu.memref_slice %arg2[%add3A_218, %dma_start3A_224] : memref<24576x512xf32, #tpu.memory_space<hbm>> -> memref<32x512xf32, #tpu.memory_space<hbm>>
    %dma_start3A_226 = arith.constant 0 : i32
    %dma_start3A_227 = arith.constant 0 : i32
    %dma_start3A_228 = tpu.memref_slice %arg5[%dma_start3A_219, %dma_start3A_226, %dma_start3A_227] : memref<2x32x512xf32, #tpu.memory_space<vmem>> -> memref<1x32x512xf32, #tpu.memory_space<vmem>>
    %dma_start3A_229 = tpu.memref_squeeze %dma_start3A_228 : memref<1x32x512xf32, #tpu.memory_space<vmem>> -> memref<32x512xf32, #tpu.memory_space<vmem>>
    %dma_start3A_230 = arith.constant 0 : i32
    %dma_start3A_231 = tpu.memref_slice %arg2[%add3A_218, %dma_start3A_230] : memref<24576x512xf32, #tpu.memory_space<hbm>> -> memref<32x512xf32, #tpu.memory_space<hbm>>
    tpu.enqueue_dma source(%dma_start3A_231 : memref<32x512xf32, #tpu.memory_space<hbm>>) target(%dma_start3A_229 : memref<32x512xf32, #tpu.memory_space<vmem>>) target_semaphore(%arg8 : memref<!tpu.dma_semaphore, #tpu.memory_space<semaphore_mem>>)
    %dma_start3A_232 = arith.constant 0 : i32
    %dma_start3A_233 = arith.constant 0 : i32
    %dma_start3A_234 = arith.constant 0 : i32
    %dma_start3A_235 = tpu.memref_slice %arg6[%dma_start3A_232, %dma_start3A_233, %dma_start3A_234] : memref<2x32x512xf32, #tpu.memory_space<vmem>> -> memref<1x32x512xf32, #tpu.memory_space<vmem>>
    %dma_start3A_236 = tpu.memref_squeeze %dma_start3A_235 : memref<1x32x512xf32, #tpu.memory_space<vmem>> -> memref<32x512xf32, #tpu.memory_space<vmem>>
    %dma_start3A_237 = arith.constant 0 : i32
    %dma_start3A_238 = tpu.memref_slice %arg3[%add3A_218, %dma_start3A_237] : memref<24576x512xf32, #tpu.memory_space<hbm>> -> memref<32x512xf32, #tpu.memory_space<hbm>>
    %dma_start3A_239 = arith.constant 0 : i32
    %dma_start3A_240 = arith.constant 0 : i32
    %dma_start3A_241 = tpu.memref_slice %arg6[%dma_start3A_232, %dma_start3A_239, %dma_start3A_240] : memref<2x32x512xf32, #tpu.memory_space<vmem>> -> memref<1x32x512xf32, #tpu.memory_space<vmem>>
    %dma_start3A_242 = tpu.memref_squeeze %dma_start3A_241 : memref<1x32x512xf32, #tpu.memory_space<vmem>> -> memref<32x512xf32, #tpu.memory_space<vmem>>
    %dma_start3A_243 = arith.constant 0 : i32
    %dma_start3A_244 = tpu.memref_slice %arg3[%add3A_218, %dma_start3A_243] : memref<24576x512xf32, #tpu.memory_space<hbm>> -> memref<32x512xf32, #tpu.memory_space<hbm>>
    tpu.enqueue_dma source(%dma_start3A_244 : memref<32x512xf32, #tpu.memory_space<hbm>>) target(%dma_start3A_242 : memref<32x512xf32, #tpu.memory_space<vmem>>) target_semaphore(%arg10 : memref<!tpu.dma_semaphore, #tpu.memory_space<semaphore_mem>>)
    %dma_wait3A_245 = arith.constant 1 : i32
    %dma_wait3A_246 = arith.constant 0 : i32
    %dma_wait3A_247 = arith.constant 0 : i32
    %dma_wait3A_248 = tpu.memref_slice %arg5[%dma_wait3A_245, %dma_wait3A_246, %dma_wait3A_247] : memref<2x32x512xf32, #tpu.memory_space<vmem>> -> memref<1x32x512xf32, #tpu.memory_space<vmem>>
    %dma_wait3A_249 = tpu.memref_squeeze %dma_wait3A_248 : memref<1x32x512xf32, #tpu.memory_space<vmem>> -> memref<32x512xf32, #tpu.memory_space<vmem>>
    %dma_wait3A_250 = arith.constant 0 : i32
    %dma_wait3A_251 = tpu.memref_slice %arg2[%add3A_156, %dma_wait3A_250] : memref<24576x512xf32, #tpu.memory_space<hbm>> -> memref<32x512xf32, #tpu.memory_space<hbm>>
    %dma_wait3A_252 = arith.constant 0 : i32
    %dma_wait3A_253 = arith.constant 0 : i32
    %dma_wait3A_254 = tpu.memref_slice %arg5[%dma_wait3A_245, %dma_wait3A_252, %dma_wait3A_253] : memref<2x32x512xf32, #tpu.memory_space<vmem>> -> memref<1x32x512xf32, #tpu.memory_space<vmem>>
    %dma_wait3A_255 = tpu.memref_squeeze %dma_wait3A_254 : memref<1x32x512xf32, #tpu.memory_space<vmem>> -> memref<32x512xf32, #tpu.memory_space<vmem>>
    %dma_wait3A_256 = arith.constant 0 : i32
    %dma_wait3A_257 = tpu.memref_slice %arg2[%add3A_156, %dma_wait3A_256] : memref<24576x512xf32, #tpu.memory_space<hbm>> -> memref<32x512xf32, #tpu.memory_space<hbm>>
    tpu.wait_dma2 semaphore(%arg9 : memref<!tpu.dma_semaphore, #tpu.memory_space<semaphore_mem>>) src(%dma_wait3A_257 : memref<32x512xf32, #tpu.memory_space<hbm>>) dst(%dma_wait3A_255 : memref<32x512xf32, #tpu.memory_space<vmem>>)
    %dma_wait3A_258 = arith.constant 1 : i32
    %dma_wait3A_259 = arith.constant 0 : i32
    %dma_wait3A_260 = arith.constant 0 : i32
    %dma_wait3A_261 = tpu.memref_slice %arg6[%dma_wait3A_258, %dma_wait3A_259, %dma_wait3A_260] : memref<2x32x512xf32, #tpu.memory_space<vmem>> -> memref<1x32x512xf32, #tpu.memory_space<vmem>>
    %dma_wait3A_262 = tpu.memref_squeeze %dma_wait3A_261 : memref<1x32x512xf32, #tpu.memory_space<vmem>> -> memref<32x512xf32, #tpu.memory_space<vmem>>
    %dma_wait3A_263 = arith.constant 0 : i32
    %dma_wait3A_264 = tpu.memref_slice %arg3[%add3A_156, %dma_wait3A_263] : memref<24576x512xf32, #tpu.memory_space<hbm>> -> memref<32x512xf32, #tpu.memory_space<hbm>>
    %dma_wait3A_265 = arith.constant 0 : i32
    %dma_wait3A_266 = arith.constant 0 : i32
    %dma_wait3A_267 = tpu.memref_slice %arg6[%dma_wait3A_258, %dma_wait3A_265, %dma_wait3A_266] : memref<2x32x512xf32, #tpu.memory_space<vmem>> -> memref<1x32x512xf32, #tpu.memory_space<vmem>>
    %dma_wait3A_268 = tpu.memref_squeeze %dma_wait3A_267 : memref<1x32x512xf32, #tpu.memory_space<vmem>> -> memref<32x512xf32, #tpu.memory_space<vmem>>
    %dma_wait3A_269 = arith.constant 0 : i32
    %dma_wait3A_270 = tpu.memref_slice %arg3[%add3A_156, %dma_wait3A_269] : memref<24576x512xf32, #tpu.memory_space<hbm>> -> memref<32x512xf32, #tpu.memory_space<hbm>>
    tpu.wait_dma2 semaphore(%arg11 : memref<!tpu.dma_semaphore, #tpu.memory_space<semaphore_mem>>) src(%dma_wait3A_270 : memref<32x512xf32, #tpu.memory_space<hbm>>) dst(%dma_wait3A_268 : memref<32x512xf32, #tpu.memory_space<vmem>>)
    %scan3A_271 = arith.constant 1 : i32
    %scan3A_272 = arith.constant 1 : i32
    %scan3A_273 = arith.constant 0 : i32
    %scan3A_274 = arith.constant 32 : i32
    %scan3A_275 = arith.addi %scan3A_273, %scan3A_274 : i32
    %scan3A_276 = arith.constant 1 : i32
    %scan3A_277 = scf.for %scan3A_504 = %scan3A_273 to %scan3A_275 step %scan3A_276 iter_args(%scan3A_505 = %scan3A_215) -> (vector<16xf32>)  : i32 {
      %scan3A_506 = arith.constant 0 : i32
      %scan3A_507 = arith.constant 32 : i32
      %scan3A_508 = arith.addi %scan3A_506, %scan3A_507 : i32
      %scan3A_509 = arith.constant 8 : i32
      %scan3A_510 = scf.for %scan3A_512 = %scan3A_506 to %scan3A_508 step %scan3A_509 iter_args(%scan3A_513 = %scan3A_505) -> (vector<16xf32>)  : i32 {
        %mul3A_514 = arith.constant 16 : i32
        %mul3A_515 = arith.muli %scan3A_512, %mul3A_514 : i32
        %get3A = arith.constant 0 : i32
        %get3A_516 = arith.constant 0 : i32
        %get3A_517 = tpu.memref_slice %arg5[%scan3A_271, %get3A, %get3A_516] : memref<2x32x512xf32, #tpu.memory_space<vmem>> -> memref<1x32x512xf32, #tpu.memory_space<vmem>>
        %get3A_518 = tpu.memref_squeeze %get3A_517 : memref<1x32x512xf32, #tpu.memory_space<vmem>> -> memref<32x512xf32, #tpu.memory_space<vmem>>
        %get3A_519 = arith.constant 0 : i32
        %get3A_520 = tpu.memref_slice %get3A_518[%scan3A_504, %get3A_519] : memref<32x512xf32, #tpu.memory_space<vmem>> -> memref<1x512xf32, #tpu.memory_space<vmem>>
        %get3A_521 = tpu.memref_squeeze %get3A_520 : memref<1x512xf32, #tpu.memory_space<vmem>> -> memref<512xf32, #tpu.memory_space<vmem>>
        %get3A_522 = arith.index_cast %mul3A_515 : i32 to index
        %get3A_523 = tpu.vector_load %get3A_521[%get3A_522] {strides = array<i32>} : memref<512xf32, #tpu.memory_space<vmem>>, vector<16xf32>,
        %get3A_524 = vector.shape_cast %get3A_523 : vector<16xf32> to vector<16xf32>
        %mul3A_525 = arith.constant 16 : i32
        %mul3A_526 = arith.muli %scan3A_512, %mul3A_525 : i32
        %get3A_527 = arith.constant 0 : i32
        %get3A_528 = arith.constant 0 : i32
        %get3A_529 = tpu.memref_slice %arg6[%scan3A_272, %get3A_527, %get3A_528] : memref<2x32x512xf32, #tpu.memory_space<vmem>> -> memref<1x32x512xf32, #tpu.memory_space<vmem>>
        %get3A_530 = tpu.memref_squeeze %get3A_529 : memref<1x32x512xf32, #tpu.memory_space<vmem>> -> memref<32x512xf32, #tpu.memory_space<vmem>>
        %get3A_531 = arith.constant 0 : i32
        %get3A_532 = tpu.memref_slice %get3A_530[%scan3A_504, %get3A_531] : memref<32x512xf32, #tpu.memory_space<vmem>> -> memref<1x512xf32, #tpu.memory_space<vmem>>
        %get3A_533 = tpu.memref_squeeze %get3A_532 : memref<1x512xf32, #tpu.memory_space<vmem>> -> memref<512xf32, #tpu.memory_space<vmem>>
        %get3A_534 = arith.index_cast %mul3A_526 : i32 to index
        %get3A_535 = tpu.vector_load %get3A_533[%get3A_534] {strides = array<i32>} : memref<512xf32, #tpu.memory_space<vmem>>, vector<16xf32>,
        %get3A_536 = vector.shape_cast %get3A_535 : vector<16xf32> to vector<16xf32>
        %sub3A = arith.subf %get3A_524, %get3A_536 : vector<16xf32>
        %mul3A_537 = arith.mulf %sub3A, %sub3A : vector<16xf32>
        %add3A_538 = arith.addf %scan3A_513, %mul3A_537 : vector<16xf32>
        %scan3A_539 = arith.constant 1 : i32
        %scan3A_540 = arith.addi %scan3A_512, %scan3A_539 : i32
        %mul3A_541 = arith.constant 16 : i32
        %mul3A_542 = arith.muli %scan3A_540, %mul3A_541 : i32
        %get3A_543 = arith.constant 0 : i32
        %get3A_544 = arith.constant 0 : i32
        %get3A_545 = tpu.memref_slice %arg5[%scan3A_271, %get3A_543, %get3A_544] : memref<2x32x512xf32, #tpu.memory_space<vmem>> -> memref<1x32x512xf32, #tpu.memory_space<vmem>>
        %get3A_546 = tpu.memref_squeeze %get3A_545 : memref<1x32x512xf32, #tpu.memory_space<vmem>> -> memref<32x512xf32, #tpu.memory_space<vmem>>
        %get3A_547 = arith.constant 0 : i32
        %get3A_548 = tpu.memref_slice %get3A_546[%scan3A_504, %get3A_547] : memref<32x512xf32, #tpu.memory_space<vmem>> -> memref<1x512xf32, #tpu.memory_space<vmem>>
        %get3A_549 = tpu.memref_squeeze %get3A_548 : memref<1x512xf32, #tpu.memory_space<vmem>> -> memref<512xf32, #tpu.memory_space<vmem>>
        %get3A_550 = arith.index_cast %mul3A_542 : i32 to index
        %get3A_551 = tpu.vector_load %get3A_549[%get3A_550] {strides = array<i32>} : memref<512xf32, #tpu.memory_space<vmem>>, vector<16xf32>,
        %get3A_552 = vector.shape_cast %get3A_551 : vector<16xf32> to vector<16xf32>
        %mul3A_553 = arith.constant 16 : i32
        %mul3A_554 = arith.muli %scan3A_540, %mul3A_553 : i32
        %get3A_555 = arith.constant 0 : i32
        %get3A_556 = arith.constant 0 : i32
        %get3A_557 = tpu.memref_slice %arg6[%scan3A_272, %get3A_555, %get3A_556] : memref<2x32x512xf32, #tpu.memory_space<vmem>> -> memref<1x32x512xf32, #tpu.memory_space<vmem>>
        %get3A_558 = tpu.memref_squeeze %get3A_557 : memref<1x32x512xf32, #tpu.memory_space<vmem>> -> memref<32x512xf32, #tpu.memory_space<vmem>>
        %get3A_559 = arith.constant 0 : i32
        %get3A_560 = tpu.memref_slice %get3A_558[%scan3A_504, %get3A_559] : memref<32x512xf32, #tpu.memory_space<vmem>> -> memref<1x512xf32, #tpu.memory_space<vmem>>
        %get3A_561 = tpu.memref_squeeze %get3A_560 : memref<1x512xf32, #tpu.memory_space<vmem>> -> memref<512xf32, #tpu.memory_space<vmem>>
        %get3A_562 = arith.index_cast %mul3A_554 : i32 to index
        %get3A_563 = tpu.vector_load %get3A_561[%get3A_562] {strides = array<i32>} : memref<512xf32, #tpu.memory_space<vmem>>, vector<16xf32>,
        %get3A_564 = vector.shape_cast %get3A_563 : vector<16xf32> to vector<16xf32>
        %sub3A_565 = arith.subf %get3A_552, %get3A_564 : vector<16xf32>
        %mul3A_566 = arith.mulf %sub3A_565, %sub3A_565 : vector<16xf32>
        %add3A_567 = arith.addf %add3A_538, %mul3A_566 : vector<16xf32>
        %scan3A_568 = arith.constant 2 : i32
        %scan3A_569 = arith.addi %scan3A_512, %scan3A_568 : i32
        %mul3A_570 = arith.constant 16 : i32
        %mul3A_571 = arith.muli %scan3A_569, %mul3A_570 : i32
        %get3A_572 = arith.constant 0 : i32
        %get3A_573 = arith.constant 0 : i32
        %get3A_574 = tpu.memref_slice %arg5[%scan3A_271, %get3A_572, %get3A_573] : memref<2x32x512xf32, #tpu.memory_space<vmem>> -> memref<1x32x512xf32, #tpu.memory_space<vmem>>
        %get3A_575 = tpu.memref_squeeze %get3A_574 : memref<1x32x512xf32, #tpu.memory_space<vmem>> -> memref<32x512xf32, #tpu.memory_space<vmem>>
        %get3A_576 = arith.constant 0 : i32
        %get3A_577 = tpu.memref_slice %get3A_575[%scan3A_504, %get3A_576] : memref<32x512xf32, #tpu.memory_space<vmem>> -> memref<1x512xf32, #tpu.memory_space<vmem>>
        %get3A_578 = tpu.memref_squeeze %get3A_577 : memref<1x512xf32, #tpu.memory_space<vmem>> -> memref<512xf32, #tpu.memory_space<vmem>>
        %get3A_579 = arith.index_cast %mul3A_571 : i32 to index
        %get3A_580 = tpu.vector_load %get3A_578[%get3A_579] {strides = array<i32>} : memref<512xf32, #tpu.memory_space<vmem>>, vector<16xf32>,
        %get3A_581 = vector.shape_cast %get3A_580 : vector<16xf32> to vector<16xf32>
        %mul3A_582 = arith.constant 16 : i32
        %mul3A_583 = arith.muli %scan3A_569, %mul3A_582 : i32
        %get3A_584 = arith.constant 0 : i32
        %get3A_585 = arith.constant 0 : i32
        %get3A_586 = tpu.memref_slice %arg6[%scan3A_272, %get3A_584, %get3A_585] : memref<2x32x512xf32, #tpu.memory_space<vmem>> -> memref<1x32x512xf32, #tpu.memory_space<vmem>>
        %get3A_587 = tpu.memref_squeeze %get3A_586 : memref<1x32x512xf32, #tpu.memory_space<vmem>> -> memref<32x512xf32, #tpu.memory_space<vmem>>
        %get3A_588 = arith.constant 0 : i32
        %get3A_589 = tpu.memref_slice %get3A_587[%scan3A_504, %get3A_588] : memref<32x512xf32, #tpu.memory_space<vmem>> -> memref<1x512xf32, #tpu.memory_space<vmem>>
        %get3A_590 = tpu.memref_squeeze %get3A_589 : memref<1x512xf32, #tpu.memory_space<vmem>> -> memref<512xf32, #tpu.memory_space<vmem>>
        %get3A_591 = arith.index_cast %mul3A_583 : i32 to index
        %get3A_592 = tpu.vector_load %get3A_590[%get3A_591] {strides = array<i32>} : memref<512xf32, #tpu.memory_space<vmem>>, vector<16xf32>,
        %get3A_593 = vector.shape_cast %get3A_592 : vector<16xf32> to vector<16xf32>
        %sub3A_594 = arith.subf %get3A_581, %get3A_593 : vector<16xf32>
        %mul3A_595 = arith.mulf %sub3A_594, %sub3A_594 : vector<16xf32>
        %add3A_596 = arith.addf %add3A_567, %mul3A_595 : vector<16xf32>
        %scan3A_597 = arith.constant 3 : i32
        %scan3A_598 = arith.addi %scan3A_512, %scan3A_597 : i32
        %mul3A_599 = arith.constant 16 : i32
        %mul3A_600 = arith.muli %scan3A_598, %mul3A_599 : i32
        %get3A_601 = arith.constant 0 : i32
        %get3A_602 = arith.constant 0 : i32
        %get3A_603 = tpu.memref_slice %arg5[%scan3A_271, %get3A_601, %get3A_602] : memref<2x32x512xf32, #tpu.memory_space<vmem>> -> memref<1x32x512xf32, #tpu.memory_space<vmem>>
        %get3A_604 = tpu.memref_squeeze %get3A_603 : memref<1x32x512xf32, #tpu.memory_space<vmem>> -> memref<32x512xf32, #tpu.memory_space<vmem>>
        %get3A_605 = arith.constant 0 : i32
        %get3A_606 = tpu.memref_slice %get3A_604[%scan3A_504, %get3A_605] : memref<32x512xf32, #tpu.memory_space<vmem>> -> memref<1x512xf32, #tpu.memory_space<vmem>>
        %get3A_607 = tpu.memref_squeeze %get3A_606 : memref<1x512xf32, #tpu.memory_space<vmem>> -> memref<512xf32, #tpu.memory_space<vmem>>
        %get3A_608 = arith.index_cast %mul3A_600 : i32 to index
        %get3A_609 = tpu.vector_load %get3A_607[%get3A_608] {strides = array<i32>} : memref<512xf32, #tpu.memory_space<vmem>>, vector<16xf32>,
        %get3A_610 = vector.shape_cast %get3A_609 : vector<16xf32> to vector<16xf32>
        %mul3A_611 = arith.constant 16 : i32
        %mul3A_612 = arith.muli %scan3A_598, %mul3A_611 : i32
        %get3A_613 = arith.constant 0 : i32
        %get3A_614 = arith.constant 0 : i32
        %get3A_615 = tpu.memref_slice %arg6[%scan3A_272, %get3A_613, %get3A_614] : memref<2x32x512xf32, #tpu.memory_space<vmem>> -> memref<1x32x512xf32, #tpu.memory_space<vmem>>
        %get3A_616 = tpu.memref_squeeze %get3A_615 : memref<1x32x512xf32, #tpu.memory_space<vmem>> -> memref<32x512xf32, #tpu.memory_space<vmem>>
        %get3A_617 = arith.constant 0 : i32
        %get3A_618 = tpu.memref_slice %get3A_616[%scan3A_504, %get3A_617] : memref<32x512xf32, #tpu.memory_space<vmem>> -> memref<1x512xf32, #tpu.memory_space<vmem>>
        %get3A_619 = tpu.memref_squeeze %get3A_618 : memref<1x512xf32, #tpu.memory_space<vmem>> -> memref<512xf32, #tpu.memory_space<vmem>>
        %get3A_620 = arith.index_cast %mul3A_612 : i32 to index
        %get3A_621 = tpu.vector_load %get3A_619[%get3A_620] {strides = array<i32>} : memref<512xf32, #tpu.memory_space<vmem>>, vector<16xf32>,
        %get3A_622 = vector.shape_cast %get3A_621 : vector<16xf32> to vector<16xf32>
        %sub3A_623 = arith.subf %get3A_610, %get3A_622 : vector<16xf32>
        %mul3A_624 = arith.mulf %sub3A_623, %sub3A_623 : vector<16xf32>
        %add3A_625 = arith.addf %add3A_596, %mul3A_624 : vector<16xf32>
        %scan3A_626 = arith.constant 4 : i32
        %scan3A_627 = arith.addi %scan3A_512, %scan3A_626 : i32
        %mul3A_628 = arith.constant 16 : i32
        %mul3A_629 = arith.muli %scan3A_627, %mul3A_628 : i32
        %get3A_630 = arith.constant 0 : i32
        %get3A_631 = arith.constant 0 : i32
        %get3A_632 = tpu.memref_slice %arg5[%scan3A_271, %get3A_630, %get3A_631] : memref<2x32x512xf32, #tpu.memory_space<vmem>> -> memref<1x32x512xf32, #tpu.memory_space<vmem>>
        %get3A_633 = tpu.memref_squeeze %get3A_632 : memref<1x32x512xf32, #tpu.memory_space<vmem>> -> memref<32x512xf32, #tpu.memory_space<vmem>>
        %get3A_634 = arith.constant 0 : i32
        %get3A_635 = tpu.memref_slice %get3A_633[%scan3A_504, %get3A_634] : memref<32x512xf32, #tpu.memory_space<vmem>> -> memref<1x512xf32, #tpu.memory_space<vmem>>
        %get3A_636 = tpu.memref_squeeze %get3A_635 : memref<1x512xf32, #tpu.memory_space<vmem>> -> memref<512xf32, #tpu.memory_space<vmem>>
        %get3A_637 = arith.index_cast %mul3A_629 : i32 to index
        %get3A_638 = tpu.vector_load %get3A_636[%get3A_637] {strides = array<i32>} : memref<512xf32, #tpu.memory_space<vmem>>, vector<16xf32>,
        %get3A_639 = vector.shape_cast %get3A_638 : vector<16xf32> to vector<16xf32>
        %mul3A_640 = arith.constant 16 : i32
        %mul3A_641 = arith.muli %scan3A_627, %mul3A_640 : i32
        %get3A_642 = arith.constant 0 : i32
        %get3A_643 = arith.constant 0 : i32
        %get3A_644 = tpu.memref_slice %arg6[%scan3A_272, %get3A_642, %get3A_643] : memref<2x32x512xf32, #tpu.memory_space<vmem>> -> memref<1x32x512xf32, #tpu.memory_space<vmem>>
        %get3A_645 = tpu.memref_squeeze %get3A_644 : memref<1x32x512xf32, #tpu.memory_space<vmem>> -> memref<32x512xf32, #tpu.memory_space<vmem>>
        %get3A_646 = arith.constant 0 : i32
        %get3A_647 = tpu.memref_slice %get3A_645[%scan3A_504, %get3A_646] : memref<32x512xf32, #tpu.memory_space<vmem>> -> memref<1x512xf32, #tpu.memory_space<vmem>>
        %get3A_648 = tpu.memref_squeeze %get3A_647 : memref<1x512xf32, #tpu.memory_space<vmem>> -> memref<512xf32, #tpu.memory_space<vmem>>
        %get3A_649 = arith.index_cast %mul3A_641 : i32 to index
        %get3A_650 = tpu.vector_load %get3A_648[%get3A_649] {strides = array<i32>} : memref<512xf32, #tpu.memory_space<vmem>>, vector<16xf32>,
        %get3A_651 = vector.shape_cast %get3A_650 : vector<16xf32> to vector<16xf32>
        %sub3A_652 = arith.subf %get3A_639, %get3A_651 : vector<16xf32>
        %mul3A_653 = arith.mulf %sub3A_652, %sub3A_652 : vector<16xf32>
        %add3A_654 = arith.addf %add3A_625, %mul3A_653 : vector<16xf32>
        %scan3A_655 = arith.constant 5 : i32
        %scan3A_656 = arith.addi %scan3A_512, %scan3A_655 : i32
        %mul3A_657 = arith.constant 16 : i32
        %mul3A_658 = arith.muli %scan3A_656, %mul3A_657 : i32
        %get3A_659 = arith.constant 0 : i32
        %get3A_660 = arith.constant 0 : i32
        %get3A_661 = tpu.memref_slice %arg5[%scan3A_271, %get3A_659, %get3A_660] : memref<2x32x512xf32, #tpu.memory_space<vmem>> -> memref<1x32x512xf32, #tpu.memory_space<vmem>>
        %get3A_662 = tpu.memref_squeeze %get3A_661 : memref<1x32x512xf32, #tpu.memory_space<vmem>> -> memref<32x512xf32, #tpu.memory_space<vmem>>
        %get3A_663 = arith.constant 0 : i32
        %get3A_664 = tpu.memref_slice %get3A_662[%scan3A_504, %get3A_663] : memref<32x512xf32, #tpu.memory_space<vmem>> -> memref<1x512xf32, #tpu.memory_space<vmem>>
        %get3A_665 = tpu.memref_squeeze %get3A_664 : memref<1x512xf32, #tpu.memory_space<vmem>> -> memref<512xf32, #tpu.memory_space<vmem>>
        %get3A_666 = arith.index_cast %mul3A_658 : i32 to index
        %get3A_667 = tpu.vector_load %get3A_665[%get3A_666] {strides = array<i32>} : memref<512xf32, #tpu.memory_space<vmem>>, vector<16xf32>,
        %get3A_668 = vector.shape_cast %get3A_667 : vector<16xf32> to vector<16xf32>
        %mul3A_669 = arith.constant 16 : i32
        %mul3A_670 = arith.muli %scan3A_656, %mul3A_669 : i32
        %get3A_671 = arith.constant 0 : i32
        %get3A_672 = arith.constant 0 : i32
        %get3A_673 = tpu.memref_slice %arg6[%scan3A_272, %get3A_671, %get3A_672] : memref<2x32x512xf32, #tpu.memory_space<vmem>> -> memref<1x32x512xf32, #tpu.memory_space<vmem>>
        %get3A_674 = tpu.memref_squeeze %get3A_673 : memref<1x32x512xf32, #tpu.memory_space<vmem>> -> memref<32x512xf32, #tpu.memory_space<vmem>>
        %get3A_675 = arith.constant 0 : i32
        %get3A_676 = tpu.memref_slice %get3A_674[%scan3A_504, %get3A_675] : memref<32x512xf32, #tpu.memory_space<vmem>> -> memref<1x512xf32, #tpu.memory_space<vmem>>
        %get3A_677 = tpu.memref_squeeze %get3A_676 : memref<1x512xf32, #tpu.memory_space<vmem>> -> memref<512xf32, #tpu.memory_space<vmem>>
        %get3A_678 = arith.index_cast %mul3A_670 : i32 to index
        %get3A_679 = tpu.vector_load %get3A_677[%get3A_678] {strides = array<i32>} : memref<512xf32, #tpu.memory_space<vmem>>, vector<16xf32>,
        %get3A_680 = vector.shape_cast %get3A_679 : vector<16xf32> to vector<16xf32>
        %sub3A_681 = arith.subf %get3A_668, %get3A_680 : vector<16xf32>
        %mul3A_682 = arith.mulf %sub3A_681, %sub3A_681 : vector<16xf32>
        %add3A_683 = arith.addf %add3A_654, %mul3A_682 : vector<16xf32>
        %scan3A_684 = arith.constant 6 : i32
        %scan3A_685 = arith.addi %scan3A_512, %scan3A_684 : i32
        %mul3A_686 = arith.constant 16 : i32
        %mul3A_687 = arith.muli %scan3A_685, %mul3A_686 : i32
        %get3A_688 = arith.constant 0 : i32
        %get3A_689 = arith.constant 0 : i32
        %get3A_690 = tpu.memref_slice %arg5[%scan3A_271, %get3A_688, %get3A_689] : memref<2x32x512xf32, #tpu.memory_space<vmem>> -> memref<1x32x512xf32, #tpu.memory_space<vmem>>
        %get3A_691 = tpu.memref_squeeze %get3A_690 : memref<1x32x512xf32, #tpu.memory_space<vmem>> -> memref<32x512xf32, #tpu.memory_space<vmem>>
        %get3A_692 = arith.constant 0 : i32
        %get3A_693 = tpu.memref_slice %get3A_691[%scan3A_504, %get3A_692] : memref<32x512xf32, #tpu.memory_space<vmem>> -> memref<1x512xf32, #tpu.memory_space<vmem>>
        %get3A_694 = tpu.memref_squeeze %get3A_693 : memref<1x512xf32, #tpu.memory_space<vmem>> -> memref<512xf32, #tpu.memory_space<vmem>>
        %get3A_695 = arith.index_cast %mul3A_687 : i32 to index
        %get3A_696 = tpu.vector_load %get3A_694[%get3A_695] {strides = array<i32>} : memref<512xf32, #tpu.memory_space<vmem>>, vector<16xf32>,
        %get3A_697 = vector.shape_cast %get3A_696 : vector<16xf32> to vector<16xf32>
        %mul3A_698 = arith.constant 16 : i32
        %mul3A_699 = arith.muli %scan3A_685, %mul3A_698 : i32
        %get3A_700 = arith.constant 0 : i32
        %get3A_701 = arith.constant 0 : i32
        %get3A_702 = tpu.memref_slice %arg6[%scan3A_272, %get3A_700, %get3A_701] : memref<2x32x512xf32, #tpu.memory_space<vmem>> -> memref<1x32x512xf32, #tpu.memory_space<vmem>>
        %get3A_703 = tpu.memref_squeeze %get3A_702 : memref<1x32x512xf32, #tpu.memory_space<vmem>> -> memref<32x512xf32, #tpu.memory_space<vmem>>
        %get3A_704 = arith.constant 0 : i32
        %get3A_705 = tpu.memref_slice %get3A_703[%scan3A_504, %get3A_704] : memref<32x512xf32, #tpu.memory_space<vmem>> -> memref<1x512xf32, #tpu.memory_space<vmem>>
        %get3A_706 = tpu.memref_squeeze %get3A_705 : memref<1x512xf32, #tpu.memory_space<vmem>> -> memref<512xf32, #tpu.memory_space<vmem>>
        %get3A_707 = arith.index_cast %mul3A_699 : i32 to index
        %get3A_708 = tpu.vector_load %get3A_706[%get3A_707] {strides = array<i32>} : memref<512xf32, #tpu.memory_space<vmem>>, vector<16xf32>,
        %get3A_709 = vector.shape_cast %get3A_708 : vector<16xf32> to vector<16xf32>
        %sub3A_710 = arith.subf %get3A_697, %get3A_709 : vector<16xf32>
        %mul3A_711 = arith.mulf %sub3A_710, %sub3A_710 : vector<16xf32>
        %add3A_712 = arith.addf %add3A_683, %mul3A_711 : vector<16xf32>
        %scan3A_713 = arith.constant 7 : i32
        %scan3A_714 = arith.addi %scan3A_512, %scan3A_713 : i32
        %mul3A_715 = arith.constant 16 : i32
        %mul3A_716 = arith.muli %scan3A_714, %mul3A_715 : i32
        %get3A_717 = arith.constant 0 : i32
        %get3A_718 = arith.constant 0 : i32
        %get3A_719 = tpu.memref_slice %arg5[%scan3A_271, %get3A_717, %get3A_718] : memref<2x32x512xf32, #tpu.memory_space<vmem>> -> memref<1x32x512xf32, #tpu.memory_space<vmem>>
        %get3A_720 = tpu.memref_squeeze %get3A_719 : memref<1x32x512xf32, #tpu.memory_space<vmem>> -> memref<32x512xf32, #tpu.memory_space<vmem>>
        %get3A_721 = arith.constant 0 : i32
        %get3A_722 = tpu.memref_slice %get3A_720[%scan3A_504, %get3A_721] : memref<32x512xf32, #tpu.memory_space<vmem>> -> memref<1x512xf32, #tpu.memory_space<vmem>>
        %get3A_723 = tpu.memref_squeeze %get3A_722 : memref<1x512xf32, #tpu.memory_space<vmem>> -> memref<512xf32, #tpu.memory_space<vmem>>
        %get3A_724 = arith.index_cast %mul3A_716 : i32 to index
        %get3A_725 = tpu.vector_load %get3A_723[%get3A_724] {strides = array<i32>} : memref<512xf32, #tpu.memory_space<vmem>>, vector<16xf32>,
        %get3A_726 = vector.shape_cast %get3A_725 : vector<16xf32> to vector<16xf32>
        %mul3A_727 = arith.constant 16 : i32
        %mul3A_728 = arith.muli %scan3A_714, %mul3A_727 : i32
        %get3A_729 = arith.constant 0 : i32
        %get3A_730 = arith.constant 0 : i32
        %get3A_731 = tpu.memref_slice %arg6[%scan3A_272, %get3A_729, %get3A_730] : memref<2x32x512xf32, #tpu.memory_space<vmem>> -> memref<1x32x512xf32, #tpu.memory_space<vmem>>
        %get3A_732 = tpu.memref_squeeze %get3A_731 : memref<1x32x512xf32, #tpu.memory_space<vmem>> -> memref<32x512xf32, #tpu.memory_space<vmem>>
        %get3A_733 = arith.constant 0 : i32
        %get3A_734 = tpu.memref_slice %get3A_732[%scan3A_504, %get3A_733] : memref<32x512xf32, #tpu.memory_space<vmem>> -> memref<1x512xf32, #tpu.memory_space<vmem>>
        %get3A_735 = tpu.memref_squeeze %get3A_734 : memref<1x512xf32, #tpu.memory_space<vmem>> -> memref<512xf32, #tpu.memory_space<vmem>>
        %get3A_736 = arith.index_cast %mul3A_728 : i32 to index
        %get3A_737 = tpu.vector_load %get3A_735[%get3A_736] {strides = array<i32>} : memref<512xf32, #tpu.memory_space<vmem>>, vector<16xf32>,
        %get3A_738 = vector.shape_cast %get3A_737 : vector<16xf32> to vector<16xf32>
        %sub3A_739 = arith.subf %get3A_726, %get3A_738 : vector<16xf32>
        %mul3A_740 = arith.mulf %sub3A_739, %sub3A_739 : vector<16xf32>
        %add3A_741 = arith.addf %add3A_712, %mul3A_740 : vector<16xf32>
        scf.yield %add3A_741 : vector<16xf32>
      }
      %scan3A_511 = arith.constant 32 : i32
      scf.yield %scan3A_510 : vector<16xf32>
    }
    %scan3A_278 = arith.constant 32 : i32
    %add3A_279 = arith.constant 160 : i32
    %add3A_280 = arith.addi %add3A_4, %add3A_279 : i32
    %dma_start3A_281 = arith.constant 1 : i32
    %dma_start3A_282 = arith.constant 0 : i32
    %dma_start3A_283 = arith.constant 0 : i32
    %dma_start3A_284 = tpu.memref_slice %arg5[%dma_start3A_281, %dma_start3A_282, %dma_start3A_283] : memref<2x32x512xf32, #tpu.memory_space<vmem>> -> memref<1x32x512xf32, #tpu.memory_space<vmem>>
    %dma_start3A_285 = tpu.memref_squeeze %dma_start3A_284 : memref<1x32x512xf32, #tpu.memory_space<vmem>> -> memref<32x512xf32, #tpu.memory_space<vmem>>
    %dma_start3A_286 = arith.constant 0 : i32
    %dma_start3A_287 = tpu.memref_slice %arg2[%add3A_280, %dma_start3A_286] : memref<24576x512xf32, #tpu.memory_space<hbm>> -> memref<32x512xf32, #tpu.memory_space<hbm>>
    %dma_start3A_288 = arith.constant 0 : i32
    %dma_start3A_289 = arith.constant 0 : i32
    %dma_start3A_290 = tpu.memref_slice %arg5[%dma_start3A_281, %dma_start3A_288, %dma_start3A_289] : memref<2x32x512xf32, #tpu.memory_space<vmem>> -> memref<1x32x512xf32, #tpu.memory_space<vmem>>
    %dma_start3A_291 = tpu.memref_squeeze %dma_start3A_290 : memref<1x32x512xf32, #tpu.memory_space<vmem>> -> memref<32x512xf32, #tpu.memory_space<vmem>>
    %dma_start3A_292 = arith.constant 0 : i32
    %dma_start3A_293 = tpu.memref_slice %arg2[%add3A_280, %dma_start3A_292] : memref<24576x512xf32, #tpu.memory_space<hbm>> -> memref<32x512xf32, #tpu.memory_space<hbm>>
    tpu.enqueue_dma source(%dma_start3A_293 : memref<32x512xf32, #tpu.memory_space<hbm>>) target(%dma_start3A_291 : memref<32x512xf32, #tpu.memory_space<vmem>>) target_semaphore(%arg9 : memref<!tpu.dma_semaphore, #tpu.memory_space<semaphore_mem>>)
    %dma_start3A_294 = arith.constant 1 : i32
    %dma_start3A_295 = arith.constant 0 : i32
    %dma_start3A_296 = arith.constant 0 : i32
    %dma_start3A_297 = tpu.memref_slice %arg6[%dma_start3A_294, %dma_start3A_295, %dma_start3A_296] : memref<2x32x512xf32, #tpu.memory_space<vmem>> -> memref<1x32x512xf32, #tpu.memory_space<vmem>>
    %dma_start3A_298 = tpu.memref_squeeze %dma_start3A_297 : memref<1x32x512xf32, #tpu.memory_space<vmem>> -> memref<32x512xf32, #tpu.memory_space<vmem>>
    %dma_start3A_299 = arith.constant 0 : i32
    %dma_start3A_300 = tpu.memref_slice %arg3[%add3A_280, %dma_start3A_299] : memref<24576x512xf32, #tpu.memory_space<hbm>> -> memref<32x512xf32, #tpu.memory_space<hbm>>
    %dma_start3A_301 = arith.constant 0 : i32
    %dma_start3A_302 = arith.constant 0 : i32
    %dma_start3A_303 = tpu.memref_slice %arg6[%dma_start3A_294, %dma_start3A_301, %dma_start3A_302] : memref<2x32x512xf32, #tpu.memory_space<vmem>> -> memref<1x32x512xf32, #tpu.memory_space<vmem>>
    %dma_start3A_304 = tpu.memref_squeeze %dma_start3A_303 : memref<1x32x512xf32, #tpu.memory_space<vmem>> -> memref<32x512xf32, #tpu.memory_space<vmem>>
    %dma_start3A_305 = arith.constant 0 : i32
    %dma_start3A_306 = tpu.memref_slice %arg3[%add3A_280, %dma_start3A_305] : memref<24576x512xf32, #tpu.memory_space<hbm>> -> memref<32x512xf32, #tpu.memory_space<hbm>>
    tpu.enqueue_dma source(%dma_start3A_306 : memref<32x512xf32, #tpu.memory_space<hbm>>) target(%dma_start3A_304 : memref<32x512xf32, #tpu.memory_space<vmem>>) target_semaphore(%arg11 : memref<!tpu.dma_semaphore, #tpu.memory_space<semaphore_mem>>)
    %dma_wait3A_307 = arith.constant 0 : i32
    %dma_wait3A_308 = arith.constant 0 : i32
    %dma_wait3A_309 = arith.constant 0 : i32
    %dma_wait3A_310 = tpu.memref_slice %arg5[%dma_wait3A_307, %dma_wait3A_308, %dma_wait3A_309] : memref<2x32x512xf32, #tpu.memory_space<vmem>> -> memref<1x32x512xf32, #tpu.memory_space<vmem>>
    %dma_wait3A_311 = tpu.memref_squeeze %dma_wait3A_310 : memref<1x32x512xf32, #tpu.memory_space<vmem>> -> memref<32x512xf32, #tpu.memory_space<vmem>>
    %dma_wait3A_312 = arith.constant 0 : i32
    %dma_wait3A_313 = tpu.memref_slice %arg2[%add3A_218, %dma_wait3A_312] : memref<24576x512xf32, #tpu.memory_space<hbm>> -> memref<32x512xf32, #tpu.memory_space<hbm>>
    %dma_wait3A_314 = arith.constant 0 : i32
    %dma_wait3A_315 = arith.constant 0 : i32
    %dma_wait3A_316 = tpu.memref_slice %arg5[%dma_wait3A_307, %dma_wait3A_314, %dma_wait3A_315] : memref<2x32x512xf32, #tpu.memory_space<vmem>> -> memref<1x32x512xf32, #tpu.memory_space<vmem>>
    %dma_wait3A_317 = tpu.memref_squeeze %dma_wait3A_316 : memref<1x32x512xf32, #tpu.memory_space<vmem>> -> memref<32x512xf32, #tpu.memory_space<vmem>>
    %dma_wait3A_318 = arith.constant 0 : i32
    %dma_wait3A_319 = tpu.memref_slice %arg2[%add3A_218, %dma_wait3A_318] : memref<24576x512xf32, #tpu.memory_space<hbm>> -> memref<32x512xf32, #tpu.memory_space<hbm>>
    tpu.wait_dma2 semaphore(%arg8 : memref<!tpu.dma_semaphore, #tpu.memory_space<semaphore_mem>>) src(%dma_wait3A_319 : memref<32x512xf32, #tpu.memory_space<hbm>>) dst(%dma_wait3A_317 : memref<32x512xf32, #tpu.memory_space<vmem>>)
    %dma_wait3A_320 = arith.constant 0 : i32
    %dma_wait3A_321 = arith.constant 0 : i32
    %dma_wait3A_322 = arith.constant 0 : i32
    %dma_wait3A_323 = tpu.memref_slice %arg6[%dma_wait3A_320, %dma_wait3A_321, %dma_wait3A_322] : memref<2x32x512xf32, #tpu.memory_space<vmem>> -> memref<1x32x512xf32, #tpu.memory_space<vmem>>
    %dma_wait3A_324 = tpu.memref_squeeze %dma_wait3A_323 : memref<1x32x512xf32, #tpu.memory_space<vmem>> -> memref<32x512xf32, #tpu.memory_space<vmem>>
    %dma_wait3A_325 = arith.constant 0 : i32
    %dma_wait3A_326 = tpu.memref_slice %arg3[%add3A_218, %dma_wait3A_325] : memref<24576x512xf32, #tpu.memory_space<hbm>> -> memref<32x512xf32, #tpu.memory_space<hbm>>
    %dma_wait3A_327 = arith.constant 0 : i32
    %dma_wait3A_328 = arith.constant 0 : i32
    %dma_wait3A_329 = tpu.memref_slice %arg6[%dma_wait3A_320, %dma_wait3A_327, %dma_wait3A_328] : memref<2x32x512xf32, #tpu.memory_space<vmem>> -> memref<1x32x512xf32, #tpu.memory_space<vmem>>
    %dma_wait3A_330 = tpu.memref_squeeze %dma_wait3A_329 : memref<1x32x512xf32, #tpu.memory_space<vmem>> -> memref<32x512xf32, #tpu.memory_space<vmem>>
    %dma_wait3A_331 = arith.constant 0 : i32
    %dma_wait3A_332 = tpu.memref_slice %arg3[%add3A_218, %dma_wait3A_331] : memref<24576x512xf32, #tpu.memory_space<hbm>> -> memref<32x512xf32, #tpu.memory_space<hbm>>
    tpu.wait_dma2 semaphore(%arg10 : memref<!tpu.dma_semaphore, #tpu.memory_space<semaphore_mem>>) src(%dma_wait3A_332 : memref<32x512xf32, #tpu.memory_space<hbm>>) dst(%dma_wait3A_330 : memref<32x512xf32, #tpu.memory_space<vmem>>)
    %scan3A_333 = arith.constant 0 : i32
    %scan3A_334 = arith.constant 0 : i32
    %scan3A_335 = arith.constant 0 : i32
    %scan3A_336 = arith.constant 32 : i32
    %scan3A_337 = arith.addi %scan3A_335, %scan3A_336 : i32
    %scan3A_338 = arith.constant 1 : i32
    %scan3A_339 = scf.for %scan3A_504 = %scan3A_335 to %scan3A_337 step %scan3A_338 iter_args(%scan3A_505 = %scan3A_277) -> (vector<16xf32>)  : i32 {
      %scan3A_506 = arith.constant 0 : i32
      %scan3A_507 = arith.constant 32 : i32
      %scan3A_508 = arith.addi %scan3A_506, %scan3A_507 : i32
      %scan3A_509 = arith.constant 8 : i32
      %scan3A_510 = scf.for %scan3A_512 = %scan3A_506 to %scan3A_508 step %scan3A_509 iter_args(%scan3A_513 = %scan3A_505) -> (vector<16xf32>)  : i32 {
        %mul3A_514 = arith.constant 16 : i32
        %mul3A_515 = arith.muli %scan3A_512, %mul3A_514 : i32
        %get3A = arith.constant 0 : i32
        %get3A_516 = arith.constant 0 : i32
        %get3A_517 = tpu.memref_slice %arg5[%scan3A_333, %get3A, %get3A_516] : memref<2x32x512xf32, #tpu.memory_space<vmem>> -> memref<1x32x512xf32, #tpu.memory_space<vmem>>
        %get3A_518 = tpu.memref_squeeze %get3A_517 : memref<1x32x512xf32, #tpu.memory_space<vmem>> -> memref<32x512xf32, #tpu.memory_space<vmem>>
        %get3A_519 = arith.constant 0 : i32
        %get3A_520 = tpu.memref_slice %get3A_518[%scan3A_504, %get3A_519] : memref<32x512xf32, #tpu.memory_space<vmem>> -> memref<1x512xf32, #tpu.memory_space<vmem>>
        %get3A_521 = tpu.memref_squeeze %get3A_520 : memref<1x512xf32, #tpu.memory_space<vmem>> -> memref<512xf32, #tpu.memory_space<vmem>>
        %get3A_522 = arith.index_cast %mul3A_515 : i32 to index
        %get3A_523 = tpu.vector_load %get3A_521[%get3A_522] {strides = array<i32>} : memref<512xf32, #tpu.memory_space<vmem>>, vector<16xf32>,
        %get3A_524 = vector.shape_cast %get3A_523 : vector<16xf32> to vector<16xf32>
        %mul3A_525 = arith.constant 16 : i32
        %mul3A_526 = arith.muli %scan3A_512, %mul3A_525 : i32
        %get3A_527 = arith.constant 0 : i32
        %get3A_528 = arith.constant 0 : i32
        %get3A_529 = tpu.memref_slice %arg6[%scan3A_334, %get3A_527, %get3A_528] : memref<2x32x512xf32, #tpu.memory_space<vmem>> -> memref<1x32x512xf32, #tpu.memory_space<vmem>>
        %get3A_530 = tpu.memref_squeeze %get3A_529 : memref<1x32x512xf32, #tpu.memory_space<vmem>> -> memref<32x512xf32, #tpu.memory_space<vmem>>
        %get3A_531 = arith.constant 0 : i32
        %get3A_532 = tpu.memref_slice %get3A_530[%scan3A_504, %get3A_531] : memref<32x512xf32, #tpu.memory_space<vmem>> -> memref<1x512xf32, #tpu.memory_space<vmem>>
        %get3A_533 = tpu.memref_squeeze %get3A_532 : memref<1x512xf32, #tpu.memory_space<vmem>> -> memref<512xf32, #tpu.memory_space<vmem>>
        %get3A_534 = arith.index_cast %mul3A_526 : i32 to index
        %get3A_535 = tpu.vector_load %get3A_533[%get3A_534] {strides = array<i32>} : memref<512xf32, #tpu.memory_space<vmem>>, vector<16xf32>,
        %get3A_536 = vector.shape_cast %get3A_535 : vector<16xf32> to vector<16xf32>
        %sub3A = arith.subf %get3A_524, %get3A_536 : vector<16xf32>
        %mul3A_537 = arith.mulf %sub3A, %sub3A : vector<16xf32>
        %add3A_538 = arith.addf %scan3A_513, %mul3A_537 : vector<16xf32>
        %scan3A_539 = arith.constant 1 : i32
        %scan3A_540 = arith.addi %scan3A_512, %scan3A_539 : i32
        %mul3A_541 = arith.constant 16 : i32
        %mul3A_542 = arith.muli %scan3A_540, %mul3A_541 : i32
        %get3A_543 = arith.constant 0 : i32
        %get3A_544 = arith.constant 0 : i32
        %get3A_545 = tpu.memref_slice %arg5[%scan3A_333, %get3A_543, %get3A_544] : memref<2x32x512xf32, #tpu.memory_space<vmem>> -> memref<1x32x512xf32, #tpu.memory_space<vmem>>
        %get3A_546 = tpu.memref_squeeze %get3A_545 : memref<1x32x512xf32, #tpu.memory_space<vmem>> -> memref<32x512xf32, #tpu.memory_space<vmem>>
        %get3A_547 = arith.constant 0 : i32
        %get3A_548 = tpu.memref_slice %get3A_546[%scan3A_504, %get3A_547] : memref<32x512xf32, #tpu.memory_space<vmem>> -> memref<1x512xf32, #tpu.memory_space<vmem>>
        %get3A_549 = tpu.memref_squeeze %get3A_548 : memref<1x512xf32, #tpu.memory_space<vmem>> -> memref<512xf32, #tpu.memory_space<vmem>>
        %get3A_550 = arith.index_cast %mul3A_542 : i32 to index
        %get3A_551 = tpu.vector_load %get3A_549[%get3A_550] {strides = array<i32>} : memref<512xf32, #tpu.memory_space<vmem>>, vector<16xf32>,
        %get3A_552 = vector.shape_cast %get3A_551 : vector<16xf32> to vector<16xf32>
        %mul3A_553 = arith.constant 16 : i32
        %mul3A_554 = arith.muli %scan3A_540, %mul3A_553 : i32
        %get3A_555 = arith.constant 0 : i32
        %get3A_556 = arith.constant 0 : i32
        %get3A_557 = tpu.memref_slice %arg6[%scan3A_334, %get3A_555, %get3A_556] : memref<2x32x512xf32, #tpu.memory_space<vmem>> -> memref<1x32x512xf32, #tpu.memory_space<vmem>>
        %get3A_558 = tpu.memref_squeeze %get3A_557 : memref<1x32x512xf32, #tpu.memory_space<vmem>> -> memref<32x512xf32, #tpu.memory_space<vmem>>
        %get3A_559 = arith.constant 0 : i32
        %get3A_560 = tpu.memref_slice %get3A_558[%scan3A_504, %get3A_559] : memref<32x512xf32, #tpu.memory_space<vmem>> -> memref<1x512xf32, #tpu.memory_space<vmem>>
        %get3A_561 = tpu.memref_squeeze %get3A_560 : memref<1x512xf32, #tpu.memory_space<vmem>> -> memref<512xf32, #tpu.memory_space<vmem>>
        %get3A_562 = arith.index_cast %mul3A_554 : i32 to index
        %get3A_563 = tpu.vector_load %get3A_561[%get3A_562] {strides = array<i32>} : memref<512xf32, #tpu.memory_space<vmem>>, vector<16xf32>,
        %get3A_564 = vector.shape_cast %get3A_563 : vector<16xf32> to vector<16xf32>
        %sub3A_565 = arith.subf %get3A_552, %get3A_564 : vector<16xf32>
        %mul3A_566 = arith.mulf %sub3A_565, %sub3A_565 : vector<16xf32>
        %add3A_567 = arith.addf %add3A_538, %mul3A_566 : vector<16xf32>
        %scan3A_568 = arith.constant 2 : i32
        %scan3A_569 = arith.addi %scan3A_512, %scan3A_568 : i32
        %mul3A_570 = arith.constant 16 : i32
        %mul3A_571 = arith.muli %scan3A_569, %mul3A_570 : i32
        %get3A_572 = arith.constant 0 : i32
        %get3A_573 = arith.constant 0 : i32
        %get3A_574 = tpu.memref_slice %arg5[%scan3A_333, %get3A_572, %get3A_573] : memref<2x32x512xf32, #tpu.memory_space<vmem>> -> memref<1x32x512xf32, #tpu.memory_space<vmem>>
        %get3A_575 = tpu.memref_squeeze %get3A_574 : memref<1x32x512xf32, #tpu.memory_space<vmem>> -> memref<32x512xf32, #tpu.memory_space<vmem>>
        %get3A_576 = arith.constant 0 : i32
        %get3A_577 = tpu.memref_slice %get3A_575[%scan3A_504, %get3A_576] : memref<32x512xf32, #tpu.memory_space<vmem>> -> memref<1x512xf32, #tpu.memory_space<vmem>>
        %get3A_578 = tpu.memref_squeeze %get3A_577 : memref<1x512xf32, #tpu.memory_space<vmem>> -> memref<512xf32, #tpu.memory_space<vmem>>
        %get3A_579 = arith.index_cast %mul3A_571 : i32 to index
        %get3A_580 = tpu.vector_load %get3A_578[%get3A_579] {strides = array<i32>} : memref<512xf32, #tpu.memory_space<vmem>>, vector<16xf32>,
        %get3A_581 = vector.shape_cast %get3A_580 : vector<16xf32> to vector<16xf32>
        %mul3A_582 = arith.constant 16 : i32
        %mul3A_583 = arith.muli %scan3A_569, %mul3A_582 : i32
        %get3A_584 = arith.constant 0 : i32
        %get3A_585 = arith.constant 0 : i32
        %get3A_586 = tpu.memref_slice %arg6[%scan3A_334, %get3A_584, %get3A_585] : memref<2x32x512xf32, #tpu.memory_space<vmem>> -> memref<1x32x512xf32, #tpu.memory_space<vmem>>
        %get3A_587 = tpu.memref_squeeze %get3A_586 : memref<1x32x512xf32, #tpu.memory_space<vmem>> -> memref<32x512xf32, #tpu.memory_space<vmem>>
        %get3A_588 = arith.constant 0 : i32
        %get3A_589 = tpu.memref_slice %get3A_587[%scan3A_504, %get3A_588] : memref<32x512xf32, #tpu.memory_space<vmem>> -> memref<1x512xf32, #tpu.memory_space<vmem>>
        %get3A_590 = tpu.memref_squeeze %get3A_589 : memref<1x512xf32, #tpu.memory_space<vmem>> -> memref<512xf32, #tpu.memory_space<vmem>>
        %get3A_591 = arith.index_cast %mul3A_583 : i32 to index
        %get3A_592 = tpu.vector_load %get3A_590[%get3A_591] {strides = array<i32>} : memref<512xf32, #tpu.memory_space<vmem>>, vector<16xf32>,
        %get3A_593 = vector.shape_cast %get3A_592 : vector<16xf32> to vector<16xf32>
        %sub3A_594 = arith.subf %get3A_581, %get3A_593 : vector<16xf32>
        %mul3A_595 = arith.mulf %sub3A_594, %sub3A_594 : vector<16xf32>
        %add3A_596 = arith.addf %add3A_567, %mul3A_595 : vector<16xf32>
        %scan3A_597 = arith.constant 3 : i32
        %scan3A_598 = arith.addi %scan3A_512, %scan3A_597 : i32
        %mul3A_599 = arith.constant 16 : i32
        %mul3A_600 = arith.muli %scan3A_598, %mul3A_599 : i32
        %get3A_601 = arith.constant 0 : i32
        %get3A_602 = arith.constant 0 : i32
        %get3A_603 = tpu.memref_slice %arg5[%scan3A_333, %get3A_601, %get3A_602] : memref<2x32x512xf32, #tpu.memory_space<vmem>> -> memref<1x32x512xf32, #tpu.memory_space<vmem>>
        %get3A_604 = tpu.memref_squeeze %get3A_603 : memref<1x32x512xf32, #tpu.memory_space<vmem>> -> memref<32x512xf32, #tpu.memory_space<vmem>>
        %get3A_605 = arith.constant 0 : i32
        %get3A_606 = tpu.memref_slice %get3A_604[%scan3A_504, %get3A_605] : memref<32x512xf32, #tpu.memory_space<vmem>> -> memref<1x512xf32, #tpu.memory_space<vmem>>
        %get3A_607 = tpu.memref_squeeze %get3A_606 : memref<1x512xf32, #tpu.memory_space<vmem>> -> memref<512xf32, #tpu.memory_space<vmem>>
        %get3A_608 = arith.index_cast %mul3A_600 : i32 to index
        %get3A_609 = tpu.vector_load %get3A_607[%get3A_608] {strides = array<i32>} : memref<512xf32, #tpu.memory_space<vmem>>, vector<16xf32>,
        %get3A_610 = vector.shape_cast %get3A_609 : vector<16xf32> to vector<16xf32>
        %mul3A_611 = arith.constant 16 : i32
        %mul3A_612 = arith.muli %scan3A_598, %mul3A_611 : i32
        %get3A_613 = arith.constant 0 : i32
        %get3A_614 = arith.constant 0 : i32
        %get3A_615 = tpu.memref_slice %arg6[%scan3A_334, %get3A_613, %get3A_614] : memref<2x32x512xf32, #tpu.memory_space<vmem>> -> memref<1x32x512xf32, #tpu.memory_space<vmem>>
        %get3A_616 = tpu.memref_squeeze %get3A_615 : memref<1x32x512xf32, #tpu.memory_space<vmem>> -> memref<32x512xf32, #tpu.memory_space<vmem>>
        %get3A_617 = arith.constant 0 : i32
        %get3A_618 = tpu.memref_slice %get3A_616[%scan3A_504, %get3A_617] : memref<32x512xf32, #tpu.memory_space<vmem>> -> memref<1x512xf32, #tpu.memory_space<vmem>>
        %get3A_619 = tpu.memref_squeeze %get3A_618 : memref<1x512xf32, #tpu.memory_space<vmem>> -> memref<512xf32, #tpu.memory_space<vmem>>
        %get3A_620 = arith.index_cast %mul3A_612 : i32 to index
        %get3A_621 = tpu.vector_load %get3A_619[%get3A_620] {strides = array<i32>} : memref<512xf32, #tpu.memory_space<vmem>>, vector<16xf32>,
        %get3A_622 = vector.shape_cast %get3A_621 : vector<16xf32> to vector<16xf32>
        %sub3A_623 = arith.subf %get3A_610, %get3A_622 : vector<16xf32>
        %mul3A_624 = arith.mulf %sub3A_623, %sub3A_623 : vector<16xf32>
        %add3A_625 = arith.addf %add3A_596, %mul3A_624 : vector<16xf32>
        %scan3A_626 = arith.constant 4 : i32
        %scan3A_627 = arith.addi %scan3A_512, %scan3A_626 : i32
        %mul3A_628 = arith.constant 16 : i32
        %mul3A_629 = arith.muli %scan3A_627, %mul3A_628 : i32
        %get3A_630 = arith.constant 0 : i32
        %get3A_631 = arith.constant 0 : i32
        %get3A_632 = tpu.memref_slice %arg5[%scan3A_333, %get3A_630, %get3A_631] : memref<2x32x512xf32, #tpu.memory_space<vmem>> -> memref<1x32x512xf32, #tpu.memory_space<vmem>>
        %get3A_633 = tpu.memref_squeeze %get3A_632 : memref<1x32x512xf32, #tpu.memory_space<vmem>> -> memref<32x512xf32, #tpu.memory_space<vmem>>
        %get3A_634 = arith.constant 0 : i32
        %get3A_635 = tpu.memref_slice %get3A_633[%scan3A_504, %get3A_634] : memref<32x512xf32, #tpu.memory_space<vmem>> -> memref<1x512xf32, #tpu.memory_space<vmem>>
        %get3A_636 = tpu.memref_squeeze %get3A_635 : memref<1x512xf32, #tpu.memory_space<vmem>> -> memref<512xf32, #tpu.memory_space<vmem>>
        %get3A_637 = arith.index_cast %mul3A_629 : i32 to index
        %get3A_638 = tpu.vector_load %get3A_636[%get3A_637] {strides = array<i32>} : memref<512xf32, #tpu.memory_space<vmem>>, vector<16xf32>,
        %get3A_639 = vector.shape_cast %get3A_638 : vector<16xf32> to vector<16xf32>
        %mul3A_640 = arith.constant 16 : i32
        %mul3A_641 = arith.muli %scan3A_627, %mul3A_640 : i32
        %get3A_642 = arith.constant 0 : i32
        %get3A_643 = arith.constant 0 : i32
        %get3A_644 = tpu.memref_slice %arg6[%scan3A_334, %get3A_642, %get3A_643] : memref<2x32x512xf32, #tpu.memory_space<vmem>> -> memref<1x32x512xf32, #tpu.memory_space<vmem>>
        %get3A_645 = tpu.memref_squeeze %get3A_644 : memref<1x32x512xf32, #tpu.memory_space<vmem>> -> memref<32x512xf32, #tpu.memory_space<vmem>>
        %get3A_646 = arith.constant 0 : i32
        %get3A_647 = tpu.memref_slice %get3A_645[%scan3A_504, %get3A_646] : memref<32x512xf32, #tpu.memory_space<vmem>> -> memref<1x512xf32, #tpu.memory_space<vmem>>
        %get3A_648 = tpu.memref_squeeze %get3A_647 : memref<1x512xf32, #tpu.memory_space<vmem>> -> memref<512xf32, #tpu.memory_space<vmem>>
        %get3A_649 = arith.index_cast %mul3A_641 : i32 to index
        %get3A_650 = tpu.vector_load %get3A_648[%get3A_649] {strides = array<i32>} : memref<512xf32, #tpu.memory_space<vmem>>, vector<16xf32>,
        %get3A_651 = vector.shape_cast %get3A_650 : vector<16xf32> to vector<16xf32>
        %sub3A_652 = arith.subf %get3A_639, %get3A_651 : vector<16xf32>
        %mul3A_653 = arith.mulf %sub3A_652, %sub3A_652 : vector<16xf32>
        %add3A_654 = arith.addf %add3A_625, %mul3A_653 : vector<16xf32>
        %scan3A_655 = arith.constant 5 : i32
        %scan3A_656 = arith.addi %scan3A_512, %scan3A_655 : i32
        %mul3A_657 = arith.constant 16 : i32
        %mul3A_658 = arith.muli %scan3A_656, %mul3A_657 : i32
        %get3A_659 = arith.constant 0 : i32
        %get3A_660 = arith.constant 0 : i32
        %get3A_661 = tpu.memref_slice %arg5[%scan3A_333, %get3A_659, %get3A_660] : memref<2x32x512xf32, #tpu.memory_space<vmem>> -> memref<1x32x512xf32, #tpu.memory_space<vmem>>
        %get3A_662 = tpu.memref_squeeze %get3A_661 : memref<1x32x512xf32, #tpu.memory_space<vmem>> -> memref<32x512xf32, #tpu.memory_space<vmem>>
        %get3A_663 = arith.constant 0 : i32
        %get3A_664 = tpu.memref_slice %get3A_662[%scan3A_504, %get3A_663] : memref<32x512xf32, #tpu.memory_space<vmem>> -> memref<1x512xf32, #tpu.memory_space<vmem>>
        %get3A_665 = tpu.memref_squeeze %get3A_664 : memref<1x512xf32, #tpu.memory_space<vmem>> -> memref<512xf32, #tpu.memory_space<vmem>>
        %get3A_666 = arith.index_cast %mul3A_658 : i32 to index
        %get3A_667 = tpu.vector_load %get3A_665[%get3A_666] {strides = array<i32>} : memref<512xf32, #tpu.memory_space<vmem>>, vector<16xf32>,
        %get3A_668 = vector.shape_cast %get3A_667 : vector<16xf32> to vector<16xf32>
        %mul3A_669 = arith.constant 16 : i32
        %mul3A_670 = arith.muli %scan3A_656, %mul3A_669 : i32
        %get3A_671 = arith.constant 0 : i32
        %get3A_672 = arith.constant 0 : i32
        %get3A_673 = tpu.memref_slice %arg6[%scan3A_334, %get3A_671, %get3A_672] : memref<2x32x512xf32, #tpu.memory_space<vmem>> -> memref<1x32x512xf32, #tpu.memory_space<vmem>>
        %get3A_674 = tpu.memref_squeeze %get3A_673 : memref<1x32x512xf32, #tpu.memory_space<vmem>> -> memref<32x512xf32, #tpu.memory_space<vmem>>
        %get3A_675 = arith.constant 0 : i32
        %get3A_676 = tpu.memref_slice %get3A_674[%scan3A_504, %get3A_675] : memref<32x512xf32, #tpu.memory_space<vmem>> -> memref<1x512xf32, #tpu.memory_space<vmem>>
        %get3A_677 = tpu.memref_squeeze %get3A_676 : memref<1x512xf32, #tpu.memory_space<vmem>> -> memref<512xf32, #tpu.memory_space<vmem>>
        %get3A_678 = arith.index_cast %mul3A_670 : i32 to index
        %get3A_679 = tpu.vector_load %get3A_677[%get3A_678] {strides = array<i32>} : memref<512xf32, #tpu.memory_space<vmem>>, vector<16xf32>,
        %get3A_680 = vector.shape_cast %get3A_679 : vector<16xf32> to vector<16xf32>
        %sub3A_681 = arith.subf %get3A_668, %get3A_680 : vector<16xf32>
        %mul3A_682 = arith.mulf %sub3A_681, %sub3A_681 : vector<16xf32>
        %add3A_683 = arith.addf %add3A_654, %mul3A_682 : vector<16xf32>
        %scan3A_684 = arith.constant 6 : i32
        %scan3A_685 = arith.addi %scan3A_512, %scan3A_684 : i32
        %mul3A_686 = arith.constant 16 : i32
        %mul3A_687 = arith.muli %scan3A_685, %mul3A_686 : i32
        %get3A_688 = arith.constant 0 : i32
        %get3A_689 = arith.constant 0 : i32
        %get3A_690 = tpu.memref_slice %arg5[%scan3A_333, %get3A_688, %get3A_689] : memref<2x32x512xf32, #tpu.memory_space<vmem>> -> memref<1x32x512xf32, #tpu.memory_space<vmem>>
        %get3A_691 = tpu.memref_squeeze %get3A_690 : memref<1x32x512xf32, #tpu.memory_space<vmem>> -> memref<32x512xf32, #tpu.memory_space<vmem>>
        %get3A_692 = arith.constant 0 : i32
        %get3A_693 = tpu.memref_slice %get3A_691[%scan3A_504, %get3A_692] : memref<32x512xf32, #tpu.memory_space<vmem>> -> memref<1x512xf32, #tpu.memory_space<vmem>>
        %get3A_694 = tpu.memref_squeeze %get3A_693 : memref<1x512xf32, #tpu.memory_space<vmem>> -> memref<512xf32, #tpu.memory_space<vmem>>
        %get3A_695 = arith.index_cast %mul3A_687 : i32 to index
        %get3A_696 = tpu.vector_load %get3A_694[%get3A_695] {strides = array<i32>} : memref<512xf32, #tpu.memory_space<vmem>>, vector<16xf32>,
        %get3A_697 = vector.shape_cast %get3A_696 : vector<16xf32> to vector<16xf32>
        %mul3A_698 = arith.constant 16 : i32
        %mul3A_699 = arith.muli %scan3A_685, %mul3A_698 : i32
        %get3A_700 = arith.constant 0 : i32
        %get3A_701 = arith.constant 0 : i32
        %get3A_702 = tpu.memref_slice %arg6[%scan3A_334, %get3A_700, %get3A_701] : memref<2x32x512xf32, #tpu.memory_space<vmem>> -> memref<1x32x512xf32, #tpu.memory_space<vmem>>
        %get3A_703 = tpu.memref_squeeze %get3A_702 : memref<1x32x512xf32, #tpu.memory_space<vmem>> -> memref<32x512xf32, #tpu.memory_space<vmem>>
        %get3A_704 = arith.constant 0 : i32
        %get3A_705 = tpu.memref_slice %get3A_703[%scan3A_504, %get3A_704] : memref<32x512xf32, #tpu.memory_space<vmem>> -> memref<1x512xf32, #tpu.memory_space<vmem>>
        %get3A_706 = tpu.memref_squeeze %get3A_705 : memref<1x512xf32, #tpu.memory_space<vmem>> -> memref<512xf32, #tpu.memory_space<vmem>>
        %get3A_707 = arith.index_cast %mul3A_699 : i32 to index
        %get3A_708 = tpu.vector_load %get3A_706[%get3A_707] {strides = array<i32>} : memref<512xf32, #tpu.memory_space<vmem>>, vector<16xf32>,
        %get3A_709 = vector.shape_cast %get3A_708 : vector<16xf32> to vector<16xf32>
        %sub3A_710 = arith.subf %get3A_697, %get3A_709 : vector<16xf32>
        %mul3A_711 = arith.mulf %sub3A_710, %sub3A_710 : vector<16xf32>
        %add3A_712 = arith.addf %add3A_683, %mul3A_711 : vector<16xf32>
        %scan3A_713 = arith.constant 7 : i32
        %scan3A_714 = arith.addi %scan3A_512, %scan3A_713 : i32
        %mul3A_715 = arith.constant 16 : i32
        %mul3A_716 = arith.muli %scan3A_714, %mul3A_715 : i32
        %get3A_717 = arith.constant 0 : i32
        %get3A_718 = arith.constant 0 : i32
        %get3A_719 = tpu.memref_slice %arg5[%scan3A_333, %get3A_717, %get3A_718] : memref<2x32x512xf32, #tpu.memory_space<vmem>> -> memref<1x32x512xf32, #tpu.memory_space<vmem>>
        %get3A_720 = tpu.memref_squeeze %get3A_719 : memref<1x32x512xf32, #tpu.memory_space<vmem>> -> memref<32x512xf32, #tpu.memory_space<vmem>>
        %get3A_721 = arith.constant 0 : i32
        %get3A_722 = tpu.memref_slice %get3A_720[%scan3A_504, %get3A_721] : memref<32x512xf32, #tpu.memory_space<vmem>> -> memref<1x512xf32, #tpu.memory_space<vmem>>
        %get3A_723 = tpu.memref_squeeze %get3A_722 : memref<1x512xf32, #tpu.memory_space<vmem>> -> memref<512xf32, #tpu.memory_space<vmem>>
        %get3A_724 = arith.index_cast %mul3A_716 : i32 to index
        %get3A_725 = tpu.vector_load %get3A_723[%get3A_724] {strides = array<i32>} : memref<512xf32, #tpu.memory_space<vmem>>, vector<16xf32>,
        %get3A_726 = vector.shape_cast %get3A_725 : vector<16xf32> to vector<16xf32>
        %mul3A_727 = arith.constant 16 : i32
        %mul3A_728 = arith.muli %scan3A_714, %mul3A_727 : i32
        %get3A_729 = arith.constant 0 : i32
        %get3A_730 = arith.constant 0 : i32
        %get3A_731 = tpu.memref_slice %arg6[%scan3A_334, %get3A_729, %get3A_730] : memref<2x32x512xf32, #tpu.memory_space<vmem>> -> memref<1x32x512xf32, #tpu.memory_space<vmem>>
        %get3A_732 = tpu.memref_squeeze %get3A_731 : memref<1x32x512xf32, #tpu.memory_space<vmem>> -> memref<32x512xf32, #tpu.memory_space<vmem>>
        %get3A_733 = arith.constant 0 : i32
        %get3A_734 = tpu.memref_slice %get3A_732[%scan3A_504, %get3A_733] : memref<32x512xf32, #tpu.memory_space<vmem>> -> memref<1x512xf32, #tpu.memory_space<vmem>>
        %get3A_735 = tpu.memref_squeeze %get3A_734 : memref<1x512xf32, #tpu.memory_space<vmem>> -> memref<512xf32, #tpu.memory_space<vmem>>
        %get3A_736 = arith.index_cast %mul3A_728 : i32 to index
        %get3A_737 = tpu.vector_load %get3A_735[%get3A_736] {strides = array<i32>} : memref<512xf32, #tpu.memory_space<vmem>>, vector<16xf32>,
        %get3A_738 = vector.shape_cast %get3A_737 : vector<16xf32> to vector<16xf32>
        %sub3A_739 = arith.subf %get3A_726, %get3A_738 : vector<16xf32>
        %mul3A_740 = arith.mulf %sub3A_739, %sub3A_739 : vector<16xf32>
        %add3A_741 = arith.addf %add3A_712, %mul3A_740 : vector<16xf32>
        scf.yield %add3A_741 : vector<16xf32>
      }
      %scan3A_511 = arith.constant 32 : i32
      scf.yield %scan3A_510 : vector<16xf32>
    }
    %scan3A_340 = arith.constant 32 : i32
    %add3A_341 = arith.constant 192 : i32
    %add3A_342 = arith.addi %add3A_4, %add3A_341 : i32
    %dma_start3A_343 = arith.constant 0 : i32
    %dma_start3A_344 = arith.constant 0 : i32
    %dma_start3A_345 = arith.constant 0 : i32
    %dma_start3A_346 = tpu.memref_slice %arg5[%dma_start3A_343, %dma_start3A_344, %dma_start3A_345] : memref<2x32x512xf32, #tpu.memory_space<vmem>> -> memref<1x32x512xf32, #tpu.memory_space<vmem>>
    %dma_start3A_347 = tpu.memref_squeeze %dma_start3A_346 : memref<1x32x512xf32, #tpu.memory_space<vmem>> -> memref<32x512xf32, #tpu.memory_space<vmem>>
    %dma_start3A_348 = arith.constant 0 : i32
    %dma_start3A_349 = tpu.memref_slice %arg2[%add3A_342, %dma_start3A_348] : memref<24576x512xf32, #tpu.memory_space<hbm>> -> memref<32x512xf32, #tpu.memory_space<hbm>>
    %dma_start3A_350 = arith.constant 0 : i32
    %dma_start3A_351 = arith.constant 0 : i32
    %dma_start3A_352 = tpu.memref_slice %arg5[%dma_start3A_343, %dma_start3A_350, %dma_start3A_351] : memref<2x32x512xf32, #tpu.memory_space<vmem>> -> memref<1x32x512xf32, #tpu.memory_space<vmem>>
    %dma_start3A_353 = tpu.memref_squeeze %dma_start3A_352 : memref<1x32x512xf32, #tpu.memory_space<vmem>> -> memref<32x512xf32, #tpu.memory_space<vmem>>
    %dma_start3A_354 = arith.constant 0 : i32
    %dma_start3A_355 = tpu.memref_slice %arg2[%add3A_342, %dma_start3A_354] : memref<24576x512xf32, #tpu.memory_space<hbm>> -> memref<32x512xf32, #tpu.memory_space<hbm>>
    tpu.enqueue_dma source(%dma_start3A_355 : memref<32x512xf32, #tpu.memory_space<hbm>>) target(%dma_start3A_353 : memref<32x512xf32, #tpu.memory_space<vmem>>) target_semaphore(%arg8 : memref<!tpu.dma_semaphore, #tpu.memory_space<semaphore_mem>>)
    %dma_start3A_356 = arith.constant 0 : i32
    %dma_start3A_357 = arith.constant 0 : i32
    %dma_start3A_358 = arith.constant 0 : i32
    %dma_start3A_359 = tpu.memref_slice %arg6[%dma_start3A_356, %dma_start3A_357, %dma_start3A_358] : memref<2x32x512xf32, #tpu.memory_space<vmem>> -> memref<1x32x512xf32, #tpu.memory_space<vmem>>
    %dma_start3A_360 = tpu.memref_squeeze %dma_start3A_359 : memref<1x32x512xf32, #tpu.memory_space<vmem>> -> memref<32x512xf32, #tpu.memory_space<vmem>>
    %dma_start3A_361 = arith.constant 0 : i32
    %dma_start3A_362 = tpu.memref_slice %arg3[%add3A_342, %dma_start3A_361] : memref<24576x512xf32, #tpu.memory_space<hbm>> -> memref<32x512xf32, #tpu.memory_space<hbm>>
    %dma_start3A_363 = arith.constant 0 : i32
    %dma_start3A_364 = arith.constant 0 : i32
    %dma_start3A_365 = tpu.memref_slice %arg6[%dma_start3A_356, %dma_start3A_363, %dma_start3A_364] : memref<2x32x512xf32, #tpu.memory_space<vmem>> -> memref<1x32x512xf32, #tpu.memory_space<vmem>>
    %dma_start3A_366 = tpu.memref_squeeze %dma_start3A_365 : memref<1x32x512xf32, #tpu.memory_space<vmem>> -> memref<32x512xf32, #tpu.memory_space<vmem>>
    %dma_start3A_367 = arith.constant 0 : i32
    %dma_start3A_368 = tpu.memref_slice %arg3[%add3A_342, %dma_start3A_367] : memref<24576x512xf32, #tpu.memory_space<hbm>> -> memref<32x512xf32, #tpu.memory_space<hbm>>
    tpu.enqueue_dma source(%dma_start3A_368 : memref<32x512xf32, #tpu.memory_space<hbm>>) target(%dma_start3A_366 : memref<32x512xf32, #tpu.memory_space<vmem>>) target_semaphore(%arg10 : memref<!tpu.dma_semaphore, #tpu.memory_space<semaphore_mem>>)
    %dma_wait3A_369 = arith.constant 1 : i32
    %dma_wait3A_370 = arith.constant 0 : i32
    %dma_wait3A_371 = arith.constant 0 : i32
    %dma_wait3A_372 = tpu.memref_slice %arg5[%dma_wait3A_369, %dma_wait3A_370, %dma_wait3A_371] : memref<2x32x512xf32, #tpu.memory_space<vmem>> -> memref<1x32x512xf32, #tpu.memory_space<vmem>>
    %dma_wait3A_373 = tpu.memref_squeeze %dma_wait3A_372 : memref<1x32x512xf32, #tpu.memory_space<vmem>> -> memref<32x512xf32, #tpu.memory_space<vmem>>
    %dma_wait3A_374 = arith.constant 0 : i32
    %dma_wait3A_375 = tpu.memref_slice %arg2[%add3A_280, %dma_wait3A_374] : memref<24576x512xf32, #tpu.memory_space<hbm>> -> memref<32x512xf32, #tpu.memory_space<hbm>>
    %dma_wait3A_376 = arith.constant 0 : i32
    %dma_wait3A_377 = arith.constant 0 : i32
    %dma_wait3A_378 = tpu.memref_slice %arg5[%dma_wait3A_369, %dma_wait3A_376, %dma_wait3A_377] : memref<2x32x512xf32, #tpu.memory_space<vmem>> -> memref<1x32x512xf32, #tpu.memory_space<vmem>>
    %dma_wait3A_379 = tpu.memref_squeeze %dma_wait3A_378 : memref<1x32x512xf32, #tpu.memory_space<vmem>> -> memref<32x512xf32, #tpu.memory_space<vmem>>
    %dma_wait3A_380 = arith.constant 0 : i32
    %dma_wait3A_381 = tpu.memref_slice %arg2[%add3A_280, %dma_wait3A_380] : memref<24576x512xf32, #tpu.memory_space<hbm>> -> memref<32x512xf32, #tpu.memory_space<hbm>>
    tpu.wait_dma2 semaphore(%arg9 : memref<!tpu.dma_semaphore, #tpu.memory_space<semaphore_mem>>) src(%dma_wait3A_381 : memref<32x512xf32, #tpu.memory_space<hbm>>) dst(%dma_wait3A_379 : memref<32x512xf32, #tpu.memory_space<vmem>>)
    %dma_wait3A_382 = arith.constant 1 : i32
    %dma_wait3A_383 = arith.constant 0 : i32
    %dma_wait3A_384 = arith.constant 0 : i32
    %dma_wait3A_385 = tpu.memref_slice %arg6[%dma_wait3A_382, %dma_wait3A_383, %dma_wait3A_384] : memref<2x32x512xf32, #tpu.memory_space<vmem>> -> memref<1x32x512xf32, #tpu.memory_space<vmem>>
    %dma_wait3A_386 = tpu.memref_squeeze %dma_wait3A_385 : memref<1x32x512xf32, #tpu.memory_space<vmem>> -> memref<32x512xf32, #tpu.memory_space<vmem>>
    %dma_wait3A_387 = arith.constant 0 : i32
    %dma_wait3A_388 = tpu.memref_slice %arg3[%add3A_280, %dma_wait3A_387] : memref<24576x512xf32, #tpu.memory_space<hbm>> -> memref<32x512xf32, #tpu.memory_space<hbm>>
    %dma_wait3A_389 = arith.constant 0 : i32
    %dma_wait3A_390 = arith.constant 0 : i32
    %dma_wait3A_391 = tpu.memref_slice %arg6[%dma_wait3A_382, %dma_wait3A_389, %dma_wait3A_390] : memref<2x32x512xf32, #tpu.memory_space<vmem>> -> memref<1x32x512xf32, #tpu.memory_space<vmem>>
    %dma_wait3A_392 = tpu.memref_squeeze %dma_wait3A_391 : memref<1x32x512xf32, #tpu.memory_space<vmem>> -> memref<32x512xf32, #tpu.memory_space<vmem>>
    %dma_wait3A_393 = arith.constant 0 : i32
    %dma_wait3A_394 = tpu.memref_slice %arg3[%add3A_280, %dma_wait3A_393] : memref<24576x512xf32, #tpu.memory_space<hbm>> -> memref<32x512xf32, #tpu.memory_space<hbm>>
    tpu.wait_dma2 semaphore(%arg11 : memref<!tpu.dma_semaphore, #tpu.memory_space<semaphore_mem>>) src(%dma_wait3A_394 : memref<32x512xf32, #tpu.memory_space<hbm>>) dst(%dma_wait3A_392 : memref<32x512xf32, #tpu.memory_space<vmem>>)
    %scan3A_395 = arith.constant 1 : i32
    %scan3A_396 = arith.constant 1 : i32
    %scan3A_397 = arith.constant 0 : i32
    %scan3A_398 = arith.constant 32 : i32
    %scan3A_399 = arith.addi %scan3A_397, %scan3A_398 : i32
    %scan3A_400 = arith.constant 1 : i32
    %scan3A_401 = scf.for %scan3A_504 = %scan3A_397 to %scan3A_399 step %scan3A_400 iter_args(%scan3A_505 = %scan3A_339) -> (vector<16xf32>)  : i32 {
      %scan3A_506 = arith.constant 0 : i32
      %scan3A_507 = arith.constant 32 : i32
      %scan3A_508 = arith.addi %scan3A_506, %scan3A_507 : i32
      %scan3A_509 = arith.constant 8 : i32
      %scan3A_510 = scf.for %scan3A_512 = %scan3A_506 to %scan3A_508 step %scan3A_509 iter_args(%scan3A_513 = %scan3A_505) -> (vector<16xf32>)  : i32 {
        %mul3A_514 = arith.constant 16 : i32
        %mul3A_515 = arith.muli %scan3A_512, %mul3A_514 : i32
        %get3A = arith.constant 0 : i32
        %get3A_516 = arith.constant 0 : i32
        %get3A_517 = tpu.memref_slice %arg5[%scan3A_395, %get3A, %get3A_516] : memref<2x32x512xf32, #tpu.memory_space<vmem>> -> memref<1x32x512xf32, #tpu.memory_space<vmem>>
        %get3A_518 = tpu.memref_squeeze %get3A_517 : memref<1x32x512xf32, #tpu.memory_space<vmem>> -> memref<32x512xf32, #tpu.memory_space<vmem>>
        %get3A_519 = arith.constant 0 : i32
        %get3A_520 = tpu.memref_slice %get3A_518[%scan3A_504, %get3A_519] : memref<32x512xf32, #tpu.memory_space<vmem>> -> memref<1x512xf32, #tpu.memory_space<vmem>>
        %get3A_521 = tpu.memref_squeeze %get3A_520 : memref<1x512xf32, #tpu.memory_space<vmem>> -> memref<512xf32, #tpu.memory_space<vmem>>
        %get3A_522 = arith.index_cast %mul3A_515 : i32 to index
        %get3A_523 = tpu.vector_load %get3A_521[%get3A_522] {strides = array<i32>} : memref<512xf32, #tpu.memory_space<vmem>>, vector<16xf32>,
        %get3A_524 = vector.shape_cast %get3A_523 : vector<16xf32> to vector<16xf32>
        %mul3A_525 = arith.constant 16 : i32
        %mul3A_526 = arith.muli %scan3A_512, %mul3A_525 : i32
        %get3A_527 = arith.constant 0 : i32
        %get3A_528 = arith.constant 0 : i32
        %get3A_529 = tpu.memref_slice %arg6[%scan3A_396, %get3A_527, %get3A_528] : memref<2x32x512xf32, #tpu.memory_space<vmem>> -> memref<1x32x512xf32, #tpu.memory_space<vmem>>
        %get3A_530 = tpu.memref_squeeze %get3A_529 : memref<1x32x512xf32, #tpu.memory_space<vmem>> -> memref<32x512xf32, #tpu.memory_space<vmem>>
        %get3A_531 = arith.constant 0 : i32
        %get3A_532 = tpu.memref_slice %get3A_530[%scan3A_504, %get3A_531] : memref<32x512xf32, #tpu.memory_space<vmem>> -> memref<1x512xf32, #tpu.memory_space<vmem>>
        %get3A_533 = tpu.memref_squeeze %get3A_532 : memref<1x512xf32, #tpu.memory_space<vmem>> -> memref<512xf32, #tpu.memory_space<vmem>>
        %get3A_534 = arith.index_cast %mul3A_526 : i32 to index
        %get3A_535 = tpu.vector_load %get3A_533[%get3A_534] {strides = array<i32>} : memref<512xf32, #tpu.memory_space<vmem>>, vector<16xf32>,
        %get3A_536 = vector.shape_cast %get3A_535 : vector<16xf32> to vector<16xf32>
        %sub3A = arith.subf %get3A_524, %get3A_536 : vector<16xf32>
        %mul3A_537 = arith.mulf %sub3A, %sub3A : vector<16xf32>
        %add3A_538 = arith.addf %scan3A_513, %mul3A_537 : vector<16xf32>
        %scan3A_539 = arith.constant 1 : i32
        %scan3A_540 = arith.addi %scan3A_512, %scan3A_539 : i32
        %mul3A_541 = arith.constant 16 : i32
        %mul3A_542 = arith.muli %scan3A_540, %mul3A_541 : i32
        %get3A_543 = arith.constant 0 : i32
        %get3A_544 = arith.constant 0 : i32
        %get3A_545 = tpu.memref_slice %arg5[%scan3A_395, %get3A_543, %get3A_544] : memref<2x32x512xf32, #tpu.memory_space<vmem>> -> memref<1x32x512xf32, #tpu.memory_space<vmem>>
        %get3A_546 = tpu.memref_squeeze %get3A_545 : memref<1x32x512xf32, #tpu.memory_space<vmem>> -> memref<32x512xf32, #tpu.memory_space<vmem>>
        %get3A_547 = arith.constant 0 : i32
        %get3A_548 = tpu.memref_slice %get3A_546[%scan3A_504, %get3A_547] : memref<32x512xf32, #tpu.memory_space<vmem>> -> memref<1x512xf32, #tpu.memory_space<vmem>>
        %get3A_549 = tpu.memref_squeeze %get3A_548 : memref<1x512xf32, #tpu.memory_space<vmem>> -> memref<512xf32, #tpu.memory_space<vmem>>
        %get3A_550 = arith.index_cast %mul3A_542 : i32 to index
        %get3A_551 = tpu.vector_load %get3A_549[%get3A_550] {strides = array<i32>} : memref<512xf32, #tpu.memory_space<vmem>>, vector<16xf32>,
        %get3A_552 = vector.shape_cast %get3A_551 : vector<16xf32> to vector<16xf32>
        %mul3A_553 = arith.constant 16 : i32
        %mul3A_554 = arith.muli %scan3A_540, %mul3A_553 : i32
        %get3A_555 = arith.constant 0 : i32
        %get3A_556 = arith.constant 0 : i32
        %get3A_557 = tpu.memref_slice %arg6[%scan3A_396, %get3A_555, %get3A_556] : memref<2x32x512xf32, #tpu.memory_space<vmem>> -> memref<1x32x512xf32, #tpu.memory_space<vmem>>
        %get3A_558 = tpu.memref_squeeze %get3A_557 : memref<1x32x512xf32, #tpu.memory_space<vmem>> -> memref<32x512xf32, #tpu.memory_space<vmem>>
        %get3A_559 = arith.constant 0 : i32
        %get3A_560 = tpu.memref_slice %get3A_558[%scan3A_504, %get3A_559] : memref<32x512xf32, #tpu.memory_space<vmem>> -> memref<1x512xf32, #tpu.memory_space<vmem>>
        %get3A_561 = tpu.memref_squeeze %get3A_560 : memref<1x512xf32, #tpu.memory_space<vmem>> -> memref<512xf32, #tpu.memory_space<vmem>>
        %get3A_562 = arith.index_cast %mul3A_554 : i32 to index
        %get3A_563 = tpu.vector_load %get3A_561[%get3A_562] {strides = array<i32>} : memref<512xf32, #tpu.memory_space<vmem>>, vector<16xf32>,
        %get3A_564 = vector.shape_cast %get3A_563 : vector<16xf32> to vector<16xf32>
        %sub3A_565 = arith.subf %get3A_552, %get3A_564 : vector<16xf32>
        %mul3A_566 = arith.mulf %sub3A_565, %sub3A_565 : vector<16xf32>
        %add3A_567 = arith.addf %add3A_538, %mul3A_566 : vector<16xf32>
        %scan3A_568 = arith.constant 2 : i32
        %scan3A_569 = arith.addi %scan3A_512, %scan3A_568 : i32
        %mul3A_570 = arith.constant 16 : i32
        %mul3A_571 = arith.muli %scan3A_569, %mul3A_570 : i32
        %get3A_572 = arith.constant 0 : i32
        %get3A_573 = arith.constant 0 : i32
        %get3A_574 = tpu.memref_slice %arg5[%scan3A_395, %get3A_572, %get3A_573] : memref<2x32x512xf32, #tpu.memory_space<vmem>> -> memref<1x32x512xf32, #tpu.memory_space<vmem>>
        %get3A_575 = tpu.memref_squeeze %get3A_574 : memref<1x32x512xf32, #tpu.memory_space<vmem>> -> memref<32x512xf32, #tpu.memory_space<vmem>>
        %get3A_576 = arith.constant 0 : i32
        %get3A_577 = tpu.memref_slice %get3A_575[%scan3A_504, %get3A_576] : memref<32x512xf32, #tpu.memory_space<vmem>> -> memref<1x512xf32, #tpu.memory_space<vmem>>
        %get3A_578 = tpu.memref_squeeze %get3A_577 : memref<1x512xf32, #tpu.memory_space<vmem>> -> memref<512xf32, #tpu.memory_space<vmem>>
        %get3A_579 = arith.index_cast %mul3A_571 : i32 to index
        %get3A_580 = tpu.vector_load %get3A_578[%get3A_579] {strides = array<i32>} : memref<512xf32, #tpu.memory_space<vmem>>, vector<16xf32>,
        %get3A_581 = vector.shape_cast %get3A_580 : vector<16xf32> to vector<16xf32>
        %mul3A_582 = arith.constant 16 : i32
        %mul3A_583 = arith.muli %scan3A_569, %mul3A_582 : i32
        %get3A_584 = arith.constant 0 : i32
        %get3A_585 = arith.constant 0 : i32
        %get3A_586 = tpu.memref_slice %arg6[%scan3A_396, %get3A_584, %get3A_585] : memref<2x32x512xf32, #tpu.memory_space<vmem>> -> memref<1x32x512xf32, #tpu.memory_space<vmem>>
        %get3A_587 = tpu.memref_squeeze %get3A_586 : memref<1x32x512xf32, #tpu.memory_space<vmem>> -> memref<32x512xf32, #tpu.memory_space<vmem>>
        %get3A_588 = arith.constant 0 : i32
        %get3A_589 = tpu.memref_slice %get3A_587[%scan3A_504, %get3A_588] : memref<32x512xf32, #tpu.memory_space<vmem>> -> memref<1x512xf32, #tpu.memory_space<vmem>>
        %get3A_590 = tpu.memref_squeeze %get3A_589 : memref<1x512xf32, #tpu.memory_space<vmem>> -> memref<512xf32, #tpu.memory_space<vmem>>
        %get3A_591 = arith.index_cast %mul3A_583 : i32 to index
        %get3A_592 = tpu.vector_load %get3A_590[%get3A_591] {strides = array<i32>} : memref<512xf32, #tpu.memory_space<vmem>>, vector<16xf32>,
        %get3A_593 = vector.shape_cast %get3A_592 : vector<16xf32> to vector<16xf32>
        %sub3A_594 = arith.subf %get3A_581, %get3A_593 : vector<16xf32>
        %mul3A_595 = arith.mulf %sub3A_594, %sub3A_594 : vector<16xf32>
        %add3A_596 = arith.addf %add3A_567, %mul3A_595 : vector<16xf32>
        %scan3A_597 = arith.constant 3 : i32
        %scan3A_598 = arith.addi %scan3A_512, %scan3A_597 : i32
        %mul3A_599 = arith.constant 16 : i32
        %mul3A_600 = arith.muli %scan3A_598, %mul3A_599 : i32
        %get3A_601 = arith.constant 0 : i32
        %get3A_602 = arith.constant 0 : i32
        %get3A_603 = tpu.memref_slice %arg5[%scan3A_395, %get3A_601, %get3A_602] : memref<2x32x512xf32, #tpu.memory_space<vmem>> -> memref<1x32x512xf32, #tpu.memory_space<vmem>>
        %get3A_604 = tpu.memref_squeeze %get3A_603 : memref<1x32x512xf32, #tpu.memory_space<vmem>> -> memref<32x512xf32, #tpu.memory_space<vmem>>
        %get3A_605 = arith.constant 0 : i32
        %get3A_606 = tpu.memref_slice %get3A_604[%scan3A_504, %get3A_605] : memref<32x512xf32, #tpu.memory_space<vmem>> -> memref<1x512xf32, #tpu.memory_space<vmem>>
        %get3A_607 = tpu.memref_squeeze %get3A_606 : memref<1x512xf32, #tpu.memory_space<vmem>> -> memref<512xf32, #tpu.memory_space<vmem>>
        %get3A_608 = arith.index_cast %mul3A_600 : i32 to index
        %get3A_609 = tpu.vector_load %get3A_607[%get3A_608] {strides = array<i32>} : memref<512xf32, #tpu.memory_space<vmem>>, vector<16xf32>,
        %get3A_610 = vector.shape_cast %get3A_609 : vector<16xf32> to vector<16xf32>
        %mul3A_611 = arith.constant 16 : i32
        %mul3A_612 = arith.muli %scan3A_598, %mul3A_611 : i32
        %get3A_613 = arith.constant 0 : i32
        %get3A_614 = arith.constant 0 : i32
        %get3A_615 = tpu.memref_slice %arg6[%scan3A_396, %get3A_613, %get3A_614] : memref<2x32x512xf32, #tpu.memory_space<vmem>> -> memref<1x32x512xf32, #tpu.memory_space<vmem>>
        %get3A_616 = tpu.memref_squeeze %get3A_615 : memref<1x32x512xf32, #tpu.memory_space<vmem>> -> memref<32x512xf32, #tpu.memory_space<vmem>>
        %get3A_617 = arith.constant 0 : i32
        %get3A_618 = tpu.memref_slice %get3A_616[%scan3A_504, %get3A_617] : memref<32x512xf32, #tpu.memory_space<vmem>> -> memref<1x512xf32, #tpu.memory_space<vmem>>
        %get3A_619 = tpu.memref_squeeze %get3A_618 : memref<1x512xf32, #tpu.memory_space<vmem>> -> memref<512xf32, #tpu.memory_space<vmem>>
        %get3A_620 = arith.index_cast %mul3A_612 : i32 to index
        %get3A_621 = tpu.vector_load %get3A_619[%get3A_620] {strides = array<i32>} : memref<512xf32, #tpu.memory_space<vmem>>, vector<16xf32>,
        %get3A_622 = vector.shape_cast %get3A_621 : vector<16xf32> to vector<16xf32>
        %sub3A_623 = arith.subf %get3A_610, %get3A_622 : vector<16xf32>
        %mul3A_624 = arith.mulf %sub3A_623, %sub3A_623 : vector<16xf32>
        %add3A_625 = arith.addf %add3A_596, %mul3A_624 : vector<16xf32>
        %scan3A_626 = arith.constant 4 : i32
        %scan3A_627 = arith.addi %scan3A_512, %scan3A_626 : i32
        %mul3A_628 = arith.constant 16 : i32
        %mul3A_629 = arith.muli %scan3A_627, %mul3A_628 : i32
        %get3A_630 = arith.constant 0 : i32
        %get3A_631 = arith.constant 0 : i32
        %get3A_632 = tpu.memref_slice %arg5[%scan3A_395, %get3A_630, %get3A_631] : memref<2x32x512xf32, #tpu.memory_space<vmem>> -> memref<1x32x512xf32, #tpu.memory_space<vmem>>
        %get3A_633 = tpu.memref_squeeze %get3A_632 : memref<1x32x512xf32, #tpu.memory_space<vmem>> -> memref<32x512xf32, #tpu.memory_space<vmem>>
        %get3A_634 = arith.constant 0 : i32
        %get3A_635 = tpu.memref_slice %get3A_633[%scan3A_504, %get3A_634] : memref<32x512xf32, #tpu.memory_space<vmem>> -> memref<1x512xf32, #tpu.memory_space<vmem>>
        %get3A_636 = tpu.memref_squeeze %get3A_635 : memref<1x512xf32, #tpu.memory_space<vmem>> -> memref<512xf32, #tpu.memory_space<vmem>>
        %get3A_637 = arith.index_cast %mul3A_629 : i32 to index
        %get3A_638 = tpu.vector_load %get3A_636[%get3A_637] {strides = array<i32>} : memref<512xf32, #tpu.memory_space<vmem>>, vector<16xf32>,
        %get3A_639 = vector.shape_cast %get3A_638 : vector<16xf32> to vector<16xf32>
        %mul3A_640 = arith.constant 16 : i32
        %mul3A_641 = arith.muli %scan3A_627, %mul3A_640 : i32
        %get3A_642 = arith.constant 0 : i32
        %get3A_643 = arith.constant 0 : i32
        %get3A_644 = tpu.memref_slice %arg6[%scan3A_396, %get3A_642, %get3A_643] : memref<2x32x512xf32, #tpu.memory_space<vmem>> -> memref<1x32x512xf32, #tpu.memory_space<vmem>>
        %get3A_645 = tpu.memref_squeeze %get3A_644 : memref<1x32x512xf32, #tpu.memory_space<vmem>> -> memref<32x512xf32, #tpu.memory_space<vmem>>
        %get3A_646 = arith.constant 0 : i32
        %get3A_647 = tpu.memref_slice %get3A_645[%scan3A_504, %get3A_646] : memref<32x512xf32, #tpu.memory_space<vmem>> -> memref<1x512xf32, #tpu.memory_space<vmem>>
        %get3A_648 = tpu.memref_squeeze %get3A_647 : memref<1x512xf32, #tpu.memory_space<vmem>> -> memref<512xf32, #tpu.memory_space<vmem>>
        %get3A_649 = arith.index_cast %mul3A_641 : i32 to index
        %get3A_650 = tpu.vector_load %get3A_648[%get3A_649] {strides = array<i32>} : memref<512xf32, #tpu.memory_space<vmem>>, vector<16xf32>,
        %get3A_651 = vector.shape_cast %get3A_650 : vector<16xf32> to vector<16xf32>
        %sub3A_652 = arith.subf %get3A_639, %get3A_651 : vector<16xf32>
        %mul3A_653 = arith.mulf %sub3A_652, %sub3A_652 : vector<16xf32>
        %add3A_654 = arith.addf %add3A_625, %mul3A_653 : vector<16xf32>
        %scan3A_655 = arith.constant 5 : i32
        %scan3A_656 = arith.addi %scan3A_512, %scan3A_655 : i32
        %mul3A_657 = arith.constant 16 : i32
        %mul3A_658 = arith.muli %scan3A_656, %mul3A_657 : i32
        %get3A_659 = arith.constant 0 : i32
        %get3A_660 = arith.constant 0 : i32
        %get3A_661 = tpu.memref_slice %arg5[%scan3A_395, %get3A_659, %get3A_660] : memref<2x32x512xf32, #tpu.memory_space<vmem>> -> memref<1x32x512xf32, #tpu.memory_space<vmem>>
        %get3A_662 = tpu.memref_squeeze %get3A_661 : memref<1x32x512xf32, #tpu.memory_space<vmem>> -> memref<32x512xf32, #tpu.memory_space<vmem>>
        %get3A_663 = arith.constant 0 : i32
        %get3A_664 = tpu.memref_slice %get3A_662[%scan3A_504, %get3A_663] : memref<32x512xf32, #tpu.memory_space<vmem>> -> memref<1x512xf32, #tpu.memory_space<vmem>>
        %get3A_665 = tpu.memref_squeeze %get3A_664 : memref<1x512xf32, #tpu.memory_space<vmem>> -> memref<512xf32, #tpu.memory_space<vmem>>
        %get3A_666 = arith.index_cast %mul3A_658 : i32 to index
        %get3A_667 = tpu.vector_load %get3A_665[%get3A_666] {strides = array<i32>} : memref<512xf32, #tpu.memory_space<vmem>>, vector<16xf32>,
        %get3A_668 = vector.shape_cast %get3A_667 : vector<16xf32> to vector<16xf32>
        %mul3A_669 = arith.constant 16 : i32
        %mul3A_670 = arith.muli %scan3A_656, %mul3A_669 : i32
        %get3A_671 = arith.constant 0 : i32
        %get3A_672 = arith.constant 0 : i32
        %get3A_673 = tpu.memref_slice %arg6[%scan3A_396, %get3A_671, %get3A_672] : memref<2x32x512xf32, #tpu.memory_space<vmem>> -> memref<1x32x512xf32, #tpu.memory_space<vmem>>
        %get3A_674 = tpu.memref_squeeze %get3A_673 : memref<1x32x512xf32, #tpu.memory_space<vmem>> -> memref<32x512xf32, #tpu.memory_space<vmem>>
        %get3A_675 = arith.constant 0 : i32
        %get3A_676 = tpu.memref_slice %get3A_674[%scan3A_504, %get3A_675] : memref<32x512xf32, #tpu.memory_space<vmem>> -> memref<1x512xf32, #tpu.memory_space<vmem>>
        %get3A_677 = tpu.memref_squeeze %get3A_676 : memref<1x512xf32, #tpu.memory_space<vmem>> -> memref<512xf32, #tpu.memory_space<vmem>>
        %get3A_678 = arith.index_cast %mul3A_670 : i32 to index
        %get3A_679 = tpu.vector_load %get3A_677[%get3A_678] {strides = array<i32>} : memref<512xf32, #tpu.memory_space<vmem>>, vector<16xf32>,
        %get3A_680 = vector.shape_cast %get3A_679 : vector<16xf32> to vector<16xf32>
        %sub3A_681 = arith.subf %get3A_668, %get3A_680 : vector<16xf32>
        %mul3A_682 = arith.mulf %sub3A_681, %sub3A_681 : vector<16xf32>
        %add3A_683 = arith.addf %add3A_654, %mul3A_682 : vector<16xf32>
        %scan3A_684 = arith.constant 6 : i32
        %scan3A_685 = arith.addi %scan3A_512, %scan3A_684 : i32
        %mul3A_686 = arith.constant 16 : i32
        %mul3A_687 = arith.muli %scan3A_685, %mul3A_686 : i32
        %get3A_688 = arith.constant 0 : i32
        %get3A_689 = arith.constant 0 : i32
        %get3A_690 = tpu.memref_slice %arg5[%scan3A_395, %get3A_688, %get3A_689] : memref<2x32x512xf32, #tpu.memory_space<vmem>> -> memref<1x32x512xf32, #tpu.memory_space<vmem>>
        %get3A_691 = tpu.memref_squeeze %get3A_690 : memref<1x32x512xf32, #tpu.memory_space<vmem>> -> memref<32x512xf32, #tpu.memory_space<vmem>>
        %get3A_692 = arith.constant 0 : i32
        %get3A_693 = tpu.memref_slice %get3A_691[%scan3A_504, %get3A_692] : memref<32x512xf32, #tpu.memory_space<vmem>> -> memref<1x512xf32, #tpu.memory_space<vmem>>
        %get3A_694 = tpu.memref_squeeze %get3A_693 : memref<1x512xf32, #tpu.memory_space<vmem>> -> memref<512xf32, #tpu.memory_space<vmem>>
        %get3A_695 = arith.index_cast %mul3A_687 : i32 to index
        %get3A_696 = tpu.vector_load %get3A_694[%get3A_695] {strides = array<i32>} : memref<512xf32, #tpu.memory_space<vmem>>, vector<16xf32>,
        %get3A_697 = vector.shape_cast %get3A_696 : vector<16xf32> to vector<16xf32>
        %mul3A_698 = arith.constant 16 : i32
        %mul3A_699 = arith.muli %scan3A_685, %mul3A_698 : i32
        %get3A_700 = arith.constant 0 : i32
        %get3A_701 = arith.constant 0 : i32
        %get3A_702 = tpu.memref_slice %arg6[%scan3A_396, %get3A_700, %get3A_701] : memref<2x32x512xf32, #tpu.memory_space<vmem>> -> memref<1x32x512xf32, #tpu.memory_space<vmem>>
        %get3A_703 = tpu.memref_squeeze %get3A_702 : memref<1x32x512xf32, #tpu.memory_space<vmem>> -> memref<32x512xf32, #tpu.memory_space<vmem>>
        %get3A_704 = arith.constant 0 : i32
        %get3A_705 = tpu.memref_slice %get3A_703[%scan3A_504, %get3A_704] : memref<32x512xf32, #tpu.memory_space<vmem>> -> memref<1x512xf32, #tpu.memory_space<vmem>>
        %get3A_706 = tpu.memref_squeeze %get3A_705 : memref<1x512xf32, #tpu.memory_space<vmem>> -> memref<512xf32, #tpu.memory_space<vmem>>
        %get3A_707 = arith.index_cast %mul3A_699 : i32 to index
        %get3A_708 = tpu.vector_load %get3A_706[%get3A_707] {strides = array<i32>} : memref<512xf32, #tpu.memory_space<vmem>>, vector<16xf32>,
        %get3A_709 = vector.shape_cast %get3A_708 : vector<16xf32> to vector<16xf32>
        %sub3A_710 = arith.subf %get3A_697, %get3A_709 : vector<16xf32>
        %mul3A_711 = arith.mulf %sub3A_710, %sub3A_710 : vector<16xf32>
        %add3A_712 = arith.addf %add3A_683, %mul3A_711 : vector<16xf32>
        %scan3A_713 = arith.constant 7 : i32
        %scan3A_714 = arith.addi %scan3A_512, %scan3A_713 : i32
        %mul3A_715 = arith.constant 16 : i32
        %mul3A_716 = arith.muli %scan3A_714, %mul3A_715 : i32
        %get3A_717 = arith.constant 0 : i32
        %get3A_718 = arith.constant 0 : i32
        %get3A_719 = tpu.memref_slice %arg5[%scan3A_395, %get3A_717, %get3A_718] : memref<2x32x512xf32, #tpu.memory_space<vmem>> -> memref<1x32x512xf32, #tpu.memory_space<vmem>>
        %get3A_720 = tpu.memref_squeeze %get3A_719 : memref<1x32x512xf32, #tpu.memory_space<vmem>> -> memref<32x512xf32, #tpu.memory_space<vmem>>
        %get3A_721 = arith.constant 0 : i32
        %get3A_722 = tpu.memref_slice %get3A_720[%scan3A_504, %get3A_721] : memref<32x512xf32, #tpu.memory_space<vmem>> -> memref<1x512xf32, #tpu.memory_space<vmem>>
        %get3A_723 = tpu.memref_squeeze %get3A_722 : memref<1x512xf32, #tpu.memory_space<vmem>> -> memref<512xf32, #tpu.memory_space<vmem>>
        %get3A_724 = arith.index_cast %mul3A_716 : i32 to index
        %get3A_725 = tpu.vector_load %get3A_723[%get3A_724] {strides = array<i32>} : memref<512xf32, #tpu.memory_space<vmem>>, vector<16xf32>,
        %get3A_726 = vector.shape_cast %get3A_725 : vector<16xf32> to vector<16xf32>
        %mul3A_727 = arith.constant 16 : i32
        %mul3A_728 = arith.muli %scan3A_714, %mul3A_727 : i32
        %get3A_729 = arith.constant 0 : i32
        %get3A_730 = arith.constant 0 : i32
        %get3A_731 = tpu.memref_slice %arg6[%scan3A_396, %get3A_729, %get3A_730] : memref<2x32x512xf32, #tpu.memory_space<vmem>> -> memref<1x32x512xf32, #tpu.memory_space<vmem>>
        %get3A_732 = tpu.memref_squeeze %get3A_731 : memref<1x32x512xf32, #tpu.memory_space<vmem>> -> memref<32x512xf32, #tpu.memory_space<vmem>>
        %get3A_733 = arith.constant 0 : i32
        %get3A_734 = tpu.memref_slice %get3A_732[%scan3A_504, %get3A_733] : memref<32x512xf32, #tpu.memory_space<vmem>> -> memref<1x512xf32, #tpu.memory_space<vmem>>
        %get3A_735 = tpu.memref_squeeze %get3A_734 : memref<1x512xf32, #tpu.memory_space<vmem>> -> memref<512xf32, #tpu.memory_space<vmem>>
        %get3A_736 = arith.index_cast %mul3A_728 : i32 to index
        %get3A_737 = tpu.vector_load %get3A_735[%get3A_736] {strides = array<i32>} : memref<512xf32, #tpu.memory_space<vmem>>, vector<16xf32>,
        %get3A_738 = vector.shape_cast %get3A_737 : vector<16xf32> to vector<16xf32>
        %sub3A_739 = arith.subf %get3A_726, %get3A_738 : vector<16xf32>
        %mul3A_740 = arith.mulf %sub3A_739, %sub3A_739 : vector<16xf32>
        %add3A_741 = arith.addf %add3A_712, %mul3A_740 : vector<16xf32>
        scf.yield %add3A_741 : vector<16xf32>
      }
      %scan3A_511 = arith.constant 32 : i32
      scf.yield %scan3A_510 : vector<16xf32>
    }
    %scan3A_402 = arith.constant 32 : i32
    %add3A_403 = arith.constant 224 : i32
    %add3A_404 = arith.addi %add3A_4, %add3A_403 : i32
    %dma_start3A_405 = arith.constant 1 : i32
    %dma_start3A_406 = arith.constant 0 : i32
    %dma_start3A_407 = arith.constant 0 : i32
    %dma_start3A_408 = tpu.memref_slice %arg5[%dma_start3A_405, %dma_start3A_406, %dma_start3A_407] : memref<2x32x512xf32, #tpu.memory_space<vmem>> -> memref<1x32x512xf32, #tpu.memory_space<vmem>>
    %dma_start3A_409 = tpu.memref_squeeze %dma_start3A_408 : memref<1x32x512xf32, #tpu.memory_space<vmem>> -> memref<32x512xf32, #tpu.memory_space<vmem>>
    %dma_start3A_410 = arith.constant 0 : i32
    %dma_start3A_411 = tpu.memref_slice %arg2[%add3A_404, %dma_start3A_410] : memref<24576x512xf32, #tpu.memory_space<hbm>> -> memref<32x512xf32, #tpu.memory_space<hbm>>
    %dma_start3A_412 = arith.constant 0 : i32
    %dma_start3A_413 = arith.constant 0 : i32
    %dma_start3A_414 = tpu.memref_slice %arg5[%dma_start3A_405, %dma_start3A_412, %dma_start3A_413] : memref<2x32x512xf32, #tpu.memory_space<vmem>> -> memref<1x32x512xf32, #tpu.memory_space<vmem>>
    %dma_start3A_415 = tpu.memref_squeeze %dma_start3A_414 : memref<1x32x512xf32, #tpu.memory_space<vmem>> -> memref<32x512xf32, #tpu.memory_space<vmem>>
    %dma_start3A_416 = arith.constant 0 : i32
    %dma_start3A_417 = tpu.memref_slice %arg2[%add3A_404, %dma_start3A_416] : memref<24576x512xf32, #tpu.memory_space<hbm>> -> memref<32x512xf32, #tpu.memory_space<hbm>>
    tpu.enqueue_dma source(%dma_start3A_417 : memref<32x512xf32, #tpu.memory_space<hbm>>) target(%dma_start3A_415 : memref<32x512xf32, #tpu.memory_space<vmem>>) target_semaphore(%arg9 : memref<!tpu.dma_semaphore, #tpu.memory_space<semaphore_mem>>)
    %dma_start3A_418 = arith.constant 1 : i32
    %dma_start3A_419 = arith.constant 0 : i32
    %dma_start3A_420 = arith.constant 0 : i32
    %dma_start3A_421 = tpu.memref_slice %arg6[%dma_start3A_418, %dma_start3A_419, %dma_start3A_420] : memref<2x32x512xf32, #tpu.memory_space<vmem>> -> memref<1x32x512xf32, #tpu.memory_space<vmem>>
    %dma_start3A_422 = tpu.memref_squeeze %dma_start3A_421 : memref<1x32x512xf32, #tpu.memory_space<vmem>> -> memref<32x512xf32, #tpu.memory_space<vmem>>
    %dma_start3A_423 = arith.constant 0 : i32
    %dma_start3A_424 = tpu.memref_slice %arg3[%add3A_404, %dma_start3A_423] : memref<24576x512xf32, #tpu.memory_space<hbm>> -> memref<32x512xf32, #tpu.memory_space<hbm>>
    %dma_start3A_425 = arith.constant 0 : i32
    %dma_start3A_426 = arith.constant 0 : i32
    %dma_start3A_427 = tpu.memref_slice %arg6[%dma_start3A_418, %dma_start3A_425, %dma_start3A_426] : memref<2x32x512xf32, #tpu.memory_space<vmem>> -> memref<1x32x512xf32, #tpu.memory_space<vmem>>
    %dma_start3A_428 = tpu.memref_squeeze %dma_start3A_427 : memref<1x32x512xf32, #tpu.memory_space<vmem>> -> memref<32x512xf32, #tpu.memory_space<vmem>>
    %dma_start3A_429 = arith.constant 0 : i32
    %dma_start3A_430 = tpu.memref_slice %arg3[%add3A_404, %dma_start3A_429] : memref<24576x512xf32, #tpu.memory_space<hbm>> -> memref<32x512xf32, #tpu.memory_space<hbm>>
    tpu.enqueue_dma source(%dma_start3A_430 : memref<32x512xf32, #tpu.memory_space<hbm>>) target(%dma_start3A_428 : memref<32x512xf32, #tpu.memory_space<vmem>>) target_semaphore(%arg11 : memref<!tpu.dma_semaphore, #tpu.memory_space<semaphore_mem>>)
    %dma_wait3A_431 = arith.constant 0 : i32
    %dma_wait3A_432 = arith.constant 0 : i32
    %dma_wait3A_433 = arith.constant 0 : i32
    %dma_wait3A_434 = tpu.memref_slice %arg5[%dma_wait3A_431, %dma_wait3A_432, %dma_wait3A_433] : memref<2x32x512xf32, #tpu.memory_space<vmem>> -> memref<1x32x512xf32, #tpu.memory_space<vmem>>
    %dma_wait3A_435 = tpu.memref_squeeze %dma_wait3A_434 : memref<1x32x512xf32, #tpu.memory_space<vmem>> -> memref<32x512xf32, #tpu.memory_space<vmem>>
    %dma_wait3A_436 = arith.constant 0 : i32
    %dma_wait3A_437 = tpu.memref_slice %arg2[%add3A_342, %dma_wait3A_436] : memref<24576x512xf32, #tpu.memory_space<hbm>> -> memref<32x512xf32, #tpu.memory_space<hbm>>
    %dma_wait3A_438 = arith.constant 0 : i32
    %dma_wait3A_439 = arith.constant 0 : i32
    %dma_wait3A_440 = tpu.memref_slice %arg5[%dma_wait3A_431, %dma_wait3A_438, %dma_wait3A_439] : memref<2x32x512xf32, #tpu.memory_space<vmem>> -> memref<1x32x512xf32, #tpu.memory_space<vmem>>
    %dma_wait3A_441 = tpu.memref_squeeze %dma_wait3A_440 : memref<1x32x512xf32, #tpu.memory_space<vmem>> -> memref<32x512xf32, #tpu.memory_space<vmem>>
    %dma_wait3A_442 = arith.constant 0 : i32
    %dma_wait3A_443 = tpu.memref_slice %arg2[%add3A_342, %dma_wait3A_442] : memref<24576x512xf32, #tpu.memory_space<hbm>> -> memref<32x512xf32, #tpu.memory_space<hbm>>
    tpu.wait_dma2 semaphore(%arg8 : memref<!tpu.dma_semaphore, #tpu.memory_space<semaphore_mem>>) src(%dma_wait3A_443 : memref<32x512xf32, #tpu.memory_space<hbm>>) dst(%dma_wait3A_441 : memref<32x512xf32, #tpu.memory_space<vmem>>)
    %dma_wait3A_444 = arith.constant 0 : i32
    %dma_wait3A_445 = arith.constant 0 : i32
    %dma_wait3A_446 = arith.constant 0 : i32
    %dma_wait3A_447 = tpu.memref_slice %arg6[%dma_wait3A_444, %dma_wait3A_445, %dma_wait3A_446] : memref<2x32x512xf32, #tpu.memory_space<vmem>> -> memref<1x32x512xf32, #tpu.memory_space<vmem>>
    %dma_wait3A_448 = tpu.memref_squeeze %dma_wait3A_447 : memref<1x32x512xf32, #tpu.memory_space<vmem>> -> memref<32x512xf32, #tpu.memory_space<vmem>>
    %dma_wait3A_449 = arith.constant 0 : i32
    %dma_wait3A_450 = tpu.memref_slice %arg3[%add3A_342, %dma_wait3A_449] : memref<24576x512xf32, #tpu.memory_space<hbm>> -> memref<32x512xf32, #tpu.memory_space<hbm>>
    %dma_wait3A_451 = arith.constant 0 : i32
    %dma_wait3A_452 = arith.constant 0 : i32
    %dma_wait3A_453 = tpu.memref_slice %arg6[%dma_wait3A_444, %dma_wait3A_451, %dma_wait3A_452] : memref<2x32x512xf32, #tpu.memory_space<vmem>> -> memref<1x32x512xf32, #tpu.memory_space<vmem>>
    %dma_wait3A_454 = tpu.memref_squeeze %dma_wait3A_453 : memref<1x32x512xf32, #tpu.memory_space<vmem>> -> memref<32x512xf32, #tpu.memory_space<vmem>>
    %dma_wait3A_455 = arith.constant 0 : i32
    %dma_wait3A_456 = tpu.memref_slice %arg3[%add3A_342, %dma_wait3A_455] : memref<24576x512xf32, #tpu.memory_space<hbm>> -> memref<32x512xf32, #tpu.memory_space<hbm>>
    tpu.wait_dma2 semaphore(%arg10 : memref<!tpu.dma_semaphore, #tpu.memory_space<semaphore_mem>>) src(%dma_wait3A_456 : memref<32x512xf32, #tpu.memory_space<hbm>>) dst(%dma_wait3A_454 : memref<32x512xf32, #tpu.memory_space<vmem>>)
    %scan3A_457 = arith.constant 0 : i32
    %scan3A_458 = arith.constant 0 : i32
    %scan3A_459 = arith.constant 0 : i32
    %scan3A_460 = arith.constant 32 : i32
    %scan3A_461 = arith.addi %scan3A_459, %scan3A_460 : i32
    %scan3A_462 = arith.constant 1 : i32
    %scan3A_463 = scf.for %scan3A_504 = %scan3A_459 to %scan3A_461 step %scan3A_462 iter_args(%scan3A_505 = %scan3A_401) -> (vector<16xf32>)  : i32 {
      %scan3A_506 = arith.constant 0 : i32
      %scan3A_507 = arith.constant 32 : i32
      %scan3A_508 = arith.addi %scan3A_506, %scan3A_507 : i32
      %scan3A_509 = arith.constant 8 : i32
      %scan3A_510 = scf.for %scan3A_512 = %scan3A_506 to %scan3A_508 step %scan3A_509 iter_args(%scan3A_513 = %scan3A_505) -> (vector<16xf32>)  : i32 {
        %mul3A_514 = arith.constant 16 : i32
        %mul3A_515 = arith.muli %scan3A_512, %mul3A_514 : i32
        %get3A = arith.constant 0 : i32
        %get3A_516 = arith.constant 0 : i32
        %get3A_517 = tpu.memref_slice %arg5[%scan3A_457, %get3A, %get3A_516] : memref<2x32x512xf32, #tpu.memory_space<vmem>> -> memref<1x32x512xf32, #tpu.memory_space<vmem>>
        %get3A_518 = tpu.memref_squeeze %get3A_517 : memref<1x32x512xf32, #tpu.memory_space<vmem>> -> memref<32x512xf32, #tpu.memory_space<vmem>>
        %get3A_519 = arith.constant 0 : i32
        %get3A_520 = tpu.memref_slice %get3A_518[%scan3A_504, %get3A_519] : memref<32x512xf32, #tpu.memory_space<vmem>> -> memref<1x512xf32, #tpu.memory_space<vmem>>
        %get3A_521 = tpu.memref_squeeze %get3A_520 : memref<1x512xf32, #tpu.memory_space<vmem>> -> memref<512xf32, #tpu.memory_space<vmem>>
        %get3A_522 = arith.index_cast %mul3A_515 : i32 to index
        %get3A_523 = tpu.vector_load %get3A_521[%get3A_522] {strides = array<i32>} : memref<512xf32, #tpu.memory_space<vmem>>, vector<16xf32>,
        %get3A_524 = vector.shape_cast %get3A_523 : vector<16xf32> to vector<16xf32>
        %mul3A_525 = arith.constant 16 : i32
        %mul3A_526 = arith.muli %scan3A_512, %mul3A_525 : i32
        %get3A_527 = arith.constant 0 : i32
        %get3A_528 = arith.constant 0 : i32
        %get3A_529 = tpu.memref_slice %arg6[%scan3A_458, %get3A_527, %get3A_528] : memref<2x32x512xf32, #tpu.memory_space<vmem>> -> memref<1x32x512xf32, #tpu.memory_space<vmem>>
        %get3A_530 = tpu.memref_squeeze %get3A_529 : memref<1x32x512xf32, #tpu.memory_space<vmem>> -> memref<32x512xf32, #tpu.memory_space<vmem>>
        %get3A_531 = arith.constant 0 : i32
        %get3A_532 = tpu.memref_slice %get3A_530[%scan3A_504, %get3A_531] : memref<32x512xf32, #tpu.memory_space<vmem>> -> memref<1x512xf32, #tpu.memory_space<vmem>>
        %get3A_533 = tpu.memref_squeeze %get3A_532 : memref<1x512xf32, #tpu.memory_space<vmem>> -> memref<512xf32, #tpu.memory_space<vmem>>
        %get3A_534 = arith.index_cast %mul3A_526 : i32 to index
        %get3A_535 = tpu.vector_load %get3A_533[%get3A_534] {strides = array<i32>} : memref<512xf32, #tpu.memory_space<vmem>>, vector<16xf32>,
        %get3A_536 = vector.shape_cast %get3A_535 : vector<16xf32> to vector<16xf32>
        %sub3A = arith.subf %get3A_524, %get3A_536 : vector<16xf32>
        %mul3A_537 = arith.mulf %sub3A, %sub3A : vector<16xf32>
        %add3A_538 = arith.addf %scan3A_513, %mul3A_537 : vector<16xf32>
        %scan3A_539 = arith.constant 1 : i32
        %scan3A_540 = arith.addi %scan3A_512, %scan3A_539 : i32
        %mul3A_541 = arith.constant 16 : i32
        %mul3A_542 = arith.muli %scan3A_540, %mul3A_541 : i32
        %get3A_543 = arith.constant 0 : i32
        %get3A_544 = arith.constant 0 : i32
        %get3A_545 = tpu.memref_slice %arg5[%scan3A_457, %get3A_543, %get3A_544] : memref<2x32x512xf32, #tpu.memory_space<vmem>> -> memref<1x32x512xf32, #tpu.memory_space<vmem>>
        %get3A_546 = tpu.memref_squeeze %get3A_545 : memref<1x32x512xf32, #tpu.memory_space<vmem>> -> memref<32x512xf32, #tpu.memory_space<vmem>>
        %get3A_547 = arith.constant 0 : i32
        %get3A_548 = tpu.memref_slice %get3A_546[%scan3A_504, %get3A_547] : memref<32x512xf32, #tpu.memory_space<vmem>> -> memref<1x512xf32, #tpu.memory_space<vmem>>
        %get3A_549 = tpu.memref_squeeze %get3A_548 : memref<1x512xf32, #tpu.memory_space<vmem>> -> memref<512xf32, #tpu.memory_space<vmem>>
        %get3A_550 = arith.index_cast %mul3A_542 : i32 to index
        %get3A_551 = tpu.vector_load %get3A_549[%get3A_550] {strides = array<i32>} : memref<512xf32, #tpu.memory_space<vmem>>, vector<16xf32>,
        %get3A_552 = vector.shape_cast %get3A_551 : vector<16xf32> to vector<16xf32>
        %mul3A_553 = arith.constant 16 : i32
        %mul3A_554 = arith.muli %scan3A_540, %mul3A_553 : i32
        %get3A_555 = arith.constant 0 : i32
        %get3A_556 = arith.constant 0 : i32
        %get3A_557 = tpu.memref_slice %arg6[%scan3A_458, %get3A_555, %get3A_556] : memref<2x32x512xf32, #tpu.memory_space<vmem>> -> memref<1x32x512xf32, #tpu.memory_space<vmem>>
        %get3A_558 = tpu.memref_squeeze %get3A_557 : memref<1x32x512xf32, #tpu.memory_space<vmem>> -> memref<32x512xf32, #tpu.memory_space<vmem>>
        %get3A_559 = arith.constant 0 : i32
        %get3A_560 = tpu.memref_slice %get3A_558[%scan3A_504, %get3A_559] : memref<32x512xf32, #tpu.memory_space<vmem>> -> memref<1x512xf32, #tpu.memory_space<vmem>>
        %get3A_561 = tpu.memref_squeeze %get3A_560 : memref<1x512xf32, #tpu.memory_space<vmem>> -> memref<512xf32, #tpu.memory_space<vmem>>
        %get3A_562 = arith.index_cast %mul3A_554 : i32 to index
        %get3A_563 = tpu.vector_load %get3A_561[%get3A_562] {strides = array<i32>} : memref<512xf32, #tpu.memory_space<vmem>>, vector<16xf32>,
        %get3A_564 = vector.shape_cast %get3A_563 : vector<16xf32> to vector<16xf32>
        %sub3A_565 = arith.subf %get3A_552, %get3A_564 : vector<16xf32>
        %mul3A_566 = arith.mulf %sub3A_565, %sub3A_565 : vector<16xf32>
        %add3A_567 = arith.addf %add3A_538, %mul3A_566 : vector<16xf32>
        %scan3A_568 = arith.constant 2 : i32
        %scan3A_569 = arith.addi %scan3A_512, %scan3A_568 : i32
        %mul3A_570 = arith.constant 16 : i32
        %mul3A_571 = arith.muli %scan3A_569, %mul3A_570 : i32
        %get3A_572 = arith.constant 0 : i32
        %get3A_573 = arith.constant 0 : i32
        %get3A_574 = tpu.memref_slice %arg5[%scan3A_457, %get3A_572, %get3A_573] : memref<2x32x512xf32, #tpu.memory_space<vmem>> -> memref<1x32x512xf32, #tpu.memory_space<vmem>>
        %get3A_575 = tpu.memref_squeeze %get3A_574 : memref<1x32x512xf32, #tpu.memory_space<vmem>> -> memref<32x512xf32, #tpu.memory_space<vmem>>
        %get3A_576 = arith.constant 0 : i32
        %get3A_577 = tpu.memref_slice %get3A_575[%scan3A_504, %get3A_576] : memref<32x512xf32, #tpu.memory_space<vmem>> -> memref<1x512xf32, #tpu.memory_space<vmem>>
        %get3A_578 = tpu.memref_squeeze %get3A_577 : memref<1x512xf32, #tpu.memory_space<vmem>> -> memref<512xf32, #tpu.memory_space<vmem>>
        %get3A_579 = arith.index_cast %mul3A_571 : i32 to index
        %get3A_580 = tpu.vector_load %get3A_578[%get3A_579] {strides = array<i32>} : memref<512xf32, #tpu.memory_space<vmem>>, vector<16xf32>,
        %get3A_581 = vector.shape_cast %get3A_580 : vector<16xf32> to vector<16xf32>
        %mul3A_582 = arith.constant 16 : i32
        %mul3A_583 = arith.muli %scan3A_569, %mul3A_582 : i32
        %get3A_584 = arith.constant 0 : i32
        %get3A_585 = arith.constant 0 : i32
        %get3A_586 = tpu.memref_slice %arg6[%scan3A_458, %get3A_584, %get3A_585] : memref<2x32x512xf32, #tpu.memory_space<vmem>> -> memref<1x32x512xf32, #tpu.memory_space<vmem>>
        %get3A_587 = tpu.memref_squeeze %get3A_586 : memref<1x32x512xf32, #tpu.memory_space<vmem>> -> memref<32x512xf32, #tpu.memory_space<vmem>>
        %get3A_588 = arith.constant 0 : i32
        %get3A_589 = tpu.memref_slice %get3A_587[%scan3A_504, %get3A_588] : memref<32x512xf32, #tpu.memory_space<vmem>> -> memref<1x512xf32, #tpu.memory_space<vmem>>
        %get3A_590 = tpu.memref_squeeze %get3A_589 : memref<1x512xf32, #tpu.memory_space<vmem>> -> memref<512xf32, #tpu.memory_space<vmem>>
        %get3A_591 = arith.index_cast %mul3A_583 : i32 to index
        %get3A_592 = tpu.vector_load %get3A_590[%get3A_591] {strides = array<i32>} : memref<512xf32, #tpu.memory_space<vmem>>, vector<16xf32>,
        %get3A_593 = vector.shape_cast %get3A_592 : vector<16xf32> to vector<16xf32>
        %sub3A_594 = arith.subf %get3A_581, %get3A_593 : vector<16xf32>
        %mul3A_595 = arith.mulf %sub3A_594, %sub3A_594 : vector<16xf32>
        %add3A_596 = arith.addf %add3A_567, %mul3A_595 : vector<16xf32>
        %scan3A_597 = arith.constant 3 : i32
        %scan3A_598 = arith.addi %scan3A_512, %scan3A_597 : i32
        %mul3A_599 = arith.constant 16 : i32
        %mul3A_600 = arith.muli %scan3A_598, %mul3A_599 : i32
        %get3A_601 = arith.constant 0 : i32
        %get3A_602 = arith.constant 0 : i32
        %get3A_603 = tpu.memref_slice %arg5[%scan3A_457, %get3A_601, %get3A_602] : memref<2x32x512xf32, #tpu.memory_space<vmem>> -> memref<1x32x512xf32, #tpu.memory_space<vmem>>
        %get3A_604 = tpu.memref_squeeze %get3A_603 : memref<1x32x512xf32, #tpu.memory_space<vmem>> -> memref<32x512xf32, #tpu.memory_space<vmem>>
        %get3A_605 = arith.constant 0 : i32
        %get3A_606 = tpu.memref_slice %get3A_604[%scan3A_504, %get3A_605] : memref<32x512xf32, #tpu.memory_space<vmem>> -> memref<1x512xf32, #tpu.memory_space<vmem>>
        %get3A_607 = tpu.memref_squeeze %get3A_606 : memref<1x512xf32, #tpu.memory_space<vmem>> -> memref<512xf32, #tpu.memory_space<vmem>>
        %get3A_608 = arith.index_cast %mul3A_600 : i32 to index
        %get3A_609 = tpu.vector_load %get3A_607[%get3A_608] {strides = array<i32>} : memref<512xf32, #tpu.memory_space<vmem>>, vector<16xf32>,
        %get3A_610 = vector.shape_cast %get3A_609 : vector<16xf32> to vector<16xf32>
        %mul3A_611 = arith.constant 16 : i32
        %mul3A_612 = arith.muli %scan3A_598, %mul3A_611 : i32
        %get3A_613 = arith.constant 0 : i32
        %get3A_614 = arith.constant 0 : i32
        %get3A_615 = tpu.memref_slice %arg6[%scan3A_458, %get3A_613, %get3A_614] : memref<2x32x512xf32, #tpu.memory_space<vmem>> -> memref<1x32x512xf32, #tpu.memory_space<vmem>>
        %get3A_616 = tpu.memref_squeeze %get3A_615 : memref<1x32x512xf32, #tpu.memory_space<vmem>> -> memref<32x512xf32, #tpu.memory_space<vmem>>
        %get3A_617 = arith.constant 0 : i32
        %get3A_618 = tpu.memref_slice %get3A_616[%scan3A_504, %get3A_617] : memref<32x512xf32, #tpu.memory_space<vmem>> -> memref<1x512xf32, #tpu.memory_space<vmem>>
        %get3A_619 = tpu.memref_squeeze %get3A_618 : memref<1x512xf32, #tpu.memory_space<vmem>> -> memref<512xf32, #tpu.memory_space<vmem>>
        %get3A_620 = arith.index_cast %mul3A_612 : i32 to index
        %get3A_621 = tpu.vector_load %get3A_619[%get3A_620] {strides = array<i32>} : memref<512xf32, #tpu.memory_space<vmem>>, vector<16xf32>,
        %get3A_622 = vector.shape_cast %get3A_621 : vector<16xf32> to vector<16xf32>
        %sub3A_623 = arith.subf %get3A_610, %get3A_622 : vector<16xf32>
        %mul3A_624 = arith.mulf %sub3A_623, %sub3A_623 : vector<16xf32>
        %add3A_625 = arith.addf %add3A_596, %mul3A_624 : vector<16xf32>
        %scan3A_626 = arith.constant 4 : i32
        %scan3A_627 = arith.addi %scan3A_512, %scan3A_626 : i32
        %mul3A_628 = arith.constant 16 : i32
        %mul3A_629 = arith.muli %scan3A_627, %mul3A_628 : i32
        %get3A_630 = arith.constant 0 : i32
        %get3A_631 = arith.constant 0 : i32
        %get3A_632 = tpu.memref_slice %arg5[%scan3A_457, %get3A_630, %get3A_631] : memref<2x32x512xf32, #tpu.memory_space<vmem>> -> memref<1x32x512xf32, #tpu.memory_space<vmem>>
        %get3A_633 = tpu.memref_squeeze %get3A_632 : memref<1x32x512xf32, #tpu.memory_space<vmem>> -> memref<32x512xf32, #tpu.memory_space<vmem>>
        %get3A_634 = arith.constant 0 : i32
        %get3A_635 = tpu.memref_slice %get3A_633[%scan3A_504, %get3A_634] : memref<32x512xf32, #tpu.memory_space<vmem>> -> memref<1x512xf32, #tpu.memory_space<vmem>>
        %get3A_636 = tpu.memref_squeeze %get3A_635 : memref<1x512xf32, #tpu.memory_space<vmem>> -> memref<512xf32, #tpu.memory_space<vmem>>
        %get3A_637 = arith.index_cast %mul3A_629 : i32 to index
        %get3A_638 = tpu.vector_load %get3A_636[%get3A_637] {strides = array<i32>} : memref<512xf32, #tpu.memory_space<vmem>>, vector<16xf32>,
        %get3A_639 = vector.shape_cast %get3A_638 : vector<16xf32> to vector<16xf32>
        %mul3A_640 = arith.constant 16 : i32
        %mul3A_641 = arith.muli %scan3A_627, %mul3A_640 : i32
        %get3A_642 = arith.constant 0 : i32
        %get3A_643 = arith.constant 0 : i32
        %get3A_644 = tpu.memref_slice %arg6[%scan3A_458, %get3A_642, %get3A_643] : memref<2x32x512xf32, #tpu.memory_space<vmem>> -> memref<1x32x512xf32, #tpu.memory_space<vmem>>
        %get3A_645 = tpu.memref_squeeze %get3A_644 : memref<1x32x512xf32, #tpu.memory_space<vmem>> -> memref<32x512xf32, #tpu.memory_space<vmem>>
        %get3A_646 = arith.constant 0 : i32
        %get3A_647 = tpu.memref_slice %get3A_645[%scan3A_504, %get3A_646] : memref<32x512xf32, #tpu.memory_space<vmem>> -> memref<1x512xf32, #tpu.memory_space<vmem>>
        %get3A_648 = tpu.memref_squeeze %get3A_647 : memref<1x512xf32, #tpu.memory_space<vmem>> -> memref<512xf32, #tpu.memory_space<vmem>>
        %get3A_649 = arith.index_cast %mul3A_641 : i32 to index
        %get3A_650 = tpu.vector_load %get3A_648[%get3A_649] {strides = array<i32>} : memref<512xf32, #tpu.memory_space<vmem>>, vector<16xf32>,
        %get3A_651 = vector.shape_cast %get3A_650 : vector<16xf32> to vector<16xf32>
        %sub3A_652 = arith.subf %get3A_639, %get3A_651 : vector<16xf32>
        %mul3A_653 = arith.mulf %sub3A_652, %sub3A_652 : vector<16xf32>
        %add3A_654 = arith.addf %add3A_625, %mul3A_653 : vector<16xf32>
        %scan3A_655 = arith.constant 5 : i32
        %scan3A_656 = arith.addi %scan3A_512, %scan3A_655 : i32
        %mul3A_657 = arith.constant 16 : i32
        %mul3A_658 = arith.muli %scan3A_656, %mul3A_657 : i32
        %get3A_659 = arith.constant 0 : i32
        %get3A_660 = arith.constant 0 : i32
        %get3A_661 = tpu.memref_slice %arg5[%scan3A_457, %get3A_659, %get3A_660] : memref<2x32x512xf32, #tpu.memory_space<vmem>> -> memref<1x32x512xf32, #tpu.memory_space<vmem>>
        %get3A_662 = tpu.memref_squeeze %get3A_661 : memref<1x32x512xf32, #tpu.memory_space<vmem>> -> memref<32x512xf32, #tpu.memory_space<vmem>>
        %get3A_663 = arith.constant 0 : i32
        %get3A_664 = tpu.memref_slice %get3A_662[%scan3A_504, %get3A_663] : memref<32x512xf32, #tpu.memory_space<vmem>> -> memref<1x512xf32, #tpu.memory_space<vmem>>
        %get3A_665 = tpu.memref_squeeze %get3A_664 : memref<1x512xf32, #tpu.memory_space<vmem>> -> memref<512xf32, #tpu.memory_space<vmem>>
        %get3A_666 = arith.index_cast %mul3A_658 : i32 to index
        %get3A_667 = tpu.vector_load %get3A_665[%get3A_666] {strides = array<i32>} : memref<512xf32, #tpu.memory_space<vmem>>, vector<16xf32>,
        %get3A_668 = vector.shape_cast %get3A_667 : vector<16xf32> to vector<16xf32>
        %mul3A_669 = arith.constant 16 : i32
        %mul3A_670 = arith.muli %scan3A_656, %mul3A_669 : i32
        %get3A_671 = arith.constant 0 : i32
        %get3A_672 = arith.constant 0 : i32
        %get3A_673 = tpu.memref_slice %arg6[%scan3A_458, %get3A_671, %get3A_672] : memref<2x32x512xf32, #tpu.memory_space<vmem>> -> memref<1x32x512xf32, #tpu.memory_space<vmem>>
        %get3A_674 = tpu.memref_squeeze %get3A_673 : memref<1x32x512xf32, #tpu.memory_space<vmem>> -> memref<32x512xf32, #tpu.memory_space<vmem>>
        %get3A_675 = arith.constant 0 : i32
        %get3A_676 = tpu.memref_slice %get3A_674[%scan3A_504, %get3A_675] : memref<32x512xf32, #tpu.memory_space<vmem>> -> memref<1x512xf32, #tpu.memory_space<vmem>>
        %get3A_677 = tpu.memref_squeeze %get3A_676 : memref<1x512xf32, #tpu.memory_space<vmem>> -> memref<512xf32, #tpu.memory_space<vmem>>
        %get3A_678 = arith.index_cast %mul3A_670 : i32 to index
        %get3A_679 = tpu.vector_load %get3A_677[%get3A_678] {strides = array<i32>} : memref<512xf32, #tpu.memory_space<vmem>>, vector<16xf32>,
        %get3A_680 = vector.shape_cast %get3A_679 : vector<16xf32> to vector<16xf32>
        %sub3A_681 = arith.subf %get3A_668, %get3A_680 : vector<16xf32>
        %mul3A_682 = arith.mulf %sub3A_681, %sub3A_681 : vector<16xf32>
        %add3A_683 = arith.addf %add3A_654, %mul3A_682 : vector<16xf32>
        %scan3A_684 = arith.constant 6 : i32
        %scan3A_685 = arith.addi %scan3A_512, %scan3A_684 : i32
        %mul3A_686 = arith.constant 16 : i32
        %mul3A_687 = arith.muli %scan3A_685, %mul3A_686 : i32
        %get3A_688 = arith.constant 0 : i32
        %get3A_689 = arith.constant 0 : i32
        %get3A_690 = tpu.memref_slice %arg5[%scan3A_457, %get3A_688, %get3A_689] : memref<2x32x512xf32, #tpu.memory_space<vmem>> -> memref<1x32x512xf32, #tpu.memory_space<vmem>>
        %get3A_691 = tpu.memref_squeeze %get3A_690 : memref<1x32x512xf32, #tpu.memory_space<vmem>> -> memref<32x512xf32, #tpu.memory_space<vmem>>
        %get3A_692 = arith.constant 0 : i32
        %get3A_693 = tpu.memref_slice %get3A_691[%scan3A_504, %get3A_692] : memref<32x512xf32, #tpu.memory_space<vmem>> -> memref<1x512xf32, #tpu.memory_space<vmem>>
        %get3A_694 = tpu.memref_squeeze %get3A_693 : memref<1x512xf32, #tpu.memory_space<vmem>> -> memref<512xf32, #tpu.memory_space<vmem>>
        %get3A_695 = arith.index_cast %mul3A_687 : i32 to index
        %get3A_696 = tpu.vector_load %get3A_694[%get3A_695] {strides = array<i32>} : memref<512xf32, #tpu.memory_space<vmem>>, vector<16xf32>,
        %get3A_697 = vector.shape_cast %get3A_696 : vector<16xf32> to vector<16xf32>
        %mul3A_698 = arith.constant 16 : i32
        %mul3A_699 = arith.muli %scan3A_685, %mul3A_698 : i32
        %get3A_700 = arith.constant 0 : i32
        %get3A_701 = arith.constant 0 : i32
        %get3A_702 = tpu.memref_slice %arg6[%scan3A_458, %get3A_700, %get3A_701] : memref<2x32x512xf32, #tpu.memory_space<vmem>> -> memref<1x32x512xf32, #tpu.memory_space<vmem>>
        %get3A_703 = tpu.memref_squeeze %get3A_702 : memref<1x32x512xf32, #tpu.memory_space<vmem>> -> memref<32x512xf32, #tpu.memory_space<vmem>>
        %get3A_704 = arith.constant 0 : i32
        %get3A_705 = tpu.memref_slice %get3A_703[%scan3A_504, %get3A_704] : memref<32x512xf32, #tpu.memory_space<vmem>> -> memref<1x512xf32, #tpu.memory_space<vmem>>
        %get3A_706 = tpu.memref_squeeze %get3A_705 : memref<1x512xf32, #tpu.memory_space<vmem>> -> memref<512xf32, #tpu.memory_space<vmem>>
        %get3A_707 = arith.index_cast %mul3A_699 : i32 to index
        %get3A_708 = tpu.vector_load %get3A_706[%get3A_707] {strides = array<i32>} : memref<512xf32, #tpu.memory_space<vmem>>, vector<16xf32>,
        %get3A_709 = vector.shape_cast %get3A_708 : vector<16xf32> to vector<16xf32>
        %sub3A_710 = arith.subf %get3A_697, %get3A_709 : vector<16xf32>
        %mul3A_711 = arith.mulf %sub3A_710, %sub3A_710 : vector<16xf32>
        %add3A_712 = arith.addf %add3A_683, %mul3A_711 : vector<16xf32>
        %scan3A_713 = arith.constant 7 : i32
        %scan3A_714 = arith.addi %scan3A_512, %scan3A_713 : i32
        %mul3A_715 = arith.constant 16 : i32
        %mul3A_716 = arith.muli %scan3A_714, %mul3A_715 : i32
        %get3A_717 = arith.constant 0 : i32
        %get3A_718 = arith.constant 0 : i32
        %get3A_719 = tpu.memref_slice %arg5[%scan3A_457, %get3A_717, %get3A_718] : memref<2x32x512xf32, #tpu.memory_space<vmem>> -> memref<1x32x512xf32, #tpu.memory_space<vmem>>
        %get3A_720 = tpu.memref_squeeze %get3A_719 : memref<1x32x512xf32, #tpu.memory_space<vmem>> -> memref<32x512xf32, #tpu.memory_space<vmem>>
        %get3A_721 = arith.constant 0 : i32
        %get3A_722 = tpu.memref_slice %get3A_720[%scan3A_504, %get3A_721] : memref<32x512xf32, #tpu.memory_space<vmem>> -> memref<1x512xf32, #tpu.memory_space<vmem>>
        %get3A_723 = tpu.memref_squeeze %get3A_722 : memref<1x512xf32, #tpu.memory_space<vmem>> -> memref<512xf32, #tpu.memory_space<vmem>>
        %get3A_724 = arith.index_cast %mul3A_716 : i32 to index
        %get3A_725 = tpu.vector_load %get3A_723[%get3A_724] {strides = array<i32>} : memref<512xf32, #tpu.memory_space<vmem>>, vector<16xf32>,
        %get3A_726 = vector.shape_cast %get3A_725 : vector<16xf32> to vector<16xf32>
        %mul3A_727 = arith.constant 16 : i32
        %mul3A_728 = arith.muli %scan3A_714, %mul3A_727 : i32
        %get3A_729 = arith.constant 0 : i32
        %get3A_730 = arith.constant 0 : i32
        %get3A_731 = tpu.memref_slice %arg6[%scan3A_458, %get3A_729, %get3A_730] : memref<2x32x512xf32, #tpu.memory_space<vmem>> -> memref<1x32x512xf32, #tpu.memory_space<vmem>>
        %get3A_732 = tpu.memref_squeeze %get3A_731 : memref<1x32x512xf32, #tpu.memory_space<vmem>> -> memref<32x512xf32, #tpu.memory_space<vmem>>
        %get3A_733 = arith.constant 0 : i32
        %get3A_734 = tpu.memref_slice %get3A_732[%scan3A_504, %get3A_733] : memref<32x512xf32, #tpu.memory_space<vmem>> -> memref<1x512xf32, #tpu.memory_space<vmem>>
        %get3A_735 = tpu.memref_squeeze %get3A_734 : memref<1x512xf32, #tpu.memory_space<vmem>> -> memref<512xf32, #tpu.memory_space<vmem>>
        %get3A_736 = arith.index_cast %mul3A_728 : i32 to index
        %get3A_737 = tpu.vector_load %get3A_735[%get3A_736] {strides = array<i32>} : memref<512xf32, #tpu.memory_space<vmem>>, vector<16xf32>,
        %get3A_738 = vector.shape_cast %get3A_737 : vector<16xf32> to vector<16xf32>
        %sub3A_739 = arith.subf %get3A_726, %get3A_738 : vector<16xf32>
        %mul3A_740 = arith.mulf %sub3A_739, %sub3A_739 : vector<16xf32>
        %add3A_741 = arith.addf %add3A_712, %mul3A_740 : vector<16xf32>
        scf.yield %add3A_741 : vector<16xf32>
      }
      %scan3A_511 = arith.constant 32 : i32
      scf.yield %scan3A_510 : vector<16xf32>
    }
    %scan3A_464 = arith.constant 32 : i32
    %dma_wait3A_465 = arith.constant 1 : i32
    %dma_wait3A_466 = arith.constant 0 : i32
    %dma_wait3A_467 = arith.constant 0 : i32
    %dma_wait3A_468 = tpu.memref_slice %arg5[%dma_wait3A_465, %dma_wait3A_466, %dma_wait3A_467] : memref<2x32x512xf32, #tpu.memory_space<vmem>> -> memref<1x32x512xf32, #tpu.memory_space<vmem>>
    %dma_wait3A_469 = tpu.memref_squeeze %dma_wait3A_468 : memref<1x32x512xf32, #tpu.memory_space<vmem>> -> memref<32x512xf32, #tpu.memory_space<vmem>>
    %dma_wait3A_470 = arith.constant 0 : i32
    %dma_wait3A_471 = tpu.memref_slice %arg2[%add3A_404, %dma_wait3A_470] : memref<24576x512xf32, #tpu.memory_space<hbm>> -> memref<32x512xf32, #tpu.memory_space<hbm>>
    %dma_wait3A_472 = arith.constant 0 : i32
    %dma_wait3A_473 = arith.constant 0 : i32
    %dma_wait3A_474 = tpu.memref_slice %arg5[%dma_wait3A_465, %dma_wait3A_472, %dma_wait3A_473] : memref<2x32x512xf32, #tpu.memory_space<vmem>> -> memref<1x32x512xf32, #tpu.memory_space<vmem>>
    %dma_wait3A_475 = tpu.memref_squeeze %dma_wait3A_474 : memref<1x32x512xf32, #tpu.memory_space<vmem>> -> memref<32x512xf32, #tpu.memory_space<vmem>>
    %dma_wait3A_476 = arith.constant 0 : i32
    %dma_wait3A_477 = tpu.memref_slice %arg2[%add3A_404, %dma_wait3A_476] : memref<24576x512xf32, #tpu.memory_space<hbm>> -> memref<32x512xf32, #tpu.memory_space<hbm>>
    tpu.wait_dma2 semaphore(%arg9 : memref<!tpu.dma_semaphore, #tpu.memory_space<semaphore_mem>>) src(%dma_wait3A_477 : memref<32x512xf32, #tpu.memory_space<hbm>>) dst(%dma_wait3A_475 : memref<32x512xf32, #tpu.memory_space<vmem>>)
    %dma_wait3A_478 = arith.constant 1 : i32
    %dma_wait3A_479 = arith.constant 0 : i32
    %dma_wait3A_480 = arith.constant 0 : i32
    %dma_wait3A_481 = tpu.memref_slice %arg6[%dma_wait3A_478, %dma_wait3A_479, %dma_wait3A_480] : memref<2x32x512xf32, #tpu.memory_space<vmem>> -> memref<1x32x512xf32, #tpu.memory_space<vmem>>
    %dma_wait3A_482 = tpu.memref_squeeze %dma_wait3A_481 : memref<1x32x512xf32, #tpu.memory_space<vmem>> -> memref<32x512xf32, #tpu.memory_space<vmem>>
    %dma_wait3A_483 = arith.constant 0 : i32
    %dma_wait3A_484 = tpu.memref_slice %arg3[%add3A_404, %dma_wait3A_483] : memref<24576x512xf32, #tpu.memory_space<hbm>> -> memref<32x512xf32, #tpu.memory_space<hbm>>
    %dma_wait3A_485 = arith.constant 0 : i32
    %dma_wait3A_486 = arith.constant 0 : i32
    %dma_wait3A_487 = tpu.memref_slice %arg6[%dma_wait3A_478, %dma_wait3A_485, %dma_wait3A_486] : memref<2x32x512xf32, #tpu.memory_space<vmem>> -> memref<1x32x512xf32, #tpu.memory_space<vmem>>
    %dma_wait3A_488 = tpu.memref_squeeze %dma_wait3A_487 : memref<1x32x512xf32, #tpu.memory_space<vmem>> -> memref<32x512xf32, #tpu.memory_space<vmem>>
    %dma_wait3A_489 = arith.constant 0 : i32
    %dma_wait3A_490 = tpu.memref_slice %arg3[%add3A_404, %dma_wait3A_489] : memref<24576x512xf32, #tpu.memory_space<hbm>> -> memref<32x512xf32, #tpu.memory_space<hbm>>
    tpu.wait_dma2 semaphore(%arg11 : memref<!tpu.dma_semaphore, #tpu.memory_space<semaphore_mem>>) src(%dma_wait3A_490 : memref<32x512xf32, #tpu.memory_space<hbm>>) dst(%dma_wait3A_488 : memref<32x512xf32, #tpu.memory_space<vmem>>)
    %scan3A_491 = arith.constant 1 : i32
    %scan3A_492 = arith.constant 1 : i32
    %scan3A_493 = arith.constant 0 : i32
    %scan3A_494 = arith.constant 32 : i32
    %scan3A_495 = arith.addi %scan3A_493, %scan3A_494 : i32
    %scan3A_496 = arith.constant 1 : i32
    %scan3A_497 = scf.for %scan3A_504 = %scan3A_493 to %scan3A_495 step %scan3A_496 iter_args(%scan3A_505 = %scan3A_463) -> (vector<16xf32>)  : i32 {
      %scan3A_506 = arith.constant 0 : i32
      %scan3A_507 = arith.constant 32 : i32
      %scan3A_508 = arith.addi %scan3A_506, %scan3A_507 : i32
      %scan3A_509 = arith.constant 8 : i32
      %scan3A_510 = scf.for %scan3A_512 = %scan3A_506 to %scan3A_508 step %scan3A_509 iter_args(%scan3A_513 = %scan3A_505) -> (vector<16xf32>)  : i32 {
        %mul3A_514 = arith.constant 16 : i32
        %mul3A_515 = arith.muli %scan3A_512, %mul3A_514 : i32
        %get3A = arith.constant 0 : i32
        %get3A_516 = arith.constant 0 : i32
        %get3A_517 = tpu.memref_slice %arg5[%scan3A_491, %get3A, %get3A_516] : memref<2x32x512xf32, #tpu.memory_space<vmem>> -> memref<1x32x512xf32, #tpu.memory_space<vmem>>
        %get3A_518 = tpu.memref_squeeze %get3A_517 : memref<1x32x512xf32, #tpu.memory_space<vmem>> -> memref<32x512xf32, #tpu.memory_space<vmem>>
        %get3A_519 = arith.constant 0 : i32
        %get3A_520 = tpu.memref_slice %get3A_518[%scan3A_504, %get3A_519] : memref<32x512xf32, #tpu.memory_space<vmem>> -> memref<1x512xf32, #tpu.memory_space<vmem>>
        %get3A_521 = tpu.memref_squeeze %get3A_520 : memref<1x512xf32, #tpu.memory_space<vmem>> -> memref<512xf32, #tpu.memory_space<vmem>>
        %get3A_522 = arith.index_cast %mul3A_515 : i32 to index
        %get3A_523 = tpu.vector_load %get3A_521[%get3A_522] {strides = array<i32>} : memref<512xf32, #tpu.memory_space<vmem>>, vector<16xf32>,
        %get3A_524 = vector.shape_cast %get3A_523 : vector<16xf32> to vector<16xf32>
        %mul3A_525 = arith.constant 16 : i32
        %mul3A_526 = arith.muli %scan3A_512, %mul3A_525 : i32
        %get3A_527 = arith.constant 0 : i32
        %get3A_528 = arith.constant 0 : i32
        %get3A_529 = tpu.memref_slice %arg6[%scan3A_492, %get3A_527, %get3A_528] : memref<2x32x512xf32, #tpu.memory_space<vmem>> -> memref<1x32x512xf32, #tpu.memory_space<vmem>>
        %get3A_530 = tpu.memref_squeeze %get3A_529 : memref<1x32x512xf32, #tpu.memory_space<vmem>> -> memref<32x512xf32, #tpu.memory_space<vmem>>
        %get3A_531 = arith.constant 0 : i32
        %get3A_532 = tpu.memref_slice %get3A_530[%scan3A_504, %get3A_531] : memref<32x512xf32, #tpu.memory_space<vmem>> -> memref<1x512xf32, #tpu.memory_space<vmem>>
        %get3A_533 = tpu.memref_squeeze %get3A_532 : memref<1x512xf32, #tpu.memory_space<vmem>> -> memref<512xf32, #tpu.memory_space<vmem>>
        %get3A_534 = arith.index_cast %mul3A_526 : i32 to index
        %get3A_535 = tpu.vector_load %get3A_533[%get3A_534] {strides = array<i32>} : memref<512xf32, #tpu.memory_space<vmem>>, vector<16xf32>,
        %get3A_536 = vector.shape_cast %get3A_535 : vector<16xf32> to vector<16xf32>
        %sub3A = arith.subf %get3A_524, %get3A_536 : vector<16xf32>
        %mul3A_537 = arith.mulf %sub3A, %sub3A : vector<16xf32>
        %add3A_538 = arith.addf %scan3A_513, %mul3A_537 : vector<16xf32>
        %scan3A_539 = arith.constant 1 : i32
        %scan3A_540 = arith.addi %scan3A_512, %scan3A_539 : i32
        %mul3A_541 = arith.constant 16 : i32
        %mul3A_542 = arith.muli %scan3A_540, %mul3A_541 : i32
        %get3A_543 = arith.constant 0 : i32
        %get3A_544 = arith.constant 0 : i32
        %get3A_545 = tpu.memref_slice %arg5[%scan3A_491, %get3A_543, %get3A_544] : memref<2x32x512xf32, #tpu.memory_space<vmem>> -> memref<1x32x512xf32, #tpu.memory_space<vmem>>
        %get3A_546 = tpu.memref_squeeze %get3A_545 : memref<1x32x512xf32, #tpu.memory_space<vmem>> -> memref<32x512xf32, #tpu.memory_space<vmem>>
        %get3A_547 = arith.constant 0 : i32
        %get3A_548 = tpu.memref_slice %get3A_546[%scan3A_504, %get3A_547] : memref<32x512xf32, #tpu.memory_space<vmem>> -> memref<1x512xf32, #tpu.memory_space<vmem>>
        %get3A_549 = tpu.memref_squeeze %get3A_548 : memref<1x512xf32, #tpu.memory_space<vmem>> -> memref<512xf32, #tpu.memory_space<vmem>>
        %get3A_550 = arith.index_cast %mul3A_542 : i32 to index
        %get3A_551 = tpu.vector_load %get3A_549[%get3A_550] {strides = array<i32>} : memref<512xf32, #tpu.memory_space<vmem>>, vector<16xf32>,
        %get3A_552 = vector.shape_cast %get3A_551 : vector<16xf32> to vector<16xf32>
        %mul3A_553 = arith.constant 16 : i32
        %mul3A_554 = arith.muli %scan3A_540, %mul3A_553 : i32
        %get3A_555 = arith.constant 0 : i32
        %get3A_556 = arith.constant 0 : i32
        %get3A_557 = tpu.memref_slice %arg6[%scan3A_492, %get3A_555, %get3A_556] : memref<2x32x512xf32, #tpu.memory_space<vmem>> -> memref<1x32x512xf32, #tpu.memory_space<vmem>>
        %get3A_558 = tpu.memref_squeeze %get3A_557 : memref<1x32x512xf32, #tpu.memory_space<vmem>> -> memref<32x512xf32, #tpu.memory_space<vmem>>
        %get3A_559 = arith.constant 0 : i32
        %get3A_560 = tpu.memref_slice %get3A_558[%scan3A_504, %get3A_559] : memref<32x512xf32, #tpu.memory_space<vmem>> -> memref<1x512xf32, #tpu.memory_space<vmem>>
        %get3A_561 = tpu.memref_squeeze %get3A_560 : memref<1x512xf32, #tpu.memory_space<vmem>> -> memref<512xf32, #tpu.memory_space<vmem>>
        %get3A_562 = arith.index_cast %mul3A_554 : i32 to index
        %get3A_563 = tpu.vector_load %get3A_561[%get3A_562] {strides = array<i32>} : memref<512xf32, #tpu.memory_space<vmem>>, vector<16xf32>,
        %get3A_564 = vector.shape_cast %get3A_563 : vector<16xf32> to vector<16xf32>
        %sub3A_565 = arith.subf %get3A_552, %get3A_564 : vector<16xf32>
        %mul3A_566 = arith.mulf %sub3A_565, %sub3A_565 : vector<16xf32>
        %add3A_567 = arith.addf %add3A_538, %mul3A_566 : vector<16xf32>
        %scan3A_568 = arith.constant 2 : i32
        %scan3A_569 = arith.addi %scan3A_512, %scan3A_568 : i32
        %mul3A_570 = arith.constant 16 : i32
        %mul3A_571 = arith.muli %scan3A_569, %mul3A_570 : i32
        %get3A_572 = arith.constant 0 : i32
        %get3A_573 = arith.constant 0 : i32
        %get3A_574 = tpu.memref_slice %arg5[%scan3A_491, %get3A_572, %get3A_573] : memref<2x32x512xf32, #tpu.memory_space<vmem>> -> memref<1x32x512xf32, #tpu.memory_space<vmem>>
        %get3A_575 = tpu.memref_squeeze %get3A_574 : memref<1x32x512xf32, #tpu.memory_space<vmem>> -> memref<32x512xf32, #tpu.memory_space<vmem>>
        %get3A_576 = arith.constant 0 : i32
        %get3A_577 = tpu.memref_slice %get3A_575[%scan3A_504, %get3A_576] : memref<32x512xf32, #tpu.memory_space<vmem>> -> memref<1x512xf32, #tpu.memory_space<vmem>>
        %get3A_578 = tpu.memref_squeeze %get3A_577 : memref<1x512xf32, #tpu.memory_space<vmem>> -> memref<512xf32, #tpu.memory_space<vmem>>
        %get3A_579 = arith.index_cast %mul3A_571 : i32 to index
        %get3A_580 = tpu.vector_load %get3A_578[%get3A_579] {strides = array<i32>} : memref<512xf32, #tpu.memory_space<vmem>>, vector<16xf32>,
        %get3A_581 = vector.shape_cast %get3A_580 : vector<16xf32> to vector<16xf32>
        %mul3A_582 = arith.constant 16 : i32
        %mul3A_583 = arith.muli %scan3A_569, %mul3A_582 : i32
        %get3A_584 = arith.constant 0 : i32
        %get3A_585 = arith.constant 0 : i32
        %get3A_586 = tpu.memref_slice %arg6[%scan3A_492, %get3A_584, %get3A_585] : memref<2x32x512xf32, #tpu.memory_space<vmem>> -> memref<1x32x512xf32, #tpu.memory_space<vmem>>
        %get3A_587 = tpu.memref_squeeze %get3A_586 : memref<1x32x512xf32, #tpu.memory_space<vmem>> -> memref<32x512xf32, #tpu.memory_space<vmem>>
        %get3A_588 = arith.constant 0 : i32
        %get3A_589 = tpu.memref_slice %get3A_587[%scan3A_504, %get3A_588] : memref<32x512xf32, #tpu.memory_space<vmem>> -> memref<1x512xf32, #tpu.memory_space<vmem>>
        %get3A_590 = tpu.memref_squeeze %get3A_589 : memref<1x512xf32, #tpu.memory_space<vmem>> -> memref<512xf32, #tpu.memory_space<vmem>>
        %get3A_591 = arith.index_cast %mul3A_583 : i32 to index
        %get3A_592 = tpu.vector_load %get3A_590[%get3A_591] {strides = array<i32>} : memref<512xf32, #tpu.memory_space<vmem>>, vector<16xf32>,
        %get3A_593 = vector.shape_cast %get3A_592 : vector<16xf32> to vector<16xf32>
        %sub3A_594 = arith.subf %get3A_581, %get3A_593 : vector<16xf32>
        %mul3A_595 = arith.mulf %sub3A_594, %sub3A_594 : vector<16xf32>
        %add3A_596 = arith.addf %add3A_567, %mul3A_595 : vector<16xf32>
        %scan3A_597 = arith.constant 3 : i32
        %scan3A_598 = arith.addi %scan3A_512, %scan3A_597 : i32
        %mul3A_599 = arith.constant 16 : i32
        %mul3A_600 = arith.muli %scan3A_598, %mul3A_599 : i32
        %get3A_601 = arith.constant 0 : i32
        %get3A_602 = arith.constant 0 : i32
        %get3A_603 = tpu.memref_slice %arg5[%scan3A_491, %get3A_601, %get3A_602] : memref<2x32x512xf32, #tpu.memory_space<vmem>> -> memref<1x32x512xf32, #tpu.memory_space<vmem>>
        %get3A_604 = tpu.memref_squeeze %get3A_603 : memref<1x32x512xf32, #tpu.memory_space<vmem>> -> memref<32x512xf32, #tpu.memory_space<vmem>>
        %get3A_605 = arith.constant 0 : i32
        %get3A_606 = tpu.memref_slice %get3A_604[%scan3A_504, %get3A_605] : memref<32x512xf32, #tpu.memory_space<vmem>> -> memref<1x512xf32, #tpu.memory_space<vmem>>
        %get3A_607 = tpu.memref_squeeze %get3A_606 : memref<1x512xf32, #tpu.memory_space<vmem>> -> memref<512xf32, #tpu.memory_space<vmem>>
        %get3A_608 = arith.index_cast %mul3A_600 : i32 to index
        %get3A_609 = tpu.vector_load %get3A_607[%get3A_608] {strides = array<i32>} : memref<512xf32, #tpu.memory_space<vmem>>, vector<16xf32>,
        %get3A_610 = vector.shape_cast %get3A_609 : vector<16xf32> to vector<16xf32>
        %mul3A_611 = arith.constant 16 : i32
        %mul3A_612 = arith.muli %scan3A_598, %mul3A_611 : i32
        %get3A_613 = arith.constant 0 : i32
        %get3A_614 = arith.constant 0 : i32
        %get3A_615 = tpu.memref_slice %arg6[%scan3A_492, %get3A_613, %get3A_614] : memref<2x32x512xf32, #tpu.memory_space<vmem>> -> memref<1x32x512xf32, #tpu.memory_space<vmem>>
        %get3A_616 = tpu.memref_squeeze %get3A_615 : memref<1x32x512xf32, #tpu.memory_space<vmem>> -> memref<32x512xf32, #tpu.memory_space<vmem>>
        %get3A_617 = arith.constant 0 : i32
        %get3A_618 = tpu.memref_slice %get3A_616[%scan3A_504, %get3A_617] : memref<32x512xf32, #tpu.memory_space<vmem>> -> memref<1x512xf32, #tpu.memory_space<vmem>>
        %get3A_619 = tpu.memref_squeeze %get3A_618 : memref<1x512xf32, #tpu.memory_space<vmem>> -> memref<512xf32, #tpu.memory_space<vmem>>
        %get3A_620 = arith.index_cast %mul3A_612 : i32 to index
        %get3A_621 = tpu.vector_load %get3A_619[%get3A_620] {strides = array<i32>} : memref<512xf32, #tpu.memory_space<vmem>>, vector<16xf32>,
        %get3A_622 = vector.shape_cast %get3A_621 : vector<16xf32> to vector<16xf32>
        %sub3A_623 = arith.subf %get3A_610, %get3A_622 : vector<16xf32>
        %mul3A_624 = arith.mulf %sub3A_623, %sub3A_623 : vector<16xf32>
        %add3A_625 = arith.addf %add3A_596, %mul3A_624 : vector<16xf32>
        %scan3A_626 = arith.constant 4 : i32
        %scan3A_627 = arith.addi %scan3A_512, %scan3A_626 : i32
        %mul3A_628 = arith.constant 16 : i32
        %mul3A_629 = arith.muli %scan3A_627, %mul3A_628 : i32
        %get3A_630 = arith.constant 0 : i32
        %get3A_631 = arith.constant 0 : i32
        %get3A_632 = tpu.memref_slice %arg5[%scan3A_491, %get3A_630, %get3A_631] : memref<2x32x512xf32, #tpu.memory_space<vmem>> -> memref<1x32x512xf32, #tpu.memory_space<vmem>>
        %get3A_633 = tpu.memref_squeeze %get3A_632 : memref<1x32x512xf32, #tpu.memory_space<vmem>> -> memref<32x512xf32, #tpu.memory_space<vmem>>
        %get3A_634 = arith.constant 0 : i32
        %get3A_635 = tpu.memref_slice %get3A_633[%scan3A_504, %get3A_634] : memref<32x512xf32, #tpu.memory_space<vmem>> -> memref<1x512xf32, #tpu.memory_space<vmem>>
        %get3A_636 = tpu.memref_squeeze %get3A_635 : memref<1x512xf32, #tpu.memory_space<vmem>> -> memref<512xf32, #tpu.memory_space<vmem>>
        %get3A_637 = arith.index_cast %mul3A_629 : i32 to index
        %get3A_638 = tpu.vector_load %get3A_636[%get3A_637] {strides = array<i32>} : memref<512xf32, #tpu.memory_space<vmem>>, vector<16xf32>,
        %get3A_639 = vector.shape_cast %get3A_638 : vector<16xf32> to vector<16xf32>
        %mul3A_640 = arith.constant 16 : i32
        %mul3A_641 = arith.muli %scan3A_627, %mul3A_640 : i32
        %get3A_642 = arith.constant 0 : i32
        %get3A_643 = arith.constant 0 : i32
        %get3A_644 = tpu.memref_slice %arg6[%scan3A_492, %get3A_642, %get3A_643] : memref<2x32x512xf32, #tpu.memory_space<vmem>> -> memref<1x32x512xf32, #tpu.memory_space<vmem>>
        %get3A_645 = tpu.memref_squeeze %get3A_644 : memref<1x32x512xf32, #tpu.memory_space<vmem>> -> memref<32x512xf32, #tpu.memory_space<vmem>>
        %get3A_646 = arith.constant 0 : i32
        %get3A_647 = tpu.memref_slice %get3A_645[%scan3A_504, %get3A_646] : memref<32x512xf32, #tpu.memory_space<vmem>> -> memref<1x512xf32, #tpu.memory_space<vmem>>
        %get3A_648 = tpu.memref_squeeze %get3A_647 : memref<1x512xf32, #tpu.memory_space<vmem>> -> memref<512xf32, #tpu.memory_space<vmem>>
        %get3A_649 = arith.index_cast %mul3A_641 : i32 to index
        %get3A_650 = tpu.vector_load %get3A_648[%get3A_649] {strides = array<i32>} : memref<512xf32, #tpu.memory_space<vmem>>, vector<16xf32>,
        %get3A_651 = vector.shape_cast %get3A_650 : vector<16xf32> to vector<16xf32>
        %sub3A_652 = arith.subf %get3A_639, %get3A_651 : vector<16xf32>
        %mul3A_653 = arith.mulf %sub3A_652, %sub3A_652 : vector<16xf32>
        %add3A_654 = arith.addf %add3A_625, %mul3A_653 : vector<16xf32>
        %scan3A_655 = arith.constant 5 : i32
        %scan3A_656 = arith.addi %scan3A_512, %scan3A_655 : i32
        %mul3A_657 = arith.constant 16 : i32
        %mul3A_658 = arith.muli %scan3A_656, %mul3A_657 : i32
        %get3A_659 = arith.constant 0 : i32
        %get3A_660 = arith.constant 0 : i32
        %get3A_661 = tpu.memref_slice %arg5[%scan3A_491, %get3A_659, %get3A_660] : memref<2x32x512xf32, #tpu.memory_space<vmem>> -> memref<1x32x512xf32, #tpu.memory_space<vmem>>
        %get3A_662 = tpu.memref_squeeze %get3A_661 : memref<1x32x512xf32, #tpu.memory_space<vmem>> -> memref<32x512xf32, #tpu.memory_space<vmem>>
        %get3A_663 = arith.constant 0 : i32
        %get3A_664 = tpu.memref_slice %get3A_662[%scan3A_504, %get3A_663] : memref<32x512xf32, #tpu.memory_space<vmem>> -> memref<1x512xf32, #tpu.memory_space<vmem>>
        %get3A_665 = tpu.memref_squeeze %get3A_664 : memref<1x512xf32, #tpu.memory_space<vmem>> -> memref<512xf32, #tpu.memory_space<vmem>>
        %get3A_666 = arith.index_cast %mul3A_658 : i32 to index
        %get3A_667 = tpu.vector_load %get3A_665[%get3A_666] {strides = array<i32>} : memref<512xf32, #tpu.memory_space<vmem>>, vector<16xf32>,
        %get3A_668 = vector.shape_cast %get3A_667 : vector<16xf32> to vector<16xf32>
        %mul3A_669 = arith.constant 16 : i32
        %mul3A_670 = arith.muli %scan3A_656, %mul3A_669 : i32
        %get3A_671 = arith.constant 0 : i32
        %get3A_672 = arith.constant 0 : i32
        %get3A_673 = tpu.memref_slice %arg6[%scan3A_492, %get3A_671, %get3A_672] : memref<2x32x512xf32, #tpu.memory_space<vmem>> -> memref<1x32x512xf32, #tpu.memory_space<vmem>>
        %get3A_674 = tpu.memref_squeeze %get3A_673 : memref<1x32x512xf32, #tpu.memory_space<vmem>> -> memref<32x512xf32, #tpu.memory_space<vmem>>
        %get3A_675 = arith.constant 0 : i32
        %get3A_676 = tpu.memref_slice %get3A_674[%scan3A_504, %get3A_675] : memref<32x512xf32, #tpu.memory_space<vmem>> -> memref<1x512xf32, #tpu.memory_space<vmem>>
        %get3A_677 = tpu.memref_squeeze %get3A_676 : memref<1x512xf32, #tpu.memory_space<vmem>> -> memref<512xf32, #tpu.memory_space<vmem>>
        %get3A_678 = arith.index_cast %mul3A_670 : i32 to index
        %get3A_679 = tpu.vector_load %get3A_677[%get3A_678] {strides = array<i32>} : memref<512xf32, #tpu.memory_space<vmem>>, vector<16xf32>,
        %get3A_680 = vector.shape_cast %get3A_679 : vector<16xf32> to vector<16xf32>
        %sub3A_681 = arith.subf %get3A_668, %get3A_680 : vector<16xf32>
        %mul3A_682 = arith.mulf %sub3A_681, %sub3A_681 : vector<16xf32>
        %add3A_683 = arith.addf %add3A_654, %mul3A_682 : vector<16xf32>
        %scan3A_684 = arith.constant 6 : i32
        %scan3A_685 = arith.addi %scan3A_512, %scan3A_684 : i32
        %mul3A_686 = arith.constant 16 : i32
        %mul3A_687 = arith.muli %scan3A_685, %mul3A_686 : i32
        %get3A_688 = arith.constant 0 : i32
        %get3A_689 = arith.constant 0 : i32
        %get3A_690 = tpu.memref_slice %arg5[%scan3A_491, %get3A_688, %get3A_689] : memref<2x32x512xf32, #tpu.memory_space<vmem>> -> memref<1x32x512xf32, #tpu.memory_space<vmem>>
        %get3A_691 = tpu.memref_squeeze %get3A_690 : memref<1x32x512xf32, #tpu.memory_space<vmem>> -> memref<32x512xf32, #tpu.memory_space<vmem>>
        %get3A_692 = arith.constant 0 : i32
        %get3A_693 = tpu.memref_slice %get3A_691[%scan3A_504, %get3A_692] : memref<32x512xf32, #tpu.memory_space<vmem>> -> memref<1x512xf32, #tpu.memory_space<vmem>>
        %get3A_694 = tpu.memref_squeeze %get3A_693 : memref<1x512xf32, #tpu.memory_space<vmem>> -> memref<512xf32, #tpu.memory_space<vmem>>
        %get3A_695 = arith.index_cast %mul3A_687 : i32 to index
        %get3A_696 = tpu.vector_load %get3A_694[%get3A_695] {strides = array<i32>} : memref<512xf32, #tpu.memory_space<vmem>>, vector<16xf32>,
        %get3A_697 = vector.shape_cast %get3A_696 : vector<16xf32> to vector<16xf32>
        %mul3A_698 = arith.constant 16 : i32
        %mul3A_699 = arith.muli %scan3A_685, %mul3A_698 : i32
        %get3A_700 = arith.constant 0 : i32
        %get3A_701 = arith.constant 0 : i32
        %get3A_702 = tpu.memref_slice %arg6[%scan3A_492, %get3A_700, %get3A_701] : memref<2x32x512xf32, #tpu.memory_space<vmem>> -> memref<1x32x512xf32, #tpu.memory_space<vmem>>
        %get3A_703 = tpu.memref_squeeze %get3A_702 : memref<1x32x512xf32, #tpu.memory_space<vmem>> -> memref<32x512xf32, #tpu.memory_space<vmem>>
        %get3A_704 = arith.constant 0 : i32
        %get3A_705 = tpu.memref_slice %get3A_703[%scan3A_504, %get3A_704] : memref<32x512xf32, #tpu.memory_space<vmem>> -> memref<1x512xf32, #tpu.memory_space<vmem>>
        %get3A_706 = tpu.memref_squeeze %get3A_705 : memref<1x512xf32, #tpu.memory_space<vmem>> -> memref<512xf32, #tpu.memory_space<vmem>>
        %get3A_707 = arith.index_cast %mul3A_699 : i32 to index
        %get3A_708 = tpu.vector_load %get3A_706[%get3A_707] {strides = array<i32>} : memref<512xf32, #tpu.memory_space<vmem>>, vector<16xf32>,
        %get3A_709 = vector.shape_cast %get3A_708 : vector<16xf32> to vector<16xf32>
        %sub3A_710 = arith.subf %get3A_697, %get3A_709 : vector<16xf32>
        %mul3A_711 = arith.mulf %sub3A_710, %sub3A_710 : vector<16xf32>
        %add3A_712 = arith.addf %add3A_683, %mul3A_711 : vector<16xf32>
        %scan3A_713 = arith.constant 7 : i32
        %scan3A_714 = arith.addi %scan3A_512, %scan3A_713 : i32
        %mul3A_715 = arith.constant 16 : i32
        %mul3A_716 = arith.muli %scan3A_714, %mul3A_715 : i32
        %get3A_717 = arith.constant 0 : i32
        %get3A_718 = arith.constant 0 : i32
        %get3A_719 = tpu.memref_slice %arg5[%scan3A_491, %get3A_717, %get3A_718] : memref<2x32x512xf32, #tpu.memory_space<vmem>> -> memref<1x32x512xf32, #tpu.memory_space<vmem>>
        %get3A_720 = tpu.memref_squeeze %get3A_719 : memref<1x32x512xf32, #tpu.memory_space<vmem>> -> memref<32x512xf32, #tpu.memory_space<vmem>>
        %get3A_721 = arith.constant 0 : i32
        %get3A_722 = tpu.memref_slice %get3A_720[%scan3A_504, %get3A_721] : memref<32x512xf32, #tpu.memory_space<vmem>> -> memref<1x512xf32, #tpu.memory_space<vmem>>
        %get3A_723 = tpu.memref_squeeze %get3A_722 : memref<1x512xf32, #tpu.memory_space<vmem>> -> memref<512xf32, #tpu.memory_space<vmem>>
        %get3A_724 = arith.index_cast %mul3A_716 : i32 to index
        %get3A_725 = tpu.vector_load %get3A_723[%get3A_724] {strides = array<i32>} : memref<512xf32, #tpu.memory_space<vmem>>, vector<16xf32>,
        %get3A_726 = vector.shape_cast %get3A_725 : vector<16xf32> to vector<16xf32>
        %mul3A_727 = arith.constant 16 : i32
        %mul3A_728 = arith.muli %scan3A_714, %mul3A_727 : i32
        %get3A_729 = arith.constant 0 : i32
        %get3A_730 = arith.constant 0 : i32
        %get3A_731 = tpu.memref_slice %arg6[%scan3A_492, %get3A_729, %get3A_730] : memref<2x32x512xf32, #tpu.memory_space<vmem>> -> memref<1x32x512xf32, #tpu.memory_space<vmem>>
        %get3A_732 = tpu.memref_squeeze %get3A_731 : memref<1x32x512xf32, #tpu.memory_space<vmem>> -> memref<32x512xf32, #tpu.memory_space<vmem>>
        %get3A_733 = arith.constant 0 : i32
        %get3A_734 = tpu.memref_slice %get3A_732[%scan3A_504, %get3A_733] : memref<32x512xf32, #tpu.memory_space<vmem>> -> memref<1x512xf32, #tpu.memory_space<vmem>>
        %get3A_735 = tpu.memref_squeeze %get3A_734 : memref<1x512xf32, #tpu.memory_space<vmem>> -> memref<512xf32, #tpu.memory_space<vmem>>
        %get3A_736 = arith.index_cast %mul3A_728 : i32 to index
        %get3A_737 = tpu.vector_load %get3A_735[%get3A_736] {strides = array<i32>} : memref<512xf32, #tpu.memory_space<vmem>>, vector<16xf32>,
        %get3A_738 = vector.shape_cast %get3A_737 : vector<16xf32> to vector<16xf32>
        %sub3A_739 = arith.subf %get3A_726, %get3A_738 : vector<16xf32>
        %mul3A_740 = arith.mulf %sub3A_739, %sub3A_739 : vector<16xf32>
        %add3A_741 = arith.addf %add3A_712, %mul3A_740 : vector<16xf32>
        scf.yield %add3A_741 : vector<16xf32>
      }
      %scan3A_511 = arith.constant 32 : i32
      scf.yield %scan3A_510 : vector<16xf32>
    }
    %scan3A_498 = arith.constant 32 : i32
    %swap3A = arith.constant 0 : index
    %swap3A_499 = tpu.vector_load %arg7[%swap3A] {strides = array<i32>} : memref<16xf32, #tpu.memory_space<vmem>>, vector<16xf32>,
    %swap3A_500 = vector.shape_cast %swap3A_499 : vector<16xf32> to vector<16xf32>
    %swap3A_501 = vector.shape_cast %scan3A_497 : vector<16xf32> to vector<16xf32>
    tpu.vector_store %arg7[%swap3A], %swap3A_501 {strides = array<i32>} : memref<16xf32, #tpu.memory_space<vmem>>, vector<16xf32>,
    %mul3A_502 = arith.constant 16 : i32
    %mul3A_503 = arith.muli %add3A, %mul3A_502 : i32
    "tpu.region"() ({
      %run_scoped3A = tpu.sem_alloc : memref<!tpu.dma_semaphore, #tpu.memory_space<semaphore_mem>>
      %dma_start3A_504 = tpu.memref_slice %arg4[%mul3A_503] : memref<512xf32, #tpu.memory_space<hbm>> -> memref<16xf32, #tpu.memory_space<hbm>>
      %dma_start3A_505 = tpu.memref_slice %arg4[%mul3A_503] : memref<512xf32, #tpu.memory_space<hbm>> -> memref<16xf32, #tpu.memory_space<hbm>>
      tpu.enqueue_dma source(%arg7 : memref<16xf32, #tpu.memory_space<vmem>>) target(%dma_start3A_505 : memref<16xf32, #tpu.memory_space<hbm>>) target_semaphore(%run_scoped3A : memref<!tpu.dma_semaphore, #tpu.memory_space<semaphore_mem>>)
      %dma_wait3A_506 = tpu.memref_slice %arg4[%mul3A_503] : memref<512xf32, #tpu.memory_space<hbm>> -> memref<16xf32, #tpu.memory_space<hbm>>
      %dma_wait3A_507 = tpu.memref_slice %arg4[%mul3A_503] : memref<512xf32, #tpu.memory_space<hbm>> -> memref<16xf32, #tpu.memory_space<hbm>>
      tpu.wait_dma2 semaphore(%run_scoped3A : memref<!tpu.dma_semaphore, #tpu.memory_space<semaphore_mem>>) src(%arg7 : memref<16xf32, #tpu.memory_space<vmem>>) dst(%dma_wait3A_507 : memref<16xf32, #tpu.memory_space<hbm>>)
      tpu.yield
    }) : () -> ()
    return
  }
}

module attributes {stable_mosaic.version = 14 : i64} {
  func.func @body(%arg0: i32, %arg1: memref<1024x512xf32, #tpu.memory_space<vmem>>, %arg2: memref<1024x512xf32, #tpu.memory_space<vmem>>, %arg3: memref<1x64x1024xf32, #tpu.memory_space<vmem>>, %arg4: memref<64x1024xf32, #tpu.memory_space<vmem>>, %arg5: memref<1x16xf32, #tpu.memory_space<vmem>>, %arg6: memref<1x1xf32, #tpu.memory_space<vmem>>) attributes {dimension_semantics = [#tpu.dimension_semantics<arbitrary>], iteration_bounds = array<i64: 16>, scalar_prefetch = 0 : i64, scratch_operands = 0 : i64, tpu.core_type = #tpu.core_type<tc>, window_params = [{transform_indices = @transform_0, window_bounds = array<i64: 1024, 512>}, {transform_indices = @transform_1, window_bounds = array<i64: 1024, 512>}, {transform_indices = @transform_2, window_bounds = array<i64: 1, 64, 1024>}, {pipeline_mode = #tpu.pipeline_mode<synchronous>, transform_indices = @transform_3, window_bounds = array<i64: 64, 1024>}, {pipeline_mode = #tpu.pipeline_mode<synchronous>, transform_indices = @transform_4, window_bounds = array<i64: 1, 16>}, {pipeline_mode = #tpu.pipeline_mode<synchronous>, transform_indices = @transform_5, window_bounds = array<i64: 1, 1>}]} {
    %get3A = arith.constant 0 : index
    %get3A_0 = arith.constant 0 : index
    %get3A_1 = vector.load %arg1[%get3A, %get3A_0] : memref<1024x512xf32, #tpu.memory_space<vmem>>, vector<1024x512xf32>
    %get3A_2 = arith.constant 0 : index
    %get3A_3 = arith.constant 0 : index
    %get3A_4 = vector.load %arg2[%get3A_2, %get3A_3] : memref<1024x512xf32, #tpu.memory_space<vmem>>, vector<1024x512xf32>
    %sub3A = arith.subf %get3A_1, %get3A_4 : vector<1024x512xf32>
    %mul3A = arith.mulf %sub3A, %sub3A : vector<1024x512xf32>
    %reduce_sum3A = vector.shape_cast %mul3A : vector<1024x512xf32> to vector<1x1024x512xf32>
    %reduce_sum3A_5 = arith.constant dense<0.000000e+00> : vector<1xf32>
    %reduce_sum3A_6 = vector.multi_reduction <add>, %reduce_sum3A, %reduce_sum3A_5 [1, 2] : vector<1x1024x512xf32> to vector<1xf32>
    %reduce_sum3A_7 = vector.shape_cast %reduce_sum3A_6 : vector<1xf32> to vector<1x1x1xf32>
    %reduce_sum3A_8 = vector.extract %reduce_sum3A_7[0, 0, 0] : f32 from vector<1x1x1xf32>
    %get3A_9 = arith.constant 0 : index
    %get3A_10 = arith.constant 0 : index
    %get3A_11 = arith.constant 0 : index
    %get3A_12 = vector.load %arg3[%get3A_9, %get3A_10, %get3A_11] : memref<1x64x1024xf32, #tpu.memory_space<vmem>>, vector<1x64x1024xf32>
    %get3A_13 = vector.shape_cast %get3A_12 : vector<1x64x1024xf32> to vector<64x1024xf32>
    %get3A_14 = arith.constant 0 : index
    %get3A_15 = arith.constant 0 : index
    %get3A_16 = vector.load %arg4[%get3A_14, %get3A_15] : memref<64x1024xf32, #tpu.memory_space<vmem>>, vector<64x1024xf32>
    %dot_general3A = arith.constant dense<0.000000e+00> : vector<1024x1024xf32>
    %dot_general3A_17 = tpu.matmul %get3A_13, %get3A_16, %dot_general3A {dimension_numbers = #tpu.dot_dimension_numbers<[0], [0], [1], [1], [0, 1, 1, 1], [], []>, transpose_lhs_hint = false} : vector<64x1024xf32>, vector<64x1024xf32>, vector<1024x1024xf32> -> vector<1024x1024xf32>
    %mul3A_18 = arith.mulf %get3A_16, %get3A_16 : vector<64x1024xf32>
    %reduce_sum3A_19 = arith.constant dense<0.000000e+00> : vector<1024xf32>
    %reduce_sum3A_20 = vector.multi_reduction <add>, %mul3A_18, %reduce_sum3A_19 [0] : vector<64x1024xf32> to vector<1024xf32>
    %mul3A_21 = arith.mulf %get3A_13, %get3A_13 : vector<64x1024xf32>
    %reduce_sum3A_22 = arith.constant dense<0.000000e+00> : vector<1024xf32>
    %reduce_sum3A_23 = vector.multi_reduction <add>, %mul3A_21, %reduce_sum3A_22 [0] : vector<64x1024xf32> to vector<1024xf32>
    %broadcast_in_dim3A = vector.shape_cast %reduce_sum3A_20 : vector<1024xf32> to vector<1x1024xf32>
    %mul3A_24 = arith.constant 2.000000e+00 : f32
    %mul3A_25 = vector.broadcast %mul3A_24 : f32 to vector<1024x1024xf32>
    %mul3A_26 = arith.mulf %mul3A_25, %dot_general3A_17 : vector<1024x1024xf32>
    %sub3A_27 = vector.broadcast %broadcast_in_dim3A : vector<1x1024xf32> to vector<1024x1024xf32>
    %sub3A_28 = arith.subf %sub3A_27, %mul3A_26 : vector<1024x1024xf32>
    %reduce_min3A = arith.constant dense<0x7F800000> : vector<1024xf32>
    %reduce_min3A_29 = vector.multi_reduction <minimumf>, %sub3A_28, %reduce_min3A [1] : vector<1024x1024xf32> to vector<1024xf32>
    %add3A = arith.addf %reduce_sum3A_23, %reduce_min3A_29 : vector<1024xf32>
    %max3A = arith.constant 0.000000e+00 : f32
    %max3A_30 = vector.broadcast %max3A : f32 to vector<1024xf32>
    %max3A_31 = arith.maximumf %add3A, %max3A_30 : vector<1024xf32>
    %reduce_sum3A_32 = vector.shape_cast %max3A_31 : vector<1024xf32> to vector<1x1024xf32>
    %reduce_sum3A_33 = arith.constant dense<0.000000e+00> : vector<1xf32>
    %reduce_sum3A_34 = vector.multi_reduction <add>, %reduce_sum3A_32, %reduce_sum3A_33 [1] : vector<1x1024xf32> to vector<1xf32>
    %reduce_sum3A_35 = vector.shape_cast %reduce_sum3A_34 : vector<1xf32> to vector<1x1xf32>
    %reduce_sum3A_36 = vector.extract %reduce_sum3A_35[0, 0] : f32 from vector<1x1xf32>
    %mul3A_37 = arith.constant 7.9472862E-8 : f32
    %mul3A_38 = arith.mulf %reduce_sum3A_8, %mul3A_37 : f32
    %mul3A_39 = arith.constant 4.76837158E-7 : f32
    %mul3A_40 = arith.mulf %reduce_sum3A_36, %mul3A_39 : f32
    %add3A_41 = arith.addf %mul3A_38, %mul3A_40 : f32
    %eq3A = arith.constant 0 : i32
    %eq3A_42 = arith.cmpi eq, %arg0, %eq3A : i32
    %convert_element_type3A = arith.extui %eq3A_42 : i1 to i32
    %cond3A = arith.constant 0 : i32
    %cond3A_43 = arith.cmpi ne, %convert_element_type3A, %cond3A : i32
    scf.if %cond3A_43 {
      %broadcast_in_dim3A_50 = arith.constant -1.000000e-01 : f32
      %broadcast_in_dim3A_51 = vector.broadcast %broadcast_in_dim3A_50 : f32 to vector<1x1xf32>
      %get3A_52 = arith.constant 0 : index
      %get3A_53 = arith.constant 0 : index
      %get3A_54 = vector.load %arg5[%get3A_52, %get3A_53] : memref<1x16xf32, #tpu.memory_space<vmem>>, vector<1x16xf32>
      %reduce_sum3A_55 = vector.shape_cast %get3A_54 : vector<1x16xf32> to vector<1x1x16xf32>
      %reduce_sum3A_56 = arith.constant dense<0.000000e+00> : vector<1xf32>
      %reduce_sum3A_57 = vector.multi_reduction <add>, %reduce_sum3A_55, %reduce_sum3A_56 [1, 2] : vector<1x1x16xf32> to vector<1xf32>
      %reduce_sum3A_58 = vector.shape_cast %reduce_sum3A_57 : vector<1xf32> to vector<1x1x1xf32>
      %reduce_sum3A_59 = vector.extract %reduce_sum3A_58[0, 0, 0] : f32 from vector<1x1x1xf32>
      %broadcast_in_dim3A_60 = vector.broadcast %reduce_sum3A_59 : f32 to vector<1x1xf32>
      %div3A = arith.constant 1.600000e+01 : f32
      %div3A_61 = vector.broadcast %div3A : f32 to vector<1x1xf32>
      %div3A_62 = arith.divf %broadcast_in_dim3A_60, %div3A_61 : vector<1x1xf32>
      %mul3A_63 = arith.mulf %broadcast_in_dim3A_51, %div3A_62 : vector<1x1xf32>
      %swap3A_64 = arith.constant 0 : index
      %swap3A_65 = arith.constant 0 : index
      %swap3A_66 = vector.load %arg6[%swap3A_64, %swap3A_65] : memref<1x1xf32, #tpu.memory_space<vmem>>, vector<1x1xf32>
      tpu.vector_store %arg6[%swap3A_64, %swap3A_65], %mul3A_63 {strides = array<i32>} : memref<1x1xf32, #tpu.memory_space<vmem>>, vector<1x1xf32>,
    } else {
    }
    %get3A_44 = arith.constant 0 : index
    %get3A_45 = arith.constant 0 : index
    %get3A_46 = vector.load %arg6[%get3A_44, %get3A_45] : memref<1x1xf32, #tpu.memory_space<vmem>>, vector<1x1xf32>
    %reshape3A = vector.broadcast %add3A_41 : f32 to vector<1x1xf32>
    %add3A_47 = arith.addf %get3A_46, %reshape3A : vector<1x1xf32>
    %swap3A = arith.constant 0 : index
    %swap3A_48 = arith.constant 0 : index
    %swap3A_49 = vector.load %arg6[%swap3A, %swap3A_48] : memref<1x1xf32, #tpu.memory_space<vmem>>, vector<1x1xf32>
    tpu.vector_store %arg6[%swap3A, %swap3A_48], %add3A_47 {strides = array<i32>} : memref<1x1xf32, #tpu.memory_space<vmem>>, vector<1x1xf32>,
    return
  }
  func.func @transform_0(%arg0: i32) -> (i32, i32) {
    %c0_i32 = arith.constant 0 : i32
    %c0_i32_0 = arith.constant 0 : i32
    return %arg0, %c0_i32 : i32, i32
  }
  func.func @transform_1(%arg0: i32) -> (i32, i32) {
    %c0_i32 = arith.constant 0 : i32
    %c0_i32_0 = arith.constant 0 : i32
    return %arg0, %c0_i32 : i32, i32
  }
  func.func @transform_2(%arg0: i32) -> (i32, i32, i32) {
    %c0_i32 = arith.constant 0 : i32
    %c0_i32_0 = arith.constant 0 : i32
    %c0_i32_1 = arith.constant 0 : i32
    return %arg0, %c0_i32, %c0_i32_0 : i32, i32, i32
  }
  func.func @transform_3(%arg0: i32) -> (i32, i32) {
    %c0_i32 = arith.constant 0 : i32
    %c0_i32_0 = arith.constant 0 : i32
    %c0_i32_1 = arith.constant 0 : i32
    return %c0_i32, %c0_i32_0 : i32, i32
  }
  func.func @transform_4(%arg0: i32) -> (i32, i32) {
    %c0_i32 = arith.constant 0 : i32
    %c0_i32_0 = arith.constant 0 : i32
    %c0_i32_1 = arith.constant 0 : i32
    return %c0_i32, %c0_i32_0 : i32, i32
  }
  func.func @transform_5(%arg0: i32) -> (i32, i32) {
    %c0_i32 = arith.constant 0 : i32
    %c0_i32_0 = arith.constant 0 : i32
    %c0_i32_1 = arith.constant 0 : i32
    return %c0_i32, %c0_i32_0 : i32, i32
  }
}

</mosaic_0001>

<sc_bundles>
// kernel: kernel.4.cloned.1.call-start
scs
__scs_entry_jumppad:
0x0: {  	(pc) =	sbr.rel $0x88, $3  }
0x1: {  	(tag) =	ssettag $0x0;
	lr =	simm.s32 $0x1  }
0x2: {  	[smem:$0x3F9C] =	sst lr;
	_ =	strace $0xD0000000  }
0x3: {  	_ = 	snop  }
0x4: {  	_ = 	snop  }
0x5: {  	_ = 	snop  }
0x6: {  	_ = 	snop  }
0x7: {  	_ = 	snop  }
__scs_overlays_trampoline_lowered:
0x8: {  	[smem:$0x3FAB] =	sst s0  }
0x9: {  	[smem:$0x3FAC] =	sst s1  }
0xa: {  	[smem:$0x3FAD] =	sst s2  }
0xb: {  	[smem:$0x3FAE] =	sst s3  }
0xc: {  	[smem:$0x3FAF] =	sst s4  }
0xd: {  	[smem:$0x3FB0] =	sst s5  }
0xe: {  	[smem:$0x3FB1] =	sst s6  }
0xf: {  	[smem:$0x3FB2] =	sst s7  }
0x10: {  	[smem:$0x3FB3] =	sst s8  }
0x11: {  	[smem:$0x3FB4] =	sst s9;
	s0 =	simm.s32 @!p0 $0x0  }
0x12: {  	s1 =	sld [smem:$0x3F9A];
	s0 =	simm.s32 @p0 $0x1  }
0x13: {  	[smem:$0x3FB5] =	sst s0;
	s0 =	simm.s32 @!p1 $0x0  }
0x14: {  	s2 =	sld [smem:$0x3F99];
	s0 =	simm.s32 @p1 $0x1  }
0x15: {  	[smem:$0x3FB6] =	sst s0;
	s0 =	simm.s32 @!p2 $0x0  }
0x16: {  	s3 =	sld [smem:$0x3FDB];
	s0 =	simm.s32 @p2 $0x1  }
0x17: {  	s4 =	simm.s32 $0x1BF5;
	[smem:$0x3FB8] =	sst s0  }
0x18: {  	s0 =	sld [smem:$0x3F9B];
	_ =	swait.ge [sflag:s4], $0x0  }
0x19: {  	s7 =	sld [smem:$0x3F9C]  }
0x1a: {  	s8 =	sadd.s32 $0xFFFFE003, lr  }
0x1b: {  	s9 =	sadd.s32 $0xFFFFFEF7, lr;
	s5 =	simm.s32 $0xFFFFFFFF;
	p2 =	slt.u32 s8, $0xFFFFF086  }
0x1c: {  	p1 =	slt.u32 s9, $0xF7A;
	s5 =	simm.s32 @!p2 $0x0  }
0x1d: {  	s5 =	simm.s32 @p1 $0x1;
	p0 =	seq.s32 s7, s2  }
0x1e: {  	s7 =	smul.u32 @!p0 $0xF7A, s2;
	p2 =	seq.s32 @!p0 s5, $0x0  }
0x1f: {  	s9 =	smul.u32 $0xF7A, s1;
	s8 =	simm.s32 @!p0 $0x1BF5;
	p2 =	por !p2, p0  }
0x20: {  	[sflag:s8] =	ssyncset.s32 @!p0 $0xFFFFF086;
	s6 =	sadd.s32 @!p0 s3, s7;
	s7 =	simm.s32 @!p0 $0x108  }
0x21: {  	s3 =	sadd.s32 s3, s9;
	s6 =	sadd.s32 @!p0 $0x88, s6;
	s7 =	simm.s32 @p2 $0x1082  }
0x22: {  	[simem:s7], [sflag:s8] =	dma.local @!p0 [hbm:s6], $0xF7A  }
0x23: {  	s9 =	sor.u32 $0xD0000000, s2;
	s6 =	simm.s32 $0x108;
	_ =	swait.ge @!p0 [sflag:s8], $0x0  }
0x24: {  	s3 =	sadd.s32 $0x88, s3;
	s6 =	simm.s32 @!p1 $0x1082;
	[sflag:s4] =	ssyncset.s32 $0xFFFFF086  }
0x25: {  	[simem:s6], [sflag:s4] =	dma.local [hbm:s3], $0xF7A  }
0x26: {  	[smem:$0x3F9C] =	sst s1;
	(tag) =	ssettag s2;
	_ =	strace s9  }
0x27: {  	s1 =	sld [smem:$0x3FAC]  }
0x28: {  	s2 =	sld [smem:$0x3FAD]  }
0x29: {  	s4 =	sld [smem:$0x3FAF]  }
0x2a: {  	p0 =	seq.s32 s5, $0x0;
	s5 =	sld [smem:$0x3FB0]  }
0x2b: {  	s6 =	sld [smem:$0x3FB1]  }
0x2c: {  	s7 =	sld [smem:$0x3FB2]  }
0x2d: {  	s3 =	simm.s32 $0x108;
	s8 =	sld [smem:$0x3FB3]  }
0x2e: {  	s3 =	simm.s32 @!p0 $0x1082;
	s9 =	sld [smem:$0x3FB4]  }
0x2f: {  	lr =	sadd.s32 s0, s3;
	s0 =	sld [smem:$0x3FAB]  }
0x30: {  	s3 =	sld [smem:$0x3FAE]  }
0x31: {  	[smem:$0x3FB7] =	sst s10  }
0x32: {  	s10 =	sld [smem:$0x3FB5];
	_ =	sdelay $0x3  }
0x33: {  	p0 =	seq.s32 s10, $0x1;
	s10 =	sld [smem:$0x3FB7];
	_ =	sdelay $0x3  }
0x34: {  	[smem:$0x3FB7] =	sst s10  }
0x35: {  	s10 =	sld [smem:$0x3FB6];
	_ =	sdelay $0x3  }
0x36: {  	p1 =	seq.s32 s10, $0x1;
	s10 =	sld [smem:$0x3FB7];
	_ =	sdelay $0x3  }
0x37: {  	[smem:$0x3FB7] =	sst s10  }
0x38: {  	s10 =	sld [smem:$0x3FB8]  }
0x39: {  	_ = 	snop;
	(pc) =	sbr.ind lr, $3  }
0x3a: {  	_ = 	snop  }
0x3b: {  	_ = 	snop  }
0x3c: {  	p2 =	seq.s32 s10, $0x1;
	s10 =	sld [smem:$0x3FB7]  }
0x3d: {  	_ =	shalt  }
0x3e: {  	_ =	shalt  }
0x3f: {  	_ =	shalt  }
0x40: {  	_ =	shalt  }
0x41: {  	_ =	shalt  }
0x42: {  	_ =	shalt  }
0x43: {  	_ =	shalt  }
0x44: {  	_ =	shalt  }
0x45: {  	_ =	shalt  }
0x46: {  	_ =	shalt  }
0x47: {  	_ =	shalt  }
0x48: {  	_ =	shalt  }
0x49: {  	_ =	shalt  }
0x4a: {  	_ =	shalt  }
0x4b: {  	_ =	shalt  }
0x4c: {  	_ =	shalt  }
0x4d: {  	_ =	shalt  }
0x4e: {  	_ =	shalt  }
0x4f: {  	_ =	shalt  }
0x50: {  	_ =	shalt  }
0x51: {  	_ =	shalt  }
0x52: {  	_ =	shalt  }
0x53: {  	_ =	shalt  }
0x54: {  	_ =	shalt  }
0x55: {  	_ =	shalt  }
0x56: {  	_ =	shalt  }
0x57: {  	_ =	shalt  }
0x58: {  	_ =	shalt  }
0x59: {  	_ =	shalt  }
0x5a: {  	_ =	shalt  }
0x5b: {  	_ =	shalt  }
0x5c: {  	_ =	shalt  }
0x5d: {  	_ =	shalt  }
0x5e: {  	_ =	shalt  }
0x5f: {  	_ =	shalt  }
0x60: {  	_ =	shalt  }
0x61: {  	_ =	shalt  }
0x62: {  	_ =	shalt  }
0x63: {  	_ =	shalt  }
0x64: {  	_ =	shalt  }
0x65: {  	_ =	shalt  }
0x66: {  	_ =	shalt  }
0x67: {  	_ =	shalt  }
0x68: {  	_ =	shalt  }
0x69: {  	_ =	shalt  }
0x6a: {  	_ =	shalt  }
0x6b: {  	_ =	shalt  }
0x6c: {  	_ =	shalt  }
0x6d: {  	_ =	shalt  }
0x6e: {  	_ =	shalt  }
0x6f: {  	_ =	shalt  }
0x70: {  	_ =	shalt  }
0x71: {  	_ =	shalt  }
0x72: {  	_ =	shalt  }
0x73: {  	_ =	shalt  }
0x74: {  	_ =	shalt  }
0x75: {  	_ =	shalt  }
0x76: {  	_ =	shalt  }
0x77: {  	_ =	shalt  }
0x78: {  	_ =	shalt  }
0x79: {  	_ =	shalt  }
0x7a: {  	_ =	shalt  }
0x7b: {  	_ =	shalt  }
0x7c: {  	_ =	shalt  }
0x7d: {  	_ =	shalt  }
0x7e: {  	_ =	shalt  }
0x7f: {  	_ =	shalt  }
0x80: {  	_ =	shalt  }
0x81: {  	_ =	shalt  }
0x82: {  	_ =	shalt  }
0x83: {  	_ =	shalt  }
0x84: {  	_ =	shalt  }
0x85: {  	_ =	shalt  }
0x86: {  	_ =	shalt  }
0x87: {  	_ =	shalt  }
.Lfunc_end0:
.L_simem_size_0:
called_computation_lowered:
.L_overlay_start_0:
0x88: {  	s2 =	sld [smem:$0x3FD9]  }
0x89: {  	s3 =	sld [smem:$0x3FFE];
	_ =	sdelay $0x1  }
0x8a: {  	s1 =	srdreg.scid  }
0x8b: {  	s0 =	sand.u32 $0x1, s1  }
0x8c: {  	s17 =	sshll.u32 s0, $0xA;
	s2 =	sadd.s32 s3, s2  }
0x8d: {  	s2 =	sadd.s32 s2, s17  }
0x8e: {  	[smem:$0x3FC3] =	sst s2  }
0x8f: {  	_ = 	snop  }
0x90: {  	s2 =	sld [smem:$0x3FC9]  }
0x91: {  	s18 =	sld [smem:$0x3FC8];
	(tm) =	ssettm $0x1  }
0x92: {  	s4 =	sld [smem:$0x3FFB];
	_ =	sdelay $0x3  }
0x93: {  	_ =	strace s4  }
0x94: {  	s4 =	sld [smem:$0x3FFC];
	_ =	sdelay $0x3  }
0x95: {  	_ =	strace s4  }
0x96: {  	s4 =	sld [smem:$0x3FFD];
	_ =	sdelay $0x3  }
0x97: {  	_ =	strace s4  }
0x98: {  	_ =	strace $0x8FFFFFFF  }
0x99: {  	s19 =	sld [smem:$0x3FDB];
	_ =	sdelay $0x1  }
0x9a: {  	s5 =	simm.s32 $_scs_section_size  }
0x9b: {  	s6 =	simm.s32 $_size__tile_overlayer_lowered;
	s7 =	simm.s32 $_tile_overlayer_lowered  }
0x9c: {  	s22 =	simm.s32 $0x1BFF;
	s21 =	sshll.u32 s7, $0x1;
	s4 =	sadd.s32 s5, s19  }
0x9d: {  	s8 =	simm.s32 $0x0;
	s20 =	sshll.u32 s6, $0x1;
	s6 =	sadd.s32 s21, s4  }
0x9e: {  	[timem:s8], [sflag:s22] =	dma.local [hbm:s6], s20  }
0x9f: {  	_ =	swait.ge [sflag:s22], s20  }
0xa0: {  	s5 =	ssub.s32 $0x0, s20;
	[sflag:s22] =	ssyncset.done $0x0  }
0xa1: {  	[sflag:s22] =	ssyncadd.s32 s5;
	_ =	sdelay $0x1  }
0xa2: {  	s23 =	simm.s32 $0x1B8B  }
0xa3: {  	_ =	swait.ge [sflag:s23], $0x1  }
0xa4: {  	[sflag:s23] =	ssyncset.done $0x0  }
0xa5: {  	s25 =	simm.s32 $0x1B8E;
	s24 =	sld [smem:$0x3FFE];
	[sflag:s23] =	ssyncadd.s32 $0xFFFFFFFF  }
0xa6: {  	s26 =	simm.s32 $execute0_lowered;
	[smem:$0x3FD2] =	sst s25  }
0xa7: {  	s6 =	sshll.u32 s26, $0x1;
	_ =	strace $0x80000046;
	[dreg:$0x1] =	wrdreg $0xFFFFFFFF  }
0xa8: {  	s28 =	simm.s32 $_size_execute0_lowered;
	s4 =	sadd.s32 s4, s6;
	[dreg:$0x0] =	wrdreg $0x0  }
0xa9: {  	s6 =	sshll.u32 s28, $0x1;
	[dreg:$0x2] =	wrdreg s4  }
0xaa: {  	[dreg:$0x3] =	wrdreg s6  }
0xab: {  	[dreg:$0x4] =	wrdreg $0xC0  }
0xac: {  	_ =	task [dreg:s8], $0x5FFFF  }
0xad: {  	[dreg:$0x1] =	wrdreg $0xFFFFFFFF  }
0xae: {  	[dreg:$0x0] =	wrdreg $0x60  }
0xaf: {  	[dreg:$0x2] =	wrdreg s2  }
0xb0: {  	[dreg:$0x3] =	wrdreg s18  }
0xb1: {  	[dreg:$0x4] =	wrdreg s24  }
0xb2: {  	[dreg:$0x5] =	wrdreg $0x9  }
0xb3: {  	_ =	task.clear_ibuf [dreg:s8], $0x6FFFF;
	_ =	strace $0x90000046  }
0xb4: {  	s29 =	simm.s32 $0x9;
	_ =	strace $0x80000048  }
0xb5: {  	_ =	swait.ge [sflag:s29], $0x1  }
0xb6: {  	[sflag:s29] =	ssyncadd.s32 $0xFFFFFFFF  }
0xb7: {  	_ =	strace $0x90000048  }
0xb8: {  	_ =	sfence  }
0xb9: {  	s30 =	sld [smem:$0x0];
	_ =	sdelay $0x2  }
0xba: {  	s31 =	sshll.u32 s1, $0xD;
	s1 =	sshrl.u32 s1, $0x2  }
0xbb: {  	s3 =	sand.u32 $0x4000, s31;
	s1 =	sadd.s32 s1, s30  }
0xbc: {  	s0 =	sor.u32 s3, s0;
	s1 =	sshll.u32 s1, $0x11  }
0xbd: {  	s0 =	sor.u32 s1, s0  }
0xbe: {  	s0 =	sadd.s32 $0x8F2B, s0  }
0xbf: {  	[sflag:s0] =	ssyncadd.remote.s32 $0x1  }
0xc0: {  	_ =	sfence.sel $0xFFFF  }
0xc1: {  	[dreg:$0x0] =	wrdreg $0xFFFFFFFF;
	(pc) =	sbr.abs _section_cstart, $3  }
0xc2: {  	[dreg:$0x1] =	wrdreg $0xFFFFFFFF  }
0xc3: {  	_ =	task.clear_ibuf [dreg:s8], $0x2FFFF;
	_ =	strace $0x9FFFFFFF  }
0xc4: {  	(tm) =	ssettm $0x7FFFFFFF  }
0xc5: {  	_ =	shalt  }
tec
execute0_lowered:
.L_overlay_start_1:
0x0: {  	(tag) =	ssettag $0x1  }
0x1: {  	s0 =	rddreg [dreg:$0x0]  }
0x2: {  	s1 =	rddreg [dreg:$0x1]  }
0x3: {  	s3 =	rddreg [dreg:$0x2]  }
0x4: {  	s2 =	simm.s32 $0x0;
	s4 =	srdreg.scid;
	s5 =	stileid.u32  }
0x5: {  	s21 =	simm.s32 $0x8000;
	s22 =	simm.s32 $0x4000;
	s23 =	simm.s32 $0xC000  }
0x6: {  	s28 =	simm.s32 $0x4;
	s30 =	simm.s32 $0x5;
	s31 =	simm.s32 $0x0  }
0x7: {  	[smem:$0x7FF] =	sst s2;
	s4 =	sand.u32 $0x1, s4;
	s5 =	sshll.u32 s5, $0x1  }
0x8: {  	_ =	strace $0x80000047;
	s5 =	sor.u32 s4, s5;
	s4 =	ssub.s32 $0x2, s4  }
0x9: {  	s6 =	sshll.u32 s5, $0x1;
	s16 =	sshll.u32 s5, $0xE;
	s24 =	sshrl.u32 s4, $0x1  }
0xa: {  	s3 =	sadd.s32 s6, s3;
	s25 =	sor.u32 $0x100000, s16;
	s7 =	sor.u32 $0x100800, s16  }
0xb: {  	s20 =	ssub.s32 s4, s24;
	s8 =	sor.u32 $0x101000, s16;
	s10 =	sor.u32 $0x101800, s16  }
0xc: {  	s12 =	sor.u32 $0x102000, s16;
	s14 =	sor.u32 $0x102800, s16;
	s17 =	sor.u32 $0x103000, s16  }
0xd: {  	s18 =	sor.u32 $0x103800, s16;
	s24 =	simm.s32 $0x1;
	s26 =	sadd.s32 s0, s25  }
0xe: {  	s29 =	sadd.s32 s1, s25;
	s5 =	sadd.s32 s0, s7;
	s6 =	sadd.s32 s1, s7  }
0xf: {  	s7 =	sadd.s32 s0, s8;
	s8 =	sadd.s32 s1, s8;
	s9 =	sadd.s32 s0, s10  }
0x10: {  	s10 =	sadd.s32 s1, s10;
	s11 =	sadd.s32 s0, s12;
	s12 =	sadd.s32 s1, s12  }
0x11: {  	s13 =	sadd.s32 s0, s14;
	s14 =	sadd.s32 s1, s14;
	s15 =	sadd.s32 s0, s17  }
0x12: {  	s16 =	sadd.s32 s1, s17;
	s17 =	sadd.s32 s0, s18;
	s18 =	sadd.s32 s1, s18  }
0x13: {  	s19 =	sadd.s32 $0x600, s3;
	s20 =	smax.u32 s20, $0x1;
	[dreg:$0x4] =	wrdreg s26  }
0x14: {  	s25 =	simm.s32 $0x3;
	[dreg:$0x5] =	wrdreg s29;
	s26 =	simm.s32 $0x2  }
.LBB2_1:
0x15: {  	s0 =	rddreg [dreg:$0x4]  }
0x16: {  	[tilespmem:s2], [sflag:$0x1] =	stream.linear.gather [hbm4b:s0+s2], $0x4000, $0x38;
	[tilespmem:$0x10080] =	vst v63  }
0x17: {  	s1 =	rddreg [dreg:$0x5]  }
0x18: {  	[tilespmem:s21], [sflag:$0x3] =	stream.linear.gather [hbm4b:s1+s2], $0x4000, $0x38;
	[tilespmem:$0x10080] =	vst v63  }
0x19: {  	_ = 	snop  }
0x1a: {  	[tilespmem:s22], [sflag:$0x2] =	stream.linear.gather [hbm4b:s5+s2], $0x4000, $0x38;
	[tilespmem:$0x10080] =	vst v63  }
0x1b: {  	_ = 	snop  }
0x1c: {  	[tilespmem:s23], [sflag:$0x4] =	stream.linear.gather [hbm4b:s6+s2], $0x4000, $0x38;
	[tilespmem:$0x10080] =	vst v63  }
0x1d: {  	_ =	swait.ge [sflag:s24], $0x4000  }
0x1e: {  	[sflag:s24] =	ssyncset.done $0x0  }
0x1f: {  	[sflag:s24] =	ssyncadd.s32 $0xFFFFC000  }
0x20: {  	_ =	swait.ge [sflag:s25], $0x4000  }
0x21: {  	s3 =	sand.u32 $0x3000, s2;
	s1 =	sand.u32 $0x380, s2;
	[sflag:s25] =	ssyncset.done $0x0  }
0x22: {  	s3 =	sor.u32 s1, s3;
	[sflag:s25] =	ssyncadd.s32 $0xFFFFC000  }
0x23: {  	v0 =	vld [tilespmem:s3+$0x0]  }
0x24: {  	v1 =	vld [tilespmem:s3+$0x8000]  }
0x25: {  	v2 =	vld [tilespmem:s3+$0x10]  }
0x26: {  	v3 =	vld [tilespmem:s3+$0x8010]  }
0x27: {  	v4 =	vld [tilespmem:s3+$0x20]  }
0x28: {  	v5 =	vld [tilespmem:s3+$0x8020]  }
0x29: {  	v6 =	vld [tilespmem:s3+$0x30];
	v0 =	vsub.f32 v0, v1  }
0x2a: {  	v1 =	vld [tilespmem:s3+$0x8030]  }
0x2b: {  	v7 =	vld [tilespmem:s3+$0x40];
	v2 =	vsub.f32 v2, v3;
	v0 =	vmul.f32 v0, v0  }
0x2c: {  	v8 =	vimm.f32 $0.0e+00;
	v3 =	vld [tilespmem:s3+$0x8040]  }
0x2d: {  	v9 =	vld [tilespmem:s3+$0x50];
	v4 =	vsub.f32 v4, v5;
	v2 =	vmul.f32 v2, v2;
	v0 =	vadd.f32 v0, v8  }
0x2e: {  	v5 =	vld [tilespmem:s3+$0x8050]  }
0x2f: {  	v8 =	vld [tilespmem:s3+$0x60];
	v1 =	vsub.f32 v6, v1;
	v0 =	vadd.f32 v2, v0;
	v2 =	vmul.f32 v4, v4  }
0x30: {  	v4 =	vld [tilespmem:s3+$0x8060]  }
0x31: {  	v6 =	vld [tilespmem:s3+$0x70];
	v1 =	vmul.f32 v1, v1;
	v0 =	vadd.f32 v2, v0;
	v2 =	vsub.f32 v7, v3  }
0x32: {  	v3 =	vld [tilespmem:s3+$0x8070]  }
0x33: {  	v7 =	vld [tilespmem:s3+$0x400];
	v0 =	vadd.f32 v1, v0;
	v1 =	vmul.f32 v2, v2;
	v2 =	vsub.f32 v9, v5  }
0x34: {  	v5 =	vld [tilespmem:s3+$0x8400]  }
0x35: {  	v9 =	vld [tilespmem:s3+$0x410];
	v0 =	vadd.f32 v1, v0;
	v1 =	vmul.f32 v2, v2;
	v2 =	vsub.f32 v8, v4  }
0x36: {  	v4 =	vld [tilespmem:s3+$0x8410]  }
0x37: {  	v8 =	vld [tilespmem:s3+$0x420];
	v0 =	vadd.f32 v1, v0;
	v1 =	vmul.f32 v2, v2;
	v2 =	vsub.f32 v6, v3  }
0x38: {  	v3 =	vld [tilespmem:s3+$0x8420]  }
0x39: {  	v6 =	vld [tilespmem:s3+$0x430];
	v0 =	vadd.f32 v1, v0;
	v1 =	vmul.f32 v2, v2;
	v2 =	vsub.f32 v7, v5  }
0x3a: {  	v5 =	vld [tilespmem:s3+$0x8430]  }
0x3b: {  	v7 =	vld [tilespmem:s3+$0x440];
	v0 =	vadd.f32 v1, v0;
	v1 =	vmul.f32 v2, v2;
	v2 =	vsub.f32 v9, v4  }
0x3c: {  	v4 =	vld [tilespmem:s3+$0x8440]  }
0x3d: {  	v9 =	vld [tilespmem:s3+$0x450];
	v0 =	vadd.f32 v1, v0;
	v1 =	vmul.f32 v2, v2;
	v2 =	vsub.f32 v8, v3  }
0x3e: {  	v3 =	vld [tilespmem:s3+$0x8450]  }
0x3f: {  	v8 =	vld [tilespmem:s3+$0x460];
	v0 =	vadd.f32 v1, v0;
	v1 =	vmul.f32 v2, v2;
	v2 =	vsub.f32 v6, v5  }
0x40: {  	v5 =	vld [tilespmem:s3+$0x8460]  }
0x41: {  	v6 =	vld [tilespmem:s3+$0x470];
	v0 =	vadd.f32 v1, v0;
	v1 =	vmul.f32 v2, v2;
	v2 =	vsub.f32 v7, v4  }
0x42: {  	v4 =	vld [tilespmem:s3+$0x8470]  }
0x43: {  	v7 =	vld [tilespmem:s3+$0x800];
	v0 =	vadd.f32 v1, v0;
	v1 =	vmul.f32 v2, v2;
	v2 =	vsub.f32 v9, v3  }
0x44: {  	v3 =	vld [tilespmem:s3+$0x8800]  }
0x45: {  	v9 =	vld [tilespmem:s3+$0x810];
	v0 =	vadd.f32 v1, v0;
	v1 =	vmul.f32 v2, v2;
	v2 =	vsub.f32 v8, v5  }
0x46: {  	v5 =	vld [tilespmem:s3+$0x8810]  }
0x47: {  	v8 =	vld [tilespmem:s3+$0x820];
	v0 =	vadd.f32 v1, v0;
	v1 =	vmul.f32 v2, v2;
	v2 =	vsub.f32 v6, v4  }
0x48: {  	v4 =	vld [tilespmem:s3+$0x8820]  }
0x49: {  	v6 =	vld [tilespmem:s3+$0x830];
	v0 =	vadd.f32 v1, v0;
	v1 =	vmul.f32 v2, v2;
	v2 =	vsub.f32 v7, v3  }
0x4a: {  	v3 =	vld [tilespmem:s3+$0x8830]  }
0x4b: {  	v7 =	vld [tilespmem:s3+$0x840];
	v0 =	vadd.f32 v1, v0;
	v1 =	vmul.f32 v2, v2;
	v2 =	vsub.f32 v9, v5  }
0x4c: {  	v5 =	vld [tilespmem:s3+$0x8840]  }
0x4d: {  	v9 =	vld [tilespmem:s3+$0x850];
	v0 =	vadd.f32 v1, v0;
	v1 =	vmul.f32 v2, v2;
	v2 =	vsub.f32 v8, v4  }
0x4e: {  	v4 =	vld [tilespmem:s3+$0x8850]  }
0x4f: {  	v8 =	vld [tilespmem:s3+$0x860];
	v0 =	vadd.f32 v1, v0;
	v1 =	vmul.f32 v2, v2;
	v2 =	vsub.f32 v6, v3  }
0x50: {  	v3 =	vld [tilespmem:s3+$0x8860]  }
0x51: {  	v6 =	vld [tilespmem:s3+$0x870];
	v0 =	vadd.f32 v1, v0;
	v1 =	vmul.f32 v2, v2;
	v2 =	vsub.f32 v7, v5  }
0x52: {  	v5 =	vld [tilespmem:s3+$0x8870]  }
0x53: {  	v7 =	vld [tilespmem:s3+$0xC00];
	v0 =	vadd.f32 v1, v0;
	v1 =	vmul.f32 v2, v2;
	v2 =	vsub.f32 v9, v4  }
0x54: {  	v4 =	vld [tilespmem:s3+$0x8C00]  }
0x55: {  	v9 =	vld [tilespmem:s3+$0xC10];
	v0 =	vadd.f32 v1, v0;
	v1 =	vmul.f32 v2, v2;
	v2 =	vsub.f32 v8, v3  }
0x56: {  	v3 =	vld [tilespmem:s3+$0x8C10]  }
0x57: {  	v8 =	vld [tilespmem:s3+$0xC20];
	v0 =	vadd.f32 v1, v0;
	v1 =	vmul.f32 v2, v2;
	v2 =	vsub.f32 v6, v5  }
0x58: {  	v5 =	vld [tilespmem:s3+$0x8C20]  }
0x59: {  	v6 =	vld [tilespmem:s3+$0xC30];
	v0 =	vadd.f32 v1, v0;
	v1 =	vmul.f32 v2, v2;
	v2 =	vsub.f32 v7, v4  }
0x5a: {  	v4 =	vld [tilespmem:s3+$0x8C30]  }
0x5b: {  	v10 =	vld [tilespmem:s3+$0xC40];
	v3 =	vsub.f32 v9, v3;
	v1 =	vadd.f32 v1, v0;
	v2 =	vmul.f32 v2, v2  }
0x5c: {  	v9 =	vld [tilespmem:s3+$0x8C40]  }
0x5d: {  	v0 =	vld [tilespmem:s3+$0xC50];
	v3 =	vmul.f32 v3, v3;
	v5 =	vsub.f32 v8, v5;
	v7 =	vadd.f32 v2, v1  }
0x5e: {  	v2 =	vld [tilespmem:s3+$0x8C50]  }
0x5f: {  	v1 =	vld [tilespmem:s3+$0xC60];
	v5 =	vmul.f32 v5, v5;
	v8 =	vsub.f32 v6, v4;
	v7 =	vadd.f32 v3, v7  }
0x60: {  	s4 =	simm.s32 $0x200;
	s1 =	simm.s32 $0x80;
	v3 =	vld [tilespmem:s3+$0x8C60]  }
0x61: {  	s0 =	sand.u32 $0x3000, s4;
	s29 =	sand.u32 $0x380, s1;
	v4 =	vld [tilespmem:s3+$0xC70];
	v6 =	vadd.f32 v5, v7;
	v7 =	vmul.f32 v8, v8;
	v8 =	vsub.f32 v10, v9  }
0x62: {  	s0 =	sor.u32 s29, s0;
	s29 =	simm.s32 $0x400;
	v5 =	vld [tilespmem:s3+$0x8C70]  }
.LBB2_2:
0x63: {  	p0 =	sne.s32 s29, $0x3E00;
	v9 =	vld [tilespmem:s0+$0x0];
	v6 =	vadd.f32 v7, v6;
	v7 =	vmul.f32 v8, v8;
	v0 =	vsub.f32 v0, v2  }
0x64: {  	v2 =	vld [tilespmem:s0+$0x8000]  }
0x65: {  	v8 =	vld [tilespmem:s0+$0x10];
	v6 =	vadd.f32 v7, v6;
	v0 =	vmul.f32 v0, v0;
	v1 =	vsub.f32 v1, v3  }
0x66: {  	v3 =	vld [tilespmem:s0+$0x8010]  }
0x67: {  	v7 =	vld [tilespmem:s0+$0x20];
	v0 =	vadd.f32 v0, v6;
	v1 =	vmul.f32 v1, v1;
	v4 =	vsub.f32 v4, v5  }
0x68: {  	v5 =	vld [tilespmem:s0+$0x8020]  }
0x69: {  	v2 =	vsub.f32 v9, v2;
	v6 =	vld [tilespmem:s0+$0x30];
	v0 =	vadd.f32 v1, v0;
	v1 =	vmul.f32 v4, v4  }
0x6a: {  	v4 =	vld [tilespmem:s0+$0x8030]  }
0x6b: {  	v2 =	vmul.f32 v2, v2;
	v3 =	vsub.f32 v8, v3;
	v8 =	vld [tilespmem:s0+$0x40];
	v0 =	vadd.f32 v1, v0  }
0x6c: {  	v1 =	vld [tilespmem:s0+$0x8040]  }
0x6d: {  	v0 =	vadd.f32 v2, v0;
	v2 =	vmul.f32 v3, v3;
	v3 =	vsub.f32 v7, v5;
	v5 =	vld [tilespmem:s0+$0x50]  }
0x6e: {  	v7 =	vld [tilespmem:s0+$0x8050]  }
0x6f: {  	v0 =	vadd.f32 v2, v0;
	v2 =	vmul.f32 v3, v3;
	v3 =	vsub.f32 v6, v4;
	v4 =	vld [tilespmem:s0+$0x60]  }
0x70: {  	v6 =	vld [tilespmem:s0+$0x8060]  }
0x71: {  	v0 =	vadd.f32 v2, v0;
	v2 =	vmul.f32 v3, v3;
	v1 =	vsub.f32 v8, v1;
	v3 =	vld [tilespmem:s0+$0x70]  }
0x72: {  	v8 =	vld [tilespmem:s0+$0x8070]  }
0x73: {  	v0 =	vadd.f32 v2, v0;
	v1 =	vmul.f32 v1, v1;
	v2 =	vsub.f32 v5, v7;
	v5 =	vld [tilespmem:s0+$0x400]  }
0x74: {  	v7 =	vld [tilespmem:s0+$0x8400]  }
0x75: {  	v0 =	vadd.f32 v1, v0;
	v1 =	vmul.f32 v2, v2;
	v2 =	vsub.f32 v4, v6;
	v4 =	vld [tilespmem:s0+$0x410]  }
0x76: {  	v6 =	vld [tilespmem:s0+$0x8410]  }
0x77: {  	v0 =	vadd.f32 v1, v0;
	v1 =	vmul.f32 v2, v2;
	v2 =	vsub.f32 v3, v8;
	v3 =	vld [tilespmem:s0+$0x420]  }
0x78: {  	v8 =	vld [tilespmem:s0+$0x8420]  }
0x79: {  	v0 =	vadd.f32 v1, v0;
	v1 =	vmul.f32 v2, v2;
	v2 =	vsub.f32 v5, v7;
	v5 =	vld [tilespmem:s0+$0x430]  }
0x7a: {  	v7 =	vld [tilespmem:s0+$0x8430]  }
0x7b: {  	v0 =	vadd.f32 v1, v0;
	v1 =	vmul.f32 v2, v2;
	v2 =	vsub.f32 v4, v6;
	v4 =	vld [tilespmem:s0+$0x440]  }
0x7c: {  	v6 =	vld [tilespmem:s0+$0x8440]  }
0x7d: {  	v0 =	vadd.f32 v1, v0;
	v1 =	vmul.f32 v2, v2;
	v2 =	vsub.f32 v3, v8;
	v3 =	vld [tilespmem:s0+$0x450]  }
0x7e: {  	v8 =	vld [tilespmem:s0+$0x8450]  }
0x7f: {  	v0 =	vadd.f32 v1, v0;
	v1 =	vmul.f32 v2, v2;
	v2 =	vsub.f32 v5, v7;
	v5 =	vld [tilespmem:s0+$0x460]  }
0x80: {  	v7 =	vld [tilespmem:s0+$0x8460]  }
0x81: {  	v0 =	vadd.f32 v1, v0;
	v1 =	vmul.f32 v2, v2;
	v2 =	vsub.f32 v4, v6;
	v4 =	vld [tilespmem:s0+$0x470]  }
0x82: {  	v6 =	vld [tilespmem:s0+$0x8470]  }
0x83: {  	v0 =	vadd.f32 v1, v0;
	v1 =	vmul.f32 v2, v2;
	v2 =	vsub.f32 v3, v8;
	v3 =	vld [tilespmem:s0+$0x800]  }
0x84: {  	v8 =	vld [tilespmem:s0+$0x8800]  }
0x85: {  	v0 =	vadd.f32 v1, v0;
	v1 =	vmul.f32 v2, v2;
	v2 =	vsub.f32 v5, v7;
	v5 =	vld [tilespmem:s0+$0x810]  }
0x86: {  	v7 =	vld [tilespmem:s0+$0x8810]  }
0x87: {  	v0 =	vadd.f32 v1, v0;
	v1 =	vmul.f32 v2, v2;
	v2 =	vsub.f32 v4, v6;
	v4 =	vld [tilespmem:s0+$0x820]  }
0x88: {  	v6 =	vld [tilespmem:s0+$0x8820]  }
0x89: {  	v0 =	vadd.f32 v1, v0;
	v1 =	vmul.f32 v2, v2;
	v2 =	vsub.f32 v3, v8;
	v3 =	vld [tilespmem:s0+$0x830]  }
0x8a: {  	v8 =	vld [tilespmem:s0+$0x8830]  }
0x8b: {  	v0 =	vadd.f32 v1, v0;
	v1 =	vmul.f32 v2, v2;
	v2 =	vsub.f32 v5, v7;
	v5 =	vld [tilespmem:s0+$0x840]  }
0x8c: {  	v7 =	vld [tilespmem:s0+$0x8840]  }
0x8d: {  	v0 =	vadd.f32 v1, v0;
	v1 =	vmul.f32 v2, v2;
	v2 =	vsub.f32 v4, v6;
	v4 =	vld [tilespmem:s0+$0x850]  }
0x8e: {  	v6 =	vld [tilespmem:s0+$0x8850]  }
0x8f: {  	v0 =	vadd.f32 v1, v0;
	v1 =	vmul.f32 v2, v2;
	v2 =	vsub.f32 v3, v8;
	v3 =	vld [tilespmem:s0+$0x860]  }
0x90: {  	v8 =	vld [tilespmem:s0+$0x8860]  }
0x91: {  	v0 =	vadd.f32 v1, v0;
	v1 =	vmul.f32 v2, v2;
	v2 =	vsub.f32 v5, v7;
	v5 =	vld [tilespmem:s0+$0x870]  }
0x92: {  	v7 =	vld [tilespmem:s0+$0x8870]  }
0x93: {  	v0 =	vadd.f32 v1, v0;
	v1 =	vmul.f32 v2, v2;
	v2 =	vsub.f32 v4, v6;
	v4 =	vld [tilespmem:s0+$0xC00]  }
0x94: {  	v6 =	vld [tilespmem:s0+$0x8C00]  }
0x95: {  	v0 =	vadd.f32 v1, v0;
	v1 =	vmul.f32 v2, v2;
	v2 =	vsub.f32 v3, v8;
	v3 =	vld [tilespmem:s0+$0xC10]  }
0x96: {  	v8 =	vld [tilespmem:s0+$0x8C10]  }
0x97: {  	v0 =	vadd.f32 v1, v0;
	v1 =	vmul.f32 v2, v2;
	v2 =	vsub.f32 v5, v7;
	v5 =	vld [tilespmem:s0+$0xC20]  }
0x98: {  	v7 =	vld [tilespmem:s0+$0x8C20]  }
0x99: {  	v0 =	vadd.f32 v1, v0;
	v1 =	vmul.f32 v2, v2;
	v2 =	vsub.f32 v4, v6;
	v4 =	vld [tilespmem:s0+$0xC30]  }
0x9a: {  	v6 =	vld [tilespmem:s0+$0x8C30]  }
0x9b: {  	v0 =	vadd.f32 v1, v0;
	v1 =	vmul.f32 v2, v2;
	v2 =	vsub.f32 v3, v8;
	v8 =	vld [tilespmem:s0+$0xC40]  }
0x9c: {  	v9 =	vld [tilespmem:s0+$0x8C40]  }
0x9d: {  	v1 =	vadd.f32 v1, v0;
	v3 =	vmul.f32 v2, v2;
	v5 =	vsub.f32 v5, v7;
	v0 =	vld [tilespmem:s0+$0xC50]  }
.Ltmp0:
0x9e: {  	v2 =	vld [tilespmem:s0+$0x8C50];
	(pc) =	sbr.rel @p0 .LBB2_2-.Ltmp0, $4  }
0x9f: {  	v7 =	vadd.f32 v3, v1;
	v5 =	vmul.f32 v5, v5;
	v4 =	vsub.f32 v4, v6;
	v1 =	vld [tilespmem:s0+$0xC60]  }
0xa0: {  	s1 =	sadd.s32 $0x80, s1;
	v3 =	vld [tilespmem:s0+$0x8C60]  }
0xa1: {  	s3 =	sand.u32 $0x3000, s29;
	s4 =	sand.u32 $0x380, s1;
	v6 =	vadd.f32 v5, v7;
	v7 =	vmul.f32 v4, v4;
	v8 =	vsub.f32 v8, v9;
	v4 =	vld [tilespmem:s0+$0xC70]  }
0xa2: {  	s29 =	sadd.s32 $0x200, s29;
	v5 =	vld [tilespmem:s0+$0x8C70];
	s0 =	sor.u32 s4, s3  }
0xa3: {  	v9 =	vld [tilespmem:s0+$0x0]  }
0xa4: {  	v10 =	vld [tilespmem:s0+$0x8000]  }
0xa5: {  	v11 =	vld [tilespmem:s0+$0x10]  }
0xa6: {  	v12 =	vld [tilespmem:s0+$0x8010]  }
0xa7: {  	v13 =	vld [tilespmem:s0+$0x20]  }
0xa8: {  	v14 =	vld [tilespmem:s0+$0x8020]  }
0xa9: {  	v15 =	vld [tilespmem:s0+$0x30]  }
0xaa: {  	v16 =	vld [tilespmem:s0+$0x8030]  }
0xab: {  	v17 =	vld [tilespmem:s0+$0x40];
	v6 =	vadd.f32 v7, v6;
	v7 =	vmul.f32 v8, v8;
	v0 =	vsub.f32 v0, v2  }
0xac: {  	v18 =	vld [tilespmem:s0+$0x8040]  }
0xad: {  	v2 =	vld [tilespmem:s0+$0x50];
	v6 =	vadd.f32 v7, v6;
	v0 =	vmul.f32 v0, v0;
	v1 =	vsub.f32 v1, v3  }
0xae: {  	v8 =	vld [tilespmem:s0+$0x8050]  }
0xaf: {  	v43 =	vld [tilespmem:s0+$0x8410];
	v0 =	vadd.f32 v0, v6;
	v1 =	vmul.f32 v1, v1;
	v4 =	vsub.f32 v4, v5  }
0xb0: {  	v44 =	vld [tilespmem:s0+$0x420]  }
0xb1: {  	v45 =	vld [tilespmem:s0+$0x8420];
	v9 =	vsub.f32 v9, v10;
	v0 =	vadd.f32 v1, v0;
	v1 =	vmul.f32 v4, v4  }
0xb2: {  	v46 =	vld [tilespmem:s0+$0x430]  }
0xb3: {  	v47 =	vld [tilespmem:s0+$0x8430];
	v11 =	vsub.f32 v11, v12;
	v9 =	vmul.f32 v9, v9;
	v0 =	vadd.f32 v1, v0  }
0xb4: {  	v48 =	vld [tilespmem:s0+$0x440]  }
0xb5: {  	v49 =	vld [tilespmem:s0+$0x8440];
	v0 =	vadd.f32 v9, v0;
	v9 =	vmul.f32 v11, v11;
	v11 =	vsub.f32 v13, v14  }
0xb6: {  	v50 =	vld [tilespmem:s0+$0x8810]  }
0xb7: {  	v3 =	vld [tilespmem:s0+$0x60];
	v0 =	vadd.f32 v9, v0;
	v9 =	vmul.f32 v11, v11;
	v11 =	vsub.f32 v15, v16  }
0xb8: {  	v7 =	vld [tilespmem:s0+$0x8060]  }
0xb9: {  	v5 =	vld [tilespmem:s0+$0x70];
	v0 =	vadd.f32 v9, v0;
	v9 =	vmul.f32 v11, v11;
	v11 =	vsub.f32 v17, v18  }
0xba: {  	v6 =	vld [tilespmem:s0+$0x8070]  }
0xbb: {  	v10 =	vld [tilespmem:s0+$0x8400];
	v2 =	vsub.f32 v2, v8;
	v0 =	vadd.f32 v9, v0;
	v9 =	vmul.f32 v11, v11  }
0xbc: {  	v4 =	vld [tilespmem:s0+$0x400]  }
0xbd: {  	v51 =	vld [tilespmem:s0+$0x820];
	v2 =	vmul.f32 v2, v2;
	v3 =	vsub.f32 v3, v7;
	v0 =	vadd.f32 v9, v0  }
0xbe: {  	v1 =	vld [tilespmem:s0+$0x410]  }
0xbf: {  	v52 =	vld [tilespmem:s0+$0x8820];
	v0 =	vadd.f32 v2, v0;
	v2 =	vmul.f32 v3, v3;
	v3 =	vsub.f32 v5, v6  }
0xc0: {  	v53 =	vld [tilespmem:s0+$0x830]  }
0xc1: {  	v54 =	vld [tilespmem:s0+$0x8830];
	v0 =	vadd.f32 v2, v0;
	v2 =	vmul.f32 v3, v3;
	v3 =	vsub.f32 v4, v10  }
0xc2: {  	v55 =	vld [tilespmem:s0+$0x840]  }
0xc3: {  	v56 =	vld [tilespmem:s0+$0x8840];
	v1 =	vsub.f32 v1, v43;
	v0 =	vadd.f32 v2, v0;
	v2 =	vmul.f32 v3, v3  }
0xc4: {  	v57 =	vld [tilespmem:s0+$0x8C10]  }
0xc5: {  	v8 =	vld [tilespmem:s0+$0x450];
	v1 =	vmul.f32 v1, v1;
	v0 =	vadd.f32 v2, v0;
	v2 =	vsub.f32 v44, v45  }
0xc6: {  	v11 =	vld [tilespmem:s0+$0x8450]  }
0xc7: {  	v7 =	vld [tilespmem:s0+$0x460];
	v0 =	vadd.f32 v1, v0;
	v1 =	vmul.f32 v2, v2;
	v2 =	vsub.f32 v46, v47  }
0xc8: {  	v9 =	vld [tilespmem:s0+$0x8460]  }
0xc9: {  	v5 =	vld [tilespmem:s0+$0x470];
	v0 =	vadd.f32 v1, v0;
	v1 =	vmul.f32 v2, v2;
	v2 =	vsub.f32 v48, v49  }
0xca: {  	v6 =	vld [tilespmem:s0+$0x8470]  }
0xcb: {  	v4 =	vld [tilespmem:s0+$0x800];
	v0 =	vadd.f32 v1, v0;
	v1 =	vmul.f32 v2, v2;
	v2 =	vsub.f32 v8, v11  }
0xcc: {  	v10 =	vld [tilespmem:s0+$0x8800]  }
0xcd: {  	v58 =	vld [tilespmem:s0+$0xC20];
	v0 =	vadd.f32 v1, v0;
	v1 =	vmul.f32 v2, v2;
	v2 =	vsub.f32 v7, v9  }
0xce: {  	v3 =	vld [tilespmem:s0+$0x810]  }
0xcf: {  	v59 =	vld [tilespmem:s0+$0x8C20];
	v0 =	vadd.f32 v1, v0;
	v1 =	vmul.f32 v2, v2;
	v2 =	vsub.f32 v5, v6  }
0xd0: {  	v60 =	vld [tilespmem:s0+$0xC30]  }
0xd1: {  	v61 =	vld [tilespmem:s0+$0x8C30];
	v0 =	vadd.f32 v1, v0;
	v1 =	vmul.f32 v2, v2;
	v2 =	vsub.f32 v4, v10  }
0xd2: {  	v62 =	vld [tilespmem:s0+$0xC40]  }
0xd3: {  	v63 =	vld [tilespmem:s0+$0x8C40];
	v0 =	vadd.f32 v1, v0;
	v1 =	vmul.f32 v2, v2;
	v2 =	vsub.f32 v3, v50  }
0xd4: {  	v8 =	vld [tilespmem:s0+$0x850]  }
0xd5: {  	v11 =	vld [tilespmem:s0+$0x8850];
	v0 =	vadd.f32 v1, v0;
	v1 =	vmul.f32 v2, v2;
	v2 =	vsub.f32 v51, v52  }
0xd6: {  	v7 =	vld [tilespmem:s0+$0x860]  }
0xd7: {  	v9 =	vld [tilespmem:s0+$0x8860];
	v0 =	vadd.f32 v1, v0;
	v1 =	vmul.f32 v2, v2;
	v2 =	vsub.f32 v53, v54  }
0xd8: {  	v5 =	vld [tilespmem:s0+$0x870]  }
0xd9: {  	v6 =	vld [tilespmem:s0+$0x8870];
	v0 =	vadd.f32 v1, v0;
	v1 =	vmul.f32 v2, v2;
	v2 =	vsub.f32 v55, v56  }
0xda: {  	v4 =	vld [tilespmem:s0+$0xC00]  }
0xdb: {  	v10 =	vld [tilespmem:s0+$0x8C00];
	v0 =	vadd.f32 v1, v0;
	v1 =	vmul.f32 v2, v2;
	v2 =	vsub.f32 v8, v11  }
0xdc: {  	v3 =	vld [tilespmem:s0+$0xC10]  }
0xdd: {  	v8 =	vld [tilespmem:s0+$0xC50];
	v0 =	vadd.f32 v1, v0;
	v1 =	vmul.f32 v2, v2;
	v2 =	vsub.f32 v7, v9  }
0xde: {  	v11 =	vld [tilespmem:s0+$0x8C50]  }
0xdf: {  	v7 =	vld [tilespmem:s0+$0xC60];
	v0 =	vadd.f32 v1, v0;
	v1 =	vmul.f32 v2, v2;
	v2 =	vsub.f32 v5, v6  }
0xe0: {  	v9 =	vld [tilespmem:s0+$0x8C60]  }
0xe1: {  	s3 =	simm.s32 $0x0;
	v5 =	vld [tilespmem:s0+$0xC70];
	v0 =	vadd.f32 v1, v0;
	v1 =	vsub.f32 v4, v10;
	v2 =	vmul.f32 v2, v2  }
0xe2: {  	v6 =	vld [tilespmem:s0+$0x8C70];
	[tilespmem:s3], [sflag:$0x1] =	stream.linear.gather [hbm4b:s7+s3], $0x4000, $0x38  }
0xe3: {  	v0 =	vadd.f32 v2, v0;
	v2 =	vsub.f32 v3, v57;
	v1 =	vmul.f32 v1, v1  }
0xe4: {  	[tilespmem:s21], [sflag:$0x3] =	stream.linear.gather [hbm4b:s8+s3], $0x4000, $0x38;
	[tilespmem:$0x10080] =	vst v63  }
0xe5: {  	_ =	swait.ge [sflag:s26], $0x4000;
	v0 =	vadd.f32 v1, v0;
	v1 =	vsub.f32 v58, v59;
	v2 =	vmul.f32 v2, v2  }
0xe6: {  	[sflag:s26] =	ssyncset.done $0x0  }
0xe7: {  	[sflag:s26] =	ssyncadd.s32 $0xFFFFC000;
	v0 =	vadd.f32 v2, v0;
	v2 =	vsub.f32 v60, v61;
	v1 =	vmul.f32 v1, v1  }
0xe8: {  	_ =	swait.ge [sflag:s28], $0x4000  }
0xe9: {  	s1 =	sand.u32 $0x3000, s3;
	s0 =	sand.u32 $0x380, s3;
	[sflag:s28] =	ssyncset.done $0x0;
	v0 =	vadd.f32 v1, v0;
	v1 =	vmul.f32 v2, v2;
	v2 =	vsub.f32 v62, v63  }
0xea: {  	s3 =	sor.u32 s0, s1;
	[sflag:s28] =	ssyncadd.s32 $0xFFFFC000  }
0xeb: {  	v3 =	vld [tilespmem:s3+$0x4000];
	v0 =	vadd.f32 v1, v0;
	v1 =	vmul.f32 v2, v2;
	v2 =	vsub.f32 v8, v11  }
0xec: {  	v4 =	vld [tilespmem:s3+$0xC000]  }
0xed: {  	v8 =	vld [tilespmem:s3+$0x4010];
	v0 =	vadd.f32 v1, v0;
	v1 =	vmul.f32 v2, v2;
	v2 =	vsub.f32 v7, v9  }
0xee: {  	v7 =	vld [tilespmem:s3+$0xC010]  }
0xef: {  	v9 =	vld [tilespmem:s3+$0x4020];
	v0 =	vadd.f32 v1, v0;
	v1 =	vmul.f32 v2, v2;
	v2 =	vsub.f32 v5, v6  }
0xf0: {  	v5 =	vld [tilespmem:s3+$0xC020]  }
0xf1: {  	v6 =	vld [tilespmem:s3+$0x4030];
	v0 =	vadd.f32 v1, v0;
	v1 =	vmul.f32 v2, v2;
	v2 =	vsub.f32 v3, v4  }
0xf2: {  	v3 =	vld [tilespmem:s3+$0xC030]  }
0xf3: {  	v4 =	vld [tilespmem:s3+$0x4040];
	v0 =	vadd.f32 v1, v0;
	v1 =	vmul.f32 v2, v2;
	v2 =	vsub.f32 v8, v7  }
0xf4: {  	v7 =	vld [tilespmem:s3+$0xC040]  }
0xf5: {  	v8 =	vld [tilespmem:s3+$0x4050];
	v0 =	vadd.f32 v1, v0;
	v1 =	vmul.f32 v2, v2;
	v2 =	vsub.f32 v9, v5  }
0xf6: {  	v5 =	vld [tilespmem:s3+$0xC050]  }
0xf7: {  	v9 =	vld [tilespmem:s3+$0x4060];
	v0 =	vadd.f32 v1, v0;
	v1 =	vmul.f32 v2, v2;
	v2 =	vsub.f32 v6, v3  }
0xf8: {  	v3 =	vld [tilespmem:s3+$0xC060]  }
0xf9: {  	v6 =	vld [tilespmem:s3+$0x4070];
	v0 =	vadd.f32 v1, v0;
	v1 =	vmul.f32 v2, v2;
	v2 =	vsub.f32 v4, v7  }
0xfa: {  	v4 =	vld [tilespmem:s3+$0xC070]  }
0xfb: {  	v7 =	vld [tilespmem:s3+$0x4400];
	v0 =	vadd.f32 v1, v0;
	v1 =	vmul.f32 v2, v2;
	v2 =	vsub.f32 v8, v5  }
0xfc: {  	v5 =	vld [tilespmem:s3+$0xC400]  }
0xfd: {  	v8 =	vld [tilespmem:s3+$0x4410];
	v0 =	vadd.f32 v1, v0;
	v1 =	vmul.f32 v2, v2;
	v2 =	vsub.f32 v9, v3  }
0xfe: {  	v3 =	vld [tilespmem:s3+$0xC410]  }
0xff: {  	v9 =	vld [tilespmem:s3+$0x4420];
	v0 =	vadd.f32 v1, v0;
	v1 =	vmul.f32 v2, v2;
	v2 =	vsub.f32 v6, v4  }
0x100: {  	v4 =	vld [tilespmem:s3+$0xC420]  }
0x101: {  	v6 =	vld [tilespmem:s3+$0x4430];
	v0 =	vadd.f32 v1, v0;
	v1 =	vmul.f32 v2, v2;
	v2 =	vsub.f32 v7, v5  }
0x102: {  	v5 =	vld [tilespmem:s3+$0xC430]  }
0x103: {  	v7 =	vld [tilespmem:s3+$0x4440];
	v0 =	vadd.f32 v1, v0;
	v1 =	vmul.f32 v2, v2;
	v2 =	vsub.f32 v8, v3  }
0x104: {  	v3 =	vld [tilespmem:s3+$0xC440]  }
0x105: {  	v8 =	vld [tilespmem:s3+$0x4450];
	v0 =	vadd.f32 v1, v0;
	v1 =	vmul.f32 v2, v2;
	v2 =	vsub.f32 v9, v4  }
0x106: {  	v4 =	vld [tilespmem:s3+$0xC450]  }
0x107: {  	v9 =	vld [tilespmem:s3+$0x4460];
	v0 =	vadd.f32 v1, v0;
	v1 =	vmul.f32 v2, v2;
	v2 =	vsub.f32 v6, v5  }
0x108: {  	v5 =	vld [tilespmem:s3+$0xC460]  }
0x109: {  	v6 =	vld [tilespmem:s3+$0x4470];
	v0 =	vadd.f32 v1, v0;
	v1 =	vmul.f32 v2, v2;
	v2 =	vsub.f32 v7, v3  }
0x10a: {  	v3 =	vld [tilespmem:s3+$0xC470]  }
0x10b: {  	v7 =	vld [tilespmem:s3+$0x4800];
	v0 =	vadd.f32 v1, v0;
	v1 =	vmul.f32 v2, v2;
	v2 =	vsub.f32 v8, v4  }
0x10c: {  	v4 =	vld [tilespmem:s3+$0xC800]  }
0x10d: {  	v8 =	vld [tilespmem:s3+$0x4810];
	v0 =	vadd.f32 v1, v0;
	v1 =	vmul.f32 v2, v2;
	v2 =	vsub.f32 v9, v5  }
0x10e: {  	v5 =	vld [tilespmem:s3+$0xC810]  }
0x10f: {  	v9 =	vld [tilespmem:s3+$0x4820];
	v0 =	vadd.f32 v1, v0;
	v1 =	vmul.f32 v2, v2;
	v2 =	vsub.f32 v6, v3  }
0x110: {  	v3 =	vld [tilespmem:s3+$0xC820]  }
0x111: {  	v6 =	vld [tilespmem:s3+$0x4830];
	v0 =	vadd.f32 v1, v0;
	v1 =	vmul.f32 v2, v2;
	v2 =	vsub.f32 v7, v4  }
0x112: {  	v4 =	vld [tilespmem:s3+$0xC830]  }
0x113: {  	v7 =	vld [tilespmem:s3+$0x4840];
	v0 =	vadd.f32 v1, v0;
	v1 =	vmul.f32 v2, v2;
	v2 =	vsub.f32 v8, v5  }
0x114: {  	v5 =	vld [tilespmem:s3+$0xC840]  }
0x115: {  	v8 =	vld [tilespmem:s3+$0x4850];
	v0 =	vadd.f32 v1, v0;
	v1 =	vmul.f32 v2, v2;
	v2 =	vsub.f32 v9, v3  }
0x116: {  	v3 =	vld [tilespmem:s3+$0xC850]  }
0x117: {  	v9 =	vld [tilespmem:s3+$0x4860];
	v0 =	vadd.f32 v1, v0;
	v1 =	vmul.f32 v2, v2;
	v2 =	vsub.f32 v6, v4  }
0x118: {  	v4 =	vld [tilespmem:s3+$0xC860]  }
0x119: {  	v6 =	vld [tilespmem:s3+$0x4870];
	v0 =	vadd.f32 v1, v0;
	v1 =	vmul.f32 v2, v2;
	v2 =	vsub.f32 v7, v5  }
0x11a: {  	v5 =	vld [tilespmem:s3+$0xC870]  }
0x11b: {  	v7 =	vld [tilespmem:s3+$0x4C00];
	v0 =	vadd.f32 v1, v0;
	v1 =	vmul.f32 v2, v2;
	v2 =	vsub.f32 v8, v3  }
0x11c: {  	v3 =	vld [tilespmem:s3+$0xCC00]  }
0x11d: {  	v8 =	vld [tilespmem:s3+$0x4C10];
	v0 =	vadd.f32 v1, v0;
	v1 =	vmul.f32 v2, v2;
	v2 =	vsub.f32 v9, v4  }
0x11e: {  	v4 =	vld [tilespmem:s3+$0xCC10]  }
0x11f: {  	v9 =	vld [tilespmem:s3+$0x4C20];
	v0 =	vadd.f32 v1, v0;
	v1 =	vmul.f32 v2, v2;
	v2 =	vsub.f32 v6, v5  }
0x120: {  	v5 =	vld [tilespmem:s3+$0xCC20]  }
0x121: {  	v6 =	vld [tilespmem:s3+$0x4C30];
	v0 =	vadd.f32 v1, v0;
	v1 =	vmul.f32 v2, v2;
	v2 =	vsub.f32 v7, v3  }
0x122: {  	v3 =	vld [tilespmem:s3+$0xCC30]  }
0x123: {  	v10 =	vld [tilespmem:s3+$0x4C40];
	v4 =	vsub.f32 v8, v4;
	v1 =	vadd.f32 v1, v0;
	v2 =	vmul.f32 v2, v2  }
0x124: {  	v8 =	vld [tilespmem:s3+$0xCC40]  }
0x125: {  	v0 =	vld [tilespmem:s3+$0x4C50];
	v4 =	vmul.f32 v4, v4;
	v5 =	vsub.f32 v9, v5;
	v7 =	vadd.f32 v2, v1  }
0x126: {  	v2 =	vld [tilespmem:s3+$0xCC50]  }
0x127: {  	v1 =	vld [tilespmem:s3+$0x4C60];
	v5 =	vmul.f32 v5, v5;
	v9 =	vsub.f32 v6, v3;
	v7 =	vadd.f32 v4, v7  }
0x128: {  	s4 =	simm.s32 $0x200;
	s1 =	simm.s32 $0x80;
	v3 =	vld [tilespmem:s3+$0xCC60]  }
0x129: {  	s0 =	sand.u32 $0x3000, s4;
	s4 =	sand.u32 $0x380, s1;
	v4 =	vld [tilespmem:s3+$0x4C70];
	v8 =	vsub.f32 v10, v8;
	v6 =	vadd.f32 v5, v7;
	v7 =	vmul.f32 v9, v9  }
0x12a: {  	s29 =	simm.s32 $0x400;
	s0 =	sor.u32 s4, s0;
	v5 =	vld [tilespmem:s3+$0xCC70]  }
.LBB2_4:
0x12b: {  	p0 =	sne.s32 s29, $0x3E00;
	v9 =	vld [tilespmem:s0+$0x4000];
	v6 =	vadd.f32 v7, v6;
	v7 =	vmul.f32 v8, v8;
	v0 =	vsub.f32 v0, v2  }
0x12c: {  	v2 =	vld [tilespmem:s0+$0xC000]  }
0x12d: {  	v8 =	vld [tilespmem:s0+$0x4010];
	v6 =	vadd.f32 v7, v6;
	v0 =	vmul.f32 v0, v0;
	v1 =	vsub.f32 v1, v3  }
0x12e: {  	v3 =	vld [tilespmem:s0+$0xC010]  }
0x12f: {  	v7 =	vld [tilespmem:s0+$0x4020];
	v0 =	vadd.f32 v0, v6;
	v1 =	vmul.f32 v1, v1;
	v4 =	vsub.f32 v4, v5  }
0x130: {  	v5 =	vld [tilespmem:s0+$0xC020]  }
0x131: {  	v2 =	vsub.f32 v9, v2;
	v6 =	vld [tilespmem:s0+$0x4030];
	v0 =	vadd.f32 v1, v0;
	v1 =	vmul.f32 v4, v4  }
0x132: {  	v4 =	vld [tilespmem:s0+$0xC030]  }
0x133: {  	v2 =	vmul.f32 v2, v2;
	v3 =	vsub.f32 v8, v3;
	v8 =	vld [tilespmem:s0+$0x4040];
	v0 =	vadd.f32 v1, v0  }
0x134: {  	v1 =	vld [tilespmem:s0+$0xC040]  }
0x135: {  	v0 =	vadd.f32 v2, v0;
	v2 =	vmul.f32 v3, v3;
	v3 =	vsub.f32 v7, v5;
	v5 =	vld [tilespmem:s0+$0x4050]  }
0x136: {  	v7 =	vld [tilespmem:s0+$0xC050]  }
0x137: {  	v0 =	vadd.f32 v2, v0;
	v2 =	vmul.f32 v3, v3;
	v3 =	vsub.f32 v6, v4;
	v4 =	vld [tilespmem:s0+$0x4060]  }
0x138: {  	v6 =	vld [tilespmem:s0+$0xC060]  }
0x139: {  	v0 =	vadd.f32 v2, v0;
	v2 =	vmul.f32 v3, v3;
	v1 =	vsub.f32 v8, v1;
	v3 =	vld [tilespmem:s0+$0x4070]  }
0x13a: {  	v8 =	vld [tilespmem:s0+$0xC070]  }
0x13b: {  	v0 =	vadd.f32 v2, v0;
	v1 =	vmul.f32 v1, v1;
	v2 =	vsub.f32 v5, v7;
	v5 =	vld [tilespmem:s0+$0x4400]  }
0x13c: {  	v7 =	vld [tilespmem:s0+$0xC400]  }
0x13d: {  	v0 =	vadd.f32 v1, v0;
	v1 =	vmul.f32 v2, v2;
	v2 =	vsub.f32 v4, v6;
	v4 =	vld [tilespmem:s0+$0x4410]  }
0x13e: {  	v6 =	vld [tilespmem:s0+$0xC410]  }
0x13f: {  	v0 =	vadd.f32 v1, v0;
	v1 =	vmul.f32 v2, v2;
	v2 =	vsub.f32 v3, v8;
	v3 =	vld [tilespmem:s0+$0x4420]  }
0x140: {  	v8 =	vld [tilespmem:s0+$0xC420]  }
0x141: {  	v0 =	vadd.f32 v1, v0;
	v1 =	vmul.f32 v2, v2;
	v2 =	vsub.f32 v5, v7;
	v5 =	vld [tilespmem:s0+$0x4430]  }
0x142: {  	v7 =	vld [tilespmem:s0+$0xC430]  }
0x143: {  	v0 =	vadd.f32 v1, v0;
	v1 =	vmul.f32 v2, v2;
	v2 =	vsub.f32 v4, v6;
	v4 =	vld [tilespmem:s0+$0x4440]  }
0x144: {  	v6 =	vld [tilespmem:s0+$0xC440]  }
0x145: {  	v0 =	vadd.f32 v1, v0;
	v1 =	vmul.f32 v2, v2;
	v2 =	vsub.f32 v3, v8;
	v3 =	vld [tilespmem:s0+$0x4450]  }
0x146: {  	v8 =	vld [tilespmem:s0+$0xC450]  }
0x147: {  	v0 =	vadd.f32 v1, v0;
	v1 =	vmul.f32 v2, v2;
	v2 =	vsub.f32 v5, v7;
	v5 =	vld [tilespmem:s0+$0x4460]  }
0x148: {  	v7 =	vld [tilespmem:s0+$0xC460]  }
0x149: {  	v0 =	vadd.f32 v1, v0;
	v1 =	vmul.f32 v2, v2;
	v2 =	vsub.f32 v4, v6;
	v4 =	vld [tilespmem:s0+$0x4470]  }
0x14a: {  	v6 =	vld [tilespmem:s0+$0xC470]  }
0x14b: {  	v0 =	vadd.f32 v1, v0;
	v1 =	vmul.f32 v2, v2;
	v2 =	vsub.f32 v3, v8;
	v3 =	vld [tilespmem:s0+$0x4800]  }
0x14c: {  	v8 =	vld [tilespmem:s0+$0xC800]  }
0x14d: {  	v0 =	vadd.f32 v1, v0;
	v1 =	vmul.f32 v2, v2;
	v2 =	vsub.f32 v5, v7;
	v5 =	vld [tilespmem:s0+$0x4810]  }
0x14e: {  	v7 =	vld [tilespmem:s0+$0xC810]  }
0x14f: {  	v0 =	vadd.f32 v1, v0;
	v1 =	vmul.f32 v2, v2;
	v2 =	vsub.f32 v4, v6;
	v4 =	vld [tilespmem:s0+$0x4820]  }
0x150: {  	v6 =	vld [tilespmem:s0+$0xC820]  }
0x151: {  	v0 =	vadd.f32 v1, v0;
	v1 =	vmul.f32 v2, v2;
	v2 =	vsub.f32 v3, v8;
	v3 =	vld [tilespmem:s0+$0x4830]  }
0x152: {  	v8 =	vld [tilespmem:s0+$0xC830]  }
0x153: {  	v0 =	vadd.f32 v1, v0;
	v1 =	vmul.f32 v2, v2;
	v2 =	vsub.f32 v5, v7;
	v5 =	vld [tilespmem:s0+$0x4840]  }
0x154: {  	v7 =	vld [tilespmem:s0+$0xC840]  }
0x155: {  	v0 =	vadd.f32 v1, v0;
	v1 =	vmul.f32 v2, v2;
	v2 =	vsub.f32 v4, v6;
	v4 =	vld [tilespmem:s0+$0x4850]  }
0x156: {  	v6 =	vld [tilespmem:s0+$0xC850]  }
0x157: {  	v0 =	vadd.f32 v1, v0;
	v1 =	vmul.f32 v2, v2;
	v2 =	vsub.f32 v3, v8;
	v3 =	vld [tilespmem:s0+$0x4860]  }
0x158: {  	v8 =	vld [tilespmem:s0+$0xC860]  }
0x159: {  	v0 =	vadd.f32 v1, v0;
	v1 =	vmul.f32 v2, v2;
	v2 =	vsub.f32 v5, v7;
	v5 =	vld [tilespmem:s0+$0x4870]  }
0x15a: {  	v7 =	vld [tilespmem:s0+$0xC870]  }
0x15b: {  	v0 =	vadd.f32 v1, v0;
	v1 =	vmul.f32 v2, v2;
	v2 =	vsub.f32 v4, v6;
	v4 =	vld [tilespmem:s0+$0x4C00]  }
0x15c: {  	v6 =	vld [tilespmem:s0+$0xCC00]  }
0x15d: {  	v0 =	vadd.f32 v1, v0;
	v1 =	vmul.f32 v2, v2;
	v2 =	vsub.f32 v3, v8;
	v3 =	vld [tilespmem:s0+$0x4C10]  }
0x15e: {  	v8 =	vld [tilespmem:s0+$0xCC10]  }
0x15f: {  	v0 =	vadd.f32 v1, v0;
	v1 =	vmul.f32 v2, v2;
	v2 =	vsub.f32 v5, v7;
	v5 =	vld [tilespmem:s0+$0x4C20]  }
0x160: {  	v7 =	vld [tilespmem:s0+$0xCC20]  }
0x161: {  	v0 =	vadd.f32 v1, v0;
	v1 =	vmul.f32 v2, v2;
	v2 =	vsub.f32 v4, v6;
	v4 =	vld [tilespmem:s0+$0x4C30]  }
0x162: {  	v6 =	vld [tilespmem:s0+$0xCC30]  }
0x163: {  	v0 =	vadd.f32 v1, v0;
	v1 =	vmul.f32 v2, v2;
	v2 =	vsub.f32 v3, v8;
	v8 =	vld [tilespmem:s0+$0x4C40]  }
0x164: {  	v9 =	vld [tilespmem:s0+$0xCC40]  }
0x165: {  	v1 =	vadd.f32 v1, v0;
	v3 =	vmul.f32 v2, v2;
	v5 =	vsub.f32 v5, v7;
	v0 =	vld [tilespmem:s0+$0x4C50]  }
.Ltmp1:
0x166: {  	v2 =	vld [tilespmem:s0+$0xCC50];
	(pc) =	sbr.rel @p0 .LBB2_4-.Ltmp1, $4  }
0x167: {  	v7 =	vadd.f32 v3, v1;
	v5 =	vmul.f32 v5, v5;
	v4 =	vsub.f32 v4, v6;
	v1 =	vld [tilespmem:s0+$0x4C60]  }
0x168: {  	s1 =	sadd.s32 $0x80, s1;
	v3 =	vld [tilespmem:s0+$0xCC60]  }
0x169: {  	s3 =	sand.u32 $0x3000, s29;
	s4 =	sand.u32 $0x380, s1;
	v6 =	vadd.f32 v5, v7;
	v7 =	vmul.f32 v4, v4;
	v8 =	vsub.f32 v8, v9;
	v4 =	vld [tilespmem:s0+$0x4C70]  }
0x16a: {  	s29 =	sadd.s32 $0x200, s29;
	v5 =	vld [tilespmem:s0+$0xCC70];
	s0 =	sor.u32 s4, s3  }
0x16b: {  	v9 =	vld [tilespmem:s0+$0x4000]  }
0x16c: {  	v10 =	vld [tilespmem:s0+$0xC000]  }
0x16d: {  	v11 =	vld [tilespmem:s0+$0x4010]  }
0x16e: {  	v12 =	vld [tilespmem:s0+$0xC010]  }
0x16f: {  	v13 =	vld [tilespmem:s0+$0x4020]  }
0x170: {  	v14 =	vld [tilespmem:s0+$0xC020]  }
0x171: {  	v15 =	vld [tilespmem:s0+$0x4030]  }
0x172: {  	v16 =	vld [tilespmem:s0+$0xC030]  }
0x173: {  	v17 =	vld [tilespmem:s0+$0x4040];
	v6 =	vadd.f32 v7, v6;
	v7 =	vmul.f32 v8, v8;
	v0 =	vsub.f32 v0, v2  }
0x174: {  	v18 =	vld [tilespmem:s0+$0xC040]  }
0x175: {  	v2 =	vld [tilespmem:s0+$0x4050];
	v6 =	vadd.f32 v7, v6;
	v0 =	vmul.f32 v0, v0;
	v1 =	vsub.f32 v1, v3  }
0x176: {  	v8 =	vld [tilespmem:s0+$0xC050]  }
0x177: {  	v43 =	vld [tilespmem:s0+$0xC410];
	v0 =	vadd.f32 v0, v6;
	v1 =	vmul.f32 v1, v1;
	v4 =	vsub.f32 v4, v5  }
0x178: {  	v44 =	vld [tilespmem:s0+$0x4420]  }
0x179: {  	v45 =	vld [tilespmem:s0+$0xC420];
	v9 =	vsub.f32 v9, v10;
	v0 =	vadd.f32 v1, v0;
	v1 =	vmul.f32 v4, v4  }
0x17a: {  	v46 =	vld [tilespmem:s0+$0x4430]  }
0x17b: {  	v47 =	vld [tilespmem:s0+$0xC430];
	v11 =	vsub.f32 v11, v12;
	v9 =	vmul.f32 v9, v9;
	v0 =	vadd.f32 v1, v0  }
0x17c: {  	v48 =	vld [tilespmem:s0+$0x4440]  }
0x17d: {  	v49 =	vld [tilespmem:s0+$0xC440];
	v0 =	vadd.f32 v9, v0;
	v9 =	vmul.f32 v11, v11;
	v11 =	vsub.f32 v13, v14  }
0x17e: {  	v50 =	vld [tilespmem:s0+$0xC810]  }
0x17f: {  	v3 =	vld [tilespmem:s0+$0x4060];
	v0 =	vadd.f32 v9, v0;
	v9 =	vmul.f32 v11, v11;
	v11 =	vsub.f32 v15, v16  }
0x180: {  	v7 =	vld [tilespmem:s0+$0xC060]  }
0x181: {  	v5 =	vld [tilespmem:s0+$0x4070];
	v0 =	vadd.f32 v9, v0;
	v9 =	vmul.f32 v11, v11;
	v11 =	vsub.f32 v17, v18  }
0x182: {  	v6 =	vld [tilespmem:s0+$0xC070]  }
0x183: {  	v10 =	vld [tilespmem:s0+$0xC400];
	v2 =	vsub.f32 v2, v8;
	v0 =	vadd.f32 v9, v0;
	v9 =	vmul.f32 v11, v11  }
0x184: {  	v4 =	vld [tilespmem:s0+$0x4400]  }
0x185: {  	v51 =	vld [tilespmem:s0+$0x4820];
	v2 =	vmul.f32 v2, v2;
	v3 =	vsub.f32 v3, v7;
	v0 =	vadd.f32 v9, v0  }
0x186: {  	v1 =	vld [tilespmem:s0+$0x4410]  }
0x187: {  	v52 =	vld [tilespmem:s0+$0xC820];
	v0 =	vadd.f32 v2, v0;
	v2 =	vmul.f32 v3, v3;
	v3 =	vsub.f32 v5, v6  }
0x188: {  	v53 =	vld [tilespmem:s0+$0x4830]  }
0x189: {  	v54 =	vld [tilespmem:s0+$0xC830];
	v0 =	vadd.f32 v2, v0;
	v2 =	vmul.f32 v3, v3;
	v3 =	vsub.f32 v4, v10  }
0x18a: {  	v55 =	vld [tilespmem:s0+$0x4840]  }
0x18b: {  	v56 =	vld [tilespmem:s0+$0xC840];
	v1 =	vsub.f32 v1, v43;
	v0 =	vadd.f32 v2, v0;
	v2 =	vmul.f32 v3, v3  }
0x18c: {  	v57 =	vld [tilespmem:s0+$0xCC10]  }
0x18d: {  	v8 =	vld [tilespmem:s0+$0x4450];
	v1 =	vmul.f32 v1, v1;
	v0 =	vadd.f32 v2, v0;
	v2 =	vsub.f32 v44, v45  }
0x18e: {  	v11 =	vld [tilespmem:s0+$0xC450]  }
0x18f: {  	v7 =	vld [tilespmem:s0+$0x4460];
	v0 =	vadd.f32 v1, v0;
	v1 =	vmul.f32 v2, v2;
	v2 =	vsub.f32 v46, v47  }
0x190: {  	v9 =	vld [tilespmem:s0+$0xC460]  }
0x191: {  	v5 =	vld [tilespmem:s0+$0x4470];
	v0 =	vadd.f32 v1, v0;
	v1 =	vmul.f32 v2, v2;
	v2 =	vsub.f32 v48, v49  }
0x192: {  	v6 =	vld [tilespmem:s0+$0xC470]  }
0x193: {  	v4 =	vld [tilespmem:s0+$0x4800];
	v0 =	vadd.f32 v1, v0;
	v1 =	vmul.f32 v2, v2;
	v2 =	vsub.f32 v8, v11  }
0x194: {  	v10 =	vld [tilespmem:s0+$0xC800]  }
0x195: {  	v58 =	vld [tilespmem:s0+$0x4C20];
	v0 =	vadd.f32 v1, v0;
	v1 =	vmul.f32 v2, v2;
	v2 =	vsub.f32 v7, v9  }
0x196: {  	v3 =	vld [tilespmem:s0+$0x4810]  }
0x197: {  	v59 =	vld [tilespmem:s0+$0xCC20];
	v0 =	vadd.f32 v1, v0;
	v1 =	vmul.f32 v2, v2;
	v2 =	vsub.f32 v5, v6  }
0x198: {  	v60 =	vld [tilespmem:s0+$0x4C30]  }
0x199: {  	v61 =	vld [tilespmem:s0+$0xCC30];
	v0 =	vadd.f32 v1, v0;
	v1 =	vmul.f32 v2, v2;
	v2 =	vsub.f32 v4, v10  }
0x19a: {  	v62 =	vld [tilespmem:s0+$0x4C40]  }
0x19b: {  	v63 =	vld [tilespmem:s0+$0xCC40];
	v0 =	vadd.f32 v1, v0;
	v1 =	vmul.f32 v2, v2;
	v2 =	vsub.f32 v3, v50  }
0x19c: {  	v8 =	vld [tilespmem:s0+$0x4850]  }
0x19d: {  	v11 =	vld [tilespmem:s0+$0xC850];
	v0 =	vadd.f32 v1, v0;
	v1 =	vmul.f32 v2, v2;
	v2 =	vsub.f32 v51, v52  }
0x19e: {  	v7 =	vld [tilespmem:s0+$0x4860]  }
0x19f: {  	v9 =	vld [tilespmem:s0+$0xC860];
	v0 =	vadd.f32 v1, v0;
	v1 =	vmul.f32 v2, v2;
	v2 =	vsub.f32 v53, v54  }
0x1a0: {  	v5 =	vld [tilespmem:s0+$0x4870]  }
0x1a1: {  	v6 =	vld [tilespmem:s0+$0xC870];
	v0 =	vadd.f32 v1, v0;
	v1 =	vmul.f32 v2, v2;
	v2 =	vsub.f32 v55, v56  }
0x1a2: {  	v4 =	vld [tilespmem:s0+$0x4C00]  }
0x1a3: {  	v10 =	vld [tilespmem:s0+$0xCC00];
	v0 =	vadd.f32 v1, v0;
	v1 =	vmul.f32 v2, v2;
	v2 =	vsub.f32 v8, v11  }
0x1a4: {  	v3 =	vld [tilespmem:s0+$0x4C10]  }
0x1a5: {  	v8 =	vld [tilespmem:s0+$0x4C50];
	v0 =	vadd.f32 v1, v0;
	v1 =	vmul.f32 v2, v2;
	v2 =	vsub.f32 v7, v9  }
0x1a6: {  	v11 =	vld [tilespmem:s0+$0xCC50]  }
0x1a7: {  	v7 =	vld [tilespmem:s0+$0x4C60];
	v0 =	vadd.f32 v1, v0;
	v1 =	vmul.f32 v2, v2;
	v2 =	vsub.f32 v5, v6  }
0x1a8: {  	v9 =	vld [tilespmem:s0+$0xCC60]  }
0x1a9: {  	s3 =	simm.s32 $0x0;
	v5 =	vld [tilespmem:s0+$0x4C70];
	v0 =	vadd.f32 v1, v0;
	v1 =	vsub.f32 v4, v10;
	v2 =	vmul.f32 v2, v2  }
0x1aa: {  	v6 =	vld [tilespmem:s0+$0xCC70];
	[tilespmem:s22], [sflag:$0x2] =	stream.linear.gather [hbm4b:s9+s3], $0x4000, $0x38  }
0x1ab: {  	v0 =	vadd.f32 v2, v0;
	v2 =	vsub.f32 v3, v57;
	v1 =	vmul.f32 v1, v1  }
0x1ac: {  	[tilespmem:s23], [sflag:$0x4] =	stream.linear.gather [hbm4b:s10+s3], $0x4000, $0x38;
	[tilespmem:$0x10080] =	vst v63  }
0x1ad: {  	_ =	swait.ge [sflag:s24], $0x4000;
	v0 =	vadd.f32 v1, v0;
	v1 =	vsub.f32 v58, v59;
	v2 =	vmul.f32 v2, v2  }
0x1ae: {  	[sflag:s24] =	ssyncset.done $0x0  }
0x1af: {  	[sflag:s24] =	ssyncadd.s32 $0xFFFFC000;
	v0 =	vadd.f32 v2, v0;
	v2 =	vsub.f32 v60, v61;
	v1 =	vmul.f32 v1, v1  }
0x1b0: {  	_ =	swait.ge [sflag:s25], $0x4000  }
0x1b1: {  	s1 =	sand.u32 $0x3000, s3;
	s0 =	sand.u32 $0x380, s3;
	[sflag:s25] =	ssyncset.done $0x0;
	v0 =	vadd.f32 v1, v0;
	v1 =	vmul.f32 v2, v2;
	v2 =	vsub.f32 v62, v63  }
0x1b2: {  	s3 =	sor.u32 s0, s1;
	[sflag:s25] =	ssyncadd.s32 $0xFFFFC000  }
0x1b3: {  	v3 =	vld [tilespmem:s3+$0x0];
	v0 =	vadd.f32 v1, v0;
	v1 =	vmul.f32 v2, v2;
	v2 =	vsub.f32 v8, v11  }
0x1b4: {  	v4 =	vld [tilespmem:s3+$0x8000]  }
0x1b5: {  	v8 =	vld [tilespmem:s3+$0x10];
	v0 =	vadd.f32 v1, v0;
	v1 =	vmul.f32 v2, v2;
	v2 =	vsub.f32 v7, v9  }
0x1b6: {  	v7 =	vld [tilespmem:s3+$0x8010]  }
0x1b7: {  	v9 =	vld [tilespmem:s3+$0x20];
	v0 =	vadd.f32 v1, v0;
	v1 =	vmul.f32 v2, v2;
	v2 =	vsub.f32 v5, v6  }
0x1b8: {  	v5 =	vld [tilespmem:s3+$0x8020]  }
0x1b9: {  	v6 =	vld [tilespmem:s3+$0x30];
	v0 =	vadd.f32 v1, v0;
	v1 =	vmul.f32 v2, v2;
	v2 =	vsub.f32 v3, v4  }
0x1ba: {  	v3 =	vld [tilespmem:s3+$0x8030]  }
0x1bb: {  	v4 =	vld [tilespmem:s3+$0x40];
	v0 =	vadd.f32 v1, v0;
	v1 =	vmul.f32 v2, v2;
	v2 =	vsub.f32 v8, v7  }
0x1bc: {  	v7 =	vld [tilespmem:s3+$0x8040]  }
0x1bd: {  	v8 =	vld [tilespmem:s3+$0x50];
	v0 =	vadd.f32 v1, v0;
	v1 =	vmul.f32 v2, v2;
	v2 =	vsub.f32 v9, v5  }
0x1be: {  	v5 =	vld [tilespmem:s3+$0x8050]  }
0x1bf: {  	v9 =	vld [tilespmem:s3+$0x60];
	v0 =	vadd.f32 v1, v0;
	v1 =	vmul.f32 v2, v2;
	v2 =	vsub.f32 v6, v3  }
0x1c0: {  	v3 =	vld [tilespmem:s3+$0x8060]  }
0x1c1: {  	v6 =	vld [tilespmem:s3+$0x70];
	v0 =	vadd.f32 v1, v0;
	v1 =	vmul.f32 v2, v2;
	v2 =	vsub.f32 v4, v7  }
0x1c2: {  	v4 =	vld [tilespmem:s3+$0x8070]  }
0x1c3: {  	v7 =	vld [tilespmem:s3+$0x400];
	v0 =	vadd.f32 v1, v0;
	v1 =	vmul.f32 v2, v2;
	v2 =	vsub.f32 v8, v5  }
0x1c4: {  	v5 =	vld [tilespmem:s3+$0x8400]  }
0x1c5: {  	v8 =	vld [tilespmem:s3+$0x410];
	v0 =	vadd.f32 v1, v0;
	v1 =	vmul.f32 v2, v2;
	v2 =	vsub.f32 v9, v3  }
0x1c6: {  	v3 =	vld [tilespmem:s3+$0x8410]  }
0x1c7: {  	v9 =	vld [tilespmem:s3+$0x420];
	v0 =	vadd.f32 v1, v0;
	v1 =	vmul.f32 v2, v2;
	v2 =	vsub.f32 v6, v4  }
0x1c8: {  	v4 =	vld [tilespmem:s3+$0x8420]  }
0x1c9: {  	v6 =	vld [tilespmem:s3+$0x430];
	v0 =	vadd.f32 v1, v0;
	v1 =	vmul.f32 v2, v2;
	v2 =	vsub.f32 v7, v5  }
0x1ca: {  	v5 =	vld [tilespmem:s3+$0x8430]  }
0x1cb: {  	v7 =	vld [tilespmem:s3+$0x440];
	v0 =	vadd.f32 v1, v0;
	v1 =	vmul.f32 v2, v2;
	v2 =	vsub.f32 v8, v3  }
0x1cc: {  	v3 =	vld [tilespmem:s3+$0x8440]  }
0x1cd: {  	v8 =	vld [tilespmem:s3+$0x450];
	v0 =	vadd.f32 v1, v0;
	v1 =	vmul.f32 v2, v2;
	v2 =	vsub.f32 v9, v4  }
0x1ce: {  	v4 =	vld [tilespmem:s3+$0x8450]  }
0x1cf: {  	v9 =	vld [tilespmem:s3+$0x460];
	v0 =	vadd.f32 v1, v0;
	v1 =	vmul.f32 v2, v2;
	v2 =	vsub.f32 v6, v5  }
0x1d0: {  	v5 =	vld [tilespmem:s3+$0x8460]  }
0x1d1: {  	v6 =	vld [tilespmem:s3+$0x470];
	v0 =	vadd.f32 v1, v0;
	v1 =	vmul.f32 v2, v2;
	v2 =	vsub.f32 v7, v3  }
0x1d2: {  	v3 =	vld [tilespmem:s3+$0x8470]  }
0x1d3: {  	v7 =	vld [tilespmem:s3+$0x800];
	v0 =	vadd.f32 v1, v0;
	v1 =	vmul.f32 v2, v2;
	v2 =	vsub.f32 v8, v4  }
0x1d4: {  	v4 =	vld [tilespmem:s3+$0x8800]  }
0x1d5: {  	v8 =	vld [tilespmem:s3+$0x810];
	v0 =	vadd.f32 v1, v0;
	v1 =	vmul.f32 v2, v2;
	v2 =	vsub.f32 v9, v5  }
0x1d6: {  	v5 =	vld [tilespmem:s3+$0x8810]  }
0x1d7: {  	v9 =	vld [tilespmem:s3+$0x820];
	v0 =	vadd.f32 v1, v0;
	v1 =	vmul.f32 v2, v2;
	v2 =	vsub.f32 v6, v3  }
0x1d8: {  	v3 =	vld [tilespmem:s3+$0x8820]  }
0x1d9: {  	v6 =	vld [tilespmem:s3+$0x830];
	v0 =	vadd.f32 v1, v0;
	v1 =	vmul.f32 v2, v2;
	v2 =	vsub.f32 v7, v4  }
0x1da: {  	v4 =	vld [tilespmem:s3+$0x8830]  }
0x1db: {  	v7 =	vld [tilespmem:s3+$0x840];
	v0 =	vadd.f32 v1, v0;
	v1 =	vmul.f32 v2, v2;
	v2 =	vsub.f32 v8, v5  }
0x1dc: {  	v5 =	vld [tilespmem:s3+$0x8840]  }
0x1dd: {  	v8 =	vld [tilespmem:s3+$0x850];
	v0 =	vadd.f32 v1, v0;
	v1 =	vmul.f32 v2, v2;
	v2 =	vsub.f32 v9, v3  }
0x1de: {  	v3 =	vld [tilespmem:s3+$0x8850]  }
0x1df: {  	v9 =	vld [tilespmem:s3+$0x860];
	v0 =	vadd.f32 v1, v0;
	v1 =	vmul.f32 v2, v2;
	v2 =	vsub.f32 v6, v4  }
0x1e0: {  	v4 =	vld [tilespmem:s3+$0x8860]  }
0x1e1: {  	v6 =	vld [tilespmem:s3+$0x870];
	v0 =	vadd.f32 v1, v0;
	v1 =	vmul.f32 v2, v2;
	v2 =	vsub.f32 v7, v5  }
0x1e2: {  	v5 =	vld [tilespmem:s3+$0x8870]  }
0x1e3: {  	v7 =	vld [tilespmem:s3+$0xC00];
	v0 =	vadd.f32 v1, v0;
	v1 =	vmul.f32 v2, v2;
	v2 =	vsub.f32 v8, v3  }
0x1e4: {  	v3 =	vld [tilespmem:s3+$0x8C00]  }
0x1e5: {  	v8 =	vld [tilespmem:s3+$0xC10];
	v0 =	vadd.f32 v1, v0;
	v1 =	vmul.f32 v2, v2;
	v2 =	vsub.f32 v9, v4  }
0x1e6: {  	v4 =	vld [tilespmem:s3+$0x8C10]  }
0x1e7: {  	v9 =	vld [tilespmem:s3+$0xC20];
	v0 =	vadd.f32 v1, v0;
	v1 =	vmul.f32 v2, v2;
	v2 =	vsub.f32 v6, v5  }
0x1e8: {  	v5 =	vld [tilespmem:s3+$0x8C20]  }
0x1e9: {  	v6 =	vld [tilespmem:s3+$0xC30];
	v0 =	vadd.f32 v1, v0;
	v1 =	vmul.f32 v2, v2;
	v2 =	vsub.f32 v7, v3  }
0x1ea: {  	v3 =	vld [tilespmem:s3+$0x8C30]  }
0x1eb: {  	v10 =	vld [tilespmem:s3+$0xC40];
	v4 =	vsub.f32 v8, v4;
	v1 =	vadd.f32 v1, v0;
	v2 =	vmul.f32 v2, v2  }
0x1ec: {  	v8 =	vld [tilespmem:s3+$0x8C40]  }
0x1ed: {  	v0 =	vld [tilespmem:s3+$0xC50];
	v4 =	vmul.f32 v4, v4;
	v5 =	vsub.f32 v9, v5;
	v7 =	vadd.f32 v2, v1  }
0x1ee: {  	v2 =	vld [tilespmem:s3+$0x8C50]  }
0x1ef: {  	v1 =	vld [tilespmem:s3+$0xC60];
	v5 =	vmul.f32 v5, v5;
	v9 =	vsub.f32 v6, v3;
	v7 =	vadd.f32 v4, v7  }
0x1f0: {  	s4 =	simm.s32 $0x200;
	s1 =	simm.s32 $0x80;
	v3 =	vld [tilespmem:s3+$0x8C60]  }
0x1f1: {  	s0 =	sand.u32 $0x3000, s4;
	s4 =	sand.u32 $0x380, s1;
	v4 =	vld [tilespmem:s3+$0xC70];
	v8 =	vsub.f32 v10, v8;
	v6 =	vadd.f32 v5, v7;
	v7 =	vmul.f32 v9, v9  }
0x1f2: {  	s29 =	simm.s32 $0x400;
	s0 =	sor.u32 s4, s0;
	v5 =	vld [tilespmem:s3+$0x8C70]  }
.LBB2_6:
0x1f3: {  	p0 =	sne.s32 s29, $0x3E00;
	v9 =	vld [tilespmem:s0+$0x0];
	v6 =	vadd.f32 v7, v6;
	v7 =	vmul.f32 v8, v8;
	v0 =	vsub.f32 v0, v2  }
0x1f4: {  	v2 =	vld [tilespmem:s0+$0x8000]  }
0x1f5: {  	v8 =	vld [tilespmem:s0+$0x10];
	v6 =	vadd.f32 v7, v6;
	v0 =	vmul.f32 v0, v0;
	v1 =	vsub.f32 v1, v3  }
0x1f6: {  	v3 =	vld [tilespmem:s0+$0x8010]  }
0x1f7: {  	v7 =	vld [tilespmem:s0+$0x20];
	v0 =	vadd.f32 v0, v6;
	v1 =	vmul.f32 v1, v1;
	v4 =	vsub.f32 v4, v5  }
0x1f8: {  	v5 =	vld [tilespmem:s0+$0x8020]  }
0x1f9: {  	v2 =	vsub.f32 v9, v2;
	v6 =	vld [tilespmem:s0+$0x30];
	v0 =	vadd.f32 v1, v0;
	v1 =	vmul.f32 v4, v4  }
0x1fa: {  	v4 =	vld [tilespmem:s0+$0x8030]  }
0x1fb: {  	v2 =	vmul.f32 v2, v2;
	v3 =	vsub.f32 v8, v3;
	v8 =	vld [tilespmem:s0+$0x40];
	v0 =	vadd.f32 v1, v0  }
0x1fc: {  	v1 =	vld [tilespmem:s0+$0x8040]  }
0x1fd: {  	v0 =	vadd.f32 v2, v0;
	v2 =	vmul.f32 v3, v3;
	v3 =	vsub.f32 v7, v5;
	v5 =	vld [tilespmem:s0+$0x50]  }
0x1fe: {  	v7 =	vld [tilespmem:s0+$0x8050]  }
0x1ff: {  	v0 =	vadd.f32 v2, v0;
	v2 =	vmul.f32 v3, v3;
	v3 =	vsub.f32 v6, v4;
	v4 =	vld [tilespmem:s0+$0x60]  }
0x200: {  	v6 =	vld [tilespmem:s0+$0x8060]  }
0x201: {  	v0 =	vadd.f32 v2, v0;
	v2 =	vmul.f32 v3, v3;
	v1 =	vsub.f32 v8, v1;
	v3 =	vld [tilespmem:s0+$0x70]  }
0x202: {  	v8 =	vld [tilespmem:s0+$0x8070]  }
0x203: {  	v0 =	vadd.f32 v2, v0;
	v1 =	vmul.f32 v1, v1;
	v2 =	vsub.f32 v5, v7;
	v5 =	vld [tilespmem:s0+$0x400]  }
0x204: {  	v7 =	vld [tilespmem:s0+$0x8400]  }
0x205: {  	v0 =	vadd.f32 v1, v0;
	v1 =	vmul.f32 v2, v2;
	v2 =	vsub.f32 v4, v6;
	v4 =	vld [tilespmem:s0+$0x410]  }
0x206: {  	v6 =	vld [tilespmem:s0+$0x8410]  }
0x207: {  	v0 =	vadd.f32 v1, v0;
	v1 =	vmul.f32 v2, v2;
	v2 =	vsub.f32 v3, v8;
	v3 =	vld [tilespmem:s0+$0x420]  }
0x208: {  	v8 =	vld [tilespmem:s0+$0x8420]  }
0x209: {  	v0 =	vadd.f32 v1, v0;
	v1 =	vmul.f32 v2, v2;
	v2 =	vsub.f32 v5, v7;
	v5 =	vld [tilespmem:s0+$0x430]  }
0x20a: {  	v7 =	vld [tilespmem:s0+$0x8430]  }
0x20b: {  	v0 =	vadd.f32 v1, v0;
	v1 =	vmul.f32 v2, v2;
	v2 =	vsub.f32 v4, v6;
	v4 =	vld [tilespmem:s0+$0x440]  }
0x20c: {  	v6 =	vld [tilespmem:s0+$0x8440]  }
0x20d: {  	v0 =	vadd.f32 v1, v0;
	v1 =	vmul.f32 v2, v2;
	v2 =	vsub.f32 v3, v8;
	v3 =	vld [tilespmem:s0+$0x450]  }
0x20e: {  	v8 =	vld [tilespmem:s0+$0x8450]  }
0x20f: {  	v0 =	vadd.f32 v1, v0;
	v1 =	vmul.f32 v2, v2;
	v2 =	vsub.f32 v5, v7;
	v5 =	vld [tilespmem:s0+$0x460]  }
0x210: {  	v7 =	vld [tilespmem:s0+$0x8460]  }
0x211: {  	v0 =	vadd.f32 v1, v0;
	v1 =	vmul.f32 v2, v2;
	v2 =	vsub.f32 v4, v6;
	v4 =	vld [tilespmem:s0+$0x470]  }
0x212: {  	v6 =	vld [tilespmem:s0+$0x8470]  }
0x213: {  	v0 =	vadd.f32 v1, v0;
	v1 =	vmul.f32 v2, v2;
	v2 =	vsub.f32 v3, v8;
	v3 =	vld [tilespmem:s0+$0x800]  }
0x214: {  	v8 =	vld [tilespmem:s0+$0x8800]  }
0x215: {  	v0 =	vadd.f32 v1, v0;
	v1 =	vmul.f32 v2, v2;
	v2 =	vsub.f32 v5, v7;
	v5 =	vld [tilespmem:s0+$0x810]  }
0x216: {  	v7 =	vld [tilespmem:s0+$0x8810]  }
0x217: {  	v0 =	vadd.f32 v1, v0;
	v1 =	vmul.f32 v2, v2;
	v2 =	vsub.f32 v4, v6;
	v4 =	vld [tilespmem:s0+$0x820]  }
0x218: {  	v6 =	vld [tilespmem:s0+$0x8820]  }
0x219: {  	v0 =	vadd.f32 v1, v0;
	v1 =	vmul.f32 v2, v2;
	v2 =	vsub.f32 v3, v8;
	v3 =	vld [tilespmem:s0+$0x830]  }
0x21a: {  	v8 =	vld [tilespmem:s0+$0x8830]  }
0x21b: {  	v0 =	vadd.f32 v1, v0;
	v1 =	vmul.f32 v2, v2;
	v2 =	vsub.f32 v5, v7;
	v5 =	vld [tilespmem:s0+$0x840]  }
0x21c: {  	v7 =	vld [tilespmem:s0+$0x8840]  }
0x21d: {  	v0 =	vadd.f32 v1, v0;
	v1 =	vmul.f32 v2, v2;
	v2 =	vsub.f32 v4, v6;
	v4 =	vld [tilespmem:s0+$0x850]  }
0x21e: {  	v6 =	vld [tilespmem:s0+$0x8850]  }
0x21f: {  	v0 =	vadd.f32 v1, v0;
	v1 =	vmul.f32 v2, v2;
	v2 =	vsub.f32 v3, v8;
	v3 =	vld [tilespmem:s0+$0x860]  }
0x220: {  	v8 =	vld [tilespmem:s0+$0x8860]  }
0x221: {  	v0 =	vadd.f32 v1, v0;
	v1 =	vmul.f32 v2, v2;
	v2 =	vsub.f32 v5, v7;
	v5 =	vld [tilespmem:s0+$0x870]  }
0x222: {  	v7 =	vld [tilespmem:s0+$0x8870]  }
0x223: {  	v0 =	vadd.f32 v1, v0;
	v1 =	vmul.f32 v2, v2;
	v2 =	vsub.f32 v4, v6;
	v4 =	vld [tilespmem:s0+$0xC00]  }
0x224: {  	v6 =	vld [tilespmem:s0+$0x8C00]  }
0x225: {  	v0 =	vadd.f32 v1, v0;
	v1 =	vmul.f32 v2, v2;
	v2 =	vsub.f32 v3, v8;
	v3 =	vld [tilespmem:s0+$0xC10]  }
0x226: {  	v8 =	vld [tilespmem:s0+$0x8C10]  }
0x227: {  	v0 =	vadd.f32 v1, v0;
	v1 =	vmul.f32 v2, v2;
	v2 =	vsub.f32 v5, v7;
	v5 =	vld [tilespmem:s0+$0xC20]  }
0x228: {  	v7 =	vld [tilespmem:s0+$0x8C20]  }
0x229: {  	v0 =	vadd.f32 v1, v0;
	v1 =	vmul.f32 v2, v2;
	v2 =	vsub.f32 v4, v6;
	v4 =	vld [tilespmem:s0+$0xC30]  }
0x22a: {  	v6 =	vld [tilespmem:s0+$0x8C30]  }
0x22b: {  	v0 =	vadd.f32 v1, v0;
	v1 =	vmul.f32 v2, v2;
	v2 =	vsub.f32 v3, v8;
	v8 =	vld [tilespmem:s0+$0xC40]  }
0x22c: {  	v9 =	vld [tilespmem:s0+$0x8C40]  }
0x22d: {  	v1 =	vadd.f32 v1, v0;
	v3 =	vmul.f32 v2, v2;
	v5 =	vsub.f32 v5, v7;
	v0 =	vld [tilespmem:s0+$0xC50]  }
.Ltmp2:
0x22e: {  	v2 =	vld [tilespmem:s0+$0x8C50];
	(pc) =	sbr.rel @p0 .LBB2_6-.Ltmp2, $4  }
0x22f: {  	v7 =	vadd.f32 v3, v1;
	v5 =	vmul.f32 v5, v5;
	v4 =	vsub.f32 v4, v6;
	v1 =	vld [tilespmem:s0+$0xC60]  }
0x230: {  	s1 =	sadd.s32 $0x80, s1;
	v3 =	vld [tilespmem:s0+$0x8C60]  }
0x231: {  	s3 =	sand.u32 $0x3000, s29;
	s4 =	sand.u32 $0x380, s1;
	v6 =	vadd.f32 v5, v7;
	v7 =	vmul.f32 v4, v4;
	v8 =	vsub.f32 v8, v9;
	v4 =	vld [tilespmem:s0+$0xC70]  }
0x232: {  	s29 =	sadd.s32 $0x200, s29;
	v5 =	vld [tilespmem:s0+$0x8C70];
	s0 =	sor.u32 s4, s3  }
0x233: {  	v9 =	vld [tilespmem:s0+$0x0]  }
0x234: {  	v10 =	vld [tilespmem:s0+$0x8000]  }
0x235: {  	v11 =	vld [tilespmem:s0+$0x10]  }
0x236: {  	v12 =	vld [tilespmem:s0+$0x8010]  }
0x237: {  	v13 =	vld [tilespmem:s0+$0x20]  }
0x238: {  	v14 =	vld [tilespmem:s0+$0x8020]  }
0x239: {  	v15 =	vld [tilespmem:s0+$0x30]  }
0x23a: {  	v16 =	vld [tilespmem:s0+$0x8030]  }
0x23b: {  	v17 =	vld [tilespmem:s0+$0x40];
	v6 =	vadd.f32 v7, v6;
	v7 =	vmul.f32 v8, v8;
	v0 =	vsub.f32 v0, v2  }
0x23c: {  	v18 =	vld [tilespmem:s0+$0x8040]  }
0x23d: {  	v2 =	vld [tilespmem:s0+$0x50];
	v6 =	vadd.f32 v7, v6;
	v0 =	vmul.f32 v0, v0;
	v1 =	vsub.f32 v1, v3  }
0x23e: {  	v8 =	vld [tilespmem:s0+$0x8050]  }
0x23f: {  	v43 =	vld [tilespmem:s0+$0x8410];
	v0 =	vadd.f32 v0, v6;
	v1 =	vmul.f32 v1, v1;
	v4 =	vsub.f32 v4, v5  }
0x240: {  	v44 =	vld [tilespmem:s0+$0x420]  }
0x241: {  	v45 =	vld [tilespmem:s0+$0x8420];
	v9 =	vsub.f32 v9, v10;
	v0 =	vadd.f32 v1, v0;
	v1 =	vmul.f32 v4, v4  }
0x242: {  	v46 =	vld [tilespmem:s0+$0x430]  }
0x243: {  	v47 =	vld [tilespmem:s0+$0x8430];
	v11 =	vsub.f32 v11, v12;
	v9 =	vmul.f32 v9, v9;
	v0 =	vadd.f32 v1, v0  }
0x244: {  	v48 =	vld [tilespmem:s0+$0x440]  }
0x245: {  	v49 =	vld [tilespmem:s0+$0x8440];
	v0 =	vadd.f32 v9, v0;
	v9 =	vmul.f32 v11, v11;
	v11 =	vsub.f32 v13, v14  }
0x246: {  	v50 =	vld [tilespmem:s0+$0x8810]  }
0x247: {  	v3 =	vld [tilespmem:s0+$0x60];
	v0 =	vadd.f32 v9, v0;
	v9 =	vmul.f32 v11, v11;
	v11 =	vsub.f32 v15, v16  }
0x248: {  	v7 =	vld [tilespmem:s0+$0x8060]  }
0x249: {  	v5 =	vld [tilespmem:s0+$0x70];
	v0 =	vadd.f32 v9, v0;
	v9 =	vmul.f32 v11, v11;
	v11 =	vsub.f32 v17, v18  }
0x24a: {  	v6 =	vld [tilespmem:s0+$0x8070]  }
0x24b: {  	v10 =	vld [tilespmem:s0+$0x8400];
	v2 =	vsub.f32 v2, v8;
	v0 =	vadd.f32 v9, v0;
	v9 =	vmul.f32 v11, v11  }
0x24c: {  	v4 =	vld [tilespmem:s0+$0x400]  }
0x24d: {  	v51 =	vld [tilespmem:s0+$0x820];
	v2 =	vmul.f32 v2, v2;
	v3 =	vsub.f32 v3, v7;
	v0 =	vadd.f32 v9, v0  }
0x24e: {  	v1 =	vld [tilespmem:s0+$0x410]  }
0x24f: {  	v52 =	vld [tilespmem:s0+$0x8820];
	v0 =	vadd.f32 v2, v0;
	v2 =	vmul.f32 v3, v3;
	v3 =	vsub.f32 v5, v6  }
0x250: {  	v53 =	vld [tilespmem:s0+$0x830]  }
0x251: {  	v54 =	vld [tilespmem:s0+$0x8830];
	v0 =	vadd.f32 v2, v0;
	v2 =	vmul.f32 v3, v3;
	v3 =	vsub.f32 v4, v10  }
0x252: {  	v55 =	vld [tilespmem:s0+$0x840]  }
0x253: {  	v56 =	vld [tilespmem:s0+$0x8840];
	v1 =	vsub.f32 v1, v43;
	v0 =	vadd.f32 v2, v0;
	v2 =	vmul.f32 v3, v3  }
0x254: {  	v57 =	vld [tilespmem:s0+$0x8C10]  }
0x255: {  	v8 =	vld [tilespmem:s0+$0x450];
	v1 =	vmul.f32 v1, v1;
	v0 =	vadd.f32 v2, v0;
	v2 =	vsub.f32 v44, v45  }
0x256: {  	v11 =	vld [tilespmem:s0+$0x8450]  }
0x257: {  	v7 =	vld [tilespmem:s0+$0x460];
	v0 =	vadd.f32 v1, v0;
	v1 =	vmul.f32 v2, v2;
	v2 =	vsub.f32 v46, v47  }
0x258: {  	v9 =	vld [tilespmem:s0+$0x8460]  }
0x259: {  	v5 =	vld [tilespmem:s0+$0x470];
	v0 =	vadd.f32 v1, v0;
	v1 =	vmul.f32 v2, v2;
	v2 =	vsub.f32 v48, v49  }
0x25a: {  	v6 =	vld [tilespmem:s0+$0x8470]  }
0x25b: {  	v4 =	vld [tilespmem:s0+$0x800];
	v0 =	vadd.f32 v1, v0;
	v1 =	vmul.f32 v2, v2;
	v2 =	vsub.f32 v8, v11  }
0x25c: {  	v10 =	vld [tilespmem:s0+$0x8800]  }
0x25d: {  	v58 =	vld [tilespmem:s0+$0xC20];
	v0 =	vadd.f32 v1, v0;
	v1 =	vmul.f32 v2, v2;
	v2 =	vsub.f32 v7, v9  }
0x25e: {  	v3 =	vld [tilespmem:s0+$0x810]  }
0x25f: {  	v59 =	vld [tilespmem:s0+$0x8C20];
	v0 =	vadd.f32 v1, v0;
	v1 =	vmul.f32 v2, v2;
	v2 =	vsub.f32 v5, v6  }
0x260: {  	v60 =	vld [tilespmem:s0+$0xC30]  }
0x261: {  	v61 =	vld [tilespmem:s0+$0x8C30];
	v0 =	vadd.f32 v1, v0;
	v1 =	vmul.f32 v2, v2;
	v2 =	vsub.f32 v4, v10  }
0x262: {  	v62 =	vld [tilespmem:s0+$0xC40]  }
0x263: {  	v63 =	vld [tilespmem:s0+$0x8C40];
	v0 =	vadd.f32 v1, v0;
	v1 =	vmul.f32 v2, v2;
	v2 =	vsub.f32 v3, v50  }
0x264: {  	v8 =	vld [tilespmem:s0+$0x850]  }
0x265: {  	v11 =	vld [tilespmem:s0+$0x8850];
	v0 =	vadd.f32 v1, v0;
	v1 =	vmul.f32 v2, v2;
	v2 =	vsub.f32 v51, v52  }
0x266: {  	v7 =	vld [tilespmem:s0+$0x860]  }
0x267: {  	v9 =	vld [tilespmem:s0+$0x8860];
	v0 =	vadd.f32 v1, v0;
	v1 =	vmul.f32 v2, v2;
	v2 =	vsub.f32 v53, v54  }
0x268: {  	v5 =	vld [tilespmem:s0+$0x870]  }
0x269: {  	v6 =	vld [tilespmem:s0+$0x8870];
	v0 =	vadd.f32 v1, v0;
	v1 =	vmul.f32 v2, v2;
	v2 =	vsub.f32 v55, v56  }
0x26a: {  	v4 =	vld [tilespmem:s0+$0xC00]  }
0x26b: {  	v10 =	vld [tilespmem:s0+$0x8C00];
	v0 =	vadd.f32 v1, v0;
	v1 =	vmul.f32 v2, v2;
	v2 =	vsub.f32 v8, v11  }
0x26c: {  	v3 =	vld [tilespmem:s0+$0xC10]  }
0x26d: {  	v8 =	vld [tilespmem:s0+$0xC50];
	v0 =	vadd.f32 v1, v0;
	v1 =	vmul.f32 v2, v2;
	v2 =	vsub.f32 v7, v9  }
0x26e: {  	v11 =	vld [tilespmem:s0+$0x8C50]  }
0x26f: {  	v7 =	vld [tilespmem:s0+$0xC60];
	v0 =	vadd.f32 v1, v0;
	v1 =	vmul.f32 v2, v2;
	v2 =	vsub.f32 v5, v6  }
0x270: {  	v9 =	vld [tilespmem:s0+$0x8C60]  }
0x271: {  	s3 =	simm.s32 $0x0;
	v5 =	vld [tilespmem:s0+$0xC70];
	v0 =	vadd.f32 v1, v0;
	v1 =	vsub.f32 v4, v10;
	v2 =	vmul.f32 v2, v2  }
0x272: {  	v6 =	vld [tilespmem:s0+$0x8C70];
	[tilespmem:s3], [sflag:$0x1] =	stream.linear.gather [hbm4b:s11+s3], $0x4000, $0x38  }
0x273: {  	v0 =	vadd.f32 v2, v0;
	v2 =	vsub.f32 v3, v57;
	v1 =	vmul.f32 v1, v1  }
0x274: {  	[tilespmem:s21], [sflag:$0x3] =	stream.linear.gather [hbm4b:s12+s3], $0x4000, $0x38;
	[tilespmem:$0x10080] =	vst v63  }
0x275: {  	_ =	swait.ge [sflag:s26], $0x4000;
	v0 =	vadd.f32 v1, v0;
	v1 =	vsub.f32 v58, v59;
	v2 =	vmul.f32 v2, v2  }
0x276: {  	[sflag:s26] =	ssyncset.done $0x0  }
0x277: {  	[sflag:s26] =	ssyncadd.s32 $0xFFFFC000;
	v0 =	vadd.f32 v2, v0;
	v2 =	vsub.f32 v60, v61;
	v1 =	vmul.f32 v1, v1  }
0x278: {  	_ =	swait.ge [sflag:s28], $0x4000  }
0x279: {  	s1 =	sand.u32 $0x3000, s3;
	s0 =	sand.u32 $0x380, s3;
	[sflag:s28] =	ssyncset.done $0x0;
	v0 =	vadd.f32 v1, v0;
	v1 =	vmul.f32 v2, v2;
	v2 =	vsub.f32 v62, v63  }
0x27a: {  	s3 =	sor.u32 s0, s1;
	[sflag:s28] =	ssyncadd.s32 $0xFFFFC000  }
0x27b: {  	v3 =	vld [tilespmem:s3+$0x4000];
	v0 =	vadd.f32 v1, v0;
	v1 =	vmul.f32 v2, v2;
	v2 =	vsub.f32 v8, v11  }
0x27c: {  	v4 =	vld [tilespmem:s3+$0xC000]  }
0x27d: {  	v8 =	vld [tilespmem:s3+$0x4010];
	v0 =	vadd.f32 v1, v0;
	v1 =	vmul.f32 v2, v2;
	v2 =	vsub.f32 v7, v9  }
0x27e: {  	v7 =	vld [tilespmem:s3+$0xC010]  }
0x27f: {  	v9 =	vld [tilespmem:s3+$0x4020];
	v0 =	vadd.f32 v1, v0;
	v1 =	vmul.f32 v2, v2;
	v2 =	vsub.f32 v5, v6  }
0x280: {  	v5 =	vld [tilespmem:s3+$0xC020]  }
0x281: {  	v6 =	vld [tilespmem:s3+$0x4030];
	v0 =	vadd.f32 v1, v0;
	v1 =	vmul.f32 v2, v2;
	v2 =	vsub.f32 v3, v4  }
0x282: {  	v3 =	vld [tilespmem:s3+$0xC030]  }
0x283: {  	v4 =	vld [tilespmem:s3+$0x4040];
	v0 =	vadd.f32 v1, v0;
	v1 =	vmul.f32 v2, v2;
	v2 =	vsub.f32 v8, v7  }
0x284: {  	v7 =	vld [tilespmem:s3+$0xC040]  }
0x285: {  	v8 =	vld [tilespmem:s3+$0x4050];
	v0 =	vadd.f32 v1, v0;
	v1 =	vmul.f32 v2, v2;
	v2 =	vsub.f32 v9, v5  }
0x286: {  	v5 =	vld [tilespmem:s3+$0xC050]  }
0x287: {  	v9 =	vld [tilespmem:s3+$0x4060];
	v0 =	vadd.f32 v1, v0;
	v1 =	vmul.f32 v2, v2;
	v2 =	vsub.f32 v6, v3  }
0x288: {  	v3 =	vld [tilespmem:s3+$0xC060]  }
0x289: {  	v6 =	vld [tilespmem:s3+$0x4070];
	v0 =	vadd.f32 v1, v0;
	v1 =	vmul.f32 v2, v2;
	v2 =	vsub.f32 v4, v7  }
0x28a: {  	v4 =	vld [tilespmem:s3+$0xC070]  }
0x28b: {  	v7 =	vld [tilespmem:s3+$0x4400];
	v0 =	vadd.f32 v1, v0;
	v1 =	vmul.f32 v2, v2;
	v2 =	vsub.f32 v8, v5  }
0x28c: {  	v5 =	vld [tilespmem:s3+$0xC400]  }
0x28d: {  	v8 =	vld [tilespmem:s3+$0x4410];
	v0 =	vadd.f32 v1, v0;
	v1 =	vmul.f32 v2, v2;
	v2 =	vsub.f32 v9, v3  }
0x28e: {  	v3 =	vld [tilespmem:s3+$0xC410]  }
0x28f: {  	v9 =	vld [tilespmem:s3+$0x4420];
	v0 =	vadd.f32 v1, v0;
	v1 =	vmul.f32 v2, v2;
	v2 =	vsub.f32 v6, v4  }
0x290: {  	v4 =	vld [tilespmem:s3+$0xC420]  }
0x291: {  	v6 =	vld [tilespmem:s3+$0x4430];
	v0 =	vadd.f32 v1, v0;
	v1 =	vmul.f32 v2, v2;
	v2 =	vsub.f32 v7, v5  }
0x292: {  	v5 =	vld [tilespmem:s3+$0xC430]  }
0x293: {  	v7 =	vld [tilespmem:s3+$0x4440];
	v0 =	vadd.f32 v1, v0;
	v1 =	vmul.f32 v2, v2;
	v2 =	vsub.f32 v8, v3  }
0x294: {  	v3 =	vld [tilespmem:s3+$0xC440]  }
0x295: {  	v8 =	vld [tilespmem:s3+$0x4450];
	v0 =	vadd.f32 v1, v0;
	v1 =	vmul.f32 v2, v2;
	v2 =	vsub.f32 v9, v4  }
0x296: {  	v4 =	vld [tilespmem:s3+$0xC450]  }
0x297: {  	v9 =	vld [tilespmem:s3+$0x4460];
	v0 =	vadd.f32 v1, v0;
	v1 =	vmul.f32 v2, v2;
	v2 =	vsub.f32 v6, v5  }
0x298: {  	v5 =	vld [tilespmem:s3+$0xC460]  }
0x299: {  	v6 =	vld [tilespmem:s3+$0x4470];
	v0 =	vadd.f32 v1, v0;
	v1 =	vmul.f32 v2, v2;
	v2 =	vsub.f32 v7, v3  }
0x29a: {  	v3 =	vld [tilespmem:s3+$0xC470]  }
0x29b: {  	v7 =	vld [tilespmem:s3+$0x4800];
	v0 =	vadd.f32 v1, v0;
	v1 =	vmul.f32 v2, v2;
	v2 =	vsub.f32 v8, v4  }
0x29c: {  	v4 =	vld [tilespmem:s3+$0xC800]  }
0x29d: {  	v8 =	vld [tilespmem:s3+$0x4810];
	v0 =	vadd.f32 v1, v0;
	v1 =	vmul.f32 v2, v2;
	v2 =	vsub.f32 v9, v5  }
0x29e: {  	v5 =	vld [tilespmem:s3+$0xC810]  }
0x29f: {  	v9 =	vld [tilespmem:s3+$0x4820];
	v0 =	vadd.f32 v1, v0;
	v1 =	vmul.f32 v2, v2;
	v2 =	vsub.f32 v6, v3  }
0x2a0: {  	v3 =	vld [tilespmem:s3+$0xC820]  }
0x2a1: {  	v6 =	vld [tilespmem:s3+$0x4830];
	v0 =	vadd.f32 v1, v0;
	v1 =	vmul.f32 v2, v2;
	v2 =	vsub.f32 v7, v4  }
0x2a2: {  	v4 =	vld [tilespmem:s3+$0xC830]  }
0x2a3: {  	v7 =	vld [tilespmem:s3+$0x4840];
	v0 =	vadd.f32 v1, v0;
	v1 =	vmul.f32 v2, v2;
	v2 =	vsub.f32 v8, v5  }
0x2a4: {  	v5 =	vld [tilespmem:s3+$0xC840]  }
0x2a5: {  	v8 =	vld [tilespmem:s3+$0x4850];
	v0 =	vadd.f32 v1, v0;
	v1 =	vmul.f32 v2, v2;
	v2 =	vsub.f32 v9, v3  }
0x2a6: {  	v3 =	vld [tilespmem:s3+$0xC850]  }
0x2a7: {  	v9 =	vld [tilespmem:s3+$0x4860];
	v0 =	vadd.f32 v1, v0;
	v1 =	vmul.f32 v2, v2;
	v2 =	vsub.f32 v6, v4  }
0x2a8: {  	v4 =	vld [tilespmem:s3+$0xC860]  }
0x2a9: {  	v6 =	vld [tilespmem:s3+$0x4870];
	v0 =	vadd.f32 v1, v0;
	v1 =	vmul.f32 v2, v2;
	v2 =	vsub.f32 v7, v5  }
0x2aa: {  	v5 =	vld [tilespmem:s3+$0xC870]  }
0x2ab: {  	v7 =	vld [tilespmem:s3+$0x4C00];
	v0 =	vadd.f32 v1, v0;
	v1 =	vmul.f32 v2, v2;
	v2 =	vsub.f32 v8, v3  }
0x2ac: {  	v3 =	vld [tilespmem:s3+$0xCC00]  }
0x2ad: {  	v8 =	vld [tilespmem:s3+$0x4C10];
	v0 =	vadd.f32 v1, v0;
	v1 =	vmul.f32 v2, v2;
	v2 =	vsub.f32 v9, v4  }
0x2ae: {  	v4 =	vld [tilespmem:s3+$0xCC10]  }
0x2af: {  	v9 =	vld [tilespmem:s3+$0x4C20];
	v0 =	vadd.f32 v1, v0;
	v1 =	vmul.f32 v2, v2;
	v2 =	vsub.f32 v6, v5  }
0x2b0: {  	v5 =	vld [tilespmem:s3+$0xCC20]  }
0x2b1: {  	v6 =	vld [tilespmem:s3+$0x4C30];
	v0 =	vadd.f32 v1, v0;
	v1 =	vmul.f32 v2, v2;
	v2 =	vsub.f32 v7, v3  }
0x2b2: {  	v3 =	vld [tilespmem:s3+$0xCC30]  }
0x2b3: {  	v10 =	vld [tilespmem:s3+$0x4C40];
	v4 =	vsub.f32 v8, v4;
	v1 =	vadd.f32 v1, v0;
	v2 =	vmul.f32 v2, v2  }
0x2b4: {  	v8 =	vld [tilespmem:s3+$0xCC40]  }
0x2b5: {  	v0 =	vld [tilespmem:s3+$0x4C50];
	v4 =	vmul.f32 v4, v4;
	v5 =	vsub.f32 v9, v5;
	v7 =	vadd.f32 v2, v1  }
0x2b6: {  	v2 =	vld [tilespmem:s3+$0xCC50]  }
0x2b7: {  	v1 =	vld [tilespmem:s3+$0x4C60];
	v5 =	vmul.f32 v5, v5;
	v9 =	vsub.f32 v6, v3;
	v7 =	vadd.f32 v4, v7  }
0x2b8: {  	s4 =	simm.s32 $0x200;
	s1 =	simm.s32 $0x80;
	v3 =	vld [tilespmem:s3+$0xCC60]  }
0x2b9: {  	s0 =	sand.u32 $0x3000, s4;
	s4 =	sand.u32 $0x380, s1;
	v4 =	vld [tilespmem:s3+$0x4C70];
	v8 =	vsub.f32 v10, v8;
	v6 =	vadd.f32 v5, v7;
	v7 =	vmul.f32 v9, v9  }
0x2ba: {  	s29 =	simm.s32 $0x400;
	s0 =	sor.u32 s4, s0;
	v5 =	vld [tilespmem:s3+$0xCC70]  }
.LBB2_8:
0x2bb: {  	p0 =	sne.s32 s29, $0x3E00;
	v9 =	vld [tilespmem:s0+$0x4000];
	v6 =	vadd.f32 v7, v6;
	v7 =	vmul.f32 v8, v8;
	v0 =	vsub.f32 v0, v2  }
0x2bc: {  	v2 =	vld [tilespmem:s0+$0xC000]  }
0x2bd: {  	v8 =	vld [tilespmem:s0+$0x4010];
	v6 =	vadd.f32 v7, v6;
	v0 =	vmul.f32 v0, v0;
	v1 =	vsub.f32 v1, v3  }
0x2be: {  	v3 =	vld [tilespmem:s0+$0xC010]  }
0x2bf: {  	v7 =	vld [tilespmem:s0+$0x4020];
	v0 =	vadd.f32 v0, v6;
	v1 =	vmul.f32 v1, v1;
	v4 =	vsub.f32 v4, v5  }
0x2c0: {  	v5 =	vld [tilespmem:s0+$0xC020]  }
0x2c1: {  	v2 =	vsub.f32 v9, v2;
	v6 =	vld [tilespmem:s0+$0x4030];
	v0 =	vadd.f32 v1, v0;
	v1 =	vmul.f32 v4, v4  }
0x2c2: {  	v4 =	vld [tilespmem:s0+$0xC030]  }
0x2c3: {  	v2 =	vmul.f32 v2, v2;
	v3 =	vsub.f32 v8, v3;
	v8 =	vld [tilespmem:s0+$0x4040];
	v0 =	vadd.f32 v1, v0  }
0x2c4: {  	v1 =	vld [tilespmem:s0+$0xC040]  }
0x2c5: {  	v0 =	vadd.f32 v2, v0;
	v2 =	vmul.f32 v3, v3;
	v3 =	vsub.f32 v7, v5;
	v5 =	vld [tilespmem:s0+$0x4050]  }
0x2c6: {  	v7 =	vld [tilespmem:s0+$0xC050]  }
0x2c7: {  	v0 =	vadd.f32 v2, v0;
	v2 =	vmul.f32 v3, v3;
	v3 =	vsub.f32 v6, v4;
	v4 =	vld [tilespmem:s0+$0x4060]  }
0x2c8: {  	v6 =	vld [tilespmem:s0+$0xC060]  }
0x2c9: {  	v0 =	vadd.f32 v2, v0;
	v2 =	vmul.f32 v3, v3;
	v1 =	vsub.f32 v8, v1;
	v3 =	vld [tilespmem:s0+$0x4070]  }
0x2ca: {  	v8 =	vld [tilespmem:s0+$0xC070]  }
0x2cb: {  	v0 =	vadd.f32 v2, v0;
	v1 =	vmul.f32 v1, v1;
	v2 =	vsub.f32 v5, v7;
	v5 =	vld [tilespmem:s0+$0x4400]  }
0x2cc: {  	v7 =	vld [tilespmem:s0+$0xC400]  }
0x2cd: {  	v0 =	vadd.f32 v1, v0;
	v1 =	vmul.f32 v2, v2;
	v2 =	vsub.f32 v4, v6;
	v4 =	vld [tilespmem:s0+$0x4410]  }
0x2ce: {  	v6 =	vld [tilespmem:s0+$0xC410]  }
0x2cf: {  	v0 =	vadd.f32 v1, v0;
	v1 =	vmul.f32 v2, v2;
	v2 =	vsub.f32 v3, v8;
	v3 =	vld [tilespmem:s0+$0x4420]  }
0x2d0: {  	v8 =	vld [tilespmem:s0+$0xC420]  }
0x2d1: {  	v0 =	vadd.f32 v1, v0;
	v1 =	vmul.f32 v2, v2;
	v2 =	vsub.f32 v5, v7;
	v5 =	vld [tilespmem:s0+$0x4430]  }
0x2d2: {  	v7 =	vld [tilespmem:s0+$0xC430]  }
0x2d3: {  	v0 =	vadd.f32 v1, v0;
	v1 =	vmul.f32 v2, v2;
	v2 =	vsub.f32 v4, v6;
	v4 =	vld [tilespmem:s0+$0x4440]  }
0x2d4: {  	v6 =	vld [tilespmem:s0+$0xC440]  }
0x2d5: {  	v0 =	vadd.f32 v1, v0;
	v1 =	vmul.f32 v2, v2;
	v2 =	vsub.f32 v3, v8;
	v3 =	vld [tilespmem:s0+$0x4450]  }
0x2d6: {  	v8 =	vld [tilespmem:s0+$0xC450]  }
0x2d7: {  	v0 =	vadd.f32 v1, v0;
	v1 =	vmul.f32 v2, v2;
	v2 =	vsub.f32 v5, v7;
	v5 =	vld [tilespmem:s0+$0x4460]  }
0x2d8: {  	v7 =	vld [tilespmem:s0+$0xC460]  }
0x2d9: {  	v0 =	vadd.f32 v1, v0;
	v1 =	vmul.f32 v2, v2;
	v2 =	vsub.f32 v4, v6;
	v4 =	vld [tilespmem:s0+$0x4470]  }
0x2da: {  	v6 =	vld [tilespmem:s0+$0xC470]  }
0x2db: {  	v0 =	vadd.f32 v1, v0;
	v1 =	vmul.f32 v2, v2;
	v2 =	vsub.f32 v3, v8;
	v3 =	vld [tilespmem:s0+$0x4800]  }
0x2dc: {  	v8 =	vld [tilespmem:s0+$0xC800]  }
0x2dd: {  	v0 =	vadd.f32 v1, v0;
	v1 =	vmul.f32 v2, v2;
	v2 =	vsub.f32 v5, v7;
	v5 =	vld [tilespmem:s0+$0x4810]  }
0x2de: {  	v7 =	vld [tilespmem:s0+$0xC810]  }
0x2df: {  	v0 =	vadd.f32 v1, v0;
	v1 =	vmul.f32 v2, v2;
	v2 =	vsub.f32 v4, v6;
	v4 =	vld [tilespmem:s0+$0x4820]  }
0x2e0: {  	v6 =	vld [tilespmem:s0+$0xC820]  }
0x2e1: {  	v0 =	vadd.f32 v1, v0;
	v1 =	vmul.f32 v2, v2;
	v2 =	vsub.f32 v3, v8;
	v3 =	vld [tilespmem:s0+$0x4830]  }
0x2e2: {  	v8 =	vld [tilespmem:s0+$0xC830]  }
0x2e3: {  	v0 =	vadd.f32 v1, v0;
	v1 =	vmul.f32 v2, v2;
	v2 =	vsub.f32 v5, v7;
	v5 =	vld [tilespmem:s0+$0x4840]  }
0x2e4: {  	v7 =	vld [tilespmem:s0+$0xC840]  }
0x2e5: {  	v0 =	vadd.f32 v1, v0;
	v1 =	vmul.f32 v2, v2;
	v2 =	vsub.f32 v4, v6;
	v4 =	vld [tilespmem:s0+$0x4850]  }
0x2e6: {  	v6 =	vld [tilespmem:s0+$0xC850]  }
0x2e7: {  	v0 =	vadd.f32 v1, v0;
	v1 =	vmul.f32 v2, v2;
	v2 =	vsub.f32 v3, v8;
	v3 =	vld [tilespmem:s0+$0x4860]  }
0x2e8: {  	v8 =	vld [tilespmem:s0+$0xC860]  }
0x2e9: {  	v0 =	vadd.f32 v1, v0;
	v1 =	vmul.f32 v2, v2;
	v2 =	vsub.f32 v5, v7;
	v5 =	vld [tilespmem:s0+$0x4870]  }
0x2ea: {  	v7 =	vld [tilespmem:s0+$0xC870]  }
0x2eb: {  	v0 =	vadd.f32 v1, v0;
	v1 =	vmul.f32 v2, v2;
	v2 =	vsub.f32 v4, v6;
	v4 =	vld [tilespmem:s0+$0x4C00]  }
0x2ec: {  	v6 =	vld [tilespmem:s0+$0xCC00]  }
0x2ed: {  	v0 =	vadd.f32 v1, v0;
	v1 =	vmul.f32 v2, v2;
	v2 =	vsub.f32 v3, v8;
	v3 =	vld [tilespmem:s0+$0x4C10]  }
0x2ee: {  	v8 =	vld [tilespmem:s0+$0xCC10]  }
0x2ef: {  	v0 =	vadd.f32 v1, v0;
	v1 =	vmul.f32 v2, v2;
	v2 =	vsub.f32 v5, v7;
	v5 =	vld [tilespmem:s0+$0x4C20]  }
0x2f0: {  	v7 =	vld [tilespmem:s0+$0xCC20]  }
0x2f1: {  	v0 =	vadd.f32 v1, v0;
	v1 =	vmul.f32 v2, v2;
	v2 =	vsub.f32 v4, v6;
	v4 =	vld [tilespmem:s0+$0x4C30]  }
0x2f2: {  	v6 =	vld [tilespmem:s0+$0xCC30]  }
0x2f3: {  	v0 =	vadd.f32 v1, v0;
	v1 =	vmul.f32 v2, v2;
	v2 =	vsub.f32 v3, v8;
	v8 =	vld [tilespmem:s0+$0x4C40]  }
0x2f4: {  	v9 =	vld [tilespmem:s0+$0xCC40]  }
0x2f5: {  	v1 =	vadd.f32 v1, v0;
	v3 =	vmul.f32 v2, v2;
	v5 =	vsub.f32 v5, v7;
	v0 =	vld [tilespmem:s0+$0x4C50]  }
.Ltmp3:
0x2f6: {  	v2 =	vld [tilespmem:s0+$0xCC50];
	(pc) =	sbr.rel @p0 .LBB2_8-.Ltmp3, $4  }
0x2f7: {  	v7 =	vadd.f32 v3, v1;
	v5 =	vmul.f32 v5, v5;
	v4 =	vsub.f32 v4, v6;
	v1 =	vld [tilespmem:s0+$0x4C60]  }
0x2f8: {  	s1 =	sadd.s32 $0x80, s1;
	v3 =	vld [tilespmem:s0+$0xCC60]  }
0x2f9: {  	s3 =	sand.u32 $0x3000, s29;
	s4 =	sand.u32 $0x380, s1;
	v6 =	vadd.f32 v5, v7;
	v7 =	vmul.f32 v4, v4;
	v8 =	vsub.f32 v8, v9;
	v4 =	vld [tilespmem:s0+$0x4C70]  }
0x2fa: {  	s29 =	sadd.s32 $0x200, s29;
	v5 =	vld [tilespmem:s0+$0xCC70];
	s0 =	sor.u32 s4, s3  }
0x2fb: {  	v9 =	vld [tilespmem:s0+$0x4000]  }
0x2fc: {  	v10 =	vld [tilespmem:s0+$0xC000]  }
0x2fd: {  	v11 =	vld [tilespmem:s0+$0x4010]  }
0x2fe: {  	v12 =	vld [tilespmem:s0+$0xC010]  }
0x2ff: {  	v13 =	vld [tilespmem:s0+$0x4020]  }
0x300: {  	v14 =	vld [tilespmem:s0+$0xC020]  }
0x301: {  	v15 =	vld [tilespmem:s0+$0x4030]  }
0x302: {  	v16 =	vld [tilespmem:s0+$0xC030]  }
0x303: {  	v17 =	vld [tilespmem:s0+$0x4040];
	v6 =	vadd.f32 v7, v6;
	v7 =	vmul.f32 v8, v8;
	v0 =	vsub.f32 v0, v2  }
0x304: {  	v18 =	vld [tilespmem:s0+$0xC040]  }
0x305: {  	v2 =	vld [tilespmem:s0+$0x4050];
	v6 =	vadd.f32 v7, v6;
	v0 =	vmul.f32 v0, v0;
	v1 =	vsub.f32 v1, v3  }
0x306: {  	v8 =	vld [tilespmem:s0+$0xC050]  }
0x307: {  	v43 =	vld [tilespmem:s0+$0xC410];
	v0 =	vadd.f32 v0, v6;
	v1 =	vmul.f32 v1, v1;
	v4 =	vsub.f32 v4, v5  }
0x308: {  	v44 =	vld [tilespmem:s0+$0x4420]  }
0x309: {  	v45 =	vld [tilespmem:s0+$0xC420];
	v9 =	vsub.f32 v9, v10;
	v0 =	vadd.f32 v1, v0;
	v1 =	vmul.f32 v4, v4  }
0x30a: {  	v46 =	vld [tilespmem:s0+$0x4430]  }
0x30b: {  	v47 =	vld [tilespmem:s0+$0xC430];
	v11 =	vsub.f32 v11, v12;
	v9 =	vmul.f32 v9, v9;
	v0 =	vadd.f32 v1, v0  }
0x30c: {  	v48 =	vld [tilespmem:s0+$0x4440]  }
0x30d: {  	v49 =	vld [tilespmem:s0+$0xC440];
	v0 =	vadd.f32 v9, v0;
	v9 =	vmul.f32 v11, v11;
	v11 =	vsub.f32 v13, v14  }
0x30e: {  	v50 =	vld [tilespmem:s0+$0xC810]  }
0x30f: {  	v3 =	vld [tilespmem:s0+$0x4060];
	v0 =	vadd.f32 v9, v0;
	v9 =	vmul.f32 v11, v11;
	v11 =	vsub.f32 v15, v16  }
0x310: {  	v7 =	vld [tilespmem:s0+$0xC060]  }
0x311: {  	v5 =	vld [tilespmem:s0+$0x4070];
	v0 =	vadd.f32 v9, v0;
	v9 =	vmul.f32 v11, v11;
	v11 =	vsub.f32 v17, v18  }
0x312: {  	v6 =	vld [tilespmem:s0+$0xC070]  }
0x313: {  	v10 =	vld [tilespmem:s0+$0xC400];
	v2 =	vsub.f32 v2, v8;
	v0 =	vadd.f32 v9, v0;
	v9 =	vmul.f32 v11, v11  }
0x314: {  	v4 =	vld [tilespmem:s0+$0x4400]  }
0x315: {  	v51 =	vld [tilespmem:s0+$0x4820];
	v2 =	vmul.f32 v2, v2;
	v3 =	vsub.f32 v3, v7;
	v0 =	vadd.f32 v9, v0  }
0x316: {  	v1 =	vld [tilespmem:s0+$0x4410]  }
0x317: {  	v52 =	vld [tilespmem:s0+$0xC820];
	v0 =	vadd.f32 v2, v0;
	v2 =	vmul.f32 v3, v3;
	v3 =	vsub.f32 v5, v6  }
0x318: {  	v53 =	vld [tilespmem:s0+$0x4830]  }
0x319: {  	v54 =	vld [tilespmem:s0+$0xC830];
	v0 =	vadd.f32 v2, v0;
	v2 =	vmul.f32 v3, v3;
	v3 =	vsub.f32 v4, v10  }
0x31a: {  	v55 =	vld [tilespmem:s0+$0x4840]  }
0x31b: {  	v56 =	vld [tilespmem:s0+$0xC840];
	v1 =	vsub.f32 v1, v43;
	v0 =	vadd.f32 v2, v0;
	v2 =	vmul.f32 v3, v3  }
0x31c: {  	v57 =	vld [tilespmem:s0+$0xCC10]  }
0x31d: {  	v8 =	vld [tilespmem:s0+$0x4450];
	v1 =	vmul.f32 v1, v1;
	v0 =	vadd.f32 v2, v0;
	v2 =	vsub.f32 v44, v45  }
0x31e: {  	v11 =	vld [tilespmem:s0+$0xC450]  }
0x31f: {  	v7 =	vld [tilespmem:s0+$0x4460];
	v0 =	vadd.f32 v1, v0;
	v1 =	vmul.f32 v2, v2;
	v2 =	vsub.f32 v46, v47  }
0x320: {  	v9 =	vld [tilespmem:s0+$0xC460]  }
0x321: {  	v5 =	vld [tilespmem:s0+$0x4470];
	v0 =	vadd.f32 v1, v0;
	v1 =	vmul.f32 v2, v2;
	v2 =	vsub.f32 v48, v49  }
0x322: {  	v6 =	vld [tilespmem:s0+$0xC470]  }
0x323: {  	v4 =	vld [tilespmem:s0+$0x4800];
	v0 =	vadd.f32 v1, v0;
	v1 =	vmul.f32 v2, v2;
	v2 =	vsub.f32 v8, v11  }
0x324: {  	v10 =	vld [tilespmem:s0+$0xC800]  }
0x325: {  	v58 =	vld [tilespmem:s0+$0x4C20];
	v0 =	vadd.f32 v1, v0;
	v1 =	vmul.f32 v2, v2;
	v2 =	vsub.f32 v7, v9  }
0x326: {  	v3 =	vld [tilespmem:s0+$0x4810]  }
0x327: {  	v59 =	vld [tilespmem:s0+$0xCC20];
	v0 =	vadd.f32 v1, v0;
	v1 =	vmul.f32 v2, v2;
	v2 =	vsub.f32 v5, v6  }
0x328: {  	v60 =	vld [tilespmem:s0+$0x4C30]  }
0x329: {  	v61 =	vld [tilespmem:s0+$0xCC30];
	v0 =	vadd.f32 v1, v0;
	v1 =	vmul.f32 v2, v2;
	v2 =	vsub.f32 v4, v10  }
0x32a: {  	v62 =	vld [tilespmem:s0+$0x4C40]  }
0x32b: {  	v63 =	vld [tilespmem:s0+$0xCC40];
	v0 =	vadd.f32 v1, v0;
	v1 =	vmul.f32 v2, v2;
	v2 =	vsub.f32 v3, v50  }
0x32c: {  	v8 =	vld [tilespmem:s0+$0x4850]  }
0x32d: {  	v11 =	vld [tilespmem:s0+$0xC850];
	v0 =	vadd.f32 v1, v0;
	v1 =	vmul.f32 v2, v2;
	v2 =	vsub.f32 v51, v52  }
0x32e: {  	v7 =	vld [tilespmem:s0+$0x4860]  }
0x32f: {  	v9 =	vld [tilespmem:s0+$0xC860];
	v0 =	vadd.f32 v1, v0;
	v1 =	vmul.f32 v2, v2;
	v2 =	vsub.f32 v53, v54  }
0x330: {  	v5 =	vld [tilespmem:s0+$0x4870]  }
0x331: {  	v6 =	vld [tilespmem:s0+$0xC870];
	v0 =	vadd.f32 v1, v0;
	v1 =	vmul.f32 v2, v2;
	v2 =	vsub.f32 v55, v56  }
0x332: {  	v4 =	vld [tilespmem:s0+$0x4C00]  }
0x333: {  	v10 =	vld [tilespmem:s0+$0xCC00];
	v0 =	vadd.f32 v1, v0;
	v1 =	vmul.f32 v2, v2;
	v2 =	vsub.f32 v8, v11  }
0x334: {  	v3 =	vld [tilespmem:s0+$0x4C10]  }
0x335: {  	v8 =	vld [tilespmem:s0+$0x4C50];
	v0 =	vadd.f32 v1, v0;
	v1 =	vmul.f32 v2, v2;
	v2 =	vsub.f32 v7, v9  }
0x336: {  	v11 =	vld [tilespmem:s0+$0xCC50]  }
0x337: {  	v7 =	vld [tilespmem:s0+$0x4C60];
	v0 =	vadd.f32 v1, v0;
	v1 =	vmul.f32 v2, v2;
	v2 =	vsub.f32 v5, v6  }
0x338: {  	v9 =	vld [tilespmem:s0+$0xCC60]  }
0x339: {  	s3 =	simm.s32 $0x0;
	v5 =	vld [tilespmem:s0+$0x4C70];
	v0 =	vadd.f32 v1, v0;
	v1 =	vsub.f32 v4, v10;
	v2 =	vmul.f32 v2, v2  }
0x33a: {  	v6 =	vld [tilespmem:s0+$0xCC70];
	[tilespmem:s22], [sflag:$0x2] =	stream.linear.gather [hbm4b:s13+s3], $0x4000, $0x38  }
0x33b: {  	v0 =	vadd.f32 v2, v0;
	v2 =	vsub.f32 v3, v57;
	v1 =	vmul.f32 v1, v1  }
0x33c: {  	[tilespmem:s23], [sflag:$0x4] =	stream.linear.gather [hbm4b:s14+s3], $0x4000, $0x38;
	[tilespmem:$0x10080] =	vst v63  }
0x33d: {  	_ =	swait.ge [sflag:s24], $0x4000;
	v0 =	vadd.f32 v1, v0;
	v1 =	vsub.f32 v58, v59;
	v2 =	vmul.f32 v2, v2  }
0x33e: {  	[sflag:s24] =	ssyncset.done $0x0  }
0x33f: {  	[sflag:s24] =	ssyncadd.s32 $0xFFFFC000;
	v0 =	vadd.f32 v2, v0;
	v2 =	vsub.f32 v60, v61;
	v1 =	vmul.f32 v1, v1  }
0x340: {  	_ =	swait.ge [sflag:s25], $0x4000  }
0x341: {  	s1 =	sand.u32 $0x3000, s3;
	s0 =	sand.u32 $0x380, s3;
	[sflag:s25] =	ssyncset.done $0x0;
	v0 =	vadd.f32 v1, v0;
	v1 =	vmul.f32 v2, v2;
	v2 =	vsub.f32 v62, v63  }
0x342: {  	s3 =	sor.u32 s0, s1;
	[sflag:s25] =	ssyncadd.s32 $0xFFFFC000  }
0x343: {  	v3 =	vld [tilespmem:s3+$0x0];
	v0 =	vadd.f32 v1, v0;
	v1 =	vmul.f32 v2, v2;
	v2 =	vsub.f32 v8, v11  }
0x344: {  	v4 =	vld [tilespmem:s3+$0x8000]  }
0x345: {  	v8 =	vld [tilespmem:s3+$0x10];
	v0 =	vadd.f32 v1, v0;
	v1 =	vmul.f32 v2, v2;
	v2 =	vsub.f32 v7, v9  }
0x346: {  	v7 =	vld [tilespmem:s3+$0x8010]  }
0x347: {  	v9 =	vld [tilespmem:s3+$0x20];
	v0 =	vadd.f32 v1, v0;
	v1 =	vmul.f32 v2, v2;
	v2 =	vsub.f32 v5, v6  }
0x348: {  	v5 =	vld [tilespmem:s3+$0x8020]  }
0x349: {  	v6 =	vld [tilespmem:s3+$0x30];
	v0 =	vadd.f32 v1, v0;
	v1 =	vmul.f32 v2, v2;
	v2 =	vsub.f32 v3, v4  }
0x34a: {  	v3 =	vld [tilespmem:s3+$0x8030]  }
0x34b: {  	v4 =	vld [tilespmem:s3+$0x40];
	v0 =	vadd.f32 v1, v0;
	v1 =	vmul.f32 v2, v2;
	v2 =	vsub.f32 v8, v7  }
0x34c: {  	v7 =	vld [tilespmem:s3+$0x8040]  }
0x34d: {  	v8 =	vld [tilespmem:s3+$0x50];
	v0 =	vadd.f32 v1, v0;
	v1 =	vmul.f32 v2, v2;
	v2 =	vsub.f32 v9, v5  }
0x34e: {  	v5 =	vld [tilespmem:s3+$0x8050]  }
0x34f: {  	v9 =	vld [tilespmem:s3+$0x60];
	v0 =	vadd.f32 v1, v0;
	v1 =	vmul.f32 v2, v2;
	v2 =	vsub.f32 v6, v3  }
0x350: {  	v3 =	vld [tilespmem:s3+$0x8060]  }
0x351: {  	v6 =	vld [tilespmem:s3+$0x70];
	v0 =	vadd.f32 v1, v0;
	v1 =	vmul.f32 v2, v2;
	v2 =	vsub.f32 v4, v7  }
0x352: {  	v4 =	vld [tilespmem:s3+$0x8070]  }
0x353: {  	v7 =	vld [tilespmem:s3+$0x400];
	v0 =	vadd.f32 v1, v0;
	v1 =	vmul.f32 v2, v2;
	v2 =	vsub.f32 v8, v5  }
0x354: {  	v5 =	vld [tilespmem:s3+$0x8400]  }
0x355: {  	v8 =	vld [tilespmem:s3+$0x410];
	v0 =	vadd.f32 v1, v0;
	v1 =	vmul.f32 v2, v2;
	v2 =	vsub.f32 v9, v3  }
0x356: {  	v3 =	vld [tilespmem:s3+$0x8410]  }
0x357: {  	v9 =	vld [tilespmem:s3+$0x420];
	v0 =	vadd.f32 v1, v0;
	v1 =	vmul.f32 v2, v2;
	v2 =	vsub.f32 v6, v4  }
0x358: {  	v4 =	vld [tilespmem:s3+$0x8420]  }
0x359: {  	v6 =	vld [tilespmem:s3+$0x430];
	v0 =	vadd.f32 v1, v0;
	v1 =	vmul.f32 v2, v2;
	v2 =	vsub.f32 v7, v5  }
0x35a: {  	v5 =	vld [tilespmem:s3+$0x8430]  }
0x35b: {  	v7 =	vld [tilespmem:s3+$0x440];
	v0 =	vadd.f32 v1, v0;
	v1 =	vmul.f32 v2, v2;
	v2 =	vsub.f32 v8, v3  }
0x35c: {  	v3 =	vld [tilespmem:s3+$0x8440]  }
0x35d: {  	v8 =	vld [tilespmem:s3+$0x450];
	v0 =	vadd.f32 v1, v0;
	v1 =	vmul.f32 v2, v2;
	v2 =	vsub.f32 v9, v4  }
0x35e: {  	v4 =	vld [tilespmem:s3+$0x8450]  }
0x35f: {  	v9 =	vld [tilespmem:s3+$0x460];
	v0 =	vadd.f32 v1, v0;
	v1 =	vmul.f32 v2, v2;
	v2 =	vsub.f32 v6, v5  }
0x360: {  	v5 =	vld [tilespmem:s3+$0x8460]  }
0x361: {  	v6 =	vld [tilespmem:s3+$0x470];
	v0 =	vadd.f32 v1, v0;
	v1 =	vmul.f32 v2, v2;
	v2 =	vsub.f32 v7, v3  }
0x362: {  	v3 =	vld [tilespmem:s3+$0x8470]  }
0x363: {  	v7 =	vld [tilespmem:s3+$0x800];
	v0 =	vadd.f32 v1, v0;
	v1 =	vmul.f32 v2, v2;
	v2 =	vsub.f32 v8, v4  }
0x364: {  	v4 =	vld [tilespmem:s3+$0x8800]  }
0x365: {  	v8 =	vld [tilespmem:s3+$0x810];
	v0 =	vadd.f32 v1, v0;
	v1 =	vmul.f32 v2, v2;
	v2 =	vsub.f32 v9, v5  }
0x366: {  	v5 =	vld [tilespmem:s3+$0x8810]  }
0x367: {  	v9 =	vld [tilespmem:s3+$0x820];
	v0 =	vadd.f32 v1, v0;
	v1 =	vmul.f32 v2, v2;
	v2 =	vsub.f32 v6, v3  }
0x368: {  	v3 =	vld [tilespmem:s3+$0x8820]  }
0x369: {  	v6 =	vld [tilespmem:s3+$0x830];
	v0 =	vadd.f32 v1, v0;
	v1 =	vmul.f32 v2, v2;
	v2 =	vsub.f32 v7, v4  }
0x36a: {  	v4 =	vld [tilespmem:s3+$0x8830]  }
0x36b: {  	v7 =	vld [tilespmem:s3+$0x840];
	v0 =	vadd.f32 v1, v0;
	v1 =	vmul.f32 v2, v2;
	v2 =	vsub.f32 v8, v5  }
0x36c: {  	v5 =	vld [tilespmem:s3+$0x8840]  }
0x36d: {  	v8 =	vld [tilespmem:s3+$0x850];
	v0 =	vadd.f32 v1, v0;
	v1 =	vmul.f32 v2, v2;
	v2 =	vsub.f32 v9, v3  }
0x36e: {  	v3 =	vld [tilespmem:s3+$0x8850]  }
0x36f: {  	v9 =	vld [tilespmem:s3+$0x860];
	v0 =	vadd.f32 v1, v0;
	v1 =	vmul.f32 v2, v2;
	v2 =	vsub.f32 v6, v4  }
0x370: {  	v4 =	vld [tilespmem:s3+$0x8860]  }
0x371: {  	v6 =	vld [tilespmem:s3+$0x870];
	v0 =	vadd.f32 v1, v0;
	v1 =	vmul.f32 v2, v2;
	v2 =	vsub.f32 v7, v5  }
0x372: {  	v5 =	vld [tilespmem:s3+$0x8870]  }
0x373: {  	v7 =	vld [tilespmem:s3+$0xC00];
	v0 =	vadd.f32 v1, v0;
	v1 =	vmul.f32 v2, v2;
	v2 =	vsub.f32 v8, v3  }
0x374: {  	v3 =	vld [tilespmem:s3+$0x8C00]  }
0x375: {  	v8 =	vld [tilespmem:s3+$0xC10];
	v0 =	vadd.f32 v1, v0;
	v1 =	vmul.f32 v2, v2;
	v2 =	vsub.f32 v9, v4  }
0x376: {  	v4 =	vld [tilespmem:s3+$0x8C10]  }
0x377: {  	v9 =	vld [tilespmem:s3+$0xC20];
	v0 =	vadd.f32 v1, v0;
	v1 =	vmul.f32 v2, v2;
	v2 =	vsub.f32 v6, v5  }
0x378: {  	v5 =	vld [tilespmem:s3+$0x8C20]  }
0x379: {  	v6 =	vld [tilespmem:s3+$0xC30];
	v0 =	vadd.f32 v1, v0;
	v1 =	vmul.f32 v2, v2;
	v2 =	vsub.f32 v7, v3  }
0x37a: {  	v3 =	vld [tilespmem:s3+$0x8C30]  }
0x37b: {  	v10 =	vld [tilespmem:s3+$0xC40];
	v4 =	vsub.f32 v8, v4;
	v1 =	vadd.f32 v1, v0;
	v2 =	vmul.f32 v2, v2  }
0x37c: {  	v8 =	vld [tilespmem:s3+$0x8C40]  }
0x37d: {  	v0 =	vld [tilespmem:s3+$0xC50];
	v4 =	vmul.f32 v4, v4;
	v5 =	vsub.f32 v9, v5;
	v7 =	vadd.f32 v2, v1  }
0x37e: {  	v2 =	vld [tilespmem:s3+$0x8C50]  }
0x37f: {  	v1 =	vld [tilespmem:s3+$0xC60];
	v5 =	vmul.f32 v5, v5;
	v9 =	vsub.f32 v6, v3;
	v7 =	vadd.f32 v4, v7  }
0x380: {  	s4 =	simm.s32 $0x200;
	s1 =	simm.s32 $0x80;
	v3 =	vld [tilespmem:s3+$0x8C60]  }
0x381: {  	s0 =	sand.u32 $0x3000, s4;
	s4 =	sand.u32 $0x380, s1;
	v4 =	vld [tilespmem:s3+$0xC70];
	v8 =	vsub.f32 v10, v8;
	v6 =	vadd.f32 v5, v7;
	v7 =	vmul.f32 v9, v9  }
0x382: {  	s29 =	simm.s32 $0x400;
	s0 =	sor.u32 s4, s0;
	v5 =	vld [tilespmem:s3+$0x8C70]  }
.LBB2_10:
0x383: {  	p0 =	sne.s32 s29, $0x3E00;
	v9 =	vld [tilespmem:s0+$0x0];
	v6 =	vadd.f32 v7, v6;
	v7 =	vmul.f32 v8, v8;
	v0 =	vsub.f32 v0, v2  }
0x384: {  	v2 =	vld [tilespmem:s0+$0x8000]  }
0x385: {  	v8 =	vld [tilespmem:s0+$0x10];
	v6 =	vadd.f32 v7, v6;
	v0 =	vmul.f32 v0, v0;
	v1 =	vsub.f32 v1, v3  }
0x386: {  	v3 =	vld [tilespmem:s0+$0x8010]  }
0x387: {  	v7 =	vld [tilespmem:s0+$0x20];
	v0 =	vadd.f32 v0, v6;
	v1 =	vmul.f32 v1, v1;
	v4 =	vsub.f32 v4, v5  }
0x388: {  	v5 =	vld [tilespmem:s0+$0x8020]  }
0x389: {  	v2 =	vsub.f32 v9, v2;
	v6 =	vld [tilespmem:s0+$0x30];
	v0 =	vadd.f32 v1, v0;
	v1 =	vmul.f32 v4, v4  }
0x38a: {  	v4 =	vld [tilespmem:s0+$0x8030]  }
0x38b: {  	v2 =	vmul.f32 v2, v2;
	v3 =	vsub.f32 v8, v3;
	v8 =	vld [tilespmem:s0+$0x40];
	v0 =	vadd.f32 v1, v0  }
0x38c: {  	v1 =	vld [tilespmem:s0+$0x8040]  }
0x38d: {  	v0 =	vadd.f32 v2, v0;
	v2 =	vmul.f32 v3, v3;
	v3 =	vsub.f32 v7, v5;
	v5 =	vld [tilespmem:s0+$0x50]  }
0x38e: {  	v7 =	vld [tilespmem:s0+$0x8050]  }
0x38f: {  	v0 =	vadd.f32 v2, v0;
	v2 =	vmul.f32 v3, v3;
	v3 =	vsub.f32 v6, v4;
	v4 =	vld [tilespmem:s0+$0x60]  }
0x390: {  	v6 =	vld [tilespmem:s0+$0x8060]  }
0x391: {  	v0 =	vadd.f32 v2, v0;
	v2 =	vmul.f32 v3, v3;
	v1 =	vsub.f32 v8, v1;
	v3 =	vld [tilespmem:s0+$0x70]  }
0x392: {  	v8 =	vld [tilespmem:s0+$0x8070]  }
0x393: {  	v0 =	vadd.f32 v2, v0;
	v1 =	vmul.f32 v1, v1;
	v2 =	vsub.f32 v5, v7;
	v5 =	vld [tilespmem:s0+$0x400]  }
0x394: {  	v7 =	vld [tilespmem:s0+$0x8400]  }
0x395: {  	v0 =	vadd.f32 v1, v0;
	v1 =	vmul.f32 v2, v2;
	v2 =	vsub.f32 v4, v6;
	v4 =	vld [tilespmem:s0+$0x410]  }
0x396: {  	v6 =	vld [tilespmem:s0+$0x8410]  }
0x397: {  	v0 =	vadd.f32 v1, v0;
	v1 =	vmul.f32 v2, v2;
	v2 =	vsub.f32 v3, v8;
	v3 =	vld [tilespmem:s0+$0x420]  }
0x398: {  	v8 =	vld [tilespmem:s0+$0x8420]  }
0x399: {  	v0 =	vadd.f32 v1, v0;
	v1 =	vmul.f32 v2, v2;
	v2 =	vsub.f32 v5, v7;
	v5 =	vld [tilespmem:s0+$0x430]  }
0x39a: {  	v7 =	vld [tilespmem:s0+$0x8430]  }
0x39b: {  	v0 =	vadd.f32 v1, v0;
	v1 =	vmul.f32 v2, v2;
	v2 =	vsub.f32 v4, v6;
	v4 =	vld [tilespmem:s0+$0x440]  }
0x39c: {  	v6 =	vld [tilespmem:s0+$0x8440]  }
0x39d: {  	v0 =	vadd.f32 v1, v0;
	v1 =	vmul.f32 v2, v2;
	v2 =	vsub.f32 v3, v8;
	v3 =	vld [tilespmem:s0+$0x450]  }
0x39e: {  	v8 =	vld [tilespmem:s0+$0x8450]  }
0x39f: {  	v0 =	vadd.f32 v1, v0;
	v1 =	vmul.f32 v2, v2;
	v2 =	vsub.f32 v5, v7;
	v5 =	vld [tilespmem:s0+$0x460]  }
0x3a0: {  	v7 =	vld [tilespmem:s0+$0x8460]  }
0x3a1: {  	v0 =	vadd.f32 v1, v0;
	v1 =	vmul.f32 v2, v2;
	v2 =	vsub.f32 v4, v6;
	v4 =	vld [tilespmem:s0+$0x470]  }
0x3a2: {  	v6 =	vld [tilespmem:s0+$0x8470]  }
0x3a3: {  	v0 =	vadd.f32 v1, v0;
	v1 =	vmul.f32 v2, v2;
	v2 =	vsub.f32 v3, v8;
	v3 =	vld [tilespmem:s0+$0x800]  }
0x3a4: {  	v8 =	vld [tilespmem:s0+$0x8800]  }
0x3a5: {  	v0 =	vadd.f32 v1, v0;
	v1 =	vmul.f32 v2, v2;
	v2 =	vsub.f32 v5, v7;
	v5 =	vld [tilespmem:s0+$0x810]  }
0x3a6: {  	v7 =	vld [tilespmem:s0+$0x8810]  }
0x3a7: {  	v0 =	vadd.f32 v1, v0;
	v1 =	vmul.f32 v2, v2;
	v2 =	vsub.f32 v4, v6;
	v4 =	vld [tilespmem:s0+$0x820]  }
0x3a8: {  	v6 =	vld [tilespmem:s0+$0x8820]  }
0x3a9: {  	v0 =	vadd.f32 v1, v0;
	v1 =	vmul.f32 v2, v2;
	v2 =	vsub.f32 v3, v8;
	v3 =	vld [tilespmem:s0+$0x830]  }
0x3aa: {  	v8 =	vld [tilespmem:s0+$0x8830]  }
0x3ab: {  	v0 =	vadd.f32 v1, v0;
	v1 =	vmul.f32 v2, v2;
	v2 =	vsub.f32 v5, v7;
	v5 =	vld [tilespmem:s0+$0x840]  }
0x3ac: {  	v7 =	vld [tilespmem:s0+$0x8840]  }
0x3ad: {  	v0 =	vadd.f32 v1, v0;
	v1 =	vmul.f32 v2, v2;
	v2 =	vsub.f32 v4, v6;
	v4 =	vld [tilespmem:s0+$0x850]  }
0x3ae: {  	v6 =	vld [tilespmem:s0+$0x8850]  }
0x3af: {  	v0 =	vadd.f32 v1, v0;
	v1 =	vmul.f32 v2, v2;
	v2 =	vsub.f32 v3, v8;
	v3 =	vld [tilespmem:s0+$0x860]  }
0x3b0: {  	v8 =	vld [tilespmem:s0+$0x8860]  }
0x3b1: {  	v0 =	vadd.f32 v1, v0;
	v1 =	vmul.f32 v2, v2;
	v2 =	vsub.f32 v5, v7;
	v5 =	vld [tilespmem:s0+$0x870]  }
0x3b2: {  	v7 =	vld [tilespmem:s0+$0x8870]  }
0x3b3: {  	v0 =	vadd.f32 v1, v0;
	v1 =	vmul.f32 v2, v2;
	v2 =	vsub.f32 v4, v6;
	v4 =	vld [tilespmem:s0+$0xC00]  }
0x3b4: {  	v6 =	vld [tilespmem:s0+$0x8C00]  }
0x3b5: {  	v0 =	vadd.f32 v1, v0;
	v1 =	vmul.f32 v2, v2;
	v2 =	vsub.f32 v3, v8;
	v3 =	vld [tilespmem:s0+$0xC10]  }
0x3b6: {  	v8 =	vld [tilespmem:s0+$0x8C10]  }
0x3b7: {  	v0 =	vadd.f32 v1, v0;
	v1 =	vmul.f32 v2, v2;
	v2 =	vsub.f32 v5, v7;
	v5 =	vld [tilespmem:s0+$0xC20]  }
0x3b8: {  	v7 =	vld [tilespmem:s0+$0x8C20]  }
0x3b9: {  	v0 =	vadd.f32 v1, v0;
	v1 =	vmul.f32 v2, v2;
	v2 =	vsub.f32 v4, v6;
	v4 =	vld [tilespmem:s0+$0xC30]  }
0x3ba: {  	v6 =	vld [tilespmem:s0+$0x8C30]  }
0x3bb: {  	v0 =	vadd.f32 v1, v0;
	v1 =	vmul.f32 v2, v2;
	v2 =	vsub.f32 v3, v8;
	v8 =	vld [tilespmem:s0+$0xC40]  }
0x3bc: {  	v9 =	vld [tilespmem:s0+$0x8C40]  }
0x3bd: {  	v1 =	vadd.f32 v1, v0;
	v3 =	vmul.f32 v2, v2;
	v5 =	vsub.f32 v5, v7;
	v0 =	vld [tilespmem:s0+$0xC50]  }
.Ltmp4:
0x3be: {  	v2 =	vld [tilespmem:s0+$0x8C50];
	(pc) =	sbr.rel @p0 .LBB2_10-.Ltmp4, $4  }
0x3bf: {  	v7 =	vadd.f32 v3, v1;
	v5 =	vmul.f32 v5, v5;
	v4 =	vsub.f32 v4, v6;
	v1 =	vld [tilespmem:s0+$0xC60]  }
0x3c0: {  	s1 =	sadd.s32 $0x80, s1;
	v3 =	vld [tilespmem:s0+$0x8C60]  }
0x3c1: {  	s3 =	sand.u32 $0x3000, s29;
	s4 =	sand.u32 $0x380, s1;
	v6 =	vadd.f32 v5, v7;
	v7 =	vmul.f32 v4, v4;
	v8 =	vsub.f32 v8, v9;
	v4 =	vld [tilespmem:s0+$0xC70]  }
0x3c2: {  	s29 =	sadd.s32 $0x200, s29;
	v5 =	vld [tilespmem:s0+$0x8C70];
	s0 =	sor.u32 s4, s3  }
0x3c3: {  	v9 =	vld [tilespmem:s0+$0x0]  }
0x3c4: {  	v10 =	vld [tilespmem:s0+$0x8000]  }
0x3c5: {  	v11 =	vld [tilespmem:s0+$0x10]  }
0x3c6: {  	v12 =	vld [tilespmem:s0+$0x8010]  }
0x3c7: {  	v13 =	vld [tilespmem:s0+$0x20]  }
0x3c8: {  	v14 =	vld [tilespmem:s0+$0x8020]  }
0x3c9: {  	v15 =	vld [tilespmem:s0+$0x30]  }
0x3ca: {  	v16 =	vld [tilespmem:s0+$0x8030]  }
0x3cb: {  	v17 =	vld [tilespmem:s0+$0x40];
	v6 =	vadd.f32 v7, v6;
	v7 =	vmul.f32 v8, v8;
	v0 =	vsub.f32 v0, v2  }
0x3cc: {  	v18 =	vld [tilespmem:s0+$0x8040]  }
0x3cd: {  	v2 =	vld [tilespmem:s0+$0x50];
	v6 =	vadd.f32 v7, v6;
	v0 =	vmul.f32 v0, v0;
	v1 =	vsub.f32 v1, v3  }
0x3ce: {  	v8 =	vld [tilespmem:s0+$0x8050]  }
0x3cf: {  	v43 =	vld [tilespmem:s0+$0x8410];
	v0 =	vadd.f32 v0, v6;
	v1 =	vmul.f32 v1, v1;
	v4 =	vsub.f32 v4, v5  }
0x3d0: {  	v44 =	vld [tilespmem:s0+$0x420]  }
0x3d1: {  	v45 =	vld [tilespmem:s0+$0x8420];
	v9 =	vsub.f32 v9, v10;
	v0 =	vadd.f32 v1, v0;
	v1 =	vmul.f32 v4, v4  }
0x3d2: {  	v46 =	vld [tilespmem:s0+$0x430]  }
0x3d3: {  	v47 =	vld [tilespmem:s0+$0x8430];
	v11 =	vsub.f32 v11, v12;
	v9 =	vmul.f32 v9, v9;
	v0 =	vadd.f32 v1, v0  }
0x3d4: {  	v48 =	vld [tilespmem:s0+$0x440]  }
0x3d5: {  	v49 =	vld [tilespmem:s0+$0x8440];
	v0 =	vadd.f32 v9, v0;
	v9 =	vmul.f32 v11, v11;
	v11 =	vsub.f32 v13, v14  }
0x3d6: {  	v50 =	vld [tilespmem:s0+$0x8810]  }
0x3d7: {  	v3 =	vld [tilespmem:s0+$0x60];
	v0 =	vadd.f32 v9, v0;
	v9 =	vmul.f32 v11, v11;
	v11 =	vsub.f32 v15, v16  }
0x3d8: {  	v7 =	vld [tilespmem:s0+$0x8060]  }
0x3d9: {  	v5 =	vld [tilespmem:s0+$0x70];
	v0 =	vadd.f32 v9, v0;
	v9 =	vmul.f32 v11, v11;
	v11 =	vsub.f32 v17, v18  }
0x3da: {  	v6 =	vld [tilespmem:s0+$0x8070]  }
0x3db: {  	v10 =	vld [tilespmem:s0+$0x8400];
	v2 =	vsub.f32 v2, v8;
	v0 =	vadd.f32 v9, v0;
	v9 =	vmul.f32 v11, v11  }
0x3dc: {  	v4 =	vld [tilespmem:s0+$0x400]  }
0x3dd: {  	v51 =	vld [tilespmem:s0+$0x820];
	v2 =	vmul.f32 v2, v2;
	v3 =	vsub.f32 v3, v7;
	v0 =	vadd.f32 v9, v0  }
0x3de: {  	v1 =	vld [tilespmem:s0+$0x410]  }
0x3df: {  	v52 =	vld [tilespmem:s0+$0x8820];
	v0 =	vadd.f32 v2, v0;
	v2 =	vmul.f32 v3, v3;
	v3 =	vsub.f32 v5, v6  }
0x3e0: {  	v53 =	vld [tilespmem:s0+$0x830]  }
0x3e1: {  	v54 =	vld [tilespmem:s0+$0x8830];
	v0 =	vadd.f32 v2, v0;
	v2 =	vmul.f32 v3, v3;
	v3 =	vsub.f32 v4, v10  }
0x3e2: {  	v55 =	vld [tilespmem:s0+$0x840]  }
0x3e3: {  	v56 =	vld [tilespmem:s0+$0x8840];
	v1 =	vsub.f32 v1, v43;
	v0 =	vadd.f32 v2, v0;
	v2 =	vmul.f32 v3, v3  }
0x3e4: {  	v57 =	vld [tilespmem:s0+$0x8C10]  }
0x3e5: {  	v8 =	vld [tilespmem:s0+$0x450];
	v1 =	vmul.f32 v1, v1;
	v0 =	vadd.f32 v2, v0;
	v2 =	vsub.f32 v44, v45  }
0x3e6: {  	v11 =	vld [tilespmem:s0+$0x8450]  }
0x3e7: {  	v7 =	vld [tilespmem:s0+$0x460];
	v0 =	vadd.f32 v1, v0;
	v1 =	vmul.f32 v2, v2;
	v2 =	vsub.f32 v46, v47  }
0x3e8: {  	v9 =	vld [tilespmem:s0+$0x8460]  }
0x3e9: {  	v5 =	vld [tilespmem:s0+$0x470];
	v0 =	vadd.f32 v1, v0;
	v1 =	vmul.f32 v2, v2;
	v2 =	vsub.f32 v48, v49  }
0x3ea: {  	v6 =	vld [tilespmem:s0+$0x8470]  }
0x3eb: {  	v4 =	vld [tilespmem:s0+$0x800];
	v0 =	vadd.f32 v1, v0;
	v1 =	vmul.f32 v2, v2;
	v2 =	vsub.f32 v8, v11  }
0x3ec: {  	v10 =	vld [tilespmem:s0+$0x8800]  }
0x3ed: {  	v58 =	vld [tilespmem:s0+$0xC20];
	v0 =	vadd.f32 v1, v0;
	v1 =	vmul.f32 v2, v2;
	v2 =	vsub.f32 v7, v9  }
0x3ee: {  	v3 =	vld [tilespmem:s0+$0x810]  }
0x3ef: {  	v59 =	vld [tilespmem:s0+$0x8C20];
	v0 =	vadd.f32 v1, v0;
	v1 =	vmul.f32 v2, v2;
	v2 =	vsub.f32 v5, v6  }
0x3f0: {  	v60 =	vld [tilespmem:s0+$0xC30]  }
0x3f1: {  	v61 =	vld [tilespmem:s0+$0x8C30];
	v0 =	vadd.f32 v1, v0;
	v1 =	vmul.f32 v2, v2;
	v2 =	vsub.f32 v4, v10  }
0x3f2: {  	v62 =	vld [tilespmem:s0+$0xC40]  }
0x3f3: {  	v63 =	vld [tilespmem:s0+$0x8C40];
	v0 =	vadd.f32 v1, v0;
	v1 =	vmul.f32 v2, v2;
	v2 =	vsub.f32 v3, v50  }
0x3f4: {  	v8 =	vld [tilespmem:s0+$0x850]  }
0x3f5: {  	v11 =	vld [tilespmem:s0+$0x8850];
	v0 =	vadd.f32 v1, v0;
	v1 =	vmul.f32 v2, v2;
	v2 =	vsub.f32 v51, v52  }
0x3f6: {  	v7 =	vld [tilespmem:s0+$0x860]  }
0x3f7: {  	v9 =	vld [tilespmem:s0+$0x8860];
	v0 =	vadd.f32 v1, v0;
	v1 =	vmul.f32 v2, v2;
	v2 =	vsub.f32 v53, v54  }
0x3f8: {  	v5 =	vld [tilespmem:s0+$0x870]  }
0x3f9: {  	v6 =	vld [tilespmem:s0+$0x8870];
	v0 =	vadd.f32 v1, v0;
	v1 =	vmul.f32 v2, v2;
	v2 =	vsub.f32 v55, v56  }
0x3fa: {  	v4 =	vld [tilespmem:s0+$0xC00]  }
0x3fb: {  	v10 =	vld [tilespmem:s0+$0x8C00];
	v0 =	vadd.f32 v1, v0;
	v1 =	vmul.f32 v2, v2;
	v2 =	vsub.f32 v8, v11  }
0x3fc: {  	v3 =	vld [tilespmem:s0+$0xC10]  }
0x3fd: {  	v8 =	vld [tilespmem:s0+$0xC50];
	v0 =	vadd.f32 v1, v0;
	v1 =	vmul.f32 v2, v2;
	v2 =	vsub.f32 v7, v9  }
0x3fe: {  	v11 =	vld [tilespmem:s0+$0x8C50]  }
0x3ff: {  	v7 =	vld [tilespmem:s0+$0xC60];
	v0 =	vadd.f32 v1, v0;
	v1 =	vmul.f32 v2, v2;
	v2 =	vsub.f32 v5, v6  }
0x400: {  	v9 =	vld [tilespmem:s0+$0x8C60]  }
0x401: {  	s3 =	simm.s32 $0x0;
	v5 =	vld [tilespmem:s0+$0xC70];
	v0 =	vadd.f32 v1, v0;
	v1 =	vsub.f32 v4, v10;
	v2 =	vmul.f32 v2, v2  }
0x402: {  	v6 =	vld [tilespmem:s0+$0x8C70];
	[tilespmem:s3], [sflag:$0x1] =	stream.linear.gather [hbm4b:s15+s3], $0x4000, $0x38  }
0x403: {  	v0 =	vadd.f32 v2, v0;
	v2 =	vsub.f32 v3, v57;
	v1 =	vmul.f32 v1, v1  }
0x404: {  	[tilespmem:s21], [sflag:$0x3] =	stream.linear.gather [hbm4b:s16+s3], $0x4000, $0x38;
	[tilespmem:$0x10080] =	vst v63  }
0x405: {  	_ =	swait.ge [sflag:s26], $0x4000;
	v0 =	vadd.f32 v1, v0;
	v1 =	vsub.f32 v58, v59;
	v2 =	vmul.f32 v2, v2  }
0x406: {  	[sflag:s26] =	ssyncset.done $0x0  }
0x407: {  	[sflag:s26] =	ssyncadd.s32 $0xFFFFC000;
	v0 =	vadd.f32 v2, v0;
	v2 =	vsub.f32 v60, v61;
	v1 =	vmul.f32 v1, v1  }
0x408: {  	_ =	swait.ge [sflag:s28], $0x4000  }
0x409: {  	s1 =	sand.u32 $0x3000, s3;
	s0 =	sand.u32 $0x380, s3;
	[sflag:s28] =	ssyncset.done $0x0;
	v0 =	vadd.f32 v1, v0;
	v1 =	vmul.f32 v2, v2;
	v2 =	vsub.f32 v62, v63  }
0x40a: {  	s3 =	sor.u32 s0, s1;
	[sflag:s28] =	ssyncadd.s32 $0xFFFFC000  }
0x40b: {  	v3 =	vld [tilespmem:s3+$0x4000];
	v0 =	vadd.f32 v1, v0;
	v1 =	vmul.f32 v2, v2;
	v2 =	vsub.f32 v8, v11  }
0x40c: {  	v4 =	vld [tilespmem:s3+$0xC000]  }
0x40d: {  	v8 =	vld [tilespmem:s3+$0x4010];
	v0 =	vadd.f32 v1, v0;
	v1 =	vmul.f32 v2, v2;
	v2 =	vsub.f32 v7, v9  }
0x40e: {  	v7 =	vld [tilespmem:s3+$0xC010]  }
0x40f: {  	v9 =	vld [tilespmem:s3+$0x4020];
	v0 =	vadd.f32 v1, v0;
	v1 =	vmul.f32 v2, v2;
	v2 =	vsub.f32 v5, v6  }
0x410: {  	v5 =	vld [tilespmem:s3+$0xC020]  }
0x411: {  	v6 =	vld [tilespmem:s3+$0x4030];
	v0 =	vadd.f32 v1, v0;
	v1 =	vmul.f32 v2, v2;
	v2 =	vsub.f32 v3, v4  }
0x412: {  	v3 =	vld [tilespmem:s3+$0xC030]  }
0x413: {  	v4 =	vld [tilespmem:s3+$0x4040];
	v0 =	vadd.f32 v1, v0;
	v1 =	vmul.f32 v2, v2;
	v2 =	vsub.f32 v8, v7  }
0x414: {  	v7 =	vld [tilespmem:s3+$0xC040]  }
0x415: {  	v8 =	vld [tilespmem:s3+$0x4050];
	v0 =	vadd.f32 v1, v0;
	v1 =	vmul.f32 v2, v2;
	v2 =	vsub.f32 v9, v5  }
0x416: {  	v5 =	vld [tilespmem:s3+$0xC050]  }
0x417: {  	v9 =	vld [tilespmem:s3+$0x4060];
	v0 =	vadd.f32 v1, v0;
	v1 =	vmul.f32 v2, v2;
	v2 =	vsub.f32 v6, v3  }
0x418: {  	v3 =	vld [tilespmem:s3+$0xC060]  }
0x419: {  	v6 =	vld [tilespmem:s3+$0x4070];
	v0 =	vadd.f32 v1, v0;
	v1 =	vmul.f32 v2, v2;
	v2 =	vsub.f32 v4, v7  }
0x41a: {  	v4 =	vld [tilespmem:s3+$0xC070]  }
0x41b: {  	v7 =	vld [tilespmem:s3+$0x4400];
	v0 =	vadd.f32 v1, v0;
	v1 =	vmul.f32 v2, v2;
	v2 =	vsub.f32 v8, v5  }
0x41c: {  	v5 =	vld [tilespmem:s3+$0xC400]  }
0x41d: {  	v8 =	vld [tilespmem:s3+$0x4410];
	v0 =	vadd.f32 v1, v0;
	v1 =	vmul.f32 v2, v2;
	v2 =	vsub.f32 v9, v3  }
0x41e: {  	v3 =	vld [tilespmem:s3+$0xC410]  }
0x41f: {  	v9 =	vld [tilespmem:s3+$0x4420];
	v0 =	vadd.f32 v1, v0;
	v1 =	vmul.f32 v2, v2;
	v2 =	vsub.f32 v6, v4  }
0x420: {  	v4 =	vld [tilespmem:s3+$0xC420]  }
0x421: {  	v6 =	vld [tilespmem:s3+$0x4430];
	v0 =	vadd.f32 v1, v0;
	v1 =	vmul.f32 v2, v2;
	v2 =	vsub.f32 v7, v5  }
0x422: {  	v5 =	vld [tilespmem:s3+$0xC430]  }
0x423: {  	v7 =	vld [tilespmem:s3+$0x4440];
	v0 =	vadd.f32 v1, v0;
	v1 =	vmul.f32 v2, v2;
	v2 =	vsub.f32 v8, v3  }
0x424: {  	v3 =	vld [tilespmem:s3+$0xC440]  }
0x425: {  	v8 =	vld [tilespmem:s3+$0x4450];
	v0 =	vadd.f32 v1, v0;
	v1 =	vmul.f32 v2, v2;
	v2 =	vsub.f32 v9, v4  }
0x426: {  	v4 =	vld [tilespmem:s3+$0xC450]  }
0x427: {  	v9 =	vld [tilespmem:s3+$0x4460];
	v0 =	vadd.f32 v1, v0;
	v1 =	vmul.f32 v2, v2;
	v2 =	vsub.f32 v6, v5  }
0x428: {  	v5 =	vld [tilespmem:s3+$0xC460]  }
0x429: {  	v6 =	vld [tilespmem:s3+$0x4470];
	v0 =	vadd.f32 v1, v0;
	v1 =	vmul.f32 v2, v2;
	v2 =	vsub.f32 v7, v3  }
0x42a: {  	v3 =	vld [tilespmem:s3+$0xC470]  }
0x42b: {  	v7 =	vld [tilespmem:s3+$0x4800];
	v0 =	vadd.f32 v1, v0;
	v1 =	vmul.f32 v2, v2;
	v2 =	vsub.f32 v8, v4  }
0x42c: {  	v4 =	vld [tilespmem:s3+$0xC800]  }
0x42d: {  	v8 =	vld [tilespmem:s3+$0x4810];
	v0 =	vadd.f32 v1, v0;
	v1 =	vmul.f32 v2, v2;
	v2 =	vsub.f32 v9, v5  }
0x42e: {  	v5 =	vld [tilespmem:s3+$0xC810]  }
0x42f: {  	v9 =	vld [tilespmem:s3+$0x4820];
	v0 =	vadd.f32 v1, v0;
	v1 =	vmul.f32 v2, v2;
	v2 =	vsub.f32 v6, v3  }
0x430: {  	v3 =	vld [tilespmem:s3+$0xC820]  }
0x431: {  	v6 =	vld [tilespmem:s3+$0x4830];
	v0 =	vadd.f32 v1, v0;
	v1 =	vmul.f32 v2, v2;
	v2 =	vsub.f32 v7, v4  }
0x432: {  	v4 =	vld [tilespmem:s3+$0xC830]  }
0x433: {  	v7 =	vld [tilespmem:s3+$0x4840];
	v0 =	vadd.f32 v1, v0;
	v1 =	vmul.f32 v2, v2;
	v2 =	vsub.f32 v8, v5  }
0x434: {  	v5 =	vld [tilespmem:s3+$0xC840]  }
0x435: {  	v8 =	vld [tilespmem:s3+$0x4850];
	v0 =	vadd.f32 v1, v0;
	v1 =	vmul.f32 v2, v2;
	v2 =	vsub.f32 v9, v3  }
0x436: {  	v3 =	vld [tilespmem:s3+$0xC850]  }
0x437: {  	v9 =	vld [tilespmem:s3+$0x4860];
	v0 =	vadd.f32 v1, v0;
	v1 =	vmul.f32 v2, v2;
	v2 =	vsub.f32 v6, v4  }
0x438: {  	v4 =	vld [tilespmem:s3+$0xC860]  }
0x439: {  	v6 =	vld [tilespmem:s3+$0x4870];
	v0 =	vadd.f32 v1, v0;
	v1 =	vmul.f32 v2, v2;
	v2 =	vsub.f32 v7, v5  }
0x43a: {  	v5 =	vld [tilespmem:s3+$0xC870]  }
0x43b: {  	v7 =	vld [tilespmem:s3+$0x4C00];
	v0 =	vadd.f32 v1, v0;
	v1 =	vmul.f32 v2, v2;
	v2 =	vsub.f32 v8, v3  }
0x43c: {  	v3 =	vld [tilespmem:s3+$0xCC00]  }
0x43d: {  	v8 =	vld [tilespmem:s3+$0x4C10];
	v0 =	vadd.f32 v1, v0;
	v1 =	vmul.f32 v2, v2;
	v2 =	vsub.f32 v9, v4  }
0x43e: {  	v4 =	vld [tilespmem:s3+$0xCC10]  }
0x43f: {  	v9 =	vld [tilespmem:s3+$0x4C20];
	v0 =	vadd.f32 v1, v0;
	v1 =	vmul.f32 v2, v2;
	v2 =	vsub.f32 v6, v5  }
0x440: {  	v5 =	vld [tilespmem:s3+$0xCC20]  }
0x441: {  	v6 =	vld [tilespmem:s3+$0x4C30];
	v0 =	vadd.f32 v1, v0;
	v1 =	vmul.f32 v2, v2;
	v2 =	vsub.f32 v7, v3  }
0x442: {  	v3 =	vld [tilespmem:s3+$0xCC30]  }
0x443: {  	v10 =	vld [tilespmem:s3+$0x4C40];
	v4 =	vsub.f32 v8, v4;
	v1 =	vadd.f32 v1, v0;
	v2 =	vmul.f32 v2, v2  }
0x444: {  	v8 =	vld [tilespmem:s3+$0xCC40]  }
0x445: {  	v0 =	vld [tilespmem:s3+$0x4C50];
	v4 =	vmul.f32 v4, v4;
	v5 =	vsub.f32 v9, v5;
	v7 =	vadd.f32 v2, v1  }
0x446: {  	v2 =	vld [tilespmem:s3+$0xCC50]  }
0x447: {  	v1 =	vld [tilespmem:s3+$0x4C60];
	v5 =	vmul.f32 v5, v5;
	v9 =	vsub.f32 v6, v3;
	v7 =	vadd.f32 v4, v7  }
0x448: {  	s4 =	simm.s32 $0x200;
	s1 =	simm.s32 $0x80;
	v3 =	vld [tilespmem:s3+$0xCC60]  }
0x449: {  	s0 =	sand.u32 $0x3000, s4;
	s4 =	sand.u32 $0x380, s1;
	v4 =	vld [tilespmem:s3+$0x4C70];
	v8 =	vsub.f32 v10, v8;
	v6 =	vadd.f32 v5, v7;
	v7 =	vmul.f32 v9, v9  }
0x44a: {  	s29 =	simm.s32 $0x400;
	s0 =	sor.u32 s4, s0;
	v5 =	vld [tilespmem:s3+$0xCC70]  }
.LBB2_12:
0x44b: {  	p0 =	sne.s32 s29, $0x3E00;
	v9 =	vld [tilespmem:s0+$0x4000];
	v6 =	vadd.f32 v7, v6;
	v7 =	vmul.f32 v8, v8;
	v0 =	vsub.f32 v0, v2  }
0x44c: {  	v2 =	vld [tilespmem:s0+$0xC000]  }
0x44d: {  	v8 =	vld [tilespmem:s0+$0x4010];
	v6 =	vadd.f32 v7, v6;
	v0 =	vmul.f32 v0, v0;
	v1 =	vsub.f32 v1, v3  }
0x44e: {  	v3 =	vld [tilespmem:s0+$0xC010]  }
0x44f: {  	v7 =	vld [tilespmem:s0+$0x4020];
	v0 =	vadd.f32 v0, v6;
	v1 =	vmul.f32 v1, v1;
	v4 =	vsub.f32 v4, v5  }
0x450: {  	v5 =	vld [tilespmem:s0+$0xC020]  }
0x451: {  	v2 =	vsub.f32 v9, v2;
	v6 =	vld [tilespmem:s0+$0x4030];
	v0 =	vadd.f32 v1, v0;
	v1 =	vmul.f32 v4, v4  }
0x452: {  	v4 =	vld [tilespmem:s0+$0xC030]  }
0x453: {  	v2 =	vmul.f32 v2, v2;
	v3 =	vsub.f32 v8, v3;
	v8 =	vld [tilespmem:s0+$0x4040];
	v0 =	vadd.f32 v1, v0  }
0x454: {  	v1 =	vld [tilespmem:s0+$0xC040]  }
0x455: {  	v0 =	vadd.f32 v2, v0;
	v2 =	vmul.f32 v3, v3;
	v3 =	vsub.f32 v7, v5;
	v5 =	vld [tilespmem:s0+$0x4050]  }
0x456: {  	v7 =	vld [tilespmem:s0+$0xC050]  }
0x457: {  	v0 =	vadd.f32 v2, v0;
	v2 =	vmul.f32 v3, v3;
	v3 =	vsub.f32 v6, v4;
	v4 =	vld [tilespmem:s0+$0x4060]  }
0x458: {  	v6 =	vld [tilespmem:s0+$0xC060]  }
0x459: {  	v0 =	vadd.f32 v2, v0;
	v2 =	vmul.f32 v3, v3;
	v1 =	vsub.f32 v8, v1;
	v3 =	vld [tilespmem:s0+$0x4070]  }
0x45a: {  	v8 =	vld [tilespmem:s0+$0xC070]  }
0x45b: {  	v0 =	vadd.f32 v2, v0;
	v1 =	vmul.f32 v1, v1;
	v2 =	vsub.f32 v5, v7;
	v5 =	vld [tilespmem:s0+$0x4400]  }
0x45c: {  	v7 =	vld [tilespmem:s0+$0xC400]  }
0x45d: {  	v0 =	vadd.f32 v1, v0;
	v1 =	vmul.f32 v2, v2;
	v2 =	vsub.f32 v4, v6;
	v4 =	vld [tilespmem:s0+$0x4410]  }
0x45e: {  	v6 =	vld [tilespmem:s0+$0xC410]  }
0x45f: {  	v0 =	vadd.f32 v1, v0;
	v1 =	vmul.f32 v2, v2;
	v2 =	vsub.f32 v3, v8;
	v3 =	vld [tilespmem:s0+$0x4420]  }
0x460: {  	v8 =	vld [tilespmem:s0+$0xC420]  }
0x461: {  	v0 =	vadd.f32 v1, v0;
	v1 =	vmul.f32 v2, v2;
	v2 =	vsub.f32 v5, v7;
	v5 =	vld [tilespmem:s0+$0x4430]  }
0x462: {  	v7 =	vld [tilespmem:s0+$0xC430]  }
0x463: {  	v0 =	vadd.f32 v1, v0;
	v1 =	vmul.f32 v2, v2;
	v2 =	vsub.f32 v4, v6;
	v4 =	vld [tilespmem:s0+$0x4440]  }
0x464: {  	v6 =	vld [tilespmem:s0+$0xC440]  }
0x465: {  	v0 =	vadd.f32 v1, v0;
	v1 =	vmul.f32 v2, v2;
	v2 =	vsub.f32 v3, v8;
	v3 =	vld [tilespmem:s0+$0x4450]  }
0x466: {  	v8 =	vld [tilespmem:s0+$0xC450]  }
0x467: {  	v0 =	vadd.f32 v1, v0;
	v1 =	vmul.f32 v2, v2;
	v2 =	vsub.f32 v5, v7;
	v5 =	vld [tilespmem:s0+$0x4460]  }
0x468: {  	v7 =	vld [tilespmem:s0+$0xC460]  }
0x469: {  	v0 =	vadd.f32 v1, v0;
	v1 =	vmul.f32 v2, v2;
	v2 =	vsub.f32 v4, v6;
	v4 =	vld [tilespmem:s0+$0x4470]  }
0x46a: {  	v6 =	vld [tilespmem:s0+$0xC470]  }
0x46b: {  	v0 =	vadd.f32 v1, v0;
	v1 =	vmul.f32 v2, v2;
	v2 =	vsub.f32 v3, v8;
	v3 =	vld [tilespmem:s0+$0x4800]  }
0x46c: {  	v8 =	vld [tilespmem:s0+$0xC800]  }
0x46d: {  	v0 =	vadd.f32 v1, v0;
	v1 =	vmul.f32 v2, v2;
	v2 =	vsub.f32 v5, v7;
	v5 =	vld [tilespmem:s0+$0x4810]  }
0x46e: {  	v7 =	vld [tilespmem:s0+$0xC810]  }
0x46f: {  	v0 =	vadd.f32 v1, v0;
	v1 =	vmul.f32 v2, v2;
	v2 =	vsub.f32 v4, v6;
	v4 =	vld [tilespmem:s0+$0x4820]  }
0x470: {  	v6 =	vld [tilespmem:s0+$0xC820]  }
0x471: {  	v0 =	vadd.f32 v1, v0;
	v1 =	vmul.f32 v2, v2;
	v2 =	vsub.f32 v3, v8;
	v3 =	vld [tilespmem:s0+$0x4830]  }
0x472: {  	v8 =	vld [tilespmem:s0+$0xC830]  }
0x473: {  	v0 =	vadd.f32 v1, v0;
	v1 =	vmul.f32 v2, v2;
	v2 =	vsub.f32 v5, v7;
	v5 =	vld [tilespmem:s0+$0x4840]  }
0x474: {  	v7 =	vld [tilespmem:s0+$0xC840]  }
0x475: {  	v0 =	vadd.f32 v1, v0;
	v1 =	vmul.f32 v2, v2;
	v2 =	vsub.f32 v4, v6;
	v4 =	vld [tilespmem:s0+$0x4850]  }
0x476: {  	v6 =	vld [tilespmem:s0+$0xC850]  }
0x477: {  	v0 =	vadd.f32 v1, v0;
	v1 =	vmul.f32 v2, v2;
	v2 =	vsub.f32 v3, v8;
	v3 =	vld [tilespmem:s0+$0x4860]  }
0x478: {  	v8 =	vld [tilespmem:s0+$0xC860]  }
0x479: {  	v0 =	vadd.f32 v1, v0;
	v1 =	vmul.f32 v2, v2;
	v2 =	vsub.f32 v5, v7;
	v5 =	vld [tilespmem:s0+$0x4870]  }
0x47a: {  	v7 =	vld [tilespmem:s0+$0xC870]  }
0x47b: {  	v0 =	vadd.f32 v1, v0;
	v1 =	vmul.f32 v2, v2;
	v2 =	vsub.f32 v4, v6;
	v4 =	vld [tilespmem:s0+$0x4C00]  }
0x47c: {  	v6 =	vld [tilespmem:s0+$0xCC00]  }
0x47d: {  	v0 =	vadd.f32 v1, v0;
	v1 =	vmul.f32 v2, v2;
	v2 =	vsub.f32 v3, v8;
	v3 =	vld [tilespmem:s0+$0x4C10]  }
0x47e: {  	v8 =	vld [tilespmem:s0+$0xCC10]  }
0x47f: {  	v0 =	vadd.f32 v1, v0;
	v1 =	vmul.f32 v2, v2;
	v2 =	vsub.f32 v5, v7;
	v5 =	vld [tilespmem:s0+$0x4C20]  }
0x480: {  	v7 =	vld [tilespmem:s0+$0xCC20]  }
0x481: {  	v0 =	vadd.f32 v1, v0;
	v1 =	vmul.f32 v2, v2;
	v2 =	vsub.f32 v4, v6;
	v4 =	vld [tilespmem:s0+$0x4C30]  }
0x482: {  	v6 =	vld [tilespmem:s0+$0xCC30]  }
0x483: {  	v0 =	vadd.f32 v1, v0;
	v1 =	vmul.f32 v2, v2;
	v2 =	vsub.f32 v3, v8;
	v8 =	vld [tilespmem:s0+$0x4C40]  }
0x484: {  	v9 =	vld [tilespmem:s0+$0xCC40]  }
0x485: {  	v1 =	vadd.f32 v1, v0;
	v3 =	vmul.f32 v2, v2;
	v5 =	vsub.f32 v5, v7;
	v0 =	vld [tilespmem:s0+$0x4C50]  }
.Ltmp5:
0x486: {  	v2 =	vld [tilespmem:s0+$0xCC50];
	(pc) =	sbr.rel @p0 .LBB2_12-.Ltmp5, $4  }
0x487: {  	v7 =	vadd.f32 v3, v1;
	v5 =	vmul.f32 v5, v5;
	v4 =	vsub.f32 v4, v6;
	v1 =	vld [tilespmem:s0+$0x4C60]  }
0x488: {  	s1 =	sadd.s32 $0x80, s1;
	v3 =	vld [tilespmem:s0+$0xCC60]  }
0x489: {  	s3 =	sand.u32 $0x3000, s29;
	s4 =	sand.u32 $0x380, s1;
	v6 =	vadd.f32 v5, v7;
	v7 =	vmul.f32 v4, v4;
	v8 =	vsub.f32 v8, v9;
	v4 =	vld [tilespmem:s0+$0x4C70]  }
0x48a: {  	s29 =	sadd.s32 $0x200, s29;
	v5 =	vld [tilespmem:s0+$0xCC70];
	s0 =	sor.u32 s4, s3  }
0x48b: {  	v9 =	vld [tilespmem:s0+$0x4000]  }
0x48c: {  	v10 =	vld [tilespmem:s0+$0xC000]  }
0x48d: {  	v11 =	vld [tilespmem:s0+$0x4010]  }
0x48e: {  	v12 =	vld [tilespmem:s0+$0xC010]  }
0x48f: {  	v13 =	vld [tilespmem:s0+$0x4020]  }
0x490: {  	v14 =	vld [tilespmem:s0+$0xC020]  }
0x491: {  	v15 =	vld [tilespmem:s0+$0x4030]  }
0x492: {  	v16 =	vld [tilespmem:s0+$0xC030]  }
0x493: {  	v17 =	vld [tilespmem:s0+$0x4040];
	v6 =	vadd.f32 v7, v6;
	v7 =	vmul.f32 v8, v8;
	v0 =	vsub.f32 v0, v2  }
0x494: {  	v18 =	vld [tilespmem:s0+$0xC040]  }
0x495: {  	v2 =	vld [tilespmem:s0+$0x4050];
	v6 =	vadd.f32 v7, v6;
	v0 =	vmul.f32 v0, v0;
	v1 =	vsub.f32 v1, v3  }
0x496: {  	v8 =	vld [tilespmem:s0+$0xC050]  }
0x497: {  	v43 =	vld [tilespmem:s0+$0xC410];
	v0 =	vadd.f32 v0, v6;
	v1 =	vmul.f32 v1, v1;
	v4 =	vsub.f32 v4, v5  }
0x498: {  	v44 =	vld [tilespmem:s0+$0x4420]  }
0x499: {  	v45 =	vld [tilespmem:s0+$0xC420];
	v9 =	vsub.f32 v9, v10;
	v0 =	vadd.f32 v1, v0;
	v1 =	vmul.f32 v4, v4  }
0x49a: {  	v46 =	vld [tilespmem:s0+$0x4430]  }
0x49b: {  	v47 =	vld [tilespmem:s0+$0xC430];
	v11 =	vsub.f32 v11, v12;
	v9 =	vmul.f32 v9, v9;
	v0 =	vadd.f32 v1, v0  }
0x49c: {  	v48 =	vld [tilespmem:s0+$0x4440]  }
0x49d: {  	v49 =	vld [tilespmem:s0+$0xC440];
	v0 =	vadd.f32 v9, v0;
	v9 =	vmul.f32 v11, v11;
	v11 =	vsub.f32 v13, v14  }
0x49e: {  	v50 =	vld [tilespmem:s0+$0xC810]  }
0x49f: {  	v3 =	vld [tilespmem:s0+$0x4060];
	v0 =	vadd.f32 v9, v0;
	v9 =	vmul.f32 v11, v11;
	v11 =	vsub.f32 v15, v16  }
0x4a0: {  	v7 =	vld [tilespmem:s0+$0xC060]  }
0x4a1: {  	v5 =	vld [tilespmem:s0+$0x4070];
	v0 =	vadd.f32 v9, v0;
	v9 =	vmul.f32 v11, v11;
	v11 =	vsub.f32 v17, v18  }
0x4a2: {  	v6 =	vld [tilespmem:s0+$0xC070]  }
0x4a3: {  	v10 =	vld [tilespmem:s0+$0xC400];
	v2 =	vsub.f32 v2, v8;
	v0 =	vadd.f32 v9, v0;
	v9 =	vmul.f32 v11, v11  }
0x4a4: {  	v4 =	vld [tilespmem:s0+$0x4400]  }
0x4a5: {  	v51 =	vld [tilespmem:s0+$0x4820];
	v2 =	vmul.f32 v2, v2;
	v3 =	vsub.f32 v3, v7;
	v0 =	vadd.f32 v9, v0  }
0x4a6: {  	v1 =	vld [tilespmem:s0+$0x4410]  }
0x4a7: {  	v52 =	vld [tilespmem:s0+$0xC820];
	v0 =	vadd.f32 v2, v0;
	v2 =	vmul.f32 v3, v3;
	v3 =	vsub.f32 v5, v6  }
0x4a8: {  	v53 =	vld [tilespmem:s0+$0x4830]  }
0x4a9: {  	v54 =	vld [tilespmem:s0+$0xC830];
	v0 =	vadd.f32 v2, v0;
	v2 =	vmul.f32 v3, v3;
	v3 =	vsub.f32 v4, v10  }
0x4aa: {  	v55 =	vld [tilespmem:s0+$0x4840]  }
0x4ab: {  	v56 =	vld [tilespmem:s0+$0xC840];
	v1 =	vsub.f32 v1, v43;
	v0 =	vadd.f32 v2, v0;
	v2 =	vmul.f32 v3, v3  }
0x4ac: {  	v57 =	vld [tilespmem:s0+$0xCC10]  }
0x4ad: {  	v8 =	vld [tilespmem:s0+$0x4450];
	v1 =	vmul.f32 v1, v1;
	v0 =	vadd.f32 v2, v0;
	v2 =	vsub.f32 v44, v45  }
0x4ae: {  	v11 =	vld [tilespmem:s0+$0xC450]  }
0x4af: {  	v7 =	vld [tilespmem:s0+$0x4460];
	v0 =	vadd.f32 v1, v0;
	v1 =	vmul.f32 v2, v2;
	v2 =	vsub.f32 v46, v47  }
0x4b0: {  	v9 =	vld [tilespmem:s0+$0xC460]  }
0x4b1: {  	v5 =	vld [tilespmem:s0+$0x4470];
	v0 =	vadd.f32 v1, v0;
	v1 =	vmul.f32 v2, v2;
	v2 =	vsub.f32 v48, v49  }
0x4b2: {  	v6 =	vld [tilespmem:s0+$0xC470]  }
0x4b3: {  	v4 =	vld [tilespmem:s0+$0x4800];
	v0 =	vadd.f32 v1, v0;
	v1 =	vmul.f32 v2, v2;
	v2 =	vsub.f32 v8, v11  }
0x4b4: {  	v10 =	vld [tilespmem:s0+$0xC800]  }
0x4b5: {  	v58 =	vld [tilespmem:s0+$0x4C20];
	v0 =	vadd.f32 v1, v0;
	v1 =	vmul.f32 v2, v2;
	v2 =	vsub.f32 v7, v9  }
0x4b6: {  	v3 =	vld [tilespmem:s0+$0x4810]  }
0x4b7: {  	v59 =	vld [tilespmem:s0+$0xCC20];
	v0 =	vadd.f32 v1, v0;
	v1 =	vmul.f32 v2, v2;
	v2 =	vsub.f32 v5, v6  }
0x4b8: {  	v60 =	vld [tilespmem:s0+$0x4C30]  }
0x4b9: {  	v61 =	vld [tilespmem:s0+$0xCC30];
	v0 =	vadd.f32 v1, v0;
	v1 =	vmul.f32 v2, v2;
	v2 =	vsub.f32 v4, v10  }
0x4ba: {  	v62 =	vld [tilespmem:s0+$0x4C40]  }
0x4bb: {  	v63 =	vld [tilespmem:s0+$0xCC40];
	v0 =	vadd.f32 v1, v0;
	v1 =	vmul.f32 v2, v2;
	v2 =	vsub.f32 v3, v50  }
0x4bc: {  	v8 =	vld [tilespmem:s0+$0x4850]  }
0x4bd: {  	v11 =	vld [tilespmem:s0+$0xC850];
	v0 =	vadd.f32 v1, v0;
	v1 =	vmul.f32 v2, v2;
	v2 =	vsub.f32 v51, v52  }
0x4be: {  	v7 =	vld [tilespmem:s0+$0x4860]  }
0x4bf: {  	v9 =	vld [tilespmem:s0+$0xC860];
	v0 =	vadd.f32 v1, v0;
	v1 =	vmul.f32 v2, v2;
	v2 =	vsub.f32 v53, v54  }
0x4c0: {  	v5 =	vld [tilespmem:s0+$0x4870]  }
0x4c1: {  	v6 =	vld [tilespmem:s0+$0xC870];
	v0 =	vadd.f32 v1, v0;
	v1 =	vmul.f32 v2, v2;
	v2 =	vsub.f32 v55, v56  }
0x4c2: {  	v4 =	vld [tilespmem:s0+$0x4C00]  }
0x4c3: {  	v10 =	vld [tilespmem:s0+$0xCC00];
	v0 =	vadd.f32 v1, v0;
	v1 =	vmul.f32 v2, v2;
	v2 =	vsub.f32 v8, v11  }
0x4c4: {  	v3 =	vld [tilespmem:s0+$0x4C10]  }
0x4c5: {  	v8 =	vld [tilespmem:s0+$0x4C50];
	v0 =	vadd.f32 v1, v0;
	v1 =	vmul.f32 v2, v2;
	v2 =	vsub.f32 v7, v9  }
0x4c6: {  	v11 =	vld [tilespmem:s0+$0xCC50]  }
0x4c7: {  	v7 =	vld [tilespmem:s0+$0x4C60];
	v0 =	vadd.f32 v1, v0;
	v1 =	vmul.f32 v2, v2;
	v2 =	vsub.f32 v5, v6  }
0x4c8: {  	v9 =	vld [tilespmem:s0+$0xCC60]  }
0x4c9: {  	s3 =	simm.s32 $0x0;
	v5 =	vld [tilespmem:s0+$0x4C70];
	v0 =	vadd.f32 v1, v0;
	v1 =	vsub.f32 v4, v10;
	v2 =	vmul.f32 v2, v2  }
0x4ca: {  	v6 =	vld [tilespmem:s0+$0xCC70];
	[tilespmem:s22], [sflag:$0x2] =	stream.linear.gather [hbm4b:s17+s3], $0x4000, $0x38  }
0x4cb: {  	v0 =	vadd.f32 v2, v0;
	v2 =	vsub.f32 v3, v57;
	v1 =	vmul.f32 v1, v1  }
0x4cc: {  	[tilespmem:s23], [sflag:$0x4] =	stream.linear.gather [hbm4b:s18+s3], $0x4000, $0x38;
	[tilespmem:$0x10080] =	vst v63  }
0x4cd: {  	_ =	swait.ge [sflag:s24], $0x4000;
	v0 =	vadd.f32 v1, v0;
	v1 =	vsub.f32 v58, v59;
	v2 =	vmul.f32 v2, v2  }
0x4ce: {  	[sflag:s24] =	ssyncset.done $0x0  }
0x4cf: {  	[sflag:s24] =	ssyncadd.s32 $0xFFFFC000;
	v0 =	vadd.f32 v2, v0;
	v2 =	vsub.f32 v60, v61;
	v1 =	vmul.f32 v1, v1  }
0x4d0: {  	_ =	swait.ge [sflag:s25], $0x4000  }
0x4d1: {  	s1 =	sand.u32 $0x3000, s3;
	s0 =	sand.u32 $0x380, s3;
	[sflag:s25] =	ssyncset.done $0x0;
	v0 =	vadd.f32 v1, v0;
	v1 =	vmul.f32 v2, v2;
	v2 =	vsub.f32 v62, v63  }
0x4d2: {  	s3 =	sor.u32 s0, s1;
	[sflag:s25] =	ssyncadd.s32 $0xFFFFC000  }
0x4d3: {  	v3 =	vld [tilespmem:s3+$0x0];
	v0 =	vadd.f32 v1, v0;
	v1 =	vmul.f32 v2, v2;
	v2 =	vsub.f32 v8, v11  }
0x4d4: {  	v4 =	vld [tilespmem:s3+$0x8000]  }
0x4d5: {  	v8 =	vld [tilespmem:s3+$0x10];
	v0 =	vadd.f32 v1, v0;
	v1 =	vmul.f32 v2, v2;
	v2 =	vsub.f32 v7, v9  }
0x4d6: {  	v7 =	vld [tilespmem:s3+$0x8010]  }
0x4d7: {  	v9 =	vld [tilespmem:s3+$0x20];
	v0 =	vadd.f32 v1, v0;
	v1 =	vmul.f32 v2, v2;
	v2 =	vsub.f32 v5, v6  }
0x4d8: {  	v5 =	vld [tilespmem:s3+$0x8020]  }
0x4d9: {  	v6 =	vld [tilespmem:s3+$0x30];
	v0 =	vadd.f32 v1, v0;
	v1 =	vmul.f32 v2, v2;
	v2 =	vsub.f32 v3, v4  }
0x4da: {  	v3 =	vld [tilespmem:s3+$0x8030]  }
0x4db: {  	v4 =	vld [tilespmem:s3+$0x40];
	v0 =	vadd.f32 v1, v0;
	v1 =	vmul.f32 v2, v2;
	v2 =	vsub.f32 v8, v7  }
0x4dc: {  	v7 =	vld [tilespmem:s3+$0x8040]  }
0x4dd: {  	v8 =	vld [tilespmem:s3+$0x50];
	v0 =	vadd.f32 v1, v0;
	v1 =	vmul.f32 v2, v2;
	v2 =	vsub.f32 v9, v5  }
0x4de: {  	v5 =	vld [tilespmem:s3+$0x8050]  }
0x4df: {  	v9 =	vld [tilespmem:s3+$0x60];
	v0 =	vadd.f32 v1, v0;
	v1 =	vmul.f32 v2, v2;
	v2 =	vsub.f32 v6, v3  }
0x4e0: {  	v3 =	vld [tilespmem:s3+$0x8060]  }
0x4e1: {  	v6 =	vld [tilespmem:s3+$0x70];
	v0 =	vadd.f32 v1, v0;
	v1 =	vmul.f32 v2, v2;
	v2 =	vsub.f32 v4, v7  }
0x4e2: {  	v4 =	vld [tilespmem:s3+$0x8070]  }
0x4e3: {  	v7 =	vld [tilespmem:s3+$0x400];
	v0 =	vadd.f32 v1, v0;
	v1 =	vmul.f32 v2, v2;
	v2 =	vsub.f32 v8, v5  }
0x4e4: {  	v5 =	vld [tilespmem:s3+$0x8400]  }
0x4e5: {  	v8 =	vld [tilespmem:s3+$0x410];
	v0 =	vadd.f32 v1, v0;
	v1 =	vmul.f32 v2, v2;
	v2 =	vsub.f32 v9, v3  }
0x4e6: {  	v3 =	vld [tilespmem:s3+$0x8410]  }
0x4e7: {  	v9 =	vld [tilespmem:s3+$0x420];
	v0 =	vadd.f32 v1, v0;
	v1 =	vmul.f32 v2, v2;
	v2 =	vsub.f32 v6, v4  }
0x4e8: {  	v4 =	vld [tilespmem:s3+$0x8420]  }
0x4e9: {  	v6 =	vld [tilespmem:s3+$0x430];
	v0 =	vadd.f32 v1, v0;
	v1 =	vmul.f32 v2, v2;
	v2 =	vsub.f32 v7, v5  }
0x4ea: {  	v5 =	vld [tilespmem:s3+$0x8430]  }
0x4eb: {  	v7 =	vld [tilespmem:s3+$0x440];
	v0 =	vadd.f32 v1, v0;
	v1 =	vmul.f32 v2, v2;
	v2 =	vsub.f32 v8, v3  }
0x4ec: {  	v3 =	vld [tilespmem:s3+$0x8440]  }
0x4ed: {  	v8 =	vld [tilespmem:s3+$0x450];
	v0 =	vadd.f32 v1, v0;
	v1 =	vmul.f32 v2, v2;
	v2 =	vsub.f32 v9, v4  }
0x4ee: {  	v4 =	vld [tilespmem:s3+$0x8450]  }
0x4ef: {  	v9 =	vld [tilespmem:s3+$0x460];
	v0 =	vadd.f32 v1, v0;
	v1 =	vmul.f32 v2, v2;
	v2 =	vsub.f32 v6, v5  }
0x4f0: {  	v5 =	vld [tilespmem:s3+$0x8460]  }
0x4f1: {  	v6 =	vld [tilespmem:s3+$0x470];
	v0 =	vadd.f32 v1, v0;
	v1 =	vmul.f32 v2, v2;
	v2 =	vsub.f32 v7, v3  }
0x4f2: {  	v3 =	vld [tilespmem:s3+$0x8470]  }
0x4f3: {  	v7 =	vld [tilespmem:s3+$0x800];
	v0 =	vadd.f32 v1, v0;
	v1 =	vmul.f32 v2, v2;
	v2 =	vsub.f32 v8, v4  }
0x4f4: {  	v4 =	vld [tilespmem:s3+$0x8800]  }
0x4f5: {  	v8 =	vld [tilespmem:s3+$0x810];
	v0 =	vadd.f32 v1, v0;
	v1 =	vmul.f32 v2, v2;
	v2 =	vsub.f32 v9, v5  }
0x4f6: {  	v5 =	vld [tilespmem:s3+$0x8810]  }
0x4f7: {  	v9 =	vld [tilespmem:s3+$0x820];
	v0 =	vadd.f32 v1, v0;
	v1 =	vmul.f32 v2, v2;
	v2 =	vsub.f32 v6, v3  }
0x4f8: {  	v3 =	vld [tilespmem:s3+$0x8820]  }
0x4f9: {  	v6 =	vld [tilespmem:s3+$0x830];
	v0 =	vadd.f32 v1, v0;
	v1 =	vmul.f32 v2, v2;
	v2 =	vsub.f32 v7, v4  }
0x4fa: {  	v4 =	vld [tilespmem:s3+$0x8830]  }
0x4fb: {  	v7 =	vld [tilespmem:s3+$0x840];
	v0 =	vadd.f32 v1, v0;
	v1 =	vmul.f32 v2, v2;
	v2 =	vsub.f32 v8, v5  }
0x4fc: {  	v5 =	vld [tilespmem:s3+$0x8840]  }
0x4fd: {  	v8 =	vld [tilespmem:s3+$0x850];
	v0 =	vadd.f32 v1, v0;
	v1 =	vmul.f32 v2, v2;
	v2 =	vsub.f32 v9, v3  }
0x4fe: {  	v3 =	vld [tilespmem:s3+$0x8850]  }
0x4ff: {  	v9 =	vld [tilespmem:s3+$0x860];
	v0 =	vadd.f32 v1, v0;
	v1 =	vmul.f32 v2, v2;
	v2 =	vsub.f32 v6, v4  }
0x500: {  	v4 =	vld [tilespmem:s3+$0x8860]  }
0x501: {  	v6 =	vld [tilespmem:s3+$0x870];
	v0 =	vadd.f32 v1, v0;
	v1 =	vmul.f32 v2, v2;
	v2 =	vsub.f32 v7, v5  }
0x502: {  	v5 =	vld [tilespmem:s3+$0x8870]  }
0x503: {  	v7 =	vld [tilespmem:s3+$0xC00];
	v0 =	vadd.f32 v1, v0;
	v1 =	vmul.f32 v2, v2;
	v2 =	vsub.f32 v8, v3  }
0x504: {  	v3 =	vld [tilespmem:s3+$0x8C00]  }
0x505: {  	v8 =	vld [tilespmem:s3+$0xC10];
	v0 =	vadd.f32 v1, v0;
	v1 =	vmul.f32 v2, v2;
	v2 =	vsub.f32 v9, v4  }
0x506: {  	v4 =	vld [tilespmem:s3+$0x8C10]  }
0x507: {  	v9 =	vld [tilespmem:s3+$0xC20];
	v0 =	vadd.f32 v1, v0;
	v1 =	vmul.f32 v2, v2;
	v2 =	vsub.f32 v6, v5  }
0x508: {  	v5 =	vld [tilespmem:s3+$0x8C20]  }
0x509: {  	v6 =	vld [tilespmem:s3+$0xC30];
	v0 =	vadd.f32 v1, v0;
	v1 =	vmul.f32 v2, v2;
	v2 =	vsub.f32 v7, v3  }
0x50a: {  	v3 =	vld [tilespmem:s3+$0x8C30]  }
0x50b: {  	v10 =	vld [tilespmem:s3+$0xC40];
	v4 =	vsub.f32 v8, v4;
	v1 =	vadd.f32 v1, v0;
	v2 =	vmul.f32 v2, v2  }
0x50c: {  	v8 =	vld [tilespmem:s3+$0x8C40]  }
0x50d: {  	v0 =	vld [tilespmem:s3+$0xC50];
	v4 =	vmul.f32 v4, v4;
	v5 =	vsub.f32 v9, v5;
	v7 =	vadd.f32 v2, v1  }
0x50e: {  	v2 =	vld [tilespmem:s3+$0x8C50]  }
0x50f: {  	v1 =	vld [tilespmem:s3+$0xC60];
	v5 =	vmul.f32 v5, v5;
	v9 =	vsub.f32 v6, v3;
	v7 =	vadd.f32 v4, v7  }
0x510: {  	s4 =	simm.s32 $0x200;
	s1 =	simm.s32 $0x80;
	v3 =	vld [tilespmem:s3+$0x8C60]  }
0x511: {  	s0 =	sand.u32 $0x3000, s4;
	s4 =	sand.u32 $0x380, s1;
	v4 =	vld [tilespmem:s3+$0xC70];
	v8 =	vsub.f32 v10, v8;
	v6 =	vadd.f32 v5, v7;
	v7 =	vmul.f32 v9, v9  }
0x512: {  	s29 =	simm.s32 $0x400;
	s0 =	sor.u32 s4, s0;
	v5 =	vld [tilespmem:s3+$0x8C70]  }
.LBB2_14:
0x513: {  	p0 =	sne.s32 s29, $0x3E00;
	v9 =	vld [tilespmem:s0+$0x0];
	v6 =	vadd.f32 v7, v6;
	v7 =	vmul.f32 v8, v8;
	v0 =	vsub.f32 v0, v2  }
0x514: {  	v2 =	vld [tilespmem:s0+$0x8000]  }
0x515: {  	v8 =	vld [tilespmem:s0+$0x10];
	v6 =	vadd.f32 v7, v6;
	v0 =	vmul.f32 v0, v0;
	v1 =	vsub.f32 v1, v3  }
0x516: {  	v3 =	vld [tilespmem:s0+$0x8010]  }
0x517: {  	v7 =	vld [tilespmem:s0+$0x20];
	v0 =	vadd.f32 v0, v6;
	v1 =	vmul.f32 v1, v1;
	v4 =	vsub.f32 v4, v5  }
0x518: {  	v5 =	vld [tilespmem:s0+$0x8020]  }
0x519: {  	v2 =	vsub.f32 v9, v2;
	v6 =	vld [tilespmem:s0+$0x30];
	v0 =	vadd.f32 v1, v0;
	v1 =	vmul.f32 v4, v4  }
0x51a: {  	v4 =	vld [tilespmem:s0+$0x8030]  }
0x51b: {  	v2 =	vmul.f32 v2, v2;
	v3 =	vsub.f32 v8, v3;
	v8 =	vld [tilespmem:s0+$0x40];
	v0 =	vadd.f32 v1, v0  }
0x51c: {  	v1 =	vld [tilespmem:s0+$0x8040]  }
0x51d: {  	v0 =	vadd.f32 v2, v0;
	v2 =	vmul.f32 v3, v3;
	v3 =	vsub.f32 v7, v5;
	v5 =	vld [tilespmem:s0+$0x50]  }
0x51e: {  	v7 =	vld [tilespmem:s0+$0x8050]  }
0x51f: {  	v0 =	vadd.f32 v2, v0;
	v2 =	vmul.f32 v3, v3;
	v3 =	vsub.f32 v6, v4;
	v4 =	vld [tilespmem:s0+$0x60]  }
0x520: {  	v6 =	vld [tilespmem:s0+$0x8060]  }
0x521: {  	v0 =	vadd.f32 v2, v0;
	v2 =	vmul.f32 v3, v3;
	v1 =	vsub.f32 v8, v1;
	v3 =	vld [tilespmem:s0+$0x70]  }
0x522: {  	v8 =	vld [tilespmem:s0+$0x8070]  }
0x523: {  	v0 =	vadd.f32 v2, v0;
	v1 =	vmul.f32 v1, v1;
	v2 =	vsub.f32 v5, v7;
	v5 =	vld [tilespmem:s0+$0x400]  }
0x524: {  	v7 =	vld [tilespmem:s0+$0x8400]  }
0x525: {  	v0 =	vadd.f32 v1, v0;
	v1 =	vmul.f32 v2, v2;
	v2 =	vsub.f32 v4, v6;
	v4 =	vld [tilespmem:s0+$0x410]  }
0x526: {  	v6 =	vld [tilespmem:s0+$0x8410]  }
0x527: {  	v0 =	vadd.f32 v1, v0;
	v1 =	vmul.f32 v2, v2;
	v2 =	vsub.f32 v3, v8;
	v3 =	vld [tilespmem:s0+$0x420]  }
0x528: {  	v8 =	vld [tilespmem:s0+$0x8420]  }
0x529: {  	v0 =	vadd.f32 v1, v0;
	v1 =	vmul.f32 v2, v2;
	v2 =	vsub.f32 v5, v7;
	v5 =	vld [tilespmem:s0+$0x430]  }
0x52a: {  	v7 =	vld [tilespmem:s0+$0x8430]  }
0x52b: {  	v0 =	vadd.f32 v1, v0;
	v1 =	vmul.f32 v2, v2;
	v2 =	vsub.f32 v4, v6;
	v4 =	vld [tilespmem:s0+$0x440]  }
0x52c: {  	v6 =	vld [tilespmem:s0+$0x8440]  }
0x52d: {  	v0 =	vadd.f32 v1, v0;
	v1 =	vmul.f32 v2, v2;
	v2 =	vsub.f32 v3, v8;
	v3 =	vld [tilespmem:s0+$0x450]  }
0x52e: {  	v8 =	vld [tilespmem:s0+$0x8450]  }
0x52f: {  	v0 =	vadd.f32 v1, v0;
	v1 =	vmul.f32 v2, v2;
	v2 =	vsub.f32 v5, v7;
	v5 =	vld [tilespmem:s0+$0x460]  }
0x530: {  	v7 =	vld [tilespmem:s0+$0x8460]  }
0x531: {  	v0 =	vadd.f32 v1, v0;
	v1 =	vmul.f32 v2, v2;
	v2 =	vsub.f32 v4, v6;
	v4 =	vld [tilespmem:s0+$0x470]  }
0x532: {  	v6 =	vld [tilespmem:s0+$0x8470]  }
0x533: {  	v0 =	vadd.f32 v1, v0;
	v1 =	vmul.f32 v2, v2;
	v2 =	vsub.f32 v3, v8;
	v3 =	vld [tilespmem:s0+$0x800]  }
0x534: {  	v8 =	vld [tilespmem:s0+$0x8800]  }
0x535: {  	v0 =	vadd.f32 v1, v0;
	v1 =	vmul.f32 v2, v2;
	v2 =	vsub.f32 v5, v7;
	v5 =	vld [tilespmem:s0+$0x810]  }
0x536: {  	v7 =	vld [tilespmem:s0+$0x8810]  }
0x537: {  	v0 =	vadd.f32 v1, v0;
	v1 =	vmul.f32 v2, v2;
	v2 =	vsub.f32 v4, v6;
	v4 =	vld [tilespmem:s0+$0x820]  }
0x538: {  	v6 =	vld [tilespmem:s0+$0x8820]  }
0x539: {  	v0 =	vadd.f32 v1, v0;
	v1 =	vmul.f32 v2, v2;
	v2 =	vsub.f32 v3, v8;
	v3 =	vld [tilespmem:s0+$0x830]  }
0x53a: {  	v8 =	vld [tilespmem:s0+$0x8830]  }
0x53b: {  	v0 =	vadd.f32 v1, v0;
	v1 =	vmul.f32 v2, v2;
	v2 =	vsub.f32 v5, v7;
	v5 =	vld [tilespmem:s0+$0x840]  }
0x53c: {  	v7 =	vld [tilespmem:s0+$0x8840]  }
0x53d: {  	v0 =	vadd.f32 v1, v0;
	v1 =	vmul.f32 v2, v2;
	v2 =	vsub.f32 v4, v6;
	v4 =	vld [tilespmem:s0+$0x850]  }
0x53e: {  	v6 =	vld [tilespmem:s0+$0x8850]  }
0x53f: {  	v0 =	vadd.f32 v1, v0;
	v1 =	vmul.f32 v2, v2;
	v2 =	vsub.f32 v3, v8;
	v3 =	vld [tilespmem:s0+$0x860]  }
0x540: {  	v8 =	vld [tilespmem:s0+$0x8860]  }
0x541: {  	v0 =	vadd.f32 v1, v0;
	v1 =	vmul.f32 v2, v2;
	v2 =	vsub.f32 v5, v7;
	v5 =	vld [tilespmem:s0+$0x870]  }
0x542: {  	v7 =	vld [tilespmem:s0+$0x8870]  }
0x543: {  	v0 =	vadd.f32 v1, v0;
	v1 =	vmul.f32 v2, v2;
	v2 =	vsub.f32 v4, v6;
	v4 =	vld [tilespmem:s0+$0xC00]  }
0x544: {  	v6 =	vld [tilespmem:s0+$0x8C00]  }
0x545: {  	v0 =	vadd.f32 v1, v0;
	v1 =	vmul.f32 v2, v2;
	v2 =	vsub.f32 v3, v8;
	v3 =	vld [tilespmem:s0+$0xC10]  }
0x546: {  	v8 =	vld [tilespmem:s0+$0x8C10]  }
0x547: {  	v0 =	vadd.f32 v1, v0;
	v1 =	vmul.f32 v2, v2;
	v2 =	vsub.f32 v5, v7;
	v5 =	vld [tilespmem:s0+$0xC20]  }
0x548: {  	v7 =	vld [tilespmem:s0+$0x8C20]  }
0x549: {  	v0 =	vadd.f32 v1, v0;
	v1 =	vmul.f32 v2, v2;
	v2 =	vsub.f32 v4, v6;
	v4 =	vld [tilespmem:s0+$0xC30]  }
0x54a: {  	v6 =	vld [tilespmem:s0+$0x8C30]  }
0x54b: {  	v0 =	vadd.f32 v1, v0;
	v1 =	vmul.f32 v2, v2;
	v2 =	vsub.f32 v3, v8;
	v8 =	vld [tilespmem:s0+$0xC40]  }
0x54c: {  	v9 =	vld [tilespmem:s0+$0x8C40]  }
0x54d: {  	v1 =	vadd.f32 v1, v0;
	v3 =	vmul.f32 v2, v2;
	v5 =	vsub.f32 v5, v7;
	v0 =	vld [tilespmem:s0+$0xC50]  }
.Ltmp6:
0x54e: {  	v2 =	vld [tilespmem:s0+$0x8C50];
	(pc) =	sbr.rel @p0 .LBB2_14-.Ltmp6, $4  }
0x54f: {  	v7 =	vadd.f32 v3, v1;
	v5 =	vmul.f32 v5, v5;
	v4 =	vsub.f32 v4, v6;
	v1 =	vld [tilespmem:s0+$0xC60]  }
0x550: {  	s1 =	sadd.s32 $0x80, s1;
	v3 =	vld [tilespmem:s0+$0x8C60]  }
0x551: {  	s3 =	sand.u32 $0x3000, s29;
	s4 =	sand.u32 $0x380, s1;
	v6 =	vadd.f32 v5, v7;
	v7 =	vmul.f32 v4, v4;
	v8 =	vsub.f32 v8, v9;
	v4 =	vld [tilespmem:s0+$0xC70]  }
0x552: {  	s29 =	sadd.s32 $0x200, s29;
	v5 =	vld [tilespmem:s0+$0x8C70];
	s0 =	sor.u32 s4, s3  }
0x553: {  	v9 =	vld [tilespmem:s0+$0x0]  }
0x554: {  	v10 =	vld [tilespmem:s0+$0x8000]  }
0x555: {  	v11 =	vld [tilespmem:s0+$0x10]  }
0x556: {  	v12 =	vld [tilespmem:s0+$0x8010]  }
0x557: {  	v13 =	vld [tilespmem:s0+$0x20]  }
0x558: {  	v14 =	vld [tilespmem:s0+$0x8020];
	v6 =	vadd.f32 v7, v6;
	v7 =	vmul.f32 v8, v8;
	v0 =	vsub.f32 v0, v2  }
0x559: {  	v15 =	vld [tilespmem:s0+$0x30]  }
0x55a: {  	v2 =	vld [tilespmem:s0+$0x8030];
	v6 =	vadd.f32 v7, v6;
	v0 =	vmul.f32 v0, v0;
	v1 =	vsub.f32 v1, v3  }
0x55b: {  	v8 =	vld [tilespmem:s0+$0x40]  }
0x55c: {  	v48 =	vld [tilespmem:s0+$0x400];
	v0 =	vadd.f32 v0, v6;
	v1 =	vmul.f32 v1, v1;
	v4 =	vsub.f32 v4, v5  }
0x55d: {  	v49 =	vld [tilespmem:s0+$0x8400]  }
0x55e: {  	v50 =	vld [tilespmem:s0+$0x410];
	v9 =	vsub.f32 v9, v10;
	v0 =	vadd.f32 v1, v0;
	v1 =	vmul.f32 v4, v4  }
0x55f: {  	v51 =	vld [tilespmem:s0+$0x420]  }
0x560: {  	v52 =	vld [tilespmem:s0+$0x8460];
	v11 =	vsub.f32 v11, v12;
	v9 =	vmul.f32 v9, v9;
	v0 =	vadd.f32 v1, v0  }
0x561: {  	v3 =	vld [tilespmem:s0+$0x8040]  }
0x562: {  	v7 =	vld [tilespmem:s0+$0x50];
	v0 =	vadd.f32 v9, v0;
	v9 =	vmul.f32 v11, v11;
	v11 =	vsub.f32 v13, v14  }
0x563: {  	v5 =	vld [tilespmem:s0+$0x8050]  }
0x564: {  	v6 =	vld [tilespmem:s0+$0x60];
	v2 =	vsub.f32 v15, v2;
	v0 =	vadd.f32 v9, v0;
	v9 =	vmul.f32 v11, v11  }
0x565: {  	v4 =	vld [tilespmem:s0+$0x8060]  }
0x566: {  	v10 =	vld [tilespmem:s0+$0x70];
	v2 =	vmul.f32 v2, v2;
	v3 =	vsub.f32 v8, v3;
	v0 =	vadd.f32 v9, v0  }
0x567: {  	v1 =	vld [tilespmem:s0+$0x8070]  }
0x568: {  	v53 =	vld [tilespmem:s0+$0x470];
	v0 =	vadd.f32 v2, v0;
	v2 =	vmul.f32 v3, v3;
	v3 =	vsub.f32 v7, v5  }
0x569: {  	v54 =	vld [tilespmem:s0+$0x800]  }
0x56a: {  	v55 =	vld [tilespmem:s0+$0x810];
	v0 =	vadd.f32 v2, v0;
	v2 =	vmul.f32 v3, v3;
	v3 =	vsub.f32 v6, v4  }
0x56b: {  	v11 =	vld [tilespmem:s0+$0x8410]  }
0x56c: {  	v56 =	vld [tilespmem:s0+$0x850];
	v1 =	vsub.f32 v10, v1;
	v0 =	vadd.f32 v2, v0;
	v2 =	vmul.f32 v3, v3  }
0x56d: {  	v8 =	vld [tilespmem:s0+$0x8420]  }
0x56e: {  	v9 =	vld [tilespmem:s0+$0x430];
	v1 =	vmul.f32 v1, v1;
	v0 =	vadd.f32 v2, v0;
	v2 =	vsub.f32 v48, v49  }
0x56f: {  	v5 =	vld [tilespmem:s0+$0x8430]  }
0x570: {  	v7 =	vld [tilespmem:s0+$0x440];
	v0 =	vadd.f32 v1, v0;
	v1 =	vmul.f32 v2, v2;
	v2 =	vsub.f32 v50, v11  }
0x571: {  	v4 =	vld [tilespmem:s0+$0x8440]  }
0x572: {  	v6 =	vld [tilespmem:s0+$0x450];
	v0 =	vadd.f32 v1, v0;
	v1 =	vmul.f32 v2, v2;
	v2 =	vsub.f32 v51, v8  }
0x573: {  	v3 =	vld [tilespmem:s0+$0x8450]  }
0x574: {  	v57 =	vld [tilespmem:s0+$0x860];
	v0 =	vadd.f32 v1, v0;
	v1 =	vmul.f32 v2, v2;
	v2 =	vsub.f32 v9, v5  }
0x575: {  	v10 =	vld [tilespmem:s0+$0x460]  }
0x576: {  	v58 =	vld [tilespmem:s0+$0x870];
	v0 =	vadd.f32 v1, v0;
	v1 =	vmul.f32 v2, v2;
	v2 =	vsub.f32 v7, v4  }
0x577: {  	v11 =	vld [tilespmem:s0+$0x8470]  }
0x578: {  	v59 =	vld [tilespmem:s0+$0xC00];
	v0 =	vadd.f32 v1, v0;
	v1 =	vmul.f32 v2, v2;
	v2 =	vsub.f32 v6, v3  }
0x579: {  	v8 =	vld [tilespmem:s0+$0x8800]  }
0x57a: {  	v60 =	vld [tilespmem:s0+$0xC40];
	v0 =	vadd.f32 v1, v0;
	v1 =	vmul.f32 v2, v2;
	v2 =	vsub.f32 v10, v52  }
0x57b: {  	v5 =	vld [tilespmem:s0+$0x8810]  }
0x57c: {  	v9 =	vld [tilespmem:s0+$0x820];
	v0 =	vadd.f32 v1, v0;
	v1 =	vmul.f32 v2, v2;
	v2 =	vsub.f32 v53, v11  }
0x57d: {  	v4 =	vld [tilespmem:s0+$0x8820]  }
0x57e: {  	v7 =	vld [tilespmem:s0+$0x830];
	v0 =	vadd.f32 v1, v0;
	v1 =	vmul.f32 v2, v2;
	v2 =	vsub.f32 v54, v8  }
0x57f: {  	v3 =	vld [tilespmem:s0+$0x8830]  }
0x580: {  	v6 =	vld [tilespmem:s0+$0x840];
	v0 =	vadd.f32 v1, v0;
	v1 =	vmul.f32 v2, v2;
	v2 =	vsub.f32 v55, v5  }
0x581: {  	v10 =	vld [tilespmem:s0+$0x8840]  }
0x582: {  	v61 =	vld [tilespmem:s0+$0xC50];
	v0 =	vadd.f32 v1, v0;
	v1 =	vmul.f32 v2, v2;
	v2 =	vsub.f32 v9, v4  }
0x583: {  	v11 =	vld [tilespmem:s0+$0x8850]  }
0x584: {  	v62 =	vld [tilespmem:s0+$0xC60];
	v0 =	vadd.f32 v1, v0;
	v1 =	vmul.f32 v2, v2;
	v2 =	vsub.f32 v7, v3  }
0x585: {  	v8 =	vld [tilespmem:s0+$0x8860]  }
0x586: {  	v63 =	vld [tilespmem:s0+$0xC70];
	v0 =	vadd.f32 v1, v0;
	v1 =	vmul.f32 v2, v2;
	v2 =	vsub.f32 v6, v10  }
0x587: {  	v5 =	vld [tilespmem:s0+$0x8870]  }
0x588: {  	v4 =	vld [tilespmem:s0+$0x8C00];
	v0 =	vadd.f32 v1, v0;
	v1 =	vmul.f32 v2, v2;
	v2 =	vsub.f32 v56, v11  }
0x589: {  	v9 =	vld [tilespmem:s0+$0xC10]  }
0x58a: {  	v3 =	vld [tilespmem:s0+$0x8C10];
	v0 =	vadd.f32 v1, v0;
	v1 =	vmul.f32 v2, v2;
	v2 =	vsub.f32 v57, v8  }
0x58b: {  	v7 =	vld [tilespmem:s0+$0xC20]  }
0x58c: {  	v6 =	vld [tilespmem:s0+$0x8C20];
	v0 =	vadd.f32 v1, v0;
	v1 =	vmul.f32 v2, v2;
	v2 =	vsub.f32 v58, v5  }
0x58d: {  	v10 =	vld [tilespmem:s0+$0xC30]  }
0x58e: {  	v11 =	vld [tilespmem:s0+$0x8C30];
	v0 =	vadd.f32 v1, v0;
	v1 =	vmul.f32 v2, v2;
	v2 =	vsub.f32 v59, v4  }
0x58f: {  	v8 =	vld [tilespmem:s0+$0x8C40]  }
0x590: {  	v5 =	vld [tilespmem:s0+$0x8C50];
	v0 =	vadd.f32 v1, v0;
	v1 =	vmul.f32 v2, v2;
	v2 =	vsub.f32 v9, v3  }
0x591: {  	v4 =	vld [tilespmem:s0+$0x8C60]  }
0x592: {  	v3 =	vld [tilespmem:s0+$0x8C70];
	_ =	swait.ge [sflag:s26], $0x4000;
	v0 =	vadd.f32 v1, v0;
	v1 =	vsub.f32 v7, v6;
	v2 =	vmul.f32 v2, v2  }
0x593: {  	[sflag:s26] =	ssyncset.done $0x0  }
0x594: {  	[sflag:s26] =	ssyncadd.s32 $0xFFFFC000;
	v0 =	vadd.f32 v2, v0;
	v2 =	vsub.f32 v10, v11;
	v1 =	vmul.f32 v1, v1  }
0x595: {  	s3 =	simm.s32 $0x0;
	_ =	swait.ge [sflag:s28], $0x4000  }
0x596: {  	s1 =	sand.u32 $0x3000, s3;
	s0 =	sand.u32 $0x380, s3;
	[sflag:s28] =	ssyncset.done $0x0;
	v0 =	vadd.f32 v1, v0;
	v1 =	vmul.f32 v2, v2;
	v2 =	vsub.f32 v60, v8  }
0x597: {  	s3 =	sor.u32 s0, s1;
	[sflag:s28] =	ssyncadd.s32 $0xFFFFC000  }
0x598: {  	v6 =	vld [tilespmem:s3+$0x4000];
	v0 =	vadd.f32 v1, v0;
	v1 =	vmul.f32 v2, v2;
	v2 =	vsub.f32 v61, v5  }
0x599: {  	v5 =	vld [tilespmem:s3+$0xC000]  }
0x59a: {  	v7 =	vld [tilespmem:s3+$0x4010];
	v0 =	vadd.f32 v1, v0;
	v1 =	vmul.f32 v2, v2;
	v2 =	vsub.f32 v62, v4  }
0x59b: {  	v4 =	vld [tilespmem:s3+$0xC010]  }
0x59c: {  	v8 =	vld [tilespmem:s3+$0x4020];
	v0 =	vadd.f32 v1, v0;
	v1 =	vmul.f32 v2, v2;
	v2 =	vsub.f32 v63, v3  }
0x59d: {  	v3 =	vld [tilespmem:s3+$0xC020]  }
0x59e: {  	v9 =	vld [tilespmem:s3+$0x4030];
	v0 =	vadd.f32 v1, v0;
	v1 =	vmul.f32 v2, v2;
	v2 =	vsub.f32 v6, v5  }
0x59f: {  	v5 =	vld [tilespmem:s3+$0xC030]  }
0x5a0: {  	v6 =	vld [tilespmem:s3+$0x4040];
	v0 =	vadd.f32 v1, v0;
	v1 =	vmul.f32 v2, v2;
	v2 =	vsub.f32 v7, v4  }
0x5a1: {  	v4 =	vld [tilespmem:s3+$0xC040]  }
0x5a2: {  	v7 =	vld [tilespmem:s3+$0x4050];
	v0 =	vadd.f32 v1, v0;
	v1 =	vmul.f32 v2, v2;
	v2 =	vsub.f32 v8, v3  }
0x5a3: {  	v3 =	vld [tilespmem:s3+$0xC050]  }
0x5a4: {  	v8 =	vld [tilespmem:s3+$0x4060];
	v0 =	vadd.f32 v1, v0;
	v1 =	vmul.f32 v2, v2;
	v2 =	vsub.f32 v9, v5  }
0x5a5: {  	v5 =	vld [tilespmem:s3+$0xC060]  }
0x5a6: {  	v9 =	vld [tilespmem:s3+$0x4070];
	v0 =	vadd.f32 v1, v0;
	v1 =	vmul.f32 v2, v2;
	v2 =	vsub.f32 v6, v4  }
0x5a7: {  	v4 =	vld [tilespmem:s3+$0xC070]  }
0x5a8: {  	v6 =	vld [tilespmem:s3+$0x4400];
	v0 =	vadd.f32 v1, v0;
	v1 =	vmul.f32 v2, v2;
	v2 =	vsub.f32 v7, v3  }
0x5a9: {  	v3 =	vld [tilespmem:s3+$0xC400]  }
0x5aa: {  	v7 =	vld [tilespmem:s3+$0x4410];
	v0 =	vadd.f32 v1, v0;
	v1 =	vmul.f32 v2, v2;
	v2 =	vsub.f32 v8, v5  }
0x5ab: {  	v5 =	vld [tilespmem:s3+$0xC410]  }
0x5ac: {  	v8 =	vld [tilespmem:s3+$0x4420];
	v0 =	vadd.f32 v1, v0;
	v1 =	vmul.f32 v2, v2;
	v2 =	vsub.f32 v9, v4  }
0x5ad: {  	v4 =	vld [tilespmem:s3+$0xC420]  }
0x5ae: {  	v9 =	vld [tilespmem:s3+$0x4430];
	v0 =	vadd.f32 v1, v0;
	v1 =	vmul.f32 v2, v2;
	v2 =	vsub.f32 v6, v3  }
0x5af: {  	v3 =	vld [tilespmem:s3+$0xC430]  }
0x5b0: {  	v6 =	vld [tilespmem:s3+$0x4440];
	v0 =	vadd.f32 v1, v0;
	v1 =	vmul.f32 v2, v2;
	v2 =	vsub.f32 v7, v5  }
0x5b1: {  	v5 =	vld [tilespmem:s3+$0xC440]  }
0x5b2: {  	v7 =	vld [tilespmem:s3+$0x4450];
	v0 =	vadd.f32 v1, v0;
	v1 =	vmul.f32 v2, v2;
	v2 =	vsub.f32 v8, v4  }
0x5b3: {  	v4 =	vld [tilespmem:s3+$0xC450]  }
0x5b4: {  	v8 =	vld [tilespmem:s3+$0x4460];
	v0 =	vadd.f32 v1, v0;
	v1 =	vmul.f32 v2, v2;
	v2 =	vsub.f32 v9, v3  }
0x5b5: {  	v3 =	vld [tilespmem:s3+$0xC460]  }
0x5b6: {  	v9 =	vld [tilespmem:s3+$0x4470];
	v0 =	vadd.f32 v1, v0;
	v1 =	vmul.f32 v2, v2;
	v2 =	vsub.f32 v6, v5  }
0x5b7: {  	v5 =	vld [tilespmem:s3+$0xC470]  }
0x5b8: {  	v6 =	vld [tilespmem:s3+$0x4800];
	v0 =	vadd.f32 v1, v0;
	v1 =	vmul.f32 v2, v2;
	v2 =	vsub.f32 v7, v4  }
0x5b9: {  	v4 =	vld [tilespmem:s3+$0xC800]  }
0x5ba: {  	v7 =	vld [tilespmem:s3+$0x4810];
	v0 =	vadd.f32 v1, v0;
	v1 =	vmul.f32 v2, v2;
	v2 =	vsub.f32 v8, v3  }
0x5bb: {  	v3 =	vld [tilespmem:s3+$0xC810]  }
0x5bc: {  	v8 =	vld [tilespmem:s3+$0x4820];
	v0 =	vadd.f32 v1, v0;
	v1 =	vmul.f32 v2, v2;
	v2 =	vsub.f32 v9, v5  }
0x5bd: {  	v5 =	vld [tilespmem:s3+$0xC820]  }
0x5be: {  	v9 =	vld [tilespmem:s3+$0x4830];
	v0 =	vadd.f32 v1, v0;
	v1 =	vmul.f32 v2, v2;
	v2 =	vsub.f32 v6, v4  }
0x5bf: {  	v4 =	vld [tilespmem:s3+$0xC830]  }
0x5c0: {  	v6 =	vld [tilespmem:s3+$0x4840];
	v0 =	vadd.f32 v1, v0;
	v1 =	vmul.f32 v2, v2;
	v2 =	vsub.f32 v7, v3  }
0x5c1: {  	v3 =	vld [tilespmem:s3+$0xC840]  }
0x5c2: {  	v7 =	vld [tilespmem:s3+$0x4850];
	v0 =	vadd.f32 v1, v0;
	v1 =	vmul.f32 v2, v2;
	v2 =	vsub.f32 v8, v5  }
0x5c3: {  	v5 =	vld [tilespmem:s3+$0xC850]  }
0x5c4: {  	v8 =	vld [tilespmem:s3+$0x4860];
	v0 =	vadd.f32 v1, v0;
	v1 =	vmul.f32 v2, v2;
	v2 =	vsub.f32 v9, v4  }
0x5c5: {  	v4 =	vld [tilespmem:s3+$0xC860]  }
0x5c6: {  	v9 =	vld [tilespmem:s3+$0x4870];
	v0 =	vadd.f32 v1, v0;
	v1 =	vmul.f32 v2, v2;
	v2 =	vsub.f32 v6, v3  }
0x5c7: {  	v3 =	vld [tilespmem:s3+$0xC870]  }
0x5c8: {  	v6 =	vld [tilespmem:s3+$0x4C00];
	v0 =	vadd.f32 v1, v0;
	v1 =	vmul.f32 v2, v2;
	v2 =	vsub.f32 v7, v5  }
0x5c9: {  	v5 =	vld [tilespmem:s3+$0xCC00]  }
0x5ca: {  	v7 =	vld [tilespmem:s3+$0x4C10];
	v0 =	vadd.f32 v1, v0;
	v1 =	vmul.f32 v2, v2;
	v2 =	vsub.f32 v8, v4  }
0x5cb: {  	v4 =	vld [tilespmem:s3+$0xCC10]  }
0x5cc: {  	v8 =	vld [tilespmem:s3+$0x4C20];
	v0 =	vadd.f32 v1, v0;
	v1 =	vmul.f32 v2, v2;
	v2 =	vsub.f32 v9, v3  }
0x5cd: {  	v3 =	vld [tilespmem:s3+$0xCC20]  }
0x5ce: {  	v9 =	vld [tilespmem:s3+$0x4C30];
	v0 =	vadd.f32 v1, v0;
	v1 =	vmul.f32 v2, v2;
	v2 =	vsub.f32 v6, v5  }
0x5cf: {  	v5 =	vld [tilespmem:s3+$0xCC30]  }
0x5d0: {  	v10 =	vld [tilespmem:s3+$0x4C40];
	v4 =	vsub.f32 v7, v4;
	v1 =	vadd.f32 v1, v0;
	v2 =	vmul.f32 v2, v2  }
0x5d1: {  	v11 =	vld [tilespmem:s3+$0xCC40]  }
0x5d2: {  	v0 =	vld [tilespmem:s3+$0x4C50];
	v4 =	vmul.f32 v4, v4;
	v3 =	vsub.f32 v8, v3;
	v6 =	vadd.f32 v2, v1  }
0x5d3: {  	v2 =	vld [tilespmem:s3+$0xCC50]  }
0x5d4: {  	v1 =	vld [tilespmem:s3+$0x4C60];
	v7 =	vmul.f32 v3, v3;
	v5 =	vsub.f32 v9, v5;
	v6 =	vadd.f32 v4, v6  }
0x5d5: {  	s4 =	simm.s32 $0x200;
	s1 =	simm.s32 $0x80;
	v3 =	vld [tilespmem:s3+$0xCC60]  }
0x5d6: {  	s0 =	sand.u32 $0x3000, s4;
	s4 =	sand.u32 $0x380, s1;
	v8 =	vsub.f32 v10, v11;
	v4 =	vld [tilespmem:s3+$0x4C70];
	v6 =	vadd.f32 v7, v6;
	v7 =	vmul.f32 v5, v5  }
0x5d7: {  	s29 =	simm.s32 $0x400;
	s0 =	sor.u32 s4, s0;
	v5 =	vld [tilespmem:s3+$0xCC70]  }
.LBB2_16:
0x5d8: {  	p0 =	sne.s32 s29, $0x3E00;
	v9 =	vld [tilespmem:s0+$0x4000];
	v6 =	vadd.f32 v7, v6;
	v7 =	vmul.f32 v8, v8;
	v0 =	vsub.f32 v0, v2  }
0x5d9: {  	v2 =	vld [tilespmem:s0+$0xC000]  }
0x5da: {  	v8 =	vld [tilespmem:s0+$0x4010];
	v6 =	vadd.f32 v7, v6;
	v0 =	vmul.f32 v0, v0;
	v1 =	vsub.f32 v1, v3  }
0x5db: {  	v3 =	vld [tilespmem:s0+$0xC010]  }
0x5dc: {  	v7 =	vld [tilespmem:s0+$0x4020];
	v0 =	vadd.f32 v0, v6;
	v1 =	vmul.f32 v1, v1;
	v4 =	vsub.f32 v4, v5  }
0x5dd: {  	v5 =	vld [tilespmem:s0+$0xC020]  }
0x5de: {  	v2 =	vsub.f32 v9, v2;
	v6 =	vld [tilespmem:s0+$0x4030];
	v0 =	vadd.f32 v1, v0;
	v1 =	vmul.f32 v4, v4  }
0x5df: {  	v4 =	vld [tilespmem:s0+$0xC030]  }
0x5e0: {  	v2 =	vmul.f32 v2, v2;
	v3 =	vsub.f32 v8, v3;
	v8 =	vld [tilespmem:s0+$0x4040];
	v0 =	vadd.f32 v1, v0  }
0x5e1: {  	v1 =	vld [tilespmem:s0+$0xC040]  }
0x5e2: {  	v0 =	vadd.f32 v2, v0;
	v2 =	vmul.f32 v3, v3;
	v3 =	vsub.f32 v7, v5;
	v5 =	vld [tilespmem:s0+$0x4050]  }
0x5e3: {  	v7 =	vld [tilespmem:s0+$0xC050]  }
0x5e4: {  	v0 =	vadd.f32 v2, v0;
	v2 =	vmul.f32 v3, v3;
	v3 =	vsub.f32 v6, v4;
	v4 =	vld [tilespmem:s0+$0x4060]  }
0x5e5: {  	v6 =	vld [tilespmem:s0+$0xC060]  }
0x5e6: {  	v0 =	vadd.f32 v2, v0;
	v2 =	vmul.f32 v3, v3;
	v1 =	vsub.f32 v8, v1;
	v3 =	vld [tilespmem:s0+$0x4070]  }
0x5e7: {  	v8 =	vld [tilespmem:s0+$0xC070]  }
0x5e8: {  	v0 =	vadd.f32 v2, v0;
	v1 =	vmul.f32 v1, v1;
	v2 =	vsub.f32 v5, v7;
	v5 =	vld [tilespmem:s0+$0x4400]  }
0x5e9: {  	v7 =	vld [tilespmem:s0+$0xC400]  }
0x5ea: {  	v0 =	vadd.f32 v1, v0;
	v1 =	vmul.f32 v2, v2;
	v2 =	vsub.f32 v4, v6;
	v4 =	vld [tilespmem:s0+$0x4410]  }
0x5eb: {  	v6 =	vld [tilespmem:s0+$0xC410]  }
0x5ec: {  	v0 =	vadd.f32 v1, v0;
	v1 =	vmul.f32 v2, v2;
	v2 =	vsub.f32 v3, v8;
	v3 =	vld [tilespmem:s0+$0x4420]  }
0x5ed: {  	v8 =	vld [tilespmem:s0+$0xC420]  }
0x5ee: {  	v0 =	vadd.f32 v1, v0;
	v1 =	vmul.f32 v2, v2;
	v2 =	vsub.f32 v5, v7;
	v5 =	vld [tilespmem:s0+$0x4430]  }
0x5ef: {  	v7 =	vld [tilespmem:s0+$0xC430]  }
0x5f0: {  	v0 =	vadd.f32 v1, v0;
	v1 =	vmul.f32 v2, v2;
	v2 =	vsub.f32 v4, v6;
	v4 =	vld [tilespmem:s0+$0x4440]  }
0x5f1: {  	v6 =	vld [tilespmem:s0+$0xC440]  }
0x5f2: {  	v0 =	vadd.f32 v1, v0;
	v1 =	vmul.f32 v2, v2;
	v2 =	vsub.f32 v3, v8;
	v3 =	vld [tilespmem:s0+$0x4450]  }
0x5f3: {  	v8 =	vld [tilespmem:s0+$0xC450]  }
0x5f4: {  	v0 =	vadd.f32 v1, v0;
	v1 =	vmul.f32 v2, v2;
	v2 =	vsub.f32 v5, v7;
	v5 =	vld [tilespmem:s0+$0x4460]  }
0x5f5: {  	v7 =	vld [tilespmem:s0+$0xC460]  }
0x5f6: {  	v0 =	vadd.f32 v1, v0;
	v1 =	vmul.f32 v2, v2;
	v2 =	vsub.f32 v4, v6;
	v4 =	vld [tilespmem:s0+$0x4470]  }
0x5f7: {  	v6 =	vld [tilespmem:s0+$0xC470]  }
0x5f8: {  	v0 =	vadd.f32 v1, v0;
	v1 =	vmul.f32 v2, v2;
	v2 =	vsub.f32 v3, v8;
	v3 =	vld [tilespmem:s0+$0x4800]  }
0x5f9: {  	v8 =	vld [tilespmem:s0+$0xC800]  }
0x5fa: {  	v0 =	vadd.f32 v1, v0;
	v1 =	vmul.f32 v2, v2;
	v2 =	vsub.f32 v5, v7;
	v5 =	vld [tilespmem:s0+$0x4810]  }
0x5fb: {  	v7 =	vld [tilespmem:s0+$0xC810]  }
0x5fc: {  	v0 =	vadd.f32 v1, v0;
	v1 =	vmul.f32 v2, v2;
	v2 =	vsub.f32 v4, v6;
	v4 =	vld [tilespmem:s0+$0x4820]  }
0x5fd: {  	v6 =	vld [tilespmem:s0+$0xC820]  }
0x5fe: {  	v0 =	vadd.f32 v1, v0;
	v1 =	vmul.f32 v2, v2;
	v2 =	vsub.f32 v3, v8;
	v3 =	vld [tilespmem:s0+$0x4830]  }
0x5ff: {  	v8 =	vld [tilespmem:s0+$0xC830]  }
0x600: {  	v0 =	vadd.f32 v1, v0;
	v1 =	vmul.f32 v2, v2;
	v2 =	vsub.f32 v5, v7;
	v5 =	vld [tilespmem:s0+$0x4840]  }
0x601: {  	v7 =	vld [tilespmem:s0+$0xC840]  }
0x602: {  	v0 =	vadd.f32 v1, v0;
	v1 =	vmul.f32 v2, v2;
	v2 =	vsub.f32 v4, v6;
	v4 =	vld [tilespmem:s0+$0x4850]  }
0x603: {  	v6 =	vld [tilespmem:s0+$0xC850]  }
0x604: {  	v0 =	vadd.f32 v1, v0;
	v1 =	vmul.f32 v2, v2;
	v2 =	vsub.f32 v3, v8;
	v3 =	vld [tilespmem:s0+$0x4860]  }
0x605: {  	v8 =	vld [tilespmem:s0+$0xC860]  }
0x606: {  	v0 =	vadd.f32 v1, v0;
	v1 =	vmul.f32 v2, v2;
	v2 =	vsub.f32 v5, v7;
	v5 =	vld [tilespmem:s0+$0x4870]  }
0x607: {  	v7 =	vld [tilespmem:s0+$0xC870]  }
0x608: {  	v0 =	vadd.f32 v1, v0;
	v1 =	vmul.f32 v2, v2;
	v2 =	vsub.f32 v4, v6;
	v4 =	vld [tilespmem:s0+$0x4C00]  }
0x609: {  	v6 =	vld [tilespmem:s0+$0xCC00]  }
0x60a: {  	v0 =	vadd.f32 v1, v0;
	v1 =	vmul.f32 v2, v2;
	v2 =	vsub.f32 v3, v8;
	v3 =	vld [tilespmem:s0+$0x4C10]  }
0x60b: {  	v8 =	vld [tilespmem:s0+$0xCC10]  }
0x60c: {  	v0 =	vadd.f32 v1, v0;
	v1 =	vmul.f32 v2, v2;
	v2 =	vsub.f32 v5, v7;
	v5 =	vld [tilespmem:s0+$0x4C20]  }
0x60d: {  	v7 =	vld [tilespmem:s0+$0xCC20]  }
0x60e: {  	v0 =	vadd.f32 v1, v0;
	v1 =	vmul.f32 v2, v2;
	v2 =	vsub.f32 v4, v6;
	v4 =	vld [tilespmem:s0+$0x4C30]  }
0x60f: {  	v6 =	vld [tilespmem:s0+$0xCC30]  }
0x610: {  	v0 =	vadd.f32 v1, v0;
	v1 =	vmul.f32 v2, v2;
	v2 =	vsub.f32 v3, v8;
	v8 =	vld [tilespmem:s0+$0x4C40]  }
0x611: {  	v9 =	vld [tilespmem:s0+$0xCC40]  }
0x612: {  	v1 =	vadd.f32 v1, v0;
	v3 =	vmul.f32 v2, v2;
	v5 =	vsub.f32 v5, v7;
	v0 =	vld [tilespmem:s0+$0x4C50]  }
.Ltmp7:
0x613: {  	v2 =	vld [tilespmem:s0+$0xCC50];
	(pc) =	sbr.rel @p0 .LBB2_16-.Ltmp7, $4  }
0x614: {  	v7 =	vadd.f32 v3, v1;
	v5 =	vmul.f32 v5, v5;
	v4 =	vsub.f32 v4, v6;
	v1 =	vld [tilespmem:s0+$0x4C60]  }
0x615: {  	s1 =	sadd.s32 $0x80, s1;
	v3 =	vld [tilespmem:s0+$0xCC60]  }
0x616: {  	s3 =	sand.u32 $0x3000, s29;
	s4 =	sand.u32 $0x380, s1;
	v6 =	vadd.f32 v5, v7;
	v7 =	vmul.f32 v4, v4;
	v8 =	vsub.f32 v8, v9;
	v4 =	vld [tilespmem:s0+$0x4C70]  }
0x617: {  	s29 =	sadd.s32 $0x200, s29;
	v5 =	vld [tilespmem:s0+$0xCC70];
	s0 =	sor.u32 s4, s3  }
0x618: {  	v9 =	vld [tilespmem:s0+$0x4000];
	v6 =	vadd.f32 v7, v6;
	v44 =	vmul.f32 v8, v8;
	v0 =	vsub.f32 v0, v2  }
0x619: {  	v45 =	vld [tilespmem:s0+$0xC000]  }
0x61a: {  	v46 =	vld [tilespmem:s0+$0x4010];
	v6 =	vadd.f32 v44, v6;
	v0 =	vmul.f32 v0, v0;
	v1 =	vsub.f32 v1, v3  }
0x61b: {  	v47 =	vld [tilespmem:s0+$0xC010]  }
0x61c: {  	v48 =	vld [tilespmem:s0+$0x4020];
	v0 =	vadd.f32 v0, v6;
	v1 =	vmul.f32 v1, v1;
	v4 =	vsub.f32 v4, v5  }
0x61d: {  	v49 =	vld [tilespmem:s0+$0xC020]  }
0x61e: {  	v50 =	vld [tilespmem:s0+$0x4030];
	v2 =	vsub.f32 v9, v45;
	v0 =	vadd.f32 v1, v0;
	v51 =	vmul.f32 v4, v4  }
0x61f: {  	v52 =	vld [tilespmem:s0+$0xC030]  }
0x620: {  	v53 =	vld [tilespmem:s0+$0x4040];
	v3 =	vsub.f32 v46, v47;
	v2 =	vmul.f32 v2, v2;
	v0 =	vadd.f32 v51, v0  }
0x621: {  	v54 =	vld [tilespmem:s0+$0xC040]  }
0x622: {  	v57 =	vld [tilespmem:s0+$0x4050];
	v56 =	vsub.f32 v48, v49;
	v55 =	vmul.f32 v3, v3;
	v0 =	vadd.f32 v2, v0  }
0x623: {  	v58 =	vld [tilespmem:s0+$0xC050]  }
0x624: {  	v61 =	vld [tilespmem:s0+$0x4060];
	v60 =	vsub.f32 v50, v52;
	v59 =	vmul.f32 v56, v56;
	v0 =	vadd.f32 v55, v0  }
0x625: {  	v62 =	vld [tilespmem:s0+$0xC060]  }
0x626: {  	v12 =	vld [tilespmem:s0+$0x4070];
	v1 =	vsub.f32 v53, v54;
	v63 =	vmul.f32 v60, v60;
	v0 =	vadd.f32 v59, v0  }
0x627: {  	v13 =	vld [tilespmem:s0+$0xC070]  }
0x628: {  	v15 =	vld [tilespmem:s0+$0x4400];
	v14 =	vsub.f32 v57, v58;
	v1 =	vmul.f32 v1, v1;
	v0 =	vadd.f32 v63, v0  }
0x629: {  	v16 =	vld [tilespmem:s0+$0xC400]  }
0x62a: {  	v19 =	vld [tilespmem:s0+$0x4410];
	v18 =	vsub.f32 v61, v62;
	v17 =	vmul.f32 v14, v14;
	v0 =	vadd.f32 v1, v0  }
0x62b: {  	v20 =	vld [tilespmem:s0+$0xC410]  }
0x62c: {  	v23 =	vld [tilespmem:s0+$0x4420];
	v22 =	vsub.f32 v12, v13;
	v21 =	vmul.f32 v18, v18;
	v0 =	vadd.f32 v17, v0  }
0x62d: {  	v24 =	vld [tilespmem:s0+$0xC420]  }
0x62e: {  	v27 =	vld [tilespmem:s0+$0x4430];
	v26 =	vsub.f32 v15, v16;
	v25 =	vmul.f32 v22, v22;
	v0 =	vadd.f32 v21, v0  }
0x62f: {  	v28 =	vld [tilespmem:s0+$0xC430]  }
0x630: {  	v31 =	vld [tilespmem:s0+$0x4440];
	v30 =	vsub.f32 v19, v20;
	v29 =	vmul.f32 v26, v26;
	v0 =	vadd.f32 v25, v0  }
0x631: {  	v32 =	vld [tilespmem:s0+$0xC440]  }
0x632: {  	v35 =	vld [tilespmem:s0+$0x4450];
	v34 =	vsub.f32 v23, v24;
	v33 =	vmul.f32 v30, v30;
	v0 =	vadd.f32 v29, v0  }
0x633: {  	v36 =	vld [tilespmem:s0+$0xC450]  }
0x634: {  	v39 =	vld [tilespmem:s0+$0x4460];
	v38 =	vsub.f32 v27, v28;
	v37 =	vmul.f32 v34, v34;
	v0 =	vadd.f32 v33, v0  }
0x635: {  	v40 =	vld [tilespmem:s0+$0xC460]  }
0x636: {  	v43 =	vld [tilespmem:s0+$0x4470];
	v42 =	vsub.f32 v31, v32;
	v41 =	vmul.f32 v38, v38;
	v0 =	vadd.f32 v37, v0  }
0x637: {  	v44 =	vld [tilespmem:s0+$0xC470]  }
0x638: {  	v46 =	vsub.f32 v35, v36;
	v47 =	vld [tilespmem:s0+$0x4800];
	v45 =	vmul.f32 v42, v42;
	v0 =	vadd.f32 v41, v0  }
0x639: {  	v48 =	vld [tilespmem:s0+$0xC800]  }
0x63a: {  	v50 =	vsub.f32 v39, v40;
	v52 =	vld [tilespmem:s0+$0xC810];
	v49 =	vmul.f32 v46, v46;
	v0 =	vadd.f32 v45, v0  }
0x63b: {  	v51 =	vld [tilespmem:s0+$0x4810]  }
0x63c: {  	v53 =	vmul.f32 v50, v50;
	v54 =	vsub.f32 v43, v44;
	v56 =	vld [tilespmem:s0+$0xC820];
	v0 =	vadd.f32 v49, v0  }
0x63d: {  	v55 =	vld [tilespmem:s0+$0x4820]  }
0x63e: {  	v60 =	vld [tilespmem:s0+$0xC830];
	v57 =	vmul.f32 v54, v54;
	v58 =	vsub.f32 v47, v48;
	v0 =	vadd.f32 v53, v0  }
0x63f: {  	v59 =	vld [tilespmem:s0+$0x4830]  }
0x640: {  	v12 =	vld [tilespmem:s0+$0xC840];
	v61 =	vmul.f32 v58, v58;
	v62 =	vsub.f32 v51, v52;
	v0 =	vadd.f32 v57, v0  }
0x641: {  	v63 =	vld [tilespmem:s0+$0x4840]  }
0x642: {  	v15 =	vld [tilespmem:s0+$0x4850];
	v13 =	vmul.f32 v62, v62;
	v14 =	vsub.f32 v55, v56;
	v0 =	vadd.f32 v61, v0  }
0x643: {  	v16 =	vld [tilespmem:s0+$0xC850]  }
0x644: {  	v19 =	vld [tilespmem:s0+$0x4860];
	v18 =	vsub.f32 v59, v60;
	v17 =	vmul.f32 v14, v14;
	v0 =	vadd.f32 v13, v0  }
0x645: {  	v20 =	vld [tilespmem:s0+$0xC860]  }
0x646: {  	v23 =	vld [tilespmem:s0+$0x4870];
	v22 =	vsub.f32 v63, v12;
	v21 =	vmul.f32 v18, v18;
	v0 =	vadd.f32 v17, v0  }
0x647: {  	v24 =	vld [tilespmem:s0+$0xC870]  }
0x648: {  	v27 =	vld [tilespmem:s0+$0x4C00];
	v26 =	vsub.f32 v15, v16;
	v25 =	vmul.f32 v22, v22;
	v0 =	vadd.f32 v21, v0  }
0x649: {  	v28 =	vld [tilespmem:s0+$0xCC00]  }
0x64a: {  	v31 =	vld [tilespmem:s0+$0x4C10];
	v30 =	vsub.f32 v19, v20;
	v29 =	vmul.f32 v26, v26;
	v0 =	vadd.f32 v25, v0  }
0x64b: {  	v32 =	vld [tilespmem:s0+$0xCC10]  }
0x64c: {  	v35 =	vld [tilespmem:s0+$0x4C20];
	v34 =	vsub.f32 v23, v24;
	v33 =	vmul.f32 v30, v30;
	v0 =	vadd.f32 v29, v0  }
0x64d: {  	v36 =	vld [tilespmem:s0+$0xCC20]  }
0x64e: {  	v39 =	vld [tilespmem:s0+$0x4C30];
	v38 =	vsub.f32 v27, v28;
	v37 =	vmul.f32 v34, v34;
	v0 =	vadd.f32 v33, v0  }
0x64f: {  	v40 =	vld [tilespmem:s0+$0xCC30]  }
0x650: {  	v43 =	vld [tilespmem:s0+$0x4C40];
	v42 =	vsub.f32 v31, v32;
	v41 =	vmul.f32 v38, v38;
	v0 =	vadd.f32 v37, v0  }
0x651: {  	v44 =	vld [tilespmem:s0+$0xCC40]  }
0x652: {  	v46 =	vsub.f32 v35, v36;
	v47 =	vld [tilespmem:s0+$0x4C50];
	v45 =	vmul.f32 v42, v42;
	v0 =	vadd.f32 v41, v0  }
0x653: {  	v48 =	vld [tilespmem:s0+$0xCC50]  }
0x654: {  	v50 =	vsub.f32 v39, v40;
	v51 =	vld [tilespmem:s0+$0x4C60];
	v49 =	vmul.f32 v46, v46;
	v0 =	vadd.f32 v45, v0  }
0x655: {  	v52 =	vld [tilespmem:s0+$0xCC60]  }
0x656: {  	v54 =	vsub.f32 v43, v44;
	v55 =	vld [tilespmem:s0+$0x4C70];
	v53 =	vmul.f32 v50, v50;
	v0 =	vadd.f32 v49, v0  }
0x657: {  	v56 =	vld [tilespmem:s0+$0xCC70]  }
0x658: {  	v58 =	vsub.f32 v47, v48;
	v57 =	vmul.f32 v54, v54;
	v0 =	vadd.f32 v53, v0;
	_ =	sdelay $0x1  }
0x659: {  	v59 =	vmul.f32 v58, v58;
	v60 =	vsub.f32 v51, v52;
	v0 =	vadd.f32 v57, v0;
	_ =	sdelay $0x1  }
0x65a: {  	v62 =	vsub.f32 v55, v56;
	v61 =	vmul.f32 v60, v60;
	v0 =	vadd.f32 v59, v0;
	_ =	sdelay $0x1  }
0x65b: {  	v63 =	vmul.f32 v62, v62;
	v0 =	vadd.f32 v61, v0;
	_ =	sdelay $0x1  }
0x65c: {  	s31 =	sadd.s32 $0x1, s31;
	v0 =	vadd.f32 v63, v0  }
0x65d: {  	p0 =	sne.s32 s31, s20  }
.Ltmp8:
0x65e: {  	s29 =	simm.s32 $0x10000;
	[tilespmem:$0x10000] =	vst v0;
	(pc) =	sbr.rel @p0 .LBB2_1-.Ltmp8, $4  }
0x65f: {  	[hbm4b:s19+s2] =	stream.linear.scatter [tilespmem:s29], [sflag:$0x5], $0x10, $0x38;
	[tilespmem:$0x10080] =	vst v63  }
0x660: {  	_ =	swait.ge [sflag:s30], $0x10  }
0x661: {  	[sflag:s30] =	ssyncset.done $0x0  }
0x662: {  	[sflag:s30] =	ssyncadd.s32 $0xFFFFFFF0  }
0x663: {  	_ =	sfence.sel $0x180000  }
0x664: {  	[bflag:$0x0] =	sbarrier.arrive $0xFFFF  }
0x665: {  	_ =	strace $0x90000047  }
0x666: {  	s0 =	stileid.u32;
	[bflag:$0x2] =	sbarrier.arrive $0xFFFF  }
0x667: {  	p0 =	sne.s32 s0, $0x0;
	s0 =	rddreg [dreg:$0x3]  }
0x668: {  	s0 =	sadd.s32 @!p0 $0x100000, s0  }
0x669: {  	[sflag:s0] =	ssyncadd.tile.s32 @!p0 $0x1;
	_ =	shalt  }
.Lfunc_end2:
_tile_overlayer_lowered:
.L_overlay_start_2:
0x66a: {  	(tag) =	ssettag $0x2  }
0x66b: {  	s0 =	rddreg [dreg:$0x0];
	s2 =	stileid.u32  }
0x66c: {  	s1 =	rddreg [dreg:$0x1];
	p0 =	sne.s32 s2, $0x0  }
0x66d: {  	s3 =	rddreg [dreg:$0x2];
	[bflag:$0x3] =	sbarrier.arrive $0xFFFF;
	s2 =	simm.s32 @!p0 $0x1C05  }
0x66e: {  	[timem:s3], [sflag:s2] =	dma.local @!p0 [hbm:s0], s1  }
0x66f: {  	s0 =	simm.s32 @!p0 $0x5  }
0x670: {  	_ =	swait.ge @!p0 [sflag:s0], s1  }
0x671: {  	s1 =	ssub.s32 @!p0 $0x0, s1;
	[sflag:s0] =	ssyncset.done @!p0 $0x0  }
0x672: {  	[sflag:s0] =	ssyncadd.s32 @!p0 s1  }
0x673: {  	[bflag:$0x3] =	sbarrier.arrive $0xFFFF  }
0x674: {  	_ =	shalt  }

</sc_bundles>
